<compile_context>
chip_gen: v7x
topology: tpu7x:2x2x1
jax: 0.10.2.dev20260603
libtpu: 0.0.44.dev20260713+nightly
codegen_flags: <defaults>
</compile_context>

<pallas_src>
import functools

import jax
import jax.numpy as jnp
from jax import lax
from jax.experimental import pallas as pl
from jax.experimental.pallas import tpu as pltpu
from jax.experimental.pallas import tpu_sc as plsc

N = 10000
E = 320000
D = 128
ROW = 144
APAD = 16
NC = 2
NS = 16
NW = NC * NS
EDGES_PER_W = E // NW
K = 80
CHUNKS = EDGES_PER_W // K
NPAD = 10240
ROWS_PER_TILE = NPAD // NS
ZROWS = 32


def _bcast_lane(v, lane):
    idx = jnp.full((16, 1), lane, jnp.int32)
    dn = lax.GatherDimensionNumbers(
        offset_dims=(), collapsed_slice_dims=(0,), start_index_map=(0,))
    return lax.gather(v, idx, dn, (1,),
                      mode=lax.GatherScatterMode.PROMISE_IN_BOUNDS)


def _make_edge_kernel(heads):
    mesh = plsc.VectorSubcoreMesh(core_axis_name="c", subcore_axis_name="s")

    @functools.partial(
        pl.kernel,
        out_type=jax.ShapeDtypeStruct((NC, NPAD, ROW), jnp.float32),
        mesh=mesh,
        compiler_params=pltpu.CompilerParams(use_tc_tiling_on_sc=False),
        scratch_types=[
            pltpu.VMEM((2, K), jnp.int32),
            pltpu.VMEM((2, K), jnp.int32),
            pltpu.VMEM((K, ROW), jnp.float32),
            pltpu.VMEM((K, ROW), jnp.float32),
            pltpu.VMEM((K, APAD), jnp.float32),
            pltpu.VMEM((K, APAD), jnp.float32),
            pltpu.VMEM((ZROWS, ROW), jnp.float32),
            pltpu.VMEM_SHARED((NPAD, ROW), jnp.float32),
            pltpu.SemaphoreType.DMA,
            pltpu.SemaphoreType.DMA,
        ],
    )
    def edge_kernel(table, adst_tab, sd4, out, sd_a, sd_b, rows_a,
                    rows_b, adst_a, adst_b, zbuf, acc, sem_a, sem_b):
        cid = lax.axis_index("c")
        sid = lax.axis_index("s")
        wid = cid * NS + sid

        def fetch_idx(ci, sd):
            pltpu.sync_copy(sd4.at[wid, ci], sd)

        def issue(sd, rows, adst, sem):
            pltpu.make_async_copy(table.at[sd.at[0]], rows, sem).start()
            pltpu.make_async_copy(adst_tab.at[sd.at[1]], adst, sem).start()

        def drain(sd, rows, adst, sem):
            pltpu.make_async_copy(table.at[sd.at[0]], rows, sem).wait()
            pltpu.make_async_copy(adst_tab.at[sd.at[1]], adst, sem).wait()

        fetch_idx(0, sd_a)
        issue(sd_a, rows_a, adst_a, sem_a)

        def zero_body(i, carry):
            for j in range(ROW // 16):
                zbuf[i, pl.ds(j * 16, 16)] = jnp.zeros((16,), jnp.float32)
            return carry
        lax.fori_loop(0, ZROWS, zero_body, 0)
        for c in range(ROWS_PER_TILE // ZROWS):
            pltpu.sync_copy(zbuf, acc.at[pl.ds(sid * ROWS_PER_TILE + c * ZROWS,
                                               ZROWS)])
        plsc.subcore_barrier()

        lane = lax.iota(jnp.int32, 16)

        def compute(rows, adst):
            @plsc.parallel_loop(0, K, 1, unroll=4)
            def edge_body(k):
                grp = [rows[k, pl.ds(g * 16, 16)] for g in range(8)]
                asrc = rows[k, pl.ds(D, 16)]
                ad = adst[k, :]
                e = asrc + ad
                e = jnp.where(e > 0.0, e, 0.2 * e)
                w = jnp.exp(e)
                w = jnp.where(lane < heads, w, 0.0)
                rows[k, pl.ds(D, 16)] = w
                if heads == 1:
                    ws = _bcast_lane(w, 0)
                    for g in range(8):
                        rows[k, pl.ds(g * 16, 16)] = grp[g] * ws
                else:
                    for g in range(8):
                        rows[k, pl.ds(g * 16, 16)] = grp[g] * _bcast_lane(w, g)

        def pair_body(j, carry):
            c0 = 2 * j
            fetch_idx(c0 + 1, sd_b)
            issue(sd_b, rows_b, adst_b, sem_b)
            drain(sd_a, rows_a, adst_a, sem_a)
            compute(rows_a, adst_a)
            pltpu.sync_copy(rows_a, acc.at[sd_a.at[1]], add=True)
            fetch_idx(c0 + 2, sd_a)
            issue(sd_a, rows_a, adst_a, sem_a)
            drain(sd_b, rows_b, adst_b, sem_b)
            compute(rows_b, adst_b)
            pltpu.sync_copy(rows_b, acc.at[sd_b.at[1]], add=True)
            return carry
        lax.fori_loop(0, (CHUNKS - 1) // 2, pair_body, 0)
        drain(sd_a, rows_a, adst_a, sem_a)
        compute(rows_a, adst_a)
        pltpu.sync_copy(rows_a, acc.at[sd_a.at[1]], add=True)

        plsc.subcore_barrier()
        pltpu.sync_copy(acc.at[pl.ds(sid * ROWS_PER_TILE, ROWS_PER_TILE)],
                        out.at[cid, pl.ds(sid * ROWS_PER_TILE, ROWS_PER_TILE)])

    return edge_kernel


_edge_kernel_h8 = _make_edge_kernel(8)
_edge_kernel_h1 = _make_edge_kernel(1)



_BLK = 2000


def _tc_pre_body(x_ref, w_ref, ms_ref, md_ref, t_ref, ad_ref):
    h = jnp.dot(x_ref[...], w_ref[...], preferred_element_type=jnp.float32)
    t_ref[:, pl.ds(0, D)] = h
    t_ref[:, pl.ds(D, APAD)] = jnp.dot(h, ms_ref[...],
                                       preferred_element_type=jnp.float32)
    ad_ref[...] = jnp.dot(h, md_ref[...], preferred_element_type=jnp.float32)


def _tc_mid_body(acc_ref, bias_ref, scale_ref, beta_ref, w2_ref, ms_ref,
                 md_ref, e8_ref, t_ref, ad_ref):
    s = acc_ref[0] + acc_ref[1]
    den = jnp.dot(s[:, D:ROW], e8_ref[...], preferred_element_type=jnp.float32)
    hn = s[:, 0:D] / (den + 1e-16) + bias_ref[...]
    hn = hn * scale_ref[...] + beta_ref[...]
    h = jnp.where(hn > 0.0, hn, jnp.exp(hn) - 1.0)
    h2 = jnp.dot(h, w2_ref[...], preferred_element_type=jnp.float32)
    t_ref[:, pl.ds(0, D)] = h2
    t_ref[:, pl.ds(D, APAD)] = jnp.dot(h2, ms_ref[...],
                                       preferred_element_type=jnp.float32)
    ad_ref[...] = jnp.dot(h2, md_ref[...], preferred_element_type=jnp.float32)


def _tc_post_body(acc_ref, bias_ref, e1_ref, out_ref):
    s = acc_ref[0] + acc_ref[1]
    den = jnp.dot(s[:, D:ROW], e1_ref[...], preferred_element_type=jnp.float32)
    out_ref[...] = s[:, 0:D] / (den + 1e-16) + bias_ref[...]


def _tc_pre(x, w1, ms, md):
    return pl.pallas_call(
        _tc_pre_body,
        grid=(N // _BLK,),
        in_specs=[
            pl.BlockSpec((_BLK, D), lambda i: (i, 0)),
            pl.BlockSpec((D, D), lambda i: (0, 0)),
            pl.BlockSpec((D, APAD), lambda i: (0, 0)),
            pl.BlockSpec((D, APAD), lambda i: (0, 0)),
        ],
        out_specs=[
            pl.BlockSpec((_BLK, ROW), lambda i: (i, 0)),
            pl.BlockSpec((_BLK, APAD), lambda i: (i, 0)),
        ],
        out_shape=[
            jax.ShapeDtypeStruct((N, ROW), jnp.float32),
            jax.ShapeDtypeStruct((N, APAD), jnp.float32),
        ],
    )(x, w1, ms, md)


def _tc_mid(acc, bias, scale, beta, w2, ms, md, e8):
    return pl.pallas_call(
        _tc_mid_body,
        grid=(N // _BLK,),
        in_specs=[
            pl.BlockSpec((NC, _BLK, ROW), lambda i: (0, i, 0)),
            pl.BlockSpec((1, D), lambda i: (0, 0)),
            pl.BlockSpec((1, D), lambda i: (0, 0)),
            pl.BlockSpec((1, D), lambda i: (0, 0)),
            pl.BlockSpec((D, D), lambda i: (0, 0)),
            pl.BlockSpec((D, APAD), lambda i: (0, 0)),
            pl.BlockSpec((D, APAD), lambda i: (0, 0)),
            pl.BlockSpec((APAD, D), lambda i: (0, 0)),
        ],
        out_specs=[
            pl.BlockSpec((_BLK, ROW), lambda i: (i, 0)),
            pl.BlockSpec((_BLK, APAD), lambda i: (i, 0)),
        ],
        out_shape=[
            jax.ShapeDtypeStruct((N, ROW), jnp.float32),
            jax.ShapeDtypeStruct((N, APAD), jnp.float32),
        ],
    )(acc, bias, scale, beta, w2, ms, md, e8)


def _tc_post(acc, bias, e1):
    return pl.pallas_call(
        _tc_post_body,
        grid=(N // _BLK,),
        in_specs=[
            pl.BlockSpec((NC, _BLK, ROW), lambda i: (0, i, 0)),
            pl.BlockSpec((1, D), lambda i: (0, 0)),
            pl.BlockSpec((APAD, D), lambda i: (0, 0)),
        ],
        out_specs=pl.BlockSpec((_BLK, D), lambda i: (i, 0)),
        out_shape=jax.ShapeDtypeStruct((N, D), jnp.float32),
    )(acc, bias, e1)


def _expand_att(att, heads, head_dim):
    eye = jnp.eye(heads, dtype=att.dtype)
    m = att[:, :, None] * eye[:, None, :]
    m = m.reshape(heads * head_dim, heads)
    return jnp.pad(m, ((0, 0), (0, APAD - heads)))


def kernel(x, edge_index, W1, att_src1, att_dst1, bias1, gamma1, beta1,
           W2, att_src2, att_dst2, bias2):
    sd4 = jnp.stack([edge_index[0].reshape(NW, CHUNKS, K),
                     edge_index[1].reshape(NW, CHUNKS, K)], axis=2)

    ms1 = _expand_att(att_src1, 8, 16)
    md1 = _expand_att(att_dst1, 8, 16)
    ms2 = _expand_att(att_src2, 1, D)
    md2 = _expand_att(att_dst2, 1, D)
    lane16 = jnp.arange(APAD, dtype=jnp.int32)
    e8 = (lane16[:, None] == (jnp.arange(D, dtype=jnp.int32)[None, :] // 16)
          ).astype(jnp.float32)
    e1 = (lane16[:, None] == 0).astype(jnp.float32) * jnp.ones((1, D),
                                                               jnp.float32)
    scale1 = (gamma1 / jnp.sqrt(1.0 + 1e-5)).reshape(1, D)
    bias1r = bias1.reshape(1, D)
    beta1r = beta1.reshape(1, D)
    bias2r = bias2.reshape(1, D)

    t1, ad1 = _tc_pre(x, W1, ms1, md1)
    acc1 = _edge_kernel_h8(t1, ad1, sd4)
    t2, ad2 = _tc_mid(acc1, bias1r, scale1, beta1r, W2, ms2, md2, e8)
    acc2 = _edge_kernel_h1(t2, ad2, sd4)
    return _tc_post(acc2, bias2r, e1)

# --- scband reference (transcript-rebuilt; emitter-appended) ---
"""Pipeline reference for scband-gat-4337916969346 (READ-ONLY COPY).

The authoritative reference and input builder live on the scoring server;
editing this copy changes nothing except your own understanding.
"""

import jax, jax.numpy as jnp
import numpy as np

N = 10000
E = 320000
D = 128
HEADS = 8
HEAD_DIM = 16  # hidden_channels // heads = 128 // 8
OUT = 128
EPS_BN = 1e-5


def setup_inputs(seed: int = 0):
    key = jax.random.key(seed)
    ks = jax.random.split(key, 12)
    x = jax.random.normal(ks[0], (N, D), dtype=jnp.float32)
    edge_index = jax.random.randint(ks[1], (2, E), 0, N, dtype=jnp.int32)
    W1 = jax.random.normal(ks[2], (D, HEADS * HEAD_DIM), dtype=jnp.float32) * 0.1
    att_src1 = jax.random.normal(ks[3], (HEADS, HEAD_DIM), dtype=jnp.float32) * 0.1
    att_dst1 = jax.random.normal(ks[4], (HEADS, HEAD_DIM), dtype=jnp.float32) * 0.1
    bias1 = jnp.zeros((HEADS * HEAD_DIM,), dtype=jnp.float32)
    gamma1 = jnp.ones((HEADS * HEAD_DIM,), dtype=jnp.float32)
    beta1 = jnp.zeros((HEADS * HEAD_DIM,), dtype=jnp.float32)
    W2 = jax.random.normal(ks[5], (HEADS * HEAD_DIM, OUT), dtype=jnp.float32) * 0.1
    att_src2 = jax.random.normal(ks[6], (1, OUT), dtype=jnp.float32) * 0.1
    att_dst2 = jax.random.normal(ks[7], (1, OUT), dtype=jnp.float32) * 0.1
    bias2 = jnp.zeros((OUT,), dtype=jnp.float32)
    return {"x": x, "edge_index": edge_index, "W1": W1, "att_src1": att_src1,
            "att_dst1": att_dst1, "bias1": bias1, "gamma1": gamma1, "beta1": beta1,
            "W2": W2, "att_src2": att_src2, "att_dst2": att_dst2, "bias2": bias2}


def _gat_conv(h_in, W, att_src, att_dst, src, dst, heads, head_dim):
    # linear projection per head
    h = (h_in @ W).reshape(-1, heads, head_dim)  # [N, H, C]
    a_src = jnp.sum(h * att_src[None, :, :], axis=-1)  # [N, H]
    a_dst = jnp.sum(h * att_dst[None, :, :], axis=-1)  # [N, H]
    # per-edge attention logits (gather)
    e = a_src[src] + a_dst[dst]  # [E, H]
    e = jax.nn.leaky_relu(e, negative_slope=0.2)
    # segment softmax over incoming edges of each dst node
    m = jax.ops.segment_max(e, dst, num_segments=N)  # [N, H]
    m = jnp.where(jnp.isneginf(m), 0.0, m)
    e = jnp.exp(e - m[dst])
    denom = jax.ops.segment_sum(e, dst, num_segments=N)  # [N, H]
    alpha = e / (denom[dst] + 1e-16)  # [E, H]
    # weighted message aggregation (scatter-add)
    msg = h[src] * alpha[:, :, None]  # [E, H, C]
    out = jax.ops.segment_sum(msg, dst, num_segments=N)  # [N, H, C]
    return out


def reference(x, edge_index, W1, att_src1, att_dst1, bias1, gamma1, beta1,
              W2, att_src2, att_dst2, bias2):
    src = edge_index[0]
    dst = edge_index[1]
    # layer 1: GATConv(128 -> 16, heads=8, concat=True)
    h = _gat_conv(x, W1, att_src1, att_dst1, src, dst, HEADS, HEAD_DIM)
    h = h.reshape(N, HEADS * HEAD_DIM) + bias1
    # BatchNorm1d (eval mode: running_mean=0, running_var=1)
    h = (h - 0.0) / jnp.sqrt(1.0 + EPS_BN) * gamma1 + beta1
    h = jax.nn.elu(h)
    # dropout is identity in eval mode
    # layer 2: GATConv(128 -> 128, heads=1, concat=False)
    h2 = _gat_conv(h, W2, att_src2, att_dst2, src, dst, 1, OUT)
    out = jnp.mean(h2, axis=1) + bias2  # concat=False -> mean over heads
    return out

if __name__ == "__main__":
    import jax
    _d = setup_inputs()
    print(jax.jit(kernel)(*tuple(_d.values())))

</pallas_src>

<mosaic_0001>
#map = affine_map<(d0, d1) -> (0, 0)>
#map1 = affine_map<(d0, d1) -> (0, 0, 0, 0)>
#map2 = affine_map<(d0, d1) -> (0, 0, 0)>
module attributes {stable_mosaic.version = 14 : i64} {
  func.func @edge_kernel(%arg0: i32, %arg1: i32, %arg2: memref<10000x144xf32, #tpu.memory_space<hbm>>, %arg3: memref<10000x16xf32, #tpu.memory_space<hbm>>, %arg4: memref<32x125x2x80xi32, #tpu.memory_space<hbm>>, %arg5: memref<2x10240x144xf32, #tpu.memory_space<hbm>>, %arg6: memref<2x80xi32, #tpu.memory_space<vmem>>, %arg7: memref<2x80xi32, #tpu.memory_space<vmem>>, %arg8: memref<80x144xf32, #tpu.memory_space<vmem>>, %arg9: memref<80x144xf32, #tpu.memory_space<vmem>>, %arg10: memref<80x16xf32, #tpu.memory_space<vmem>>, %arg11: memref<80x16xf32, #tpu.memory_space<vmem>>, %arg12: memref<32x144xf32, #tpu.memory_space<vmem>>, %arg13: memref<10240x144xf32, #tpu.memory_space<vmem_shared>>, %arg14: memref<!tpu.dma_semaphore, #tpu.memory_space<semaphore_mem>>, %arg15: memref<!tpu.dma_semaphore, #tpu.memory_space<semaphore_mem>>) attributes {dimension_semantics = [#tpu.dimension_semantics<core_parallel>, #tpu.dimension_semantics<subcore_parallel>], iteration_bounds = array<i64: 2, 16>, scalar_prefetch = 0 : i64, scratch_operands = 10 : i64, tpu.core_type = #tpu.core_type<sc_vector_subcore>, window_params = [{transform_indices = #map}, {transform_indices = #map}, {transform_indices = #map1}, {transform_indices = #map2}]} {
    %mul3A = arith.constant 16 : i32
    %mul3A_0 = arith.muli %arg0, %mul3A : i32
    %add3A = arith.addi %mul3A_0, %arg1 : i32
    %run_scoped3A = arith.constant 0 : i32
    "tpu.region"() ({
      %run_scoped3A_126 = tpu.sem_alloc : memref<!tpu.dma_semaphore, #tpu.memory_space<semaphore_mem>>
      %dma_start3A_127 = arith.constant 0 : i32
      %dma_start3A_128 = arith.constant 0 : i32
      %dma_start3A_129 = tpu.memref_slice %arg4[%add3A, %run_scoped3A, %dma_start3A_127, %dma_start3A_128] : memref<32x125x2x80xi32, #tpu.memory_space<hbm>> -> memref<1x1x2x80xi32, #tpu.memory_space<hbm>>
      %dma_start3A_130 = tpu.memref_squeeze %dma_start3A_129 : memref<1x1x2x80xi32, #tpu.memory_space<hbm>> -> memref<2x80xi32, #tpu.memory_space<hbm>>
      %dma_start3A_131 = arith.constant 0 : i32
      %dma_start3A_132 = arith.constant 0 : i32
      %dma_start3A_133 = tpu.memref_slice %arg4[%add3A, %run_scoped3A, %dma_start3A_131, %dma_start3A_132] : memref<32x125x2x80xi32, #tpu.memory_space<hbm>> -> memref<1x1x2x80xi32, #tpu.memory_space<hbm>>
      %dma_start3A_134 = tpu.memref_squeeze %dma_start3A_133 : memref<1x1x2x80xi32, #tpu.memory_space<hbm>> -> memref<2x80xi32, #tpu.memory_space<hbm>>
      tpu.enqueue_dma source(%dma_start3A_134 : memref<2x80xi32, #tpu.memory_space<hbm>>) target(%arg6 : memref<2x80xi32, #tpu.memory_space<vmem>>) target_semaphore(%run_scoped3A_126 : memref<!tpu.dma_semaphore, #tpu.memory_space<semaphore_mem>>)
      %dma_wait3A_135 = arith.constant 0 : i32
      %dma_wait3A_136 = arith.constant 0 : i32
      %dma_wait3A_137 = tpu.memref_slice %arg4[%add3A, %run_scoped3A, %dma_wait3A_135, %dma_wait3A_136] : memref<32x125x2x80xi32, #tpu.memory_space<hbm>> -> memref<1x1x2x80xi32, #tpu.memory_space<hbm>>
      %dma_wait3A_138 = tpu.memref_squeeze %dma_wait3A_137 : memref<1x1x2x80xi32, #tpu.memory_space<hbm>> -> memref<2x80xi32, #tpu.memory_space<hbm>>
      %dma_wait3A_139 = arith.constant 0 : i32
      %dma_wait3A_140 = arith.constant 0 : i32
      %dma_wait3A_141 = tpu.memref_slice %arg4[%add3A, %run_scoped3A, %dma_wait3A_139, %dma_wait3A_140] : memref<32x125x2x80xi32, #tpu.memory_space<hbm>> -> memref<1x1x2x80xi32, #tpu.memory_space<hbm>>
      %dma_wait3A_142 = tpu.memref_squeeze %dma_wait3A_141 : memref<1x1x2x80xi32, #tpu.memory_space<hbm>> -> memref<2x80xi32, #tpu.memory_space<hbm>>
      tpu.wait_dma2 semaphore(%run_scoped3A_126 : memref<!tpu.dma_semaphore, #tpu.memory_space<semaphore_mem>>) src(%dma_wait3A_142 : memref<2x80xi32, #tpu.memory_space<hbm>>) dst(%arg6 : memref<2x80xi32, #tpu.memory_space<vmem>>)
      tpu.yield
    }) : () -> ()
    %dma_start3A = arith.constant 0 : i32
    %dma_start3A_1 = arith.constant 0 : i32
    %dma_start3A_2 = tpu.memref_slice %arg6[%dma_start3A, %dma_start3A_1] : memref<2x80xi32, #tpu.memory_space<vmem>> -> memref<1x80xi32, #tpu.memory_space<vmem>>
    %dma_start3A_3 = tpu.memref_squeeze %dma_start3A_2 : memref<1x80xi32, #tpu.memory_space<vmem>> -> memref<80xi32, #tpu.memory_space<vmem>>
    %dma_start3A_4 = arith.constant 0 : i32
    %dma_start3A_5 = arith.constant 0 : i32
    %dma_start3A_6 = tpu.memref_slice %arg2[%dma_start3A_4, %dma_start3A_5] : memref<10000x144xf32, #tpu.memory_space<hbm>> -> memref<10000x144xf32, #tpu.memory_space<hbm>>
    tpu.enqueue_indirect_dma source(%dma_start3A_6 : memref<10000x144xf32, #tpu.memory_space<hbm>>) target(%arg8 : memref<80x144xf32, #tpu.memory_space<vmem>>) offsets(%dma_start3A_3 : memref<80xi32, #tpu.memory_space<vmem>>) semaphore(%arg14 : memref<!tpu.dma_semaphore, #tpu.memory_space<semaphore_mem>>)
    %dma_start3A_7 = arith.constant 1 : i32
    %dma_start3A_8 = arith.constant 0 : i32
    %dma_start3A_9 = tpu.memref_slice %arg6[%dma_start3A_7, %dma_start3A_8] : memref<2x80xi32, #tpu.memory_space<vmem>> -> memref<1x80xi32, #tpu.memory_space<vmem>>
    %dma_start3A_10 = tpu.memref_squeeze %dma_start3A_9 : memref<1x80xi32, #tpu.memory_space<vmem>> -> memref<80xi32, #tpu.memory_space<vmem>>
    %dma_start3A_11 = arith.constant 0 : i32
    %dma_start3A_12 = arith.constant 0 : i32
    %dma_start3A_13 = tpu.memref_slice %arg3[%dma_start3A_11, %dma_start3A_12] : memref<10000x16xf32, #tpu.memory_space<hbm>> -> memref<10000x16xf32, #tpu.memory_space<hbm>>
    tpu.enqueue_indirect_dma source(%dma_start3A_13 : memref<10000x16xf32, #tpu.memory_space<hbm>>) target(%arg10 : memref<80x16xf32, #tpu.memory_space<vmem>>) offsets(%dma_start3A_10 : memref<80xi32, #tpu.memory_space<vmem>>) semaphore(%arg14 : memref<!tpu.dma_semaphore, #tpu.memory_space<semaphore_mem>>)
    %scan3A = arith.constant 0 : i32
    %scan3A_14 = arith.constant 0 : i32
    %scan3A_15 = arith.constant 32 : i32
    %scan3A_16 = arith.addi %scan3A_14, %scan3A_15 : i32
    %scan3A_17 = arith.constant 1 : i32
    scf.for %scan3A_126 = %scan3A_14 to %scan3A_16 step %scan3A_17  : i32 {
      %broadcast_in_dim3A = arith.constant 0.000000e+00 : f32
      %broadcast_in_dim3A_127 = vector.broadcast %broadcast_in_dim3A : f32 to vector<16xf32>
      %swap3A = arith.index_cast %scan3A_126 : i32 to index
      %swap3A_128 = arith.constant 0 : index
      %swap3A_129 = tpu.vector_load %arg12[%swap3A, %swap3A_128] {strides = array<i32>} : memref<32x144xf32, #tpu.memory_space<vmem>>, vector<1x16xf32>,
      %swap3A_130 = vector.shape_cast %swap3A_129 : vector<1x16xf32> to vector<16xf32>
      %swap3A_131 = vector.shape_cast %broadcast_in_dim3A_127 : vector<16xf32> to vector<1x16xf32>
      tpu.vector_store %arg12[%swap3A, %swap3A_128], %swap3A_131 {strides = array<i32>} : memref<32x144xf32, #tpu.memory_space<vmem>>, vector<1x16xf32>,
      %broadcast_in_dim3A_132 = arith.constant 0.000000e+00 : f32
      %broadcast_in_dim3A_133 = vector.broadcast %broadcast_in_dim3A_132 : f32 to vector<16xf32>
      %swap3A_134 = arith.index_cast %scan3A_126 : i32 to index
      %swap3A_135 = arith.constant 16 : index
      %swap3A_136 = tpu.vector_load %arg12[%swap3A_134, %swap3A_135] {strides = array<i32>} : memref<32x144xf32, #tpu.memory_space<vmem>>, vector<1x16xf32>,
      %swap3A_137 = vector.shape_cast %swap3A_136 : vector<1x16xf32> to vector<16xf32>
      %swap3A_138 = vector.shape_cast %broadcast_in_dim3A_133 : vector<16xf32> to vector<1x16xf32>
      tpu.vector_store %arg12[%swap3A_134, %swap3A_135], %swap3A_138 {strides = array<i32>} : memref<32x144xf32, #tpu.memory_space<vmem>>, vector<1x16xf32>,
      %broadcast_in_dim3A_139 = arith.constant 0.000000e+00 : f32
      %broadcast_in_dim3A_140 = vector.broadcast %broadcast_in_dim3A_139 : f32 to vector<16xf32>
      %swap3A_141 = arith.index_cast %scan3A_126 : i32 to index
      %swap3A_142 = arith.constant 32 : index
      %swap3A_143 = tpu.vector_load %arg12[%swap3A_141, %swap3A_142] {strides = array<i32>} : memref<32x144xf32, #tpu.memory_space<vmem>>, vector<1x16xf32>,
      %swap3A_144 = vector.shape_cast %swap3A_143 : vector<1x16xf32> to vector<16xf32>
      %swap3A_145 = vector.shape_cast %broadcast_in_dim3A_140 : vector<16xf32> to vector<1x16xf32>
      tpu.vector_store %arg12[%swap3A_141, %swap3A_142], %swap3A_145 {strides = array<i32>} : memref<32x144xf32, #tpu.memory_space<vmem>>, vector<1x16xf32>,
      %broadcast_in_dim3A_146 = arith.constant 0.000000e+00 : f32
      %broadcast_in_dim3A_147 = vector.broadcast %broadcast_in_dim3A_146 : f32 to vector<16xf32>
      %swap3A_148 = arith.index_cast %scan3A_126 : i32 to index
      %swap3A_149 = arith.constant 48 : index
      %swap3A_150 = tpu.vector_load %arg12[%swap3A_148, %swap3A_149] {strides = array<i32>} : memref<32x144xf32, #tpu.memory_space<vmem>>, vector<1x16xf32>,
      %swap3A_151 = vector.shape_cast %swap3A_150 : vector<1x16xf32> to vector<16xf32>
      %swap3A_152 = vector.shape_cast %broadcast_in_dim3A_147 : vector<16xf32> to vector<1x16xf32>
      tpu.vector_store %arg12[%swap3A_148, %swap3A_149], %swap3A_152 {strides = array<i32>} : memref<32x144xf32, #tpu.memory_space<vmem>>, vector<1x16xf32>,
      %broadcast_in_dim3A_153 = arith.constant 0.000000e+00 : f32
      %broadcast_in_dim3A_154 = vector.broadcast %broadcast_in_dim3A_153 : f32 to vector<16xf32>
      %swap3A_155 = arith.index_cast %scan3A_126 : i32 to index
      %swap3A_156 = arith.constant 64 : index
      %swap3A_157 = tpu.vector_load %arg12[%swap3A_155, %swap3A_156] {strides = array<i32>} : memref<32x144xf32, #tpu.memory_space<vmem>>, vector<1x16xf32>,
      %swap3A_158 = vector.shape_cast %swap3A_157 : vector<1x16xf32> to vector<16xf32>
      %swap3A_159 = vector.shape_cast %broadcast_in_dim3A_154 : vector<16xf32> to vector<1x16xf32>
      tpu.vector_store %arg12[%swap3A_155, %swap3A_156], %swap3A_159 {strides = array<i32>} : memref<32x144xf32, #tpu.memory_space<vmem>>, vector<1x16xf32>,
      %broadcast_in_dim3A_160 = arith.constant 0.000000e+00 : f32
      %broadcast_in_dim3A_161 = vector.broadcast %broadcast_in_dim3A_160 : f32 to vector<16xf32>
      %swap3A_162 = arith.index_cast %scan3A_126 : i32 to index
      %swap3A_163 = arith.constant 80 : index
      %swap3A_164 = tpu.vector_load %arg12[%swap3A_162, %swap3A_163] {strides = array<i32>} : memref<32x144xf32, #tpu.memory_space<vmem>>, vector<1x16xf32>,
      %swap3A_165 = vector.shape_cast %swap3A_164 : vector<1x16xf32> to vector<16xf32>
      %swap3A_166 = vector.shape_cast %broadcast_in_dim3A_161 : vector<16xf32> to vector<1x16xf32>
      tpu.vector_store %arg12[%swap3A_162, %swap3A_163], %swap3A_166 {strides = array<i32>} : memref<32x144xf32, #tpu.memory_space<vmem>>, vector<1x16xf32>,
      %broadcast_in_dim3A_167 = arith.constant 0.000000e+00 : f32
      %broadcast_in_dim3A_168 = vector.broadcast %broadcast_in_dim3A_167 : f32 to vector<16xf32>
      %swap3A_169 = arith.index_cast %scan3A_126 : i32 to index
      %swap3A_170 = arith.constant 96 : index
      %swap3A_171 = tpu.vector_load %arg12[%swap3A_169, %swap3A_170] {strides = array<i32>} : memref<32x144xf32, #tpu.memory_space<vmem>>, vector<1x16xf32>,
      %swap3A_172 = vector.shape_cast %swap3A_171 : vector<1x16xf32> to vector<16xf32>
      %swap3A_173 = vector.shape_cast %broadcast_in_dim3A_168 : vector<16xf32> to vector<1x16xf32>
      tpu.vector_store %arg12[%swap3A_169, %swap3A_170], %swap3A_173 {strides = array<i32>} : memref<32x144xf32, #tpu.memory_space<vmem>>, vector<1x16xf32>,
      %broadcast_in_dim3A_174 = arith.constant 0.000000e+00 : f32
      %broadcast_in_dim3A_175 = vector.broadcast %broadcast_in_dim3A_174 : f32 to vector<16xf32>
      %swap3A_176 = arith.index_cast %scan3A_126 : i32 to index
      %swap3A_177 = arith.constant 112 : index
      %swap3A_178 = tpu.vector_load %arg12[%swap3A_176, %swap3A_177] {strides = array<i32>} : memref<32x144xf32, #tpu.memory_space<vmem>>, vector<1x16xf32>,
      %swap3A_179 = vector.shape_cast %swap3A_178 : vector<1x16xf32> to vector<16xf32>
      %swap3A_180 = vector.shape_cast %broadcast_in_dim3A_175 : vector<16xf32> to vector<1x16xf32>
      tpu.vector_store %arg12[%swap3A_176, %swap3A_177], %swap3A_180 {strides = array<i32>} : memref<32x144xf32, #tpu.memory_space<vmem>>, vector<1x16xf32>,
      %broadcast_in_dim3A_181 = arith.constant 0.000000e+00 : f32
      %broadcast_in_dim3A_182 = vector.broadcast %broadcast_in_dim3A_181 : f32 to vector<16xf32>
      %swap3A_183 = arith.index_cast %scan3A_126 : i32 to index
      %swap3A_184 = arith.constant 128 : index
      %swap3A_185 = tpu.vector_load %arg12[%swap3A_183, %swap3A_184] {strides = array<i32>} : memref<32x144xf32, #tpu.memory_space<vmem>>, vector<1x16xf32>,
      %swap3A_186 = vector.shape_cast %swap3A_185 : vector<1x16xf32> to vector<16xf32>
      %swap3A_187 = vector.shape_cast %broadcast_in_dim3A_182 : vector<16xf32> to vector<1x16xf32>
      tpu.vector_store %arg12[%swap3A_183, %swap3A_184], %swap3A_187 {strides = array<i32>} : memref<32x144xf32, #tpu.memory_space<vmem>>, vector<1x16xf32>,
    }
    %scan3A_18 = arith.constant 32 : i32
    %mul3A_19 = arith.constant 640 : i32
    %mul3A_20 = arith.muli %arg1, %mul3A_19 : i32
    %add3A_21 = arith.constant 0 : i32
    %add3A_22 = arith.addi %mul3A_20, %add3A_21 : i32
    "tpu.region"() ({
      %run_scoped3A_126 = tpu.sem_alloc : memref<!tpu.dma_semaphore, #tpu.memory_space<semaphore_mem>>
      %dma_start3A_127 = arith.constant 0 : i32
      %dma_start3A_128 = tpu.memref_slice %arg13[%add3A_22, %dma_start3A_127] : memref<10240x144xf32, #tpu.memory_space<vmem_shared>> -> memref<32x144xf32, #tpu.memory_space<vmem_shared>>
      %dma_start3A_129 = arith.constant 0 : i32
      %dma_start3A_130 = tpu.memref_slice %arg13[%add3A_22, %dma_start3A_129] : memref<10240x144xf32, #tpu.memory_space<vmem_shared>> -> memref<32x144xf32, #tpu.memory_space<vmem_shared>>
      tpu.enqueue_dma source(%arg12 : memref<32x144xf32, #tpu.memory_space<vmem>>) target(%dma_start3A_130 : memref<32x144xf32, #tpu.memory_space<vmem_shared>>) target_semaphore(%run_scoped3A_126 : memref<!tpu.dma_semaphore, #tpu.memory_space<semaphore_mem>>)
      %dma_wait3A_131 = arith.constant 0 : i32
      %dma_wait3A_132 = tpu.memref_slice %arg13[%add3A_22, %dma_wait3A_131] : memref<10240x144xf32, #tpu.memory_space<vmem_shared>> -> memref<32x144xf32, #tpu.memory_space<vmem_shared>>
      %dma_wait3A_133 = arith.constant 0 : i32
      %dma_wait3A_134 = tpu.memref_slice %arg13[%add3A_22, %dma_wait3A_133] : memref<10240x144xf32, #tpu.memory_space<vmem_shared>> -> memref<32x144xf32, #tpu.memory_space<vmem_shared>>
      tpu.wait_dma2 semaphore(%run_scoped3A_126 : memref<!tpu.dma_semaphore, #tpu.memory_space<semaphore_mem>>) src(%arg12 : memref<32x144xf32, #tpu.memory_space<vmem>>) dst(%dma_wait3A_134 : memref<32x144xf32, #tpu.memory_space<vmem_shared>>)
      tpu.yield
    }) : () -> ()
    %mul3A_23 = arith.constant 640 : i32
    %mul3A_24 = arith.muli %arg1, %mul3A_23 : i32
    %add3A_25 = arith.constant 32 : i32
    %add3A_26 = arith.addi %mul3A_24, %add3A_25 : i32
    "tpu.region"() ({
      %run_scoped3A_126 = tpu.sem_alloc : memref<!tpu.dma_semaphore, #tpu.memory_space<semaphore_mem>>
      %dma_start3A_127 = arith.constant 0 : i32
      %dma_start3A_128 = tpu.memref_slice %arg13[%add3A_26, %dma_start3A_127] : memref<10240x144xf32, #tpu.memory_space<vmem_shared>> -> memref<32x144xf32, #tpu.memory_space<vmem_shared>>
      %dma_start3A_129 = arith.constant 0 : i32
      %dma_start3A_130 = tpu.memref_slice %arg13[%add3A_26, %dma_start3A_129] : memref<10240x144xf32, #tpu.memory_space<vmem_shared>> -> memref<32x144xf32, #tpu.memory_space<vmem_shared>>
      tpu.enqueue_dma source(%arg12 : memref<32x144xf32, #tpu.memory_space<vmem>>) target(%dma_start3A_130 : memref<32x144xf32, #tpu.memory_space<vmem_shared>>) target_semaphore(%run_scoped3A_126 : memref<!tpu.dma_semaphore, #tpu.memory_space<semaphore_mem>>)
      %dma_wait3A_131 = arith.constant 0 : i32
      %dma_wait3A_132 = tpu.memref_slice %arg13[%add3A_26, %dma_wait3A_131] : memref<10240x144xf32, #tpu.memory_space<vmem_shared>> -> memref<32x144xf32, #tpu.memory_space<vmem_shared>>
      %dma_wait3A_133 = arith.constant 0 : i32
      %dma_wait3A_134 = tpu.memref_slice %arg13[%add3A_26, %dma_wait3A_133] : memref<10240x144xf32, #tpu.memory_space<vmem_shared>> -> memref<32x144xf32, #tpu.memory_space<vmem_shared>>
      tpu.wait_dma2 semaphore(%run_scoped3A_126 : memref<!tpu.dma_semaphore, #tpu.memory_space<semaphore_mem>>) src(%arg12 : memref<32x144xf32, #tpu.memory_space<vmem>>) dst(%dma_wait3A_134 : memref<32x144xf32, #tpu.memory_space<vmem_shared>>)
      tpu.yield
    }) : () -> ()
    %mul3A_27 = arith.constant 640 : i32
    %mul3A_28 = arith.muli %arg1, %mul3A_27 : i32
    %add3A_29 = arith.constant 64 : i32
    %add3A_30 = arith.addi %mul3A_28, %add3A_29 : i32
    "tpu.region"() ({
      %run_scoped3A_126 = tpu.sem_alloc : memref<!tpu.dma_semaphore, #tpu.memory_space<semaphore_mem>>
      %dma_start3A_127 = arith.constant 0 : i32
      %dma_start3A_128 = tpu.memref_slice %arg13[%add3A_30, %dma_start3A_127] : memref<10240x144xf32, #tpu.memory_space<vmem_shared>> -> memref<32x144xf32, #tpu.memory_space<vmem_shared>>
      %dma_start3A_129 = arith.constant 0 : i32
      %dma_start3A_130 = tpu.memref_slice %arg13[%add3A_30, %dma_start3A_129] : memref<10240x144xf32, #tpu.memory_space<vmem_shared>> -> memref<32x144xf32, #tpu.memory_space<vmem_shared>>
      tpu.enqueue_dma source(%arg12 : memref<32x144xf32, #tpu.memory_space<vmem>>) target(%dma_start3A_130 : memref<32x144xf32, #tpu.memory_space<vmem_shared>>) target_semaphore(%run_scoped3A_126 : memref<!tpu.dma_semaphore, #tpu.memory_space<semaphore_mem>>)
      %dma_wait3A_131 = arith.constant 0 : i32
      %dma_wait3A_132 = tpu.memref_slice %arg13[%add3A_30, %dma_wait3A_131] : memref<10240x144xf32, #tpu.memory_space<vmem_shared>> -> memref<32x144xf32, #tpu.memory_space<vmem_shared>>
      %dma_wait3A_133 = arith.constant 0 : i32
      %dma_wait3A_134 = tpu.memref_slice %arg13[%add3A_30, %dma_wait3A_133] : memref<10240x144xf32, #tpu.memory_space<vmem_shared>> -> memref<32x144xf32, #tpu.memory_space<vmem_shared>>
      tpu.wait_dma2 semaphore(%run_scoped3A_126 : memref<!tpu.dma_semaphore, #tpu.memory_space<semaphore_mem>>) src(%arg12 : memref<32x144xf32, #tpu.memory_space<vmem>>) dst(%dma_wait3A_134 : memref<32x144xf32, #tpu.memory_space<vmem_shared>>)
      tpu.yield
    }) : () -> ()
    %mul3A_31 = arith.constant 640 : i32
    %mul3A_32 = arith.muli %arg1, %mul3A_31 : i32
    %add3A_33 = arith.constant 96 : i32
    %add3A_34 = arith.addi %mul3A_32, %add3A_33 : i32
    "tpu.region"() ({
      %run_scoped3A_126 = tpu.sem_alloc : memref<!tpu.dma_semaphore, #tpu.memory_space<semaphore_mem>>
      %dma_start3A_127 = arith.constant 0 : i32
      %dma_start3A_128 = tpu.memref_slice %arg13[%add3A_34, %dma_start3A_127] : memref<10240x144xf32, #tpu.memory_space<vmem_shared>> -> memref<32x144xf32, #tpu.memory_space<vmem_shared>>
      %dma_start3A_129 = arith.constant 0 : i32
      %dma_start3A_130 = tpu.memref_slice %arg13[%add3A_34, %dma_start3A_129] : memref<10240x144xf32, #tpu.memory_space<vmem_shared>> -> memref<32x144xf32, #tpu.memory_space<vmem_shared>>
      tpu.enqueue_dma source(%arg12 : memref<32x144xf32, #tpu.memory_space<vmem>>) target(%dma_start3A_130 : memref<32x144xf32, #tpu.memory_space<vmem_shared>>) target_semaphore(%run_scoped3A_126 : memref<!tpu.dma_semaphore, #tpu.memory_space<semaphore_mem>>)
      %dma_wait3A_131 = arith.constant 0 : i32
      %dma_wait3A_132 = tpu.memref_slice %arg13[%add3A_34, %dma_wait3A_131] : memref<10240x144xf32, #tpu.memory_space<vmem_shared>> -> memref<32x144xf32, #tpu.memory_space<vmem_shared>>
      %dma_wait3A_133 = arith.constant 0 : i32
      %dma_wait3A_134 = tpu.memref_slice %arg13[%add3A_34, %dma_wait3A_133] : memref<10240x144xf32, #tpu.memory_space<vmem_shared>> -> memref<32x144xf32, #tpu.memory_space<vmem_shared>>
      tpu.wait_dma2 semaphore(%run_scoped3A_126 : memref<!tpu.dma_semaphore, #tpu.memory_space<semaphore_mem>>) src(%arg12 : memref<32x144xf32, #tpu.memory_space<vmem>>) dst(%dma_wait3A_134 : memref<32x144xf32, #tpu.memory_space<vmem_shared>>)
      tpu.yield
    }) : () -> ()
    %mul3A_35 = arith.constant 640 : i32
    %mul3A_36 = arith.muli %arg1, %mul3A_35 : i32
    %add3A_37 = arith.constant 128 : i32
    %add3A_38 = arith.addi %mul3A_36, %add3A_37 : i32
    "tpu.region"() ({
      %run_scoped3A_126 = tpu.sem_alloc : memref<!tpu.dma_semaphore, #tpu.memory_space<semaphore_mem>>
      %dma_start3A_127 = arith.constant 0 : i32
      %dma_start3A_128 = tpu.memref_slice %arg13[%add3A_38, %dma_start3A_127] : memref<10240x144xf32, #tpu.memory_space<vmem_shared>> -> memref<32x144xf32, #tpu.memory_space<vmem_shared>>
      %dma_start3A_129 = arith.constant 0 : i32
      %dma_start3A_130 = tpu.memref_slice %arg13[%add3A_38, %dma_start3A_129] : memref<10240x144xf32, #tpu.memory_space<vmem_shared>> -> memref<32x144xf32, #tpu.memory_space<vmem_shared>>
      tpu.enqueue_dma source(%arg12 : memref<32x144xf32, #tpu.memory_space<vmem>>) target(%dma_start3A_130 : memref<32x144xf32, #tpu.memory_space<vmem_shared>>) target_semaphore(%run_scoped3A_126 : memref<!tpu.dma_semaphore, #tpu.memory_space<semaphore_mem>>)
      %dma_wait3A_131 = arith.constant 0 : i32
      %dma_wait3A_132 = tpu.memref_slice %arg13[%add3A_38, %dma_wait3A_131] : memref<10240x144xf32, #tpu.memory_space<vmem_shared>> -> memref<32x144xf32, #tpu.memory_space<vmem_shared>>
      %dma_wait3A_133 = arith.constant 0 : i32
      %dma_wait3A_134 = tpu.memref_slice %arg13[%add3A_38, %dma_wait3A_133] : memref<10240x144xf32, #tpu.memory_space<vmem_shared>> -> memref<32x144xf32, #tpu.memory_space<vmem_shared>>
      tpu.wait_dma2 semaphore(%run_scoped3A_126 : memref<!tpu.dma_semaphore, #tpu.memory_space<semaphore_mem>>) src(%arg12 : memref<32x144xf32, #tpu.memory_space<vmem>>) dst(%dma_wait3A_134 : memref<32x144xf32, #tpu.memory_space<vmem_shared>>)
      tpu.yield
    }) : () -> ()
    %mul3A_39 = arith.constant 640 : i32
    %mul3A_40 = arith.muli %arg1, %mul3A_39 : i32
    %add3A_41 = arith.constant 160 : i32
    %add3A_42 = arith.addi %mul3A_40, %add3A_41 : i32
    "tpu.region"() ({
      %run_scoped3A_126 = tpu.sem_alloc : memref<!tpu.dma_semaphore, #tpu.memory_space<semaphore_mem>>
      %dma_start3A_127 = arith.constant 0 : i32
      %dma_start3A_128 = tpu.memref_slice %arg13[%add3A_42, %dma_start3A_127] : memref<10240x144xf32, #tpu.memory_space<vmem_shared>> -> memref<32x144xf32, #tpu.memory_space<vmem_shared>>
      %dma_start3A_129 = arith.constant 0 : i32
      %dma_start3A_130 = tpu.memref_slice %arg13[%add3A_42, %dma_start3A_129] : memref<10240x144xf32, #tpu.memory_space<vmem_shared>> -> memref<32x144xf32, #tpu.memory_space<vmem_shared>>
      tpu.enqueue_dma source(%arg12 : memref<32x144xf32, #tpu.memory_space<vmem>>) target(%dma_start3A_130 : memref<32x144xf32, #tpu.memory_space<vmem_shared>>) target_semaphore(%run_scoped3A_126 : memref<!tpu.dma_semaphore, #tpu.memory_space<semaphore_mem>>)
      %dma_wait3A_131 = arith.constant 0 : i32
      %dma_wait3A_132 = tpu.memref_slice %arg13[%add3A_42, %dma_wait3A_131] : memref<10240x144xf32, #tpu.memory_space<vmem_shared>> -> memref<32x144xf32, #tpu.memory_space<vmem_shared>>
      %dma_wait3A_133 = arith.constant 0 : i32
      %dma_wait3A_134 = tpu.memref_slice %arg13[%add3A_42, %dma_wait3A_133] : memref<10240x144xf32, #tpu.memory_space<vmem_shared>> -> memref<32x144xf32, #tpu.memory_space<vmem_shared>>
      tpu.wait_dma2 semaphore(%run_scoped3A_126 : memref<!tpu.dma_semaphore, #tpu.memory_space<semaphore_mem>>) src(%arg12 : memref<32x144xf32, #tpu.memory_space<vmem>>) dst(%dma_wait3A_134 : memref<32x144xf32, #tpu.memory_space<vmem_shared>>)
      tpu.yield
    }) : () -> ()
    %mul3A_43 = arith.constant 640 : i32
    %mul3A_44 = arith.muli %arg1, %mul3A_43 : i32
    %add3A_45 = arith.constant 192 : i32
    %add3A_46 = arith.addi %mul3A_44, %add3A_45 : i32
    "tpu.region"() ({
      %run_scoped3A_126 = tpu.sem_alloc : memref<!tpu.dma_semaphore, #tpu.memory_space<semaphore_mem>>
      %dma_start3A_127 = arith.constant 0 : i32
      %dma_start3A_128 = tpu.memref_slice %arg13[%add3A_46, %dma_start3A_127] : memref<10240x144xf32, #tpu.memory_space<vmem_shared>> -> memref<32x144xf32, #tpu.memory_space<vmem_shared>>
      %dma_start3A_129 = arith.constant 0 : i32
      %dma_start3A_130 = tpu.memref_slice %arg13[%add3A_46, %dma_start3A_129] : memref<10240x144xf32, #tpu.memory_space<vmem_shared>> -> memref<32x144xf32, #tpu.memory_space<vmem_shared>>
      tpu.enqueue_dma source(%arg12 : memref<32x144xf32, #tpu.memory_space<vmem>>) target(%dma_start3A_130 : memref<32x144xf32, #tpu.memory_space<vmem_shared>>) target_semaphore(%run_scoped3A_126 : memref<!tpu.dma_semaphore, #tpu.memory_space<semaphore_mem>>)
      %dma_wait3A_131 = arith.constant 0 : i32
      %dma_wait3A_132 = tpu.memref_slice %arg13[%add3A_46, %dma_wait3A_131] : memref<10240x144xf32, #tpu.memory_space<vmem_shared>> -> memref<32x144xf32, #tpu.memory_space<vmem_shared>>
      %dma_wait3A_133 = arith.constant 0 : i32
      %dma_wait3A_134 = tpu.memref_slice %arg13[%add3A_46, %dma_wait3A_133] : memref<10240x144xf32, #tpu.memory_space<vmem_shared>> -> memref<32x144xf32, #tpu.memory_space<vmem_shared>>
      tpu.wait_dma2 semaphore(%run_scoped3A_126 : memref<!tpu.dma_semaphore, #tpu.memory_space<semaphore_mem>>) src(%arg12 : memref<32x144xf32, #tpu.memory_space<vmem>>) dst(%dma_wait3A_134 : memref<32x144xf32, #tpu.memory_space<vmem_shared>>)
      tpu.yield
    }) : () -> ()
    %mul3A_47 = arith.constant 640 : i32
    %mul3A_48 = arith.muli %arg1, %mul3A_47 : i32
    %add3A_49 = arith.constant 224 : i32
    %add3A_50 = arith.addi %mul3A_48, %add3A_49 : i32
    "tpu.region"() ({
      %run_scoped3A_126 = tpu.sem_alloc : memref<!tpu.dma_semaphore, #tpu.memory_space<semaphore_mem>>
      %dma_start3A_127 = arith.constant 0 : i32
      %dma_start3A_128 = tpu.memref_slice %arg13[%add3A_50, %dma_start3A_127] : memref<10240x144xf32, #tpu.memory_space<vmem_shared>> -> memref<32x144xf32, #tpu.memory_space<vmem_shared>>
      %dma_start3A_129 = arith.constant 0 : i32
      %dma_start3A_130 = tpu.memref_slice %arg13[%add3A_50, %dma_start3A_129] : memref<10240x144xf32, #tpu.memory_space<vmem_shared>> -> memref<32x144xf32, #tpu.memory_space<vmem_shared>>
      tpu.enqueue_dma source(%arg12 : memref<32x144xf32, #tpu.memory_space<vmem>>) target(%dma_start3A_130 : memref<32x144xf32, #tpu.memory_space<vmem_shared>>) target_semaphore(%run_scoped3A_126 : memref<!tpu.dma_semaphore, #tpu.memory_space<semaphore_mem>>)
      %dma_wait3A_131 = arith.constant 0 : i32
      %dma_wait3A_132 = tpu.memref_slice %arg13[%add3A_50, %dma_wait3A_131] : memref<10240x144xf32, #tpu.memory_space<vmem_shared>> -> memref<32x144xf32, #tpu.memory_space<vmem_shared>>
      %dma_wait3A_133 = arith.constant 0 : i32
      %dma_wait3A_134 = tpu.memref_slice %arg13[%add3A_50, %dma_wait3A_133] : memref<10240x144xf32, #tpu.memory_space<vmem_shared>> -> memref<32x144xf32, #tpu.memory_space<vmem_shared>>
      tpu.wait_dma2 semaphore(%run_scoped3A_126 : memref<!tpu.dma_semaphore, #tpu.memory_space<semaphore_mem>>) src(%arg12 : memref<32x144xf32, #tpu.memory_space<vmem>>) dst(%dma_wait3A_134 : memref<32x144xf32, #tpu.memory_space<vmem_shared>>)
      tpu.yield
    }) : () -> ()
    %mul3A_51 = arith.constant 640 : i32
    %mul3A_52 = arith.muli %arg1, %mul3A_51 : i32
    %add3A_53 = arith.constant 256 : i32
    %add3A_54 = arith.addi %mul3A_52, %add3A_53 : i32
    "tpu.region"() ({
      %run_scoped3A_126 = tpu.sem_alloc : memref<!tpu.dma_semaphore, #tpu.memory_space<semaphore_mem>>
      %dma_start3A_127 = arith.constant 0 : i32
      %dma_start3A_128 = tpu.memref_slice %arg13[%add3A_54, %dma_start3A_127] : memref<10240x144xf32, #tpu.memory_space<vmem_shared>> -> memref<32x144xf32, #tpu.memory_space<vmem_shared>>
      %dma_start3A_129 = arith.constant 0 : i32
      %dma_start3A_130 = tpu.memref_slice %arg13[%add3A_54, %dma_start3A_129] : memref<10240x144xf32, #tpu.memory_space<vmem_shared>> -> memref<32x144xf32, #tpu.memory_space<vmem_shared>>
      tpu.enqueue_dma source(%arg12 : memref<32x144xf32, #tpu.memory_space<vmem>>) target(%dma_start3A_130 : memref<32x144xf32, #tpu.memory_space<vmem_shared>>) target_semaphore(%run_scoped3A_126 : memref<!tpu.dma_semaphore, #tpu.memory_space<semaphore_mem>>)
      %dma_wait3A_131 = arith.constant 0 : i32
      %dma_wait3A_132 = tpu.memref_slice %arg13[%add3A_54, %dma_wait3A_131] : memref<10240x144xf32, #tpu.memory_space<vmem_shared>> -> memref<32x144xf32, #tpu.memory_space<vmem_shared>>
      %dma_wait3A_133 = arith.constant 0 : i32
      %dma_wait3A_134 = tpu.memref_slice %arg13[%add3A_54, %dma_wait3A_133] : memref<10240x144xf32, #tpu.memory_space<vmem_shared>> -> memref<32x144xf32, #tpu.memory_space<vmem_shared>>
      tpu.wait_dma2 semaphore(%run_scoped3A_126 : memref<!tpu.dma_semaphore, #tpu.memory_space<semaphore_mem>>) src(%arg12 : memref<32x144xf32, #tpu.memory_space<vmem>>) dst(%dma_wait3A_134 : memref<32x144xf32, #tpu.memory_space<vmem_shared>>)
      tpu.yield
    }) : () -> ()
    %mul3A_55 = arith.constant 640 : i32
    %mul3A_56 = arith.muli %arg1, %mul3A_55 : i32
    %add3A_57 = arith.constant 288 : i32
    %add3A_58 = arith.addi %mul3A_56, %add3A_57 : i32
    "tpu.region"() ({
      %run_scoped3A_126 = tpu.sem_alloc : memref<!tpu.dma_semaphore, #tpu.memory_space<semaphore_mem>>
      %dma_start3A_127 = arith.constant 0 : i32
      %dma_start3A_128 = tpu.memref_slice %arg13[%add3A_58, %dma_start3A_127] : memref<10240x144xf32, #tpu.memory_space<vmem_shared>> -> memref<32x144xf32, #tpu.memory_space<vmem_shared>>
      %dma_start3A_129 = arith.constant 0 : i32
      %dma_start3A_130 = tpu.memref_slice %arg13[%add3A_58, %dma_start3A_129] : memref<10240x144xf32, #tpu.memory_space<vmem_shared>> -> memref<32x144xf32, #tpu.memory_space<vmem_shared>>
      tpu.enqueue_dma source(%arg12 : memref<32x144xf32, #tpu.memory_space<vmem>>) target(%dma_start3A_130 : memref<32x144xf32, #tpu.memory_space<vmem_shared>>) target_semaphore(%run_scoped3A_126 : memref<!tpu.dma_semaphore, #tpu.memory_space<semaphore_mem>>)
      %dma_wait3A_131 = arith.constant 0 : i32
      %dma_wait3A_132 = tpu.memref_slice %arg13[%add3A_58, %dma_wait3A_131] : memref<10240x144xf32, #tpu.memory_space<vmem_shared>> -> memref<32x144xf32, #tpu.memory_space<vmem_shared>>
      %dma_wait3A_133 = arith.constant 0 : i32
      %dma_wait3A_134 = tpu.memref_slice %arg13[%add3A_58, %dma_wait3A_133] : memref<10240x144xf32, #tpu.memory_space<vmem_shared>> -> memref<32x144xf32, #tpu.memory_space<vmem_shared>>
      tpu.wait_dma2 semaphore(%run_scoped3A_126 : memref<!tpu.dma_semaphore, #tpu.memory_space<semaphore_mem>>) src(%arg12 : memref<32x144xf32, #tpu.memory_space<vmem>>) dst(%dma_wait3A_134 : memref<32x144xf32, #tpu.memory_space<vmem_shared>>)
      tpu.yield
    }) : () -> ()
    %mul3A_59 = arith.constant 640 : i32
    %mul3A_60 = arith.muli %arg1, %mul3A_59 : i32
    %add3A_61 = arith.constant 320 : i32
    %add3A_62 = arith.addi %mul3A_60, %add3A_61 : i32
    "tpu.region"() ({
      %run_scoped3A_126 = tpu.sem_alloc : memref<!tpu.dma_semaphore, #tpu.memory_space<semaphore_mem>>
      %dma_start3A_127 = arith.constant 0 : i32
      %dma_start3A_128 = tpu.memref_slice %arg13[%add3A_62, %dma_start3A_127] : memref<10240x144xf32, #tpu.memory_space<vmem_shared>> -> memref<32x144xf32, #tpu.memory_space<vmem_shared>>
      %dma_start3A_129 = arith.constant 0 : i32
      %dma_start3A_130 = tpu.memref_slice %arg13[%add3A_62, %dma_start3A_129] : memref<10240x144xf32, #tpu.memory_space<vmem_shared>> -> memref<32x144xf32, #tpu.memory_space<vmem_shared>>
      tpu.enqueue_dma source(%arg12 : memref<32x144xf32, #tpu.memory_space<vmem>>) target(%dma_start3A_130 : memref<32x144xf32, #tpu.memory_space<vmem_shared>>) target_semaphore(%run_scoped3A_126 : memref<!tpu.dma_semaphore, #tpu.memory_space<semaphore_mem>>)
      %dma_wait3A_131 = arith.constant 0 : i32
      %dma_wait3A_132 = tpu.memref_slice %arg13[%add3A_62, %dma_wait3A_131] : memref<10240x144xf32, #tpu.memory_space<vmem_shared>> -> memref<32x144xf32, #tpu.memory_space<vmem_shared>>
      %dma_wait3A_133 = arith.constant 0 : i32
      %dma_wait3A_134 = tpu.memref_slice %arg13[%add3A_62, %dma_wait3A_133] : memref<10240x144xf32, #tpu.memory_space<vmem_shared>> -> memref<32x144xf32, #tpu.memory_space<vmem_shared>>
      tpu.wait_dma2 semaphore(%run_scoped3A_126 : memref<!tpu.dma_semaphore, #tpu.memory_space<semaphore_mem>>) src(%arg12 : memref<32x144xf32, #tpu.memory_space<vmem>>) dst(%dma_wait3A_134 : memref<32x144xf32, #tpu.memory_space<vmem_shared>>)
      tpu.yield
    }) : () -> ()
    %mul3A_63 = arith.constant 640 : i32
    %mul3A_64 = arith.muli %arg1, %mul3A_63 : i32
    %add3A_65 = arith.constant 352 : i32
    %add3A_66 = arith.addi %mul3A_64, %add3A_65 : i32
    "tpu.region"() ({
      %run_scoped3A_126 = tpu.sem_alloc : memref<!tpu.dma_semaphore, #tpu.memory_space<semaphore_mem>>
      %dma_start3A_127 = arith.constant 0 : i32
      %dma_start3A_128 = tpu.memref_slice %arg13[%add3A_66, %dma_start3A_127] : memref<10240x144xf32, #tpu.memory_space<vmem_shared>> -> memref<32x144xf32, #tpu.memory_space<vmem_shared>>
      %dma_start3A_129 = arith.constant 0 : i32
      %dma_start3A_130 = tpu.memref_slice %arg13[%add3A_66, %dma_start3A_129] : memref<10240x144xf32, #tpu.memory_space<vmem_shared>> -> memref<32x144xf32, #tpu.memory_space<vmem_shared>>
      tpu.enqueue_dma source(%arg12 : memref<32x144xf32, #tpu.memory_space<vmem>>) target(%dma_start3A_130 : memref<32x144xf32, #tpu.memory_space<vmem_shared>>) target_semaphore(%run_scoped3A_126 : memref<!tpu.dma_semaphore, #tpu.memory_space<semaphore_mem>>)
      %dma_wait3A_131 = arith.constant 0 : i32
      %dma_wait3A_132 = tpu.memref_slice %arg13[%add3A_66, %dma_wait3A_131] : memref<10240x144xf32, #tpu.memory_space<vmem_shared>> -> memref<32x144xf32, #tpu.memory_space<vmem_shared>>
      %dma_wait3A_133 = arith.constant 0 : i32
      %dma_wait3A_134 = tpu.memref_slice %arg13[%add3A_66, %dma_wait3A_133] : memref<10240x144xf32, #tpu.memory_space<vmem_shared>> -> memref<32x144xf32, #tpu.memory_space<vmem_shared>>
      tpu.wait_dma2 semaphore(%run_scoped3A_126 : memref<!tpu.dma_semaphore, #tpu.memory_space<semaphore_mem>>) src(%arg12 : memref<32x144xf32, #tpu.memory_space<vmem>>) dst(%dma_wait3A_134 : memref<32x144xf32, #tpu.memory_space<vmem_shared>>)
      tpu.yield
    }) : () -> ()
    %mul3A_67 = arith.constant 640 : i32
    %mul3A_68 = arith.muli %arg1, %mul3A_67 : i32
    %add3A_69 = arith.constant 384 : i32
    %add3A_70 = arith.addi %mul3A_68, %add3A_69 : i32
    "tpu.region"() ({
      %run_scoped3A_126 = tpu.sem_alloc : memref<!tpu.dma_semaphore, #tpu.memory_space<semaphore_mem>>
      %dma_start3A_127 = arith.constant 0 : i32
      %dma_start3A_128 = tpu.memref_slice %arg13[%add3A_70, %dma_start3A_127] : memref<10240x144xf32, #tpu.memory_space<vmem_shared>> -> memref<32x144xf32, #tpu.memory_space<vmem_shared>>
      %dma_start3A_129 = arith.constant 0 : i32
      %dma_start3A_130 = tpu.memref_slice %arg13[%add3A_70, %dma_start3A_129] : memref<10240x144xf32, #tpu.memory_space<vmem_shared>> -> memref<32x144xf32, #tpu.memory_space<vmem_shared>>
      tpu.enqueue_dma source(%arg12 : memref<32x144xf32, #tpu.memory_space<vmem>>) target(%dma_start3A_130 : memref<32x144xf32, #tpu.memory_space<vmem_shared>>) target_semaphore(%run_scoped3A_126 : memref<!tpu.dma_semaphore, #tpu.memory_space<semaphore_mem>>)
      %dma_wait3A_131 = arith.constant 0 : i32
      %dma_wait3A_132 = tpu.memref_slice %arg13[%add3A_70, %dma_wait3A_131] : memref<10240x144xf32, #tpu.memory_space<vmem_shared>> -> memref<32x144xf32, #tpu.memory_space<vmem_shared>>
      %dma_wait3A_133 = arith.constant 0 : i32
      %dma_wait3A_134 = tpu.memref_slice %arg13[%add3A_70, %dma_wait3A_133] : memref<10240x144xf32, #tpu.memory_space<vmem_shared>> -> memref<32x144xf32, #tpu.memory_space<vmem_shared>>
      tpu.wait_dma2 semaphore(%run_scoped3A_126 : memref<!tpu.dma_semaphore, #tpu.memory_space<semaphore_mem>>) src(%arg12 : memref<32x144xf32, #tpu.memory_space<vmem>>) dst(%dma_wait3A_134 : memref<32x144xf32, #tpu.memory_space<vmem_shared>>)
      tpu.yield
    }) : () -> ()
    %mul3A_71 = arith.constant 640 : i32
    %mul3A_72 = arith.muli %arg1, %mul3A_71 : i32
    %add3A_73 = arith.constant 416 : i32
    %add3A_74 = arith.addi %mul3A_72, %add3A_73 : i32
    "tpu.region"() ({
      %run_scoped3A_126 = tpu.sem_alloc : memref<!tpu.dma_semaphore, #tpu.memory_space<semaphore_mem>>
      %dma_start3A_127 = arith.constant 0 : i32
      %dma_start3A_128 = tpu.memref_slice %arg13[%add3A_74, %dma_start3A_127] : memref<10240x144xf32, #tpu.memory_space<vmem_shared>> -> memref<32x144xf32, #tpu.memory_space<vmem_shared>>
      %dma_start3A_129 = arith.constant 0 : i32
      %dma_start3A_130 = tpu.memref_slice %arg13[%add3A_74, %dma_start3A_129] : memref<10240x144xf32, #tpu.memory_space<vmem_shared>> -> memref<32x144xf32, #tpu.memory_space<vmem_shared>>
      tpu.enqueue_dma source(%arg12 : memref<32x144xf32, #tpu.memory_space<vmem>>) target(%dma_start3A_130 : memref<32x144xf32, #tpu.memory_space<vmem_shared>>) target_semaphore(%run_scoped3A_126 : memref<!tpu.dma_semaphore, #tpu.memory_space<semaphore_mem>>)
      %dma_wait3A_131 = arith.constant 0 : i32
      %dma_wait3A_132 = tpu.memref_slice %arg13[%add3A_74, %dma_wait3A_131] : memref<10240x144xf32, #tpu.memory_space<vmem_shared>> -> memref<32x144xf32, #tpu.memory_space<vmem_shared>>
      %dma_wait3A_133 = arith.constant 0 : i32
      %dma_wait3A_134 = tpu.memref_slice %arg13[%add3A_74, %dma_wait3A_133] : memref<10240x144xf32, #tpu.memory_space<vmem_shared>> -> memref<32x144xf32, #tpu.memory_space<vmem_shared>>
      tpu.wait_dma2 semaphore(%run_scoped3A_126 : memref<!tpu.dma_semaphore, #tpu.memory_space<semaphore_mem>>) src(%arg12 : memref<32x144xf32, #tpu.memory_space<vmem>>) dst(%dma_wait3A_134 : memref<32x144xf32, #tpu.memory_space<vmem_shared>>)
      tpu.yield
    }) : () -> ()
    %mul3A_75 = arith.constant 640 : i32
    %mul3A_76 = arith.muli %arg1, %mul3A_75 : i32
    %add3A_77 = arith.constant 448 : i32
    %add3A_78 = arith.addi %mul3A_76, %add3A_77 : i32
    "tpu.region"() ({
      %run_scoped3A_126 = tpu.sem_alloc : memref<!tpu.dma_semaphore, #tpu.memory_space<semaphore_mem>>
      %dma_start3A_127 = arith.constant 0 : i32
      %dma_start3A_128 = tpu.memref_slice %arg13[%add3A_78, %dma_start3A_127] : memref<10240x144xf32, #tpu.memory_space<vmem_shared>> -> memref<32x144xf32, #tpu.memory_space<vmem_shared>>
      %dma_start3A_129 = arith.constant 0 : i32
      %dma_start3A_130 = tpu.memref_slice %arg13[%add3A_78, %dma_start3A_129] : memref<10240x144xf32, #tpu.memory_space<vmem_shared>> -> memref<32x144xf32, #tpu.memory_space<vmem_shared>>
      tpu.enqueue_dma source(%arg12 : memref<32x144xf32, #tpu.memory_space<vmem>>) target(%dma_start3A_130 : memref<32x144xf32, #tpu.memory_space<vmem_shared>>) target_semaphore(%run_scoped3A_126 : memref<!tpu.dma_semaphore, #tpu.memory_space<semaphore_mem>>)
      %dma_wait3A_131 = arith.constant 0 : i32
      %dma_wait3A_132 = tpu.memref_slice %arg13[%add3A_78, %dma_wait3A_131] : memref<10240x144xf32, #tpu.memory_space<vmem_shared>> -> memref<32x144xf32, #tpu.memory_space<vmem_shared>>
      %dma_wait3A_133 = arith.constant 0 : i32
      %dma_wait3A_134 = tpu.memref_slice %arg13[%add3A_78, %dma_wait3A_133] : memref<10240x144xf32, #tpu.memory_space<vmem_shared>> -> memref<32x144xf32, #tpu.memory_space<vmem_shared>>
      tpu.wait_dma2 semaphore(%run_scoped3A_126 : memref<!tpu.dma_semaphore, #tpu.memory_space<semaphore_mem>>) src(%arg12 : memref<32x144xf32, #tpu.memory_space<vmem>>) dst(%dma_wait3A_134 : memref<32x144xf32, #tpu.memory_space<vmem_shared>>)
      tpu.yield
    }) : () -> ()
    %mul3A_79 = arith.constant 640 : i32
    %mul3A_80 = arith.muli %arg1, %mul3A_79 : i32
    %add3A_81 = arith.constant 480 : i32
    %add3A_82 = arith.addi %mul3A_80, %add3A_81 : i32
    "tpu.region"() ({
      %run_scoped3A_126 = tpu.sem_alloc : memref<!tpu.dma_semaphore, #tpu.memory_space<semaphore_mem>>
      %dma_start3A_127 = arith.constant 0 : i32
      %dma_start3A_128 = tpu.memref_slice %arg13[%add3A_82, %dma_start3A_127] : memref<10240x144xf32, #tpu.memory_space<vmem_shared>> -> memref<32x144xf32, #tpu.memory_space<vmem_shared>>
      %dma_start3A_129 = arith.constant 0 : i32
      %dma_start3A_130 = tpu.memref_slice %arg13[%add3A_82, %dma_start3A_129] : memref<10240x144xf32, #tpu.memory_space<vmem_shared>> -> memref<32x144xf32, #tpu.memory_space<vmem_shared>>
      tpu.enqueue_dma source(%arg12 : memref<32x144xf32, #tpu.memory_space<vmem>>) target(%dma_start3A_130 : memref<32x144xf32, #tpu.memory_space<vmem_shared>>) target_semaphore(%run_scoped3A_126 : memref<!tpu.dma_semaphore, #tpu.memory_space<semaphore_mem>>)
      %dma_wait3A_131 = arith.constant 0 : i32
      %dma_wait3A_132 = tpu.memref_slice %arg13[%add3A_82, %dma_wait3A_131] : memref<10240x144xf32, #tpu.memory_space<vmem_shared>> -> memref<32x144xf32, #tpu.memory_space<vmem_shared>>
      %dma_wait3A_133 = arith.constant 0 : i32
      %dma_wait3A_134 = tpu.memref_slice %arg13[%add3A_82, %dma_wait3A_133] : memref<10240x144xf32, #tpu.memory_space<vmem_shared>> -> memref<32x144xf32, #tpu.memory_space<vmem_shared>>
      tpu.wait_dma2 semaphore(%run_scoped3A_126 : memref<!tpu.dma_semaphore, #tpu.memory_space<semaphore_mem>>) src(%arg12 : memref<32x144xf32, #tpu.memory_space<vmem>>) dst(%dma_wait3A_134 : memref<32x144xf32, #tpu.memory_space<vmem_shared>>)
      tpu.yield
    }) : () -> ()
    %mul3A_83 = arith.constant 640 : i32
    %mul3A_84 = arith.muli %arg1, %mul3A_83 : i32
    %add3A_85 = arith.constant 512 : i32
    %add3A_86 = arith.addi %mul3A_84, %add3A_85 : i32
    "tpu.region"() ({
      %run_scoped3A_126 = tpu.sem_alloc : memref<!tpu.dma_semaphore, #tpu.memory_space<semaphore_mem>>
      %dma_start3A_127 = arith.constant 0 : i32
      %dma_start3A_128 = tpu.memref_slice %arg13[%add3A_86, %dma_start3A_127] : memref<10240x144xf32, #tpu.memory_space<vmem_shared>> -> memref<32x144xf32, #tpu.memory_space<vmem_shared>>
      %dma_start3A_129 = arith.constant 0 : i32
      %dma_start3A_130 = tpu.memref_slice %arg13[%add3A_86, %dma_start3A_129] : memref<10240x144xf32, #tpu.memory_space<vmem_shared>> -> memref<32x144xf32, #tpu.memory_space<vmem_shared>>
      tpu.enqueue_dma source(%arg12 : memref<32x144xf32, #tpu.memory_space<vmem>>) target(%dma_start3A_130 : memref<32x144xf32, #tpu.memory_space<vmem_shared>>) target_semaphore(%run_scoped3A_126 : memref<!tpu.dma_semaphore, #tpu.memory_space<semaphore_mem>>)
      %dma_wait3A_131 = arith.constant 0 : i32
      %dma_wait3A_132 = tpu.memref_slice %arg13[%add3A_86, %dma_wait3A_131] : memref<10240x144xf32, #tpu.memory_space<vmem_shared>> -> memref<32x144xf32, #tpu.memory_space<vmem_shared>>
      %dma_wait3A_133 = arith.constant 0 : i32
      %dma_wait3A_134 = tpu.memref_slice %arg13[%add3A_86, %dma_wait3A_133] : memref<10240x144xf32, #tpu.memory_space<vmem_shared>> -> memref<32x144xf32, #tpu.memory_space<vmem_shared>>
      tpu.wait_dma2 semaphore(%run_scoped3A_126 : memref<!tpu.dma_semaphore, #tpu.memory_space<semaphore_mem>>) src(%arg12 : memref<32x144xf32, #tpu.memory_space<vmem>>) dst(%dma_wait3A_134 : memref<32x144xf32, #tpu.memory_space<vmem_shared>>)
      tpu.yield
    }) : () -> ()
    %mul3A_87 = arith.constant 640 : i32
    %mul3A_88 = arith.muli %arg1, %mul3A_87 : i32
    %add3A_89 = arith.constant 544 : i32
    %add3A_90 = arith.addi %mul3A_88, %add3A_89 : i32
    "tpu.region"() ({
      %run_scoped3A_126 = tpu.sem_alloc : memref<!tpu.dma_semaphore, #tpu.memory_space<semaphore_mem>>
      %dma_start3A_127 = arith.constant 0 : i32
      %dma_start3A_128 = tpu.memref_slice %arg13[%add3A_90, %dma_start3A_127] : memref<10240x144xf32, #tpu.memory_space<vmem_shared>> -> memref<32x144xf32, #tpu.memory_space<vmem_shared>>
      %dma_start3A_129 = arith.constant 0 : i32
      %dma_start3A_130 = tpu.memref_slice %arg13[%add3A_90, %dma_start3A_129] : memref<10240x144xf32, #tpu.memory_space<vmem_shared>> -> memref<32x144xf32, #tpu.memory_space<vmem_shared>>
      tpu.enqueue_dma source(%arg12 : memref<32x144xf32, #tpu.memory_space<vmem>>) target(%dma_start3A_130 : memref<32x144xf32, #tpu.memory_space<vmem_shared>>) target_semaphore(%run_scoped3A_126 : memref<!tpu.dma_semaphore, #tpu.memory_space<semaphore_mem>>)
      %dma_wait3A_131 = arith.constant 0 : i32
      %dma_wait3A_132 = tpu.memref_slice %arg13[%add3A_90, %dma_wait3A_131] : memref<10240x144xf32, #tpu.memory_space<vmem_shared>> -> memref<32x144xf32, #tpu.memory_space<vmem_shared>>
      %dma_wait3A_133 = arith.constant 0 : i32
      %dma_wait3A_134 = tpu.memref_slice %arg13[%add3A_90, %dma_wait3A_133] : memref<10240x144xf32, #tpu.memory_space<vmem_shared>> -> memref<32x144xf32, #tpu.memory_space<vmem_shared>>
      tpu.wait_dma2 semaphore(%run_scoped3A_126 : memref<!tpu.dma_semaphore, #tpu.memory_space<semaphore_mem>>) src(%arg12 : memref<32x144xf32, #tpu.memory_space<vmem>>) dst(%dma_wait3A_134 : memref<32x144xf32, #tpu.memory_space<vmem_shared>>)
      tpu.yield
    }) : () -> ()
    %mul3A_91 = arith.constant 640 : i32
    %mul3A_92 = arith.muli %arg1, %mul3A_91 : i32
    %add3A_93 = arith.constant 576 : i32
    %add3A_94 = arith.addi %mul3A_92, %add3A_93 : i32
    "tpu.region"() ({
      %run_scoped3A_126 = tpu.sem_alloc : memref<!tpu.dma_semaphore, #tpu.memory_space<semaphore_mem>>
      %dma_start3A_127 = arith.constant 0 : i32
      %dma_start3A_128 = tpu.memref_slice %arg13[%add3A_94, %dma_start3A_127] : memref<10240x144xf32, #tpu.memory_space<vmem_shared>> -> memref<32x144xf32, #tpu.memory_space<vmem_shared>>
      %dma_start3A_129 = arith.constant 0 : i32
      %dma_start3A_130 = tpu.memref_slice %arg13[%add3A_94, %dma_start3A_129] : memref<10240x144xf32, #tpu.memory_space<vmem_shared>> -> memref<32x144xf32, #tpu.memory_space<vmem_shared>>
      tpu.enqueue_dma source(%arg12 : memref<32x144xf32, #tpu.memory_space<vmem>>) target(%dma_start3A_130 : memref<32x144xf32, #tpu.memory_space<vmem_shared>>) target_semaphore(%run_scoped3A_126 : memref<!tpu.dma_semaphore, #tpu.memory_space<semaphore_mem>>)
      %dma_wait3A_131 = arith.constant 0 : i32
      %dma_wait3A_132 = tpu.memref_slice %arg13[%add3A_94, %dma_wait3A_131] : memref<10240x144xf32, #tpu.memory_space<vmem_shared>> -> memref<32x144xf32, #tpu.memory_space<vmem_shared>>
      %dma_wait3A_133 = arith.constant 0 : i32
      %dma_wait3A_134 = tpu.memref_slice %arg13[%add3A_94, %dma_wait3A_133] : memref<10240x144xf32, #tpu.memory_space<vmem_shared>> -> memref<32x144xf32, #tpu.memory_space<vmem_shared>>
      tpu.wait_dma2 semaphore(%run_scoped3A_126 : memref<!tpu.dma_semaphore, #tpu.memory_space<semaphore_mem>>) src(%arg12 : memref<32x144xf32, #tpu.memory_space<vmem>>) dst(%dma_wait3A_134 : memref<32x144xf32, #tpu.memory_space<vmem_shared>>)
      tpu.yield
    }) : () -> ()
    %mul3A_95 = arith.constant 640 : i32
    %mul3A_96 = arith.muli %arg1, %mul3A_95 : i32
    %add3A_97 = arith.constant 608 : i32
    %add3A_98 = arith.addi %mul3A_96, %add3A_97 : i32
    "tpu.region"() ({
      %run_scoped3A_126 = tpu.sem_alloc : memref<!tpu.dma_semaphore, #tpu.memory_space<semaphore_mem>>
      %dma_start3A_127 = arith.constant 0 : i32
      %dma_start3A_128 = tpu.memref_slice %arg13[%add3A_98, %dma_start3A_127] : memref<10240x144xf32, #tpu.memory_space<vmem_shared>> -> memref<32x144xf32, #tpu.memory_space<vmem_shared>>
      %dma_start3A_129 = arith.constant 0 : i32
      %dma_start3A_130 = tpu.memref_slice %arg13[%add3A_98, %dma_start3A_129] : memref<10240x144xf32, #tpu.memory_space<vmem_shared>> -> memref<32x144xf32, #tpu.memory_space<vmem_shared>>
      tpu.enqueue_dma source(%arg12 : memref<32x144xf32, #tpu.memory_space<vmem>>) target(%dma_start3A_130 : memref<32x144xf32, #tpu.memory_space<vmem_shared>>) target_semaphore(%run_scoped3A_126 : memref<!tpu.dma_semaphore, #tpu.memory_space<semaphore_mem>>)
      %dma_wait3A_131 = arith.constant 0 : i32
      %dma_wait3A_132 = tpu.memref_slice %arg13[%add3A_98, %dma_wait3A_131] : memref<10240x144xf32, #tpu.memory_space<vmem_shared>> -> memref<32x144xf32, #tpu.memory_space<vmem_shared>>
      %dma_wait3A_133 = arith.constant 0 : i32
      %dma_wait3A_134 = tpu.memref_slice %arg13[%add3A_98, %dma_wait3A_133] : memref<10240x144xf32, #tpu.memory_space<vmem_shared>> -> memref<32x144xf32, #tpu.memory_space<vmem_shared>>
      tpu.wait_dma2 semaphore(%run_scoped3A_126 : memref<!tpu.dma_semaphore, #tpu.memory_space<semaphore_mem>>) src(%arg12 : memref<32x144xf32, #tpu.memory_space<vmem>>) dst(%dma_wait3A_134 : memref<32x144xf32, #tpu.memory_space<vmem_shared>>)
      tpu.yield
    }) : () -> ()
    %barrier3A = arith.constant 0 : index
    tpu.barrier barrier_id(%barrier3A)
    %iota3A = tpu.iota {dimensions = array<i32: 0>} : vector<16xi32>
    %scan3A_99 = arith.constant 0 : i32
    %scan3A_100 = arith.constant 0 : i32
    %scan3A_101 = arith.constant 62 : i32
    %scan3A_102 = arith.addi %scan3A_100, %scan3A_101 : i32
    %scan3A_103 = arith.constant 1 : i32
    scf.for %scan3A_126 = %scan3A_100 to %scan3A_102 step %scan3A_103  : i32 {
      %mul3A_127 = arith.constant 2 : i32
      %mul3A_128 = arith.muli %mul3A_127, %scan3A_126 : i32
      %add3A_129 = arith.constant 1 : i32
      %add3A_130 = arith.addi %mul3A_128, %add3A_129 : i32
      "tpu.region"() ({
        %run_scoped3A_197 = tpu.sem_alloc : memref<!tpu.dma_semaphore, #tpu.memory_space<semaphore_mem>>
        %dma_start3A_198 = arith.constant 0 : i32
        %dma_start3A_199 = arith.constant 0 : i32
        %dma_start3A_200 = tpu.memref_slice %arg4[%add3A, %add3A_130, %dma_start3A_198, %dma_start3A_199] : memref<32x125x2x80xi32, #tpu.memory_space<hbm>> -> memref<1x1x2x80xi32, #tpu.memory_space<hbm>>
        %dma_start3A_201 = tpu.memref_squeeze %dma_start3A_200 : memref<1x1x2x80xi32, #tpu.memory_space<hbm>> -> memref<2x80xi32, #tpu.memory_space<hbm>>
        %dma_start3A_202 = arith.constant 0 : i32
        %dma_start3A_203 = arith.constant 0 : i32
        %dma_start3A_204 = tpu.memref_slice %arg4[%add3A, %add3A_130, %dma_start3A_202, %dma_start3A_203] : memref<32x125x2x80xi32, #tpu.memory_space<hbm>> -> memref<1x1x2x80xi32, #tpu.memory_space<hbm>>
        %dma_start3A_205 = tpu.memref_squeeze %dma_start3A_204 : memref<1x1x2x80xi32, #tpu.memory_space<hbm>> -> memref<2x80xi32, #tpu.memory_space<hbm>>
        tpu.enqueue_dma source(%dma_start3A_205 : memref<2x80xi32, #tpu.memory_space<hbm>>) target(%arg7 : memref<2x80xi32, #tpu.memory_space<vmem>>) target_semaphore(%run_scoped3A_197 : memref<!tpu.dma_semaphore, #tpu.memory_space<semaphore_mem>>)
        %dma_wait3A_206 = arith.constant 0 : i32
        %dma_wait3A_207 = arith.constant 0 : i32
        %dma_wait3A_208 = tpu.memref_slice %arg4[%add3A, %add3A_130, %dma_wait3A_206, %dma_wait3A_207] : memref<32x125x2x80xi32, #tpu.memory_space<hbm>> -> memref<1x1x2x80xi32, #tpu.memory_space<hbm>>
        %dma_wait3A_209 = tpu.memref_squeeze %dma_wait3A_208 : memref<1x1x2x80xi32, #tpu.memory_space<hbm>> -> memref<2x80xi32, #tpu.memory_space<hbm>>
        %dma_wait3A_210 = arith.constant 0 : i32
        %dma_wait3A_211 = arith.constant 0 : i32
        %dma_wait3A_212 = tpu.memref_slice %arg4[%add3A, %add3A_130, %dma_wait3A_210, %dma_wait3A_211] : memref<32x125x2x80xi32, #tpu.memory_space<hbm>> -> memref<1x1x2x80xi32, #tpu.memory_space<hbm>>
        %dma_wait3A_213 = tpu.memref_squeeze %dma_wait3A_212 : memref<1x1x2x80xi32, #tpu.memory_space<hbm>> -> memref<2x80xi32, #tpu.memory_space<hbm>>
        tpu.wait_dma2 semaphore(%run_scoped3A_197 : memref<!tpu.dma_semaphore, #tpu.memory_space<semaphore_mem>>) src(%dma_wait3A_213 : memref<2x80xi32, #tpu.memory_space<hbm>>) dst(%arg7 : memref<2x80xi32, #tpu.memory_space<vmem>>)
        tpu.yield
      }) : () -> ()
      %dma_start3A_131 = arith.constant 0 : i32
      %dma_start3A_132 = arith.constant 0 : i32
      %dma_start3A_133 = tpu.memref_slice %arg7[%dma_start3A_131, %dma_start3A_132] : memref<2x80xi32, #tpu.memory_space<vmem>> -> memref<1x80xi32, #tpu.memory_space<vmem>>
      %dma_start3A_134 = tpu.memref_squeeze %dma_start3A_133 : memref<1x80xi32, #tpu.memory_space<vmem>> -> memref<80xi32, #tpu.memory_space<vmem>>
      %dma_start3A_135 = arith.constant 0 : i32
      %dma_start3A_136 = arith.constant 0 : i32
      %dma_start3A_137 = tpu.memref_slice %arg2[%dma_start3A_135, %dma_start3A_136] : memref<10000x144xf32, #tpu.memory_space<hbm>> -> memref<10000x144xf32, #tpu.memory_space<hbm>>
      tpu.enqueue_indirect_dma source(%dma_start3A_137 : memref<10000x144xf32, #tpu.memory_space<hbm>>) target(%arg9 : memref<80x144xf32, #tpu.memory_space<vmem>>) offsets(%dma_start3A_134 : memref<80xi32, #tpu.memory_space<vmem>>) semaphore(%arg15 : memref<!tpu.dma_semaphore, #tpu.memory_space<semaphore_mem>>)
      %dma_start3A_138 = arith.constant 1 : i32
      %dma_start3A_139 = arith.constant 0 : i32
      %dma_start3A_140 = tpu.memref_slice %arg7[%dma_start3A_138, %dma_start3A_139] : memref<2x80xi32, #tpu.memory_space<vmem>> -> memref<1x80xi32, #tpu.memory_space<vmem>>
      %dma_start3A_141 = tpu.memref_squeeze %dma_start3A_140 : memref<1x80xi32, #tpu.memory_space<vmem>> -> memref<80xi32, #tpu.memory_space<vmem>>
      %dma_start3A_142 = arith.constant 0 : i32
      %dma_start3A_143 = arith.constant 0 : i32
      %dma_start3A_144 = tpu.memref_slice %arg3[%dma_start3A_142, %dma_start3A_143] : memref<10000x16xf32, #tpu.memory_space<hbm>> -> memref<10000x16xf32, #tpu.memory_space<hbm>>
      tpu.enqueue_indirect_dma source(%dma_start3A_144 : memref<10000x16xf32, #tpu.memory_space<hbm>>) target(%arg11 : memref<80x16xf32, #tpu.memory_space<vmem>>) offsets(%dma_start3A_141 : memref<80xi32, #tpu.memory_space<vmem>>) semaphore(%arg15 : memref<!tpu.dma_semaphore, #tpu.memory_space<semaphore_mem>>)
      %dma_wait3A_145 = arith.constant 0 : i32
      %dma_wait3A_146 = arith.constant 0 : i32
      %dma_wait3A_147 = tpu.memref_slice %arg6[%dma_wait3A_145, %dma_wait3A_146] : memref<2x80xi32, #tpu.memory_space<vmem>> -> memref<1x80xi32, #tpu.memory_space<vmem>>
      %dma_wait3A_148 = tpu.memref_squeeze %dma_wait3A_147 : memref<1x80xi32, #tpu.memory_space<vmem>> -> memref<80xi32, #tpu.memory_space<vmem>>
      %dma_wait3A_149 = arith.constant 0 : i32
      %dma_wait3A_150 = arith.constant 0 : i32
      %dma_wait3A_151 = tpu.memref_slice %arg2[%dma_wait3A_149, %dma_wait3A_150] : memref<10000x144xf32, #tpu.memory_space<hbm>> -> memref<10000x144xf32, #tpu.memory_space<hbm>>
      tpu.wait_indirect_dma semaphore(%arg14 : memref<!tpu.dma_semaphore, #tpu.memory_space<semaphore_mem>>) src(%dma_wait3A_151 : memref<10000x144xf32, #tpu.memory_space<hbm>>) dst(%arg8 : memref<80x144xf32, #tpu.memory_space<vmem>>)
      %dma_wait3A_152 = arith.constant 1 : i32
      %dma_wait3A_153 = arith.constant 0 : i32
      %dma_wait3A_154 = tpu.memref_slice %arg6[%dma_wait3A_152, %dma_wait3A_153] : memref<2x80xi32, #tpu.memory_space<vmem>> -> memref<1x80xi32, #tpu.memory_space<vmem>>
      %dma_wait3A_155 = tpu.memref_squeeze %dma_wait3A_154 : memref<1x80xi32, #tpu.memory_space<vmem>> -> memref<80xi32, #tpu.memory_space<vmem>>
      %dma_wait3A_156 = arith.constant 0 : i32
      %dma_wait3A_157 = arith.constant 0 : i32
      %dma_wait3A_158 = tpu.memref_slice %arg3[%dma_wait3A_156, %dma_wait3A_157] : memref<10000x16xf32, #tpu.memory_space<hbm>> -> memref<10000x16xf32, #tpu.memory_space<hbm>>
      tpu.wait_indirect_dma semaphore(%arg14 : memref<!tpu.dma_semaphore, #tpu.memory_space<semaphore_mem>>) src(%dma_wait3A_158 : memref<10000x16xf32, #tpu.memory_space<hbm>>) dst(%arg10 : memref<80x16xf32, #tpu.memory_space<vmem>>)
      %parallel_loop3A_159 = arith.constant 0 : i32
      %parallel_loop3A_160 = arith.constant 80 : i32
      %parallel_loop3A_161 = arith.constant 1 : i32
      scf.for %parallel_loop3A_197 = %parallel_loop3A_159 to %parallel_loop3A_160 step %parallel_loop3A_161  : i32 {
        %parallel_loop3A_198 = arith.index_cast %parallel_loop3A_197 : i32 to index
        %parallel_loop3A_199 = arith.constant 0 : index
        %parallel_loop3A_200 = tpu.vector_load %arg8[%parallel_loop3A_198, %parallel_loop3A_199] {strides = array<i32>} : memref<80x144xf32, #tpu.memory_space<vmem>>, vector<1x16xf32>,
        %parallel_loop3A_201 = vector.shape_cast %parallel_loop3A_200 : vector<1x16xf32> to vector<16xf32>
        %parallel_loop3A_202 = arith.index_cast %parallel_loop3A_197 : i32 to index
        %parallel_loop3A_203 = arith.constant 16 : index
        %parallel_loop3A_204 = tpu.vector_load %arg8[%parallel_loop3A_202, %parallel_loop3A_203] {strides = array<i32>} : memref<80x144xf32, #tpu.memory_space<vmem>>, vector<1x16xf32>,
        %parallel_loop3A_205 = vector.shape_cast %parallel_loop3A_204 : vector<1x16xf32> to vector<16xf32>
        %parallel_loop3A_206 = arith.index_cast %parallel_loop3A_197 : i32 to index
        %parallel_loop3A_207 = arith.constant 32 : index
        %parallel_loop3A_208 = tpu.vector_load %arg8[%parallel_loop3A_206, %parallel_loop3A_207] {strides = array<i32>} : memref<80x144xf32, #tpu.memory_space<vmem>>, vector<1x16xf32>,
        %parallel_loop3A_209 = vector.shape_cast %parallel_loop3A_208 : vector<1x16xf32> to vector<16xf32>
        %parallel_loop3A_210 = arith.index_cast %parallel_loop3A_197 : i32 to index
        %parallel_loop3A_211 = arith.constant 48 : index
        %parallel_loop3A_212 = tpu.vector_load %arg8[%parallel_loop3A_210, %parallel_loop3A_211] {strides = array<i32>} : memref<80x144xf32, #tpu.memory_space<vmem>>, vector<1x16xf32>,
        %parallel_loop3A_213 = vector.shape_cast %parallel_loop3A_212 : vector<1x16xf32> to vector<16xf32>
        %parallel_loop3A_214 = arith.index_cast %parallel_loop3A_197 : i32 to index
        %parallel_loop3A_215 = arith.constant 64 : index
        %parallel_loop3A_216 = tpu.vector_load %arg8[%parallel_loop3A_214, %parallel_loop3A_215] {strides = array<i32>} : memref<80x144xf32, #tpu.memory_space<vmem>>, vector<1x16xf32>,
        %parallel_loop3A_217 = vector.shape_cast %parallel_loop3A_216 : vector<1x16xf32> to vector<16xf32>
        %parallel_loop3A_218 = arith.index_cast %parallel_loop3A_197 : i32 to index
        %parallel_loop3A_219 = arith.constant 80 : index
        %parallel_loop3A_220 = tpu.vector_load %arg8[%parallel_loop3A_218, %parallel_loop3A_219] {strides = array<i32>} : memref<80x144xf32, #tpu.memory_space<vmem>>, vector<1x16xf32>,
        %parallel_loop3A_221 = vector.shape_cast %parallel_loop3A_220 : vector<1x16xf32> to vector<16xf32>
        %parallel_loop3A_222 = arith.index_cast %parallel_loop3A_197 : i32 to index
        %parallel_loop3A_223 = arith.constant 96 : index
        %parallel_loop3A_224 = tpu.vector_load %arg8[%parallel_loop3A_222, %parallel_loop3A_223] {strides = array<i32>} : memref<80x144xf32, #tpu.memory_space<vmem>>, vector<1x16xf32>,
        %parallel_loop3A_225 = vector.shape_cast %parallel_loop3A_224 : vector<1x16xf32> to vector<16xf32>
        %parallel_loop3A_226 = arith.index_cast %parallel_loop3A_197 : i32 to index
        %parallel_loop3A_227 = arith.constant 112 : index
        %parallel_loop3A_228 = tpu.vector_load %arg8[%parallel_loop3A_226, %parallel_loop3A_227] {strides = array<i32>} : memref<80x144xf32, #tpu.memory_space<vmem>>, vector<1x16xf32>,
        %parallel_loop3A_229 = vector.shape_cast %parallel_loop3A_228 : vector<1x16xf32> to vector<16xf32>
        %parallel_loop3A_230 = arith.index_cast %parallel_loop3A_197 : i32 to index
        %parallel_loop3A_231 = arith.constant 128 : index
        %parallel_loop3A_232 = tpu.vector_load %arg8[%parallel_loop3A_230, %parallel_loop3A_231] {strides = array<i32>} : memref<80x144xf32, #tpu.memory_space<vmem>>, vector<1x16xf32>,
        %parallel_loop3A_233 = vector.shape_cast %parallel_loop3A_232 : vector<1x16xf32> to vector<16xf32>
        %parallel_loop3A_234 = arith.index_cast %parallel_loop3A_197 : i32 to index
        %parallel_loop3A_235 = arith.constant 0 : index
        %parallel_loop3A_236 = tpu.vector_load %arg10[%parallel_loop3A_234, %parallel_loop3A_235] {strides = array<i32>} : memref<80x16xf32, #tpu.memory_space<vmem>>, vector<1x16xf32>,
        %parallel_loop3A_237 = vector.shape_cast %parallel_loop3A_236 : vector<1x16xf32> to vector<16xf32>
        %parallel_loop3A_238 = arith.addf %parallel_loop3A_233, %parallel_loop3A_237 : vector<16xf32>
        %parallel_loop3A_239 = arith.constant 0.000000e+00 : f32
        %parallel_loop3A_240 = vector.broadcast %parallel_loop3A_239 : f32 to vector<16xf32>
        %parallel_loop3A_241 = arith.cmpf ogt, %parallel_loop3A_238, %parallel_loop3A_240 : vector<16xf32>
        %parallel_loop3A_242 = arith.constant 2.000000e-01 : f32
        %parallel_loop3A_243 = vector.broadcast %parallel_loop3A_242 : f32 to vector<16xf32>
        %parallel_loop3A_244 = arith.mulf %parallel_loop3A_243, %parallel_loop3A_238 : vector<16xf32>
        %parallel_loop3A_245 = arith.select %parallel_loop3A_241, %parallel_loop3A_238, %parallel_loop3A_244 : vector<16xi1>, vector<16xf32>
        %parallel_loop3A_246 = math.exp %parallel_loop3A_245 : vector<16xf32>
        %parallel_loop3A_247 = arith.constant 1 : i32
        %parallel_loop3A_248 = vector.broadcast %parallel_loop3A_247 : i32 to vector<16xi32>
        %parallel_loop3A_249 = arith.cmpi slt, %iota3A, %parallel_loop3A_248 : vector<16xi32>
        %parallel_loop3A_250 = arith.constant 0.000000e+00 : f32
        %parallel_loop3A_251 = vector.broadcast %parallel_loop3A_250 : f32 to vector<16xf32>
        %parallel_loop3A_252 = arith.select %parallel_loop3A_249, %parallel_loop3A_246, %parallel_loop3A_251 : vector<16xi1>, vector<16xf32>
        %parallel_loop3A_253 = arith.index_cast %parallel_loop3A_197 : i32 to index
        %parallel_loop3A_254 = arith.constant 128 : index
        %parallel_loop3A_255 = tpu.vector_load %arg8[%parallel_loop3A_253, %parallel_loop3A_254] {strides = array<i32>} : memref<80x144xf32, #tpu.memory_space<vmem>>, vector<1x16xf32>,
        %parallel_loop3A_256 = vector.shape_cast %parallel_loop3A_255 : vector<1x16xf32> to vector<16xf32>
        %parallel_loop3A_257 = vector.shape_cast %parallel_loop3A_252 : vector<16xf32> to vector<1x16xf32>
        tpu.vector_store %arg8[%parallel_loop3A_253, %parallel_loop3A_254], %parallel_loop3A_257 {strides = array<i32>} : memref<80x144xf32, #tpu.memory_space<vmem>>, vector<1x16xf32>,
        %parallel_loop3A_258 = arith.constant 0 : i32
        %parallel_loop3A_259 = vector.broadcast %parallel_loop3A_258 : i32 to vector<16x1xi32>
        %parallel_loop3A_260 = vector.shape_cast %parallel_loop3A_259 : vector<16x1xi32> to vector<16xi32>
        %parallel_loop3A_261 = tpu.dynamic_gather %parallel_loop3A_252[%parallel_loop3A_260] in [0] : vector<16xf32>, vector<16xi32> -> vector<16xf32>
        %parallel_loop3A_262 = arith.mulf %parallel_loop3A_201, %parallel_loop3A_261 : vector<16xf32>
        %parallel_loop3A_263 = arith.index_cast %parallel_loop3A_197 : i32 to index
        %parallel_loop3A_264 = arith.constant 0 : index
        %parallel_loop3A_265 = tpu.vector_load %arg8[%parallel_loop3A_263, %parallel_loop3A_264] {strides = array<i32>} : memref<80x144xf32, #tpu.memory_space<vmem>>, vector<1x16xf32>,
        %parallel_loop3A_266 = vector.shape_cast %parallel_loop3A_265 : vector<1x16xf32> to vector<16xf32>
        %parallel_loop3A_267 = vector.shape_cast %parallel_loop3A_262 : vector<16xf32> to vector<1x16xf32>
        tpu.vector_store %arg8[%parallel_loop3A_263, %parallel_loop3A_264], %parallel_loop3A_267 {strides = array<i32>} : memref<80x144xf32, #tpu.memory_space<vmem>>, vector<1x16xf32>,
        %parallel_loop3A_268 = arith.mulf %parallel_loop3A_205, %parallel_loop3A_261 : vector<16xf32>
        %parallel_loop3A_269 = arith.index_cast %parallel_loop3A_197 : i32 to index
        %parallel_loop3A_270 = arith.constant 16 : index
        %parallel_loop3A_271 = tpu.vector_load %arg8[%parallel_loop3A_269, %parallel_loop3A_270] {strides = array<i32>} : memref<80x144xf32, #tpu.memory_space<vmem>>, vector<1x16xf32>,
        %parallel_loop3A_272 = vector.shape_cast %parallel_loop3A_271 : vector<1x16xf32> to vector<16xf32>
        %parallel_loop3A_273 = vector.shape_cast %parallel_loop3A_268 : vector<16xf32> to vector<1x16xf32>
        tpu.vector_store %arg8[%parallel_loop3A_269, %parallel_loop3A_270], %parallel_loop3A_273 {strides = array<i32>} : memref<80x144xf32, #tpu.memory_space<vmem>>, vector<1x16xf32>,
        %parallel_loop3A_274 = arith.mulf %parallel_loop3A_209, %parallel_loop3A_261 : vector<16xf32>
        %parallel_loop3A_275 = arith.index_cast %parallel_loop3A_197 : i32 to index
        %parallel_loop3A_276 = arith.constant 32 : index
        %parallel_loop3A_277 = tpu.vector_load %arg8[%parallel_loop3A_275, %parallel_loop3A_276] {strides = array<i32>} : memref<80x144xf32, #tpu.memory_space<vmem>>, vector<1x16xf32>,
        %parallel_loop3A_278 = vector.shape_cast %parallel_loop3A_277 : vector<1x16xf32> to vector<16xf32>
        %parallel_loop3A_279 = vector.shape_cast %parallel_loop3A_274 : vector<16xf32> to vector<1x16xf32>
        tpu.vector_store %arg8[%parallel_loop3A_275, %parallel_loop3A_276], %parallel_loop3A_279 {strides = array<i32>} : memref<80x144xf32, #tpu.memory_space<vmem>>, vector<1x16xf32>,
        %parallel_loop3A_280 = arith.mulf %parallel_loop3A_213, %parallel_loop3A_261 : vector<16xf32>
        %parallel_loop3A_281 = arith.index_cast %parallel_loop3A_197 : i32 to index
        %parallel_loop3A_282 = arith.constant 48 : index
        %parallel_loop3A_283 = tpu.vector_load %arg8[%parallel_loop3A_281, %parallel_loop3A_282] {strides = array<i32>} : memref<80x144xf32, #tpu.memory_space<vmem>>, vector<1x16xf32>,
        %parallel_loop3A_284 = vector.shape_cast %parallel_loop3A_283 : vector<1x16xf32> to vector<16xf32>
        %parallel_loop3A_285 = vector.shape_cast %parallel_loop3A_280 : vector<16xf32> to vector<1x16xf32>
        tpu.vector_store %arg8[%parallel_loop3A_281, %parallel_loop3A_282], %parallel_loop3A_285 {strides = array<i32>} : memref<80x144xf32, #tpu.memory_space<vmem>>, vector<1x16xf32>,
        %parallel_loop3A_286 = arith.mulf %parallel_loop3A_217, %parallel_loop3A_261 : vector<16xf32>
        %parallel_loop3A_287 = arith.index_cast %parallel_loop3A_197 : i32 to index
        %parallel_loop3A_288 = arith.constant 64 : index
        %parallel_loop3A_289 = tpu.vector_load %arg8[%parallel_loop3A_287, %parallel_loop3A_288] {strides = array<i32>} : memref<80x144xf32, #tpu.memory_space<vmem>>, vector<1x16xf32>,
        %parallel_loop3A_290 = vector.shape_cast %parallel_loop3A_289 : vector<1x16xf32> to vector<16xf32>
        %parallel_loop3A_291 = vector.shape_cast %parallel_loop3A_286 : vector<16xf32> to vector<1x16xf32>
        tpu.vector_store %arg8[%parallel_loop3A_287, %parallel_loop3A_288], %parallel_loop3A_291 {strides = array<i32>} : memref<80x144xf32, #tpu.memory_space<vmem>>, vector<1x16xf32>,
        %parallel_loop3A_292 = arith.mulf %parallel_loop3A_221, %parallel_loop3A_261 : vector<16xf32>
        %parallel_loop3A_293 = arith.index_cast %parallel_loop3A_197 : i32 to index
        %parallel_loop3A_294 = arith.constant 80 : index
        %parallel_loop3A_295 = tpu.vector_load %arg8[%parallel_loop3A_293, %parallel_loop3A_294] {strides = array<i32>} : memref<80x144xf32, #tpu.memory_space<vmem>>, vector<1x16xf32>,
        %parallel_loop3A_296 = vector.shape_cast %parallel_loop3A_295 : vector<1x16xf32> to vector<16xf32>
        %parallel_loop3A_297 = vector.shape_cast %parallel_loop3A_292 : vector<16xf32> to vector<1x16xf32>
        tpu.vector_store %arg8[%parallel_loop3A_293, %parallel_loop3A_294], %parallel_loop3A_297 {strides = array<i32>} : memref<80x144xf32, #tpu.memory_space<vmem>>, vector<1x16xf32>,
        %parallel_loop3A_298 = arith.mulf %parallel_loop3A_225, %parallel_loop3A_261 : vector<16xf32>
        %parallel_loop3A_299 = arith.index_cast %parallel_loop3A_197 : i32 to index
        %parallel_loop3A_300 = arith.constant 96 : index
        %parallel_loop3A_301 = tpu.vector_load %arg8[%parallel_loop3A_299, %parallel_loop3A_300] {strides = array<i32>} : memref<80x144xf32, #tpu.memory_space<vmem>>, vector<1x16xf32>,
        %parallel_loop3A_302 = vector.shape_cast %parallel_loop3A_301 : vector<1x16xf32> to vector<16xf32>
        %parallel_loop3A_303 = vector.shape_cast %parallel_loop3A_298 : vector<16xf32> to vector<1x16xf32>
        tpu.vector_store %arg8[%parallel_loop3A_299, %parallel_loop3A_300], %parallel_loop3A_303 {strides = array<i32>} : memref<80x144xf32, #tpu.memory_space<vmem>>, vector<1x16xf32>,
        %parallel_loop3A_304 = arith.mulf %parallel_loop3A_229, %parallel_loop3A_261 : vector<16xf32>
        %parallel_loop3A_305 = arith.index_cast %parallel_loop3A_197 : i32 to index
        %parallel_loop3A_306 = arith.constant 112 : index
        %parallel_loop3A_307 = tpu.vector_load %arg8[%parallel_loop3A_305, %parallel_loop3A_306] {strides = array<i32>} : memref<80x144xf32, #tpu.memory_space<vmem>>, vector<1x16xf32>,
        %parallel_loop3A_308 = vector.shape_cast %parallel_loop3A_307 : vector<1x16xf32> to vector<16xf32>
        %parallel_loop3A_309 = vector.shape_cast %parallel_loop3A_304 : vector<16xf32> to vector<1x16xf32>
        tpu.vector_store %arg8[%parallel_loop3A_305, %parallel_loop3A_306], %parallel_loop3A_309 {strides = array<i32>} : memref<80x144xf32, #tpu.memory_space<vmem>>, vector<1x16xf32>,
      } {sc.loop_unroll_factor = 4 : i64, sc.parallel_access}
      %run_scoped3A_162 = arith.constant 1 : i32
      "tpu.region"() ({
        %run_scoped3A_197 = tpu.sem_alloc : memref<!tpu.dma_semaphore, #tpu.memory_space<semaphore_mem>>
        %dma_start3A_198 = arith.constant 0 : i32
        %dma_start3A_199 = tpu.memref_slice %arg6[%run_scoped3A_162, %dma_start3A_198] : memref<2x80xi32, #tpu.memory_space<vmem>> -> memref<1x80xi32, #tpu.memory_space<vmem>>
        %dma_start3A_200 = tpu.memref_squeeze %dma_start3A_199 : memref<1x80xi32, #tpu.memory_space<vmem>> -> memref<80xi32, #tpu.memory_space<vmem>>
        %dma_start3A_201 = arith.constant 0 : i32
        %dma_start3A_202 = arith.constant 0 : i32
        %dma_start3A_203 = tpu.memref_slice %arg13[%dma_start3A_201, %dma_start3A_202] : memref<10240x144xf32, #tpu.memory_space<vmem_shared>> -> memref<10240x144xf32, #tpu.memory_space<vmem_shared>>
        tpu.enqueue_indirect_dma source(%arg8 : memref<80x144xf32, #tpu.memory_space<vmem>>) target(%dma_start3A_203 : memref<10240x144xf32, #tpu.memory_space<vmem_shared>>) offsets(%dma_start3A_200 : memref<80xi32, #tpu.memory_space<vmem>>) semaphore(%run_scoped3A_197 : memref<!tpu.dma_semaphore, #tpu.memory_space<semaphore_mem>>) {add = true}
        %dma_wait3A_204 = arith.constant 0 : i32
        %dma_wait3A_205 = tpu.memref_slice %arg6[%run_scoped3A_162, %dma_wait3A_204] : memref<2x80xi32, #tpu.memory_space<vmem>> -> memref<1x80xi32, #tpu.memory_space<vmem>>
        %dma_wait3A_206 = tpu.memref_squeeze %dma_wait3A_205 : memref<1x80xi32, #tpu.memory_space<vmem>> -> memref<80xi32, #tpu.memory_space<vmem>>
        %dma_wait3A_207 = arith.constant 0 : i32
        %dma_wait3A_208 = arith.constant 0 : i32
        %dma_wait3A_209 = tpu.memref_slice %arg13[%dma_wait3A_207, %dma_wait3A_208] : memref<10240x144xf32, #tpu.memory_space<vmem_shared>> -> memref<10240x144xf32, #tpu.memory_space<vmem_shared>>
        tpu.wait_indirect_dma semaphore(%run_scoped3A_197 : memref<!tpu.dma_semaphore, #tpu.memory_space<semaphore_mem>>) src(%arg8 : memref<80x144xf32, #tpu.memory_space<vmem>>) dst(%dma_wait3A_209 : memref<10240x144xf32, #tpu.memory_space<vmem_shared>>)
        tpu.yield
      }) : () -> ()
      %add3A_163 = arith.constant 2 : i32
      %add3A_164 = arith.addi %mul3A_128, %add3A_163 : i32
      "tpu.region"() ({
        %run_scoped3A_197 = tpu.sem_alloc : memref<!tpu.dma_semaphore, #tpu.memory_space<semaphore_mem>>
        %dma_start3A_198 = arith.constant 0 : i32
        %dma_start3A_199 = arith.constant 0 : i32
        %dma_start3A_200 = tpu.memref_slice %arg4[%add3A, %add3A_164, %dma_start3A_198, %dma_start3A_199] : memref<32x125x2x80xi32, #tpu.memory_space<hbm>> -> memref<1x1x2x80xi32, #tpu.memory_space<hbm>>
        %dma_start3A_201 = tpu.memref_squeeze %dma_start3A_200 : memref<1x1x2x80xi32, #tpu.memory_space<hbm>> -> memref<2x80xi32, #tpu.memory_space<hbm>>
        %dma_start3A_202 = arith.constant 0 : i32
        %dma_start3A_203 = arith.constant 0 : i32
        %dma_start3A_204 = tpu.memref_slice %arg4[%add3A, %add3A_164, %dma_start3A_202, %dma_start3A_203] : memref<32x125x2x80xi32, #tpu.memory_space<hbm>> -> memref<1x1x2x80xi32, #tpu.memory_space<hbm>>
        %dma_start3A_205 = tpu.memref_squeeze %dma_start3A_204 : memref<1x1x2x80xi32, #tpu.memory_space<hbm>> -> memref<2x80xi32, #tpu.memory_space<hbm>>
        tpu.enqueue_dma source(%dma_start3A_205 : memref<2x80xi32, #tpu.memory_space<hbm>>) target(%arg6 : memref<2x80xi32, #tpu.memory_space<vmem>>) target_semaphore(%run_scoped3A_197 : memref<!tpu.dma_semaphore, #tpu.memory_space<semaphore_mem>>)
        %dma_wait3A_206 = arith.constant 0 : i32
        %dma_wait3A_207 = arith.constant 0 : i32
        %dma_wait3A_208 = tpu.memref_slice %arg4[%add3A, %add3A_164, %dma_wait3A_206, %dma_wait3A_207] : memref<32x125x2x80xi32, #tpu.memory_space<hbm>> -> memref<1x1x2x80xi32, #tpu.memory_space<hbm>>
        %dma_wait3A_209 = tpu.memref_squeeze %dma_wait3A_208 : memref<1x1x2x80xi32, #tpu.memory_space<hbm>> -> memref<2x80xi32, #tpu.memory_space<hbm>>
        %dma_wait3A_210 = arith.constant 0 : i32
        %dma_wait3A_211 = arith.constant 0 : i32
        %dma_wait3A_212 = tpu.memref_slice %arg4[%add3A, %add3A_164, %dma_wait3A_210, %dma_wait3A_211] : memref<32x125x2x80xi32, #tpu.memory_space<hbm>> -> memref<1x1x2x80xi32, #tpu.memory_space<hbm>>
        %dma_wait3A_213 = tpu.memref_squeeze %dma_wait3A_212 : memref<1x1x2x80xi32, #tpu.memory_space<hbm>> -> memref<2x80xi32, #tpu.memory_space<hbm>>
        tpu.wait_dma2 semaphore(%run_scoped3A_197 : memref<!tpu.dma_semaphore, #tpu.memory_space<semaphore_mem>>) src(%dma_wait3A_213 : memref<2x80xi32, #tpu.memory_space<hbm>>) dst(%arg6 : memref<2x80xi32, #tpu.memory_space<vmem>>)
        tpu.yield
      }) : () -> ()
      %dma_start3A_165 = arith.constant 0 : i32
      %dma_start3A_166 = arith.constant 0 : i32
      %dma_start3A_167 = tpu.memref_slice %arg6[%dma_start3A_165, %dma_start3A_166] : memref<2x80xi32, #tpu.memory_space<vmem>> -> memref<1x80xi32, #tpu.memory_space<vmem>>
      %dma_start3A_168 = tpu.memref_squeeze %dma_start3A_167 : memref<1x80xi32, #tpu.memory_space<vmem>> -> memref<80xi32, #tpu.memory_space<vmem>>
      %dma_start3A_169 = arith.constant 0 : i32
      %dma_start3A_170 = arith.constant 0 : i32
      %dma_start3A_171 = tpu.memref_slice %arg2[%dma_start3A_169, %dma_start3A_170] : memref<10000x144xf32, #tpu.memory_space<hbm>> -> memref<10000x144xf32, #tpu.memory_space<hbm>>
      tpu.enqueue_indirect_dma source(%dma_start3A_171 : memref<10000x144xf32, #tpu.memory_space<hbm>>) target(%arg8 : memref<80x144xf32, #tpu.memory_space<vmem>>) offsets(%dma_start3A_168 : memref<80xi32, #tpu.memory_space<vmem>>) semaphore(%arg14 : memref<!tpu.dma_semaphore, #tpu.memory_space<semaphore_mem>>)
      %dma_start3A_172 = arith.constant 1 : i32
      %dma_start3A_173 = arith.constant 0 : i32
      %dma_start3A_174 = tpu.memref_slice %arg6[%dma_start3A_172, %dma_start3A_173] : memref<2x80xi32, #tpu.memory_space<vmem>> -> memref<1x80xi32, #tpu.memory_space<vmem>>
      %dma_start3A_175 = tpu.memref_squeeze %dma_start3A_174 : memref<1x80xi32, #tpu.memory_space<vmem>> -> memref<80xi32, #tpu.memory_space<vmem>>
      %dma_start3A_176 = arith.constant 0 : i32
      %dma_start3A_177 = arith.constant 0 : i32
      %dma_start3A_178 = tpu.memref_slice %arg3[%dma_start3A_176, %dma_start3A_177] : memref<10000x16xf32, #tpu.memory_space<hbm>> -> memref<10000x16xf32, #tpu.memory_space<hbm>>
      tpu.enqueue_indirect_dma source(%dma_start3A_178 : memref<10000x16xf32, #tpu.memory_space<hbm>>) target(%arg10 : memref<80x16xf32, #tpu.memory_space<vmem>>) offsets(%dma_start3A_175 : memref<80xi32, #tpu.memory_space<vmem>>) semaphore(%arg14 : memref<!tpu.dma_semaphore, #tpu.memory_space<semaphore_mem>>)
      %dma_wait3A_179 = arith.constant 0 : i32
      %dma_wait3A_180 = arith.constant 0 : i32
      %dma_wait3A_181 = tpu.memref_slice %arg7[%dma_wait3A_179, %dma_wait3A_180] : memref<2x80xi32, #tpu.memory_space<vmem>> -> memref<1x80xi32, #tpu.memory_space<vmem>>
      %dma_wait3A_182 = tpu.memref_squeeze %dma_wait3A_181 : memref<1x80xi32, #tpu.memory_space<vmem>> -> memref<80xi32, #tpu.memory_space<vmem>>
      %dma_wait3A_183 = arith.constant 0 : i32
      %dma_wait3A_184 = arith.constant 0 : i32
      %dma_wait3A_185 = tpu.memref_slice %arg2[%dma_wait3A_183, %dma_wait3A_184] : memref<10000x144xf32, #tpu.memory_space<hbm>> -> memref<10000x144xf32, #tpu.memory_space<hbm>>
      tpu.wait_indirect_dma semaphore(%arg15 : memref<!tpu.dma_semaphore, #tpu.memory_space<semaphore_mem>>) src(%dma_wait3A_185 : memref<10000x144xf32, #tpu.memory_space<hbm>>) dst(%arg9 : memref<80x144xf32, #tpu.memory_space<vmem>>)
      %dma_wait3A_186 = arith.constant 1 : i32
      %dma_wait3A_187 = arith.constant 0 : i32
      %dma_wait3A_188 = tpu.memref_slice %arg7[%dma_wait3A_186, %dma_wait3A_187] : memref<2x80xi32, #tpu.memory_space<vmem>> -> memref<1x80xi32, #tpu.memory_space<vmem>>
      %dma_wait3A_189 = tpu.memref_squeeze %dma_wait3A_188 : memref<1x80xi32, #tpu.memory_space<vmem>> -> memref<80xi32, #tpu.memory_space<vmem>>
      %dma_wait3A_190 = arith.constant 0 : i32
      %dma_wait3A_191 = arith.constant 0 : i32
      %dma_wait3A_192 = tpu.memref_slice %arg3[%dma_wait3A_190, %dma_wait3A_191] : memref<10000x16xf32, #tpu.memory_space<hbm>> -> memref<10000x16xf32, #tpu.memory_space<hbm>>
      tpu.wait_indirect_dma semaphore(%arg15 : memref<!tpu.dma_semaphore, #tpu.memory_space<semaphore_mem>>) src(%dma_wait3A_192 : memref<10000x16xf32, #tpu.memory_space<hbm>>) dst(%arg11 : memref<80x16xf32, #tpu.memory_space<vmem>>)
      %parallel_loop3A_193 = arith.constant 0 : i32
      %parallel_loop3A_194 = arith.constant 80 : i32
      %parallel_loop3A_195 = arith.constant 1 : i32
      scf.for %parallel_loop3A_197 = %parallel_loop3A_193 to %parallel_loop3A_194 step %parallel_loop3A_195  : i32 {
        %parallel_loop3A_198 = arith.index_cast %parallel_loop3A_197 : i32 to index
        %parallel_loop3A_199 = arith.constant 0 : index
        %parallel_loop3A_200 = tpu.vector_load %arg9[%parallel_loop3A_198, %parallel_loop3A_199] {strides = array<i32>} : memref<80x144xf32, #tpu.memory_space<vmem>>, vector<1x16xf32>,
        %parallel_loop3A_201 = vector.shape_cast %parallel_loop3A_200 : vector<1x16xf32> to vector<16xf32>
        %parallel_loop3A_202 = arith.index_cast %parallel_loop3A_197 : i32 to index
        %parallel_loop3A_203 = arith.constant 16 : index
        %parallel_loop3A_204 = tpu.vector_load %arg9[%parallel_loop3A_202, %parallel_loop3A_203] {strides = array<i32>} : memref<80x144xf32, #tpu.memory_space<vmem>>, vector<1x16xf32>,
        %parallel_loop3A_205 = vector.shape_cast %parallel_loop3A_204 : vector<1x16xf32> to vector<16xf32>
        %parallel_loop3A_206 = arith.index_cast %parallel_loop3A_197 : i32 to index
        %parallel_loop3A_207 = arith.constant 32 : index
        %parallel_loop3A_208 = tpu.vector_load %arg9[%parallel_loop3A_206, %parallel_loop3A_207] {strides = array<i32>} : memref<80x144xf32, #tpu.memory_space<vmem>>, vector<1x16xf32>,
        %parallel_loop3A_209 = vector.shape_cast %parallel_loop3A_208 : vector<1x16xf32> to vector<16xf32>
        %parallel_loop3A_210 = arith.index_cast %parallel_loop3A_197 : i32 to index
        %parallel_loop3A_211 = arith.constant 48 : index
        %parallel_loop3A_212 = tpu.vector_load %arg9[%parallel_loop3A_210, %parallel_loop3A_211] {strides = array<i32>} : memref<80x144xf32, #tpu.memory_space<vmem>>, vector<1x16xf32>,
        %parallel_loop3A_213 = vector.shape_cast %parallel_loop3A_212 : vector<1x16xf32> to vector<16xf32>
        %parallel_loop3A_214 = arith.index_cast %parallel_loop3A_197 : i32 to index
        %parallel_loop3A_215 = arith.constant 64 : index
        %parallel_loop3A_216 = tpu.vector_load %arg9[%parallel_loop3A_214, %parallel_loop3A_215] {strides = array<i32>} : memref<80x144xf32, #tpu.memory_space<vmem>>, vector<1x16xf32>,
        %parallel_loop3A_217 = vector.shape_cast %parallel_loop3A_216 : vector<1x16xf32> to vector<16xf32>
        %parallel_loop3A_218 = arith.index_cast %parallel_loop3A_197 : i32 to index
        %parallel_loop3A_219 = arith.constant 80 : index
        %parallel_loop3A_220 = tpu.vector_load %arg9[%parallel_loop3A_218, %parallel_loop3A_219] {strides = array<i32>} : memref<80x144xf32, #tpu.memory_space<vmem>>, vector<1x16xf32>,
        %parallel_loop3A_221 = vector.shape_cast %parallel_loop3A_220 : vector<1x16xf32> to vector<16xf32>
        %parallel_loop3A_222 = arith.index_cast %parallel_loop3A_197 : i32 to index
        %parallel_loop3A_223 = arith.constant 96 : index
        %parallel_loop3A_224 = tpu.vector_load %arg9[%parallel_loop3A_222, %parallel_loop3A_223] {strides = array<i32>} : memref<80x144xf32, #tpu.memory_space<vmem>>, vector<1x16xf32>,
        %parallel_loop3A_225 = vector.shape_cast %parallel_loop3A_224 : vector<1x16xf32> to vector<16xf32>
        %parallel_loop3A_226 = arith.index_cast %parallel_loop3A_197 : i32 to index
        %parallel_loop3A_227 = arith.constant 112 : index
        %parallel_loop3A_228 = tpu.vector_load %arg9[%parallel_loop3A_226, %parallel_loop3A_227] {strides = array<i32>} : memref<80x144xf32, #tpu.memory_space<vmem>>, vector<1x16xf32>,
        %parallel_loop3A_229 = vector.shape_cast %parallel_loop3A_228 : vector<1x16xf32> to vector<16xf32>
        %parallel_loop3A_230 = arith.index_cast %parallel_loop3A_197 : i32 to index
        %parallel_loop3A_231 = arith.constant 128 : index
        %parallel_loop3A_232 = tpu.vector_load %arg9[%parallel_loop3A_230, %parallel_loop3A_231] {strides = array<i32>} : memref<80x144xf32, #tpu.memory_space<vmem>>, vector<1x16xf32>,
        %parallel_loop3A_233 = vector.shape_cast %parallel_loop3A_232 : vector<1x16xf32> to vector<16xf32>
        %parallel_loop3A_234 = arith.index_cast %parallel_loop3A_197 : i32 to index
        %parallel_loop3A_235 = arith.constant 0 : index
        %parallel_loop3A_236 = tpu.vector_load %arg11[%parallel_loop3A_234, %parallel_loop3A_235] {strides = array<i32>} : memref<80x16xf32, #tpu.memory_space<vmem>>, vector<1x16xf32>,
        %parallel_loop3A_237 = vector.shape_cast %parallel_loop3A_236 : vector<1x16xf32> to vector<16xf32>
        %parallel_loop3A_238 = arith.addf %parallel_loop3A_233, %parallel_loop3A_237 : vector<16xf32>
        %parallel_loop3A_239 = arith.constant 0.000000e+00 : f32
        %parallel_loop3A_240 = vector.broadcast %parallel_loop3A_239 : f32 to vector<16xf32>
        %parallel_loop3A_241 = arith.cmpf ogt, %parallel_loop3A_238, %parallel_loop3A_240 : vector<16xf32>
        %parallel_loop3A_242 = arith.constant 2.000000e-01 : f32
        %parallel_loop3A_243 = vector.broadcast %parallel_loop3A_242 : f32 to vector<16xf32>
        %parallel_loop3A_244 = arith.mulf %parallel_loop3A_243, %parallel_loop3A_238 : vector<16xf32>
        %parallel_loop3A_245 = arith.select %parallel_loop3A_241, %parallel_loop3A_238, %parallel_loop3A_244 : vector<16xi1>, vector<16xf32>
        %parallel_loop3A_246 = math.exp %parallel_loop3A_245 : vector<16xf32>
        %parallel_loop3A_247 = arith.constant 1 : i32
        %parallel_loop3A_248 = vector.broadcast %parallel_loop3A_247 : i32 to vector<16xi32>
        %parallel_loop3A_249 = arith.cmpi slt, %iota3A, %parallel_loop3A_248 : vector<16xi32>
        %parallel_loop3A_250 = arith.constant 0.000000e+00 : f32
        %parallel_loop3A_251 = vector.broadcast %parallel_loop3A_250 : f32 to vector<16xf32>
        %parallel_loop3A_252 = arith.select %parallel_loop3A_249, %parallel_loop3A_246, %parallel_loop3A_251 : vector<16xi1>, vector<16xf32>
        %parallel_loop3A_253 = arith.index_cast %parallel_loop3A_197 : i32 to index
        %parallel_loop3A_254 = arith.constant 128 : index
        %parallel_loop3A_255 = tpu.vector_load %arg9[%parallel_loop3A_253, %parallel_loop3A_254] {strides = array<i32>} : memref<80x144xf32, #tpu.memory_space<vmem>>, vector<1x16xf32>,
        %parallel_loop3A_256 = vector.shape_cast %parallel_loop3A_255 : vector<1x16xf32> to vector<16xf32>
        %parallel_loop3A_257 = vector.shape_cast %parallel_loop3A_252 : vector<16xf32> to vector<1x16xf32>
        tpu.vector_store %arg9[%parallel_loop3A_253, %parallel_loop3A_254], %parallel_loop3A_257 {strides = array<i32>} : memref<80x144xf32, #tpu.memory_space<vmem>>, vector<1x16xf32>,
        %parallel_loop3A_258 = arith.constant 0 : i32
        %parallel_loop3A_259 = vector.broadcast %parallel_loop3A_258 : i32 to vector<16x1xi32>
        %parallel_loop3A_260 = vector.shape_cast %parallel_loop3A_259 : vector<16x1xi32> to vector<16xi32>
        %parallel_loop3A_261 = tpu.dynamic_gather %parallel_loop3A_252[%parallel_loop3A_260] in [0] : vector<16xf32>, vector<16xi32> -> vector<16xf32>
        %parallel_loop3A_262 = arith.mulf %parallel_loop3A_201, %parallel_loop3A_261 : vector<16xf32>
        %parallel_loop3A_263 = arith.index_cast %parallel_loop3A_197 : i32 to index
        %parallel_loop3A_264 = arith.constant 0 : index
        %parallel_loop3A_265 = tpu.vector_load %arg9[%parallel_loop3A_263, %parallel_loop3A_264] {strides = array<i32>} : memref<80x144xf32, #tpu.memory_space<vmem>>, vector<1x16xf32>,
        %parallel_loop3A_266 = vector.shape_cast %parallel_loop3A_265 : vector<1x16xf32> to vector<16xf32>
        %parallel_loop3A_267 = vector.shape_cast %parallel_loop3A_262 : vector<16xf32> to vector<1x16xf32>
        tpu.vector_store %arg9[%parallel_loop3A_263, %parallel_loop3A_264], %parallel_loop3A_267 {strides = array<i32>} : memref<80x144xf32, #tpu.memory_space<vmem>>, vector<1x16xf32>,
        %parallel_loop3A_268 = arith.mulf %parallel_loop3A_205, %parallel_loop3A_261 : vector<16xf32>
        %parallel_loop3A_269 = arith.index_cast %parallel_loop3A_197 : i32 to index
        %parallel_loop3A_270 = arith.constant 16 : index
        %parallel_loop3A_271 = tpu.vector_load %arg9[%parallel_loop3A_269, %parallel_loop3A_270] {strides = array<i32>} : memref<80x144xf32, #tpu.memory_space<vmem>>, vector<1x16xf32>,
        %parallel_loop3A_272 = vector.shape_cast %parallel_loop3A_271 : vector<1x16xf32> to vector<16xf32>
        %parallel_loop3A_273 = vector.shape_cast %parallel_loop3A_268 : vector<16xf32> to vector<1x16xf32>
        tpu.vector_store %arg9[%parallel_loop3A_269, %parallel_loop3A_270], %parallel_loop3A_273 {strides = array<i32>} : memref<80x144xf32, #tpu.memory_space<vmem>>, vector<1x16xf32>,
        %parallel_loop3A_274 = arith.mulf %parallel_loop3A_209, %parallel_loop3A_261 : vector<16xf32>
        %parallel_loop3A_275 = arith.index_cast %parallel_loop3A_197 : i32 to index
        %parallel_loop3A_276 = arith.constant 32 : index
        %parallel_loop3A_277 = tpu.vector_load %arg9[%parallel_loop3A_275, %parallel_loop3A_276] {strides = array<i32>} : memref<80x144xf32, #tpu.memory_space<vmem>>, vector<1x16xf32>,
        %parallel_loop3A_278 = vector.shape_cast %parallel_loop3A_277 : vector<1x16xf32> to vector<16xf32>
        %parallel_loop3A_279 = vector.shape_cast %parallel_loop3A_274 : vector<16xf32> to vector<1x16xf32>
        tpu.vector_store %arg9[%parallel_loop3A_275, %parallel_loop3A_276], %parallel_loop3A_279 {strides = array<i32>} : memref<80x144xf32, #tpu.memory_space<vmem>>, vector<1x16xf32>,
        %parallel_loop3A_280 = arith.mulf %parallel_loop3A_213, %parallel_loop3A_261 : vector<16xf32>
        %parallel_loop3A_281 = arith.index_cast %parallel_loop3A_197 : i32 to index
        %parallel_loop3A_282 = arith.constant 48 : index
        %parallel_loop3A_283 = tpu.vector_load %arg9[%parallel_loop3A_281, %parallel_loop3A_282] {strides = array<i32>} : memref<80x144xf32, #tpu.memory_space<vmem>>, vector<1x16xf32>,
        %parallel_loop3A_284 = vector.shape_cast %parallel_loop3A_283 : vector<1x16xf32> to vector<16xf32>
        %parallel_loop3A_285 = vector.shape_cast %parallel_loop3A_280 : vector<16xf32> to vector<1x16xf32>
        tpu.vector_store %arg9[%parallel_loop3A_281, %parallel_loop3A_282], %parallel_loop3A_285 {strides = array<i32>} : memref<80x144xf32, #tpu.memory_space<vmem>>, vector<1x16xf32>,
        %parallel_loop3A_286 = arith.mulf %parallel_loop3A_217, %parallel_loop3A_261 : vector<16xf32>
        %parallel_loop3A_287 = arith.index_cast %parallel_loop3A_197 : i32 to index
        %parallel_loop3A_288 = arith.constant 64 : index
        %parallel_loop3A_289 = tpu.vector_load %arg9[%parallel_loop3A_287, %parallel_loop3A_288] {strides = array<i32>} : memref<80x144xf32, #tpu.memory_space<vmem>>, vector<1x16xf32>,
        %parallel_loop3A_290 = vector.shape_cast %parallel_loop3A_289 : vector<1x16xf32> to vector<16xf32>
        %parallel_loop3A_291 = vector.shape_cast %parallel_loop3A_286 : vector<16xf32> to vector<1x16xf32>
        tpu.vector_store %arg9[%parallel_loop3A_287, %parallel_loop3A_288], %parallel_loop3A_291 {strides = array<i32>} : memref<80x144xf32, #tpu.memory_space<vmem>>, vector<1x16xf32>,
        %parallel_loop3A_292 = arith.mulf %parallel_loop3A_221, %parallel_loop3A_261 : vector<16xf32>
        %parallel_loop3A_293 = arith.index_cast %parallel_loop3A_197 : i32 to index
        %parallel_loop3A_294 = arith.constant 80 : index
        %parallel_loop3A_295 = tpu.vector_load %arg9[%parallel_loop3A_293, %parallel_loop3A_294] {strides = array<i32>} : memref<80x144xf32, #tpu.memory_space<vmem>>, vector<1x16xf32>,
        %parallel_loop3A_296 = vector.shape_cast %parallel_loop3A_295 : vector<1x16xf32> to vector<16xf32>
        %parallel_loop3A_297 = vector.shape_cast %parallel_loop3A_292 : vector<16xf32> to vector<1x16xf32>
        tpu.vector_store %arg9[%parallel_loop3A_293, %parallel_loop3A_294], %parallel_loop3A_297 {strides = array<i32>} : memref<80x144xf32, #tpu.memory_space<vmem>>, vector<1x16xf32>,
        %parallel_loop3A_298 = arith.mulf %parallel_loop3A_225, %parallel_loop3A_261 : vector<16xf32>
        %parallel_loop3A_299 = arith.index_cast %parallel_loop3A_197 : i32 to index
        %parallel_loop3A_300 = arith.constant 96 : index
        %parallel_loop3A_301 = tpu.vector_load %arg9[%parallel_loop3A_299, %parallel_loop3A_300] {strides = array<i32>} : memref<80x144xf32, #tpu.memory_space<vmem>>, vector<1x16xf32>,
        %parallel_loop3A_302 = vector.shape_cast %parallel_loop3A_301 : vector<1x16xf32> to vector<16xf32>
        %parallel_loop3A_303 = vector.shape_cast %parallel_loop3A_298 : vector<16xf32> to vector<1x16xf32>
        tpu.vector_store %arg9[%parallel_loop3A_299, %parallel_loop3A_300], %parallel_loop3A_303 {strides = array<i32>} : memref<80x144xf32, #tpu.memory_space<vmem>>, vector<1x16xf32>,
        %parallel_loop3A_304 = arith.mulf %parallel_loop3A_229, %parallel_loop3A_261 : vector<16xf32>
        %parallel_loop3A_305 = arith.index_cast %parallel_loop3A_197 : i32 to index
        %parallel_loop3A_306 = arith.constant 112 : index
        %parallel_loop3A_307 = tpu.vector_load %arg9[%parallel_loop3A_305, %parallel_loop3A_306] {strides = array<i32>} : memref<80x144xf32, #tpu.memory_space<vmem>>, vector<1x16xf32>,
        %parallel_loop3A_308 = vector.shape_cast %parallel_loop3A_307 : vector<1x16xf32> to vector<16xf32>
        %parallel_loop3A_309 = vector.shape_cast %parallel_loop3A_304 : vector<16xf32> to vector<1x16xf32>
        tpu.vector_store %arg9[%parallel_loop3A_305, %parallel_loop3A_306], %parallel_loop3A_309 {strides = array<i32>} : memref<80x144xf32, #tpu.memory_space<vmem>>, vector<1x16xf32>,
      } {sc.loop_unroll_factor = 4 : i64, sc.parallel_access}
      %run_scoped3A_196 = arith.constant 1 : i32
      "tpu.region"() ({
        %run_scoped3A_197 = tpu.sem_alloc : memref<!tpu.dma_semaphore, #tpu.memory_space<semaphore_mem>>
        %dma_start3A_198 = arith.constant 0 : i32
        %dma_start3A_199 = tpu.memref_slice %arg7[%run_scoped3A_196, %dma_start3A_198] : memref<2x80xi32, #tpu.memory_space<vmem>> -> memref<1x80xi32, #tpu.memory_space<vmem>>
        %dma_start3A_200 = tpu.memref_squeeze %dma_start3A_199 : memref<1x80xi32, #tpu.memory_space<vmem>> -> memref<80xi32, #tpu.memory_space<vmem>>
        %dma_start3A_201 = arith.constant 0 : i32
        %dma_start3A_202 = arith.constant 0 : i32
        %dma_start3A_203 = tpu.memref_slice %arg13[%dma_start3A_201, %dma_start3A_202] : memref<10240x144xf32, #tpu.memory_space<vmem_shared>> -> memref<10240x144xf32, #tpu.memory_space<vmem_shared>>
        tpu.enqueue_indirect_dma source(%arg9 : memref<80x144xf32, #tpu.memory_space<vmem>>) target(%dma_start3A_203 : memref<10240x144xf32, #tpu.memory_space<vmem_shared>>) offsets(%dma_start3A_200 : memref<80xi32, #tpu.memory_space<vmem>>) semaphore(%run_scoped3A_197 : memref<!tpu.dma_semaphore, #tpu.memory_space<semaphore_mem>>) {add = true}
        %dma_wait3A_204 = arith.constant 0 : i32
        %dma_wait3A_205 = tpu.memref_slice %arg7[%run_scoped3A_196, %dma_wait3A_204] : memref<2x80xi32, #tpu.memory_space<vmem>> -> memref<1x80xi32, #tpu.memory_space<vmem>>
        %dma_wait3A_206 = tpu.memref_squeeze %dma_wait3A_205 : memref<1x80xi32, #tpu.memory_space<vmem>> -> memref<80xi32, #tpu.memory_space<vmem>>
        %dma_wait3A_207 = arith.constant 0 : i32
        %dma_wait3A_208 = arith.constant 0 : i32
        %dma_wait3A_209 = tpu.memref_slice %arg13[%dma_wait3A_207, %dma_wait3A_208] : memref<10240x144xf32, #tpu.memory_space<vmem_shared>> -> memref<10240x144xf32, #tpu.memory_space<vmem_shared>>
        tpu.wait_indirect_dma semaphore(%run_scoped3A_197 : memref<!tpu.dma_semaphore, #tpu.memory_space<semaphore_mem>>) src(%arg9 : memref<80x144xf32, #tpu.memory_space<vmem>>) dst(%dma_wait3A_209 : memref<10240x144xf32, #tpu.memory_space<vmem_shared>>)
        tpu.yield
      }) : () -> ()
    }
    %scan3A_104 = arith.constant 62 : i32
    %dma_wait3A = arith.constant 0 : i32
    %dma_wait3A_105 = arith.constant 0 : i32
    %dma_wait3A_106 = tpu.memref_slice %arg6[%dma_wait3A, %dma_wait3A_105] : memref<2x80xi32, #tpu.memory_space<vmem>> -> memref<1x80xi32, #tpu.memory_space<vmem>>
    %dma_wait3A_107 = tpu.memref_squeeze %dma_wait3A_106 : memref<1x80xi32, #tpu.memory_space<vmem>> -> memref<80xi32, #tpu.memory_space<vmem>>
    %dma_wait3A_108 = arith.constant 0 : i32
    %dma_wait3A_109 = arith.constant 0 : i32
    %dma_wait3A_110 = tpu.memref_slice %arg2[%dma_wait3A_108, %dma_wait3A_109] : memref<10000x144xf32, #tpu.memory_space<hbm>> -> memref<10000x144xf32, #tpu.memory_space<hbm>>
    tpu.wait_indirect_dma semaphore(%arg14 : memref<!tpu.dma_semaphore, #tpu.memory_space<semaphore_mem>>) src(%dma_wait3A_110 : memref<10000x144xf32, #tpu.memory_space<hbm>>) dst(%arg8 : memref<80x144xf32, #tpu.memory_space<vmem>>)
    %dma_wait3A_111 = arith.constant 1 : i32
    %dma_wait3A_112 = arith.constant 0 : i32
    %dma_wait3A_113 = tpu.memref_slice %arg6[%dma_wait3A_111, %dma_wait3A_112] : memref<2x80xi32, #tpu.memory_space<vmem>> -> memref<1x80xi32, #tpu.memory_space<vmem>>
    %dma_wait3A_114 = tpu.memref_squeeze %dma_wait3A_113 : memref<1x80xi32, #tpu.memory_space<vmem>> -> memref<80xi32, #tpu.memory_space<vmem>>
    %dma_wait3A_115 = arith.constant 0 : i32
    %dma_wait3A_116 = arith.constant 0 : i32
    %dma_wait3A_117 = tpu.memref_slice %arg3[%dma_wait3A_115, %dma_wait3A_116] : memref<10000x16xf32, #tpu.memory_space<hbm>> -> memref<10000x16xf32, #tpu.memory_space<hbm>>
    tpu.wait_indirect_dma semaphore(%arg14 : memref<!tpu.dma_semaphore, #tpu.memory_space<semaphore_mem>>) src(%dma_wait3A_117 : memref<10000x16xf32, #tpu.memory_space<hbm>>) dst(%arg10 : memref<80x16xf32, #tpu.memory_space<vmem>>)
    %parallel_loop3A = arith.constant 0 : i32
    %parallel_loop3A_118 = arith.constant 80 : i32
    %parallel_loop3A_119 = arith.constant 1 : i32
    scf.for %parallel_loop3A_126 = %parallel_loop3A to %parallel_loop3A_118 step %parallel_loop3A_119  : i32 {
      %parallel_loop3A_127 = arith.index_cast %parallel_loop3A_126 : i32 to index
      %parallel_loop3A_128 = arith.constant 0 : index
      %parallel_loop3A_129 = tpu.vector_load %arg8[%parallel_loop3A_127, %parallel_loop3A_128] {strides = array<i32>} : memref<80x144xf32, #tpu.memory_space<vmem>>, vector<1x16xf32>,
      %parallel_loop3A_130 = vector.shape_cast %parallel_loop3A_129 : vector<1x16xf32> to vector<16xf32>
      %parallel_loop3A_131 = arith.index_cast %parallel_loop3A_126 : i32 to index
      %parallel_loop3A_132 = arith.constant 16 : index
      %parallel_loop3A_133 = tpu.vector_load %arg8[%parallel_loop3A_131, %parallel_loop3A_132] {strides = array<i32>} : memref<80x144xf32, #tpu.memory_space<vmem>>, vector<1x16xf32>,
      %parallel_loop3A_134 = vector.shape_cast %parallel_loop3A_133 : vector<1x16xf32> to vector<16xf32>
      %parallel_loop3A_135 = arith.index_cast %parallel_loop3A_126 : i32 to index
      %parallel_loop3A_136 = arith.constant 32 : index
      %parallel_loop3A_137 = tpu.vector_load %arg8[%parallel_loop3A_135, %parallel_loop3A_136] {strides = array<i32>} : memref<80x144xf32, #tpu.memory_space<vmem>>, vector<1x16xf32>,
      %parallel_loop3A_138 = vector.shape_cast %parallel_loop3A_137 : vector<1x16xf32> to vector<16xf32>
      %parallel_loop3A_139 = arith.index_cast %parallel_loop3A_126 : i32 to index
      %parallel_loop3A_140 = arith.constant 48 : index
      %parallel_loop3A_141 = tpu.vector_load %arg8[%parallel_loop3A_139, %parallel_loop3A_140] {strides = array<i32>} : memref<80x144xf32, #tpu.memory_space<vmem>>, vector<1x16xf32>,
      %parallel_loop3A_142 = vector.shape_cast %parallel_loop3A_141 : vector<1x16xf32> to vector<16xf32>
      %parallel_loop3A_143 = arith.index_cast %parallel_loop3A_126 : i32 to index
      %parallel_loop3A_144 = arith.constant 64 : index
      %parallel_loop3A_145 = tpu.vector_load %arg8[%parallel_loop3A_143, %parallel_loop3A_144] {strides = array<i32>} : memref<80x144xf32, #tpu.memory_space<vmem>>, vector<1x16xf32>,
      %parallel_loop3A_146 = vector.shape_cast %parallel_loop3A_145 : vector<1x16xf32> to vector<16xf32>
      %parallel_loop3A_147 = arith.index_cast %parallel_loop3A_126 : i32 to index
      %parallel_loop3A_148 = arith.constant 80 : index
      %parallel_loop3A_149 = tpu.vector_load %arg8[%parallel_loop3A_147, %parallel_loop3A_148] {strides = array<i32>} : memref<80x144xf32, #tpu.memory_space<vmem>>, vector<1x16xf32>,
      %parallel_loop3A_150 = vector.shape_cast %parallel_loop3A_149 : vector<1x16xf32> to vector<16xf32>
      %parallel_loop3A_151 = arith.index_cast %parallel_loop3A_126 : i32 to index
      %parallel_loop3A_152 = arith.constant 96 : index
      %parallel_loop3A_153 = tpu.vector_load %arg8[%parallel_loop3A_151, %parallel_loop3A_152] {strides = array<i32>} : memref<80x144xf32, #tpu.memory_space<vmem>>, vector<1x16xf32>,
      %parallel_loop3A_154 = vector.shape_cast %parallel_loop3A_153 : vector<1x16xf32> to vector<16xf32>
      %parallel_loop3A_155 = arith.index_cast %parallel_loop3A_126 : i32 to index
      %parallel_loop3A_156 = arith.constant 112 : index
      %parallel_loop3A_157 = tpu.vector_load %arg8[%parallel_loop3A_155, %parallel_loop3A_156] {strides = array<i32>} : memref<80x144xf32, #tpu.memory_space<vmem>>, vector<1x16xf32>,
      %parallel_loop3A_158 = vector.shape_cast %parallel_loop3A_157 : vector<1x16xf32> to vector<16xf32>
      %parallel_loop3A_159 = arith.index_cast %parallel_loop3A_126 : i32 to index
      %parallel_loop3A_160 = arith.constant 128 : index
      %parallel_loop3A_161 = tpu.vector_load %arg8[%parallel_loop3A_159, %parallel_loop3A_160] {strides = array<i32>} : memref<80x144xf32, #tpu.memory_space<vmem>>, vector<1x16xf32>,
      %parallel_loop3A_162 = vector.shape_cast %parallel_loop3A_161 : vector<1x16xf32> to vector<16xf32>
      %parallel_loop3A_163 = arith.index_cast %parallel_loop3A_126 : i32 to index
      %parallel_loop3A_164 = arith.constant 0 : index
      %parallel_loop3A_165 = tpu.vector_load %arg10[%parallel_loop3A_163, %parallel_loop3A_164] {strides = array<i32>} : memref<80x16xf32, #tpu.memory_space<vmem>>, vector<1x16xf32>,
      %parallel_loop3A_166 = vector.shape_cast %parallel_loop3A_165 : vector<1x16xf32> to vector<16xf32>
      %parallel_loop3A_167 = arith.addf %parallel_loop3A_162, %parallel_loop3A_166 : vector<16xf32>
      %parallel_loop3A_168 = arith.constant 0.000000e+00 : f32
      %parallel_loop3A_169 = vector.broadcast %parallel_loop3A_168 : f32 to vector<16xf32>
      %parallel_loop3A_170 = arith.cmpf ogt, %parallel_loop3A_167, %parallel_loop3A_169 : vector<16xf32>
      %parallel_loop3A_171 = arith.constant 2.000000e-01 : f32
      %parallel_loop3A_172 = vector.broadcast %parallel_loop3A_171 : f32 to vector<16xf32>
      %parallel_loop3A_173 = arith.mulf %parallel_loop3A_172, %parallel_loop3A_167 : vector<16xf32>
      %parallel_loop3A_174 = arith.select %parallel_loop3A_170, %parallel_loop3A_167, %parallel_loop3A_173 : vector<16xi1>, vector<16xf32>
      %parallel_loop3A_175 = math.exp %parallel_loop3A_174 : vector<16xf32>
      %parallel_loop3A_176 = arith.constant 1 : i32
      %parallel_loop3A_177 = vector.broadcast %parallel_loop3A_176 : i32 to vector<16xi32>
      %parallel_loop3A_178 = arith.cmpi slt, %iota3A, %parallel_loop3A_177 : vector<16xi32>
      %parallel_loop3A_179 = arith.constant 0.000000e+00 : f32
      %parallel_loop3A_180 = vector.broadcast %parallel_loop3A_179 : f32 to vector<16xf32>
      %parallel_loop3A_181 = arith.select %parallel_loop3A_178, %parallel_loop3A_175, %parallel_loop3A_180 : vector<16xi1>, vector<16xf32>
      %parallel_loop3A_182 = arith.index_cast %parallel_loop3A_126 : i32 to index
      %parallel_loop3A_183 = arith.constant 128 : index
      %parallel_loop3A_184 = tpu.vector_load %arg8[%parallel_loop3A_182, %parallel_loop3A_183] {strides = array<i32>} : memref<80x144xf32, #tpu.memory_space<vmem>>, vector<1x16xf32>,
      %parallel_loop3A_185 = vector.shape_cast %parallel_loop3A_184 : vector<1x16xf32> to vector<16xf32>
      %parallel_loop3A_186 = vector.shape_cast %parallel_loop3A_181 : vector<16xf32> to vector<1x16xf32>
      tpu.vector_store %arg8[%parallel_loop3A_182, %parallel_loop3A_183], %parallel_loop3A_186 {strides = array<i32>} : memref<80x144xf32, #tpu.memory_space<vmem>>, vector<1x16xf32>,
      %parallel_loop3A_187 = arith.constant 0 : i32
      %parallel_loop3A_188 = vector.broadcast %parallel_loop3A_187 : i32 to vector<16x1xi32>
      %parallel_loop3A_189 = vector.shape_cast %parallel_loop3A_188 : vector<16x1xi32> to vector<16xi32>
      %parallel_loop3A_190 = tpu.dynamic_gather %parallel_loop3A_181[%parallel_loop3A_189] in [0] : vector<16xf32>, vector<16xi32> -> vector<16xf32>
      %parallel_loop3A_191 = arith.mulf %parallel_loop3A_130, %parallel_loop3A_190 : vector<16xf32>
      %parallel_loop3A_192 = arith.index_cast %parallel_loop3A_126 : i32 to index
      %parallel_loop3A_193 = arith.constant 0 : index
      %parallel_loop3A_194 = tpu.vector_load %arg8[%parallel_loop3A_192, %parallel_loop3A_193] {strides = array<i32>} : memref<80x144xf32, #tpu.memory_space<vmem>>, vector<1x16xf32>,
      %parallel_loop3A_195 = vector.shape_cast %parallel_loop3A_194 : vector<1x16xf32> to vector<16xf32>
      %parallel_loop3A_196 = vector.shape_cast %parallel_loop3A_191 : vector<16xf32> to vector<1x16xf32>
      tpu.vector_store %arg8[%parallel_loop3A_192, %parallel_loop3A_193], %parallel_loop3A_196 {strides = array<i32>} : memref<80x144xf32, #tpu.memory_space<vmem>>, vector<1x16xf32>,
      %parallel_loop3A_197 = arith.mulf %parallel_loop3A_134, %parallel_loop3A_190 : vector<16xf32>
      %parallel_loop3A_198 = arith.index_cast %parallel_loop3A_126 : i32 to index
      %parallel_loop3A_199 = arith.constant 16 : index
      %parallel_loop3A_200 = tpu.vector_load %arg8[%parallel_loop3A_198, %parallel_loop3A_199] {strides = array<i32>} : memref<80x144xf32, #tpu.memory_space<vmem>>, vector<1x16xf32>,
      %parallel_loop3A_201 = vector.shape_cast %parallel_loop3A_200 : vector<1x16xf32> to vector<16xf32>
      %parallel_loop3A_202 = vector.shape_cast %parallel_loop3A_197 : vector<16xf32> to vector<1x16xf32>
      tpu.vector_store %arg8[%parallel_loop3A_198, %parallel_loop3A_199], %parallel_loop3A_202 {strides = array<i32>} : memref<80x144xf32, #tpu.memory_space<vmem>>, vector<1x16xf32>,
      %parallel_loop3A_203 = arith.mulf %parallel_loop3A_138, %parallel_loop3A_190 : vector<16xf32>
      %parallel_loop3A_204 = arith.index_cast %parallel_loop3A_126 : i32 to index
      %parallel_loop3A_205 = arith.constant 32 : index
      %parallel_loop3A_206 = tpu.vector_load %arg8[%parallel_loop3A_204, %parallel_loop3A_205] {strides = array<i32>} : memref<80x144xf32, #tpu.memory_space<vmem>>, vector<1x16xf32>,
      %parallel_loop3A_207 = vector.shape_cast %parallel_loop3A_206 : vector<1x16xf32> to vector<16xf32>
      %parallel_loop3A_208 = vector.shape_cast %parallel_loop3A_203 : vector<16xf32> to vector<1x16xf32>
      tpu.vector_store %arg8[%parallel_loop3A_204, %parallel_loop3A_205], %parallel_loop3A_208 {strides = array<i32>} : memref<80x144xf32, #tpu.memory_space<vmem>>, vector<1x16xf32>,
      %parallel_loop3A_209 = arith.mulf %parallel_loop3A_142, %parallel_loop3A_190 : vector<16xf32>
      %parallel_loop3A_210 = arith.index_cast %parallel_loop3A_126 : i32 to index
      %parallel_loop3A_211 = arith.constant 48 : index
      %parallel_loop3A_212 = tpu.vector_load %arg8[%parallel_loop3A_210, %parallel_loop3A_211] {strides = array<i32>} : memref<80x144xf32, #tpu.memory_space<vmem>>, vector<1x16xf32>,
      %parallel_loop3A_213 = vector.shape_cast %parallel_loop3A_212 : vector<1x16xf32> to vector<16xf32>
      %parallel_loop3A_214 = vector.shape_cast %parallel_loop3A_209 : vector<16xf32> to vector<1x16xf32>
      tpu.vector_store %arg8[%parallel_loop3A_210, %parallel_loop3A_211], %parallel_loop3A_214 {strides = array<i32>} : memref<80x144xf32, #tpu.memory_space<vmem>>, vector<1x16xf32>,
      %parallel_loop3A_215 = arith.mulf %parallel_loop3A_146, %parallel_loop3A_190 : vector<16xf32>
      %parallel_loop3A_216 = arith.index_cast %parallel_loop3A_126 : i32 to index
      %parallel_loop3A_217 = arith.constant 64 : index
      %parallel_loop3A_218 = tpu.vector_load %arg8[%parallel_loop3A_216, %parallel_loop3A_217] {strides = array<i32>} : memref<80x144xf32, #tpu.memory_space<vmem>>, vector<1x16xf32>,
      %parallel_loop3A_219 = vector.shape_cast %parallel_loop3A_218 : vector<1x16xf32> to vector<16xf32>
      %parallel_loop3A_220 = vector.shape_cast %parallel_loop3A_215 : vector<16xf32> to vector<1x16xf32>
      tpu.vector_store %arg8[%parallel_loop3A_216, %parallel_loop3A_217], %parallel_loop3A_220 {strides = array<i32>} : memref<80x144xf32, #tpu.memory_space<vmem>>, vector<1x16xf32>,
      %parallel_loop3A_221 = arith.mulf %parallel_loop3A_150, %parallel_loop3A_190 : vector<16xf32>
      %parallel_loop3A_222 = arith.index_cast %parallel_loop3A_126 : i32 to index
      %parallel_loop3A_223 = arith.constant 80 : index
      %parallel_loop3A_224 = tpu.vector_load %arg8[%parallel_loop3A_222, %parallel_loop3A_223] {strides = array<i32>} : memref<80x144xf32, #tpu.memory_space<vmem>>, vector<1x16xf32>,
      %parallel_loop3A_225 = vector.shape_cast %parallel_loop3A_224 : vector<1x16xf32> to vector<16xf32>
      %parallel_loop3A_226 = vector.shape_cast %parallel_loop3A_221 : vector<16xf32> to vector<1x16xf32>
      tpu.vector_store %arg8[%parallel_loop3A_222, %parallel_loop3A_223], %parallel_loop3A_226 {strides = array<i32>} : memref<80x144xf32, #tpu.memory_space<vmem>>, vector<1x16xf32>,
      %parallel_loop3A_227 = arith.mulf %parallel_loop3A_154, %parallel_loop3A_190 : vector<16xf32>
      %parallel_loop3A_228 = arith.index_cast %parallel_loop3A_126 : i32 to index
      %parallel_loop3A_229 = arith.constant 96 : index
      %parallel_loop3A_230 = tpu.vector_load %arg8[%parallel_loop3A_228, %parallel_loop3A_229] {strides = array<i32>} : memref<80x144xf32, #tpu.memory_space<vmem>>, vector<1x16xf32>,
      %parallel_loop3A_231 = vector.shape_cast %parallel_loop3A_230 : vector<1x16xf32> to vector<16xf32>
      %parallel_loop3A_232 = vector.shape_cast %parallel_loop3A_227 : vector<16xf32> to vector<1x16xf32>
      tpu.vector_store %arg8[%parallel_loop3A_228, %parallel_loop3A_229], %parallel_loop3A_232 {strides = array<i32>} : memref<80x144xf32, #tpu.memory_space<vmem>>, vector<1x16xf32>,
      %parallel_loop3A_233 = arith.mulf %parallel_loop3A_158, %parallel_loop3A_190 : vector<16xf32>
      %parallel_loop3A_234 = arith.index_cast %parallel_loop3A_126 : i32 to index
      %parallel_loop3A_235 = arith.constant 112 : index
      %parallel_loop3A_236 = tpu.vector_load %arg8[%parallel_loop3A_234, %parallel_loop3A_235] {strides = array<i32>} : memref<80x144xf32, #tpu.memory_space<vmem>>, vector<1x16xf32>,
      %parallel_loop3A_237 = vector.shape_cast %parallel_loop3A_236 : vector<1x16xf32> to vector<16xf32>
      %parallel_loop3A_238 = vector.shape_cast %parallel_loop3A_233 : vector<16xf32> to vector<1x16xf32>
      tpu.vector_store %arg8[%parallel_loop3A_234, %parallel_loop3A_235], %parallel_loop3A_238 {strides = array<i32>} : memref<80x144xf32, #tpu.memory_space<vmem>>, vector<1x16xf32>,
    } {sc.loop_unroll_factor = 4 : i64, sc.parallel_access}
    %run_scoped3A_120 = arith.constant 1 : i32
    "tpu.region"() ({
      %run_scoped3A_126 = tpu.sem_alloc : memref<!tpu.dma_semaphore, #tpu.memory_space<semaphore_mem>>
      %dma_start3A_127 = arith.constant 0 : i32
      %dma_start3A_128 = tpu.memref_slice %arg6[%run_scoped3A_120, %dma_start3A_127] : memref<2x80xi32, #tpu.memory_space<vmem>> -> memref<1x80xi32, #tpu.memory_space<vmem>>
      %dma_start3A_129 = tpu.memref_squeeze %dma_start3A_128 : memref<1x80xi32, #tpu.memory_space<vmem>> -> memref<80xi32, #tpu.memory_space<vmem>>
      %dma_start3A_130 = arith.constant 0 : i32
      %dma_start3A_131 = arith.constant 0 : i32
      %dma_start3A_132 = tpu.memref_slice %arg13[%dma_start3A_130, %dma_start3A_131] : memref<10240x144xf32, #tpu.memory_space<vmem_shared>> -> memref<10240x144xf32, #tpu.memory_space<vmem_shared>>
      tpu.enqueue_indirect_dma source(%arg8 : memref<80x144xf32, #tpu.memory_space<vmem>>) target(%dma_start3A_132 : memref<10240x144xf32, #tpu.memory_space<vmem_shared>>) offsets(%dma_start3A_129 : memref<80xi32, #tpu.memory_space<vmem>>) semaphore(%run_scoped3A_126 : memref<!tpu.dma_semaphore, #tpu.memory_space<semaphore_mem>>) {add = true}
      %dma_wait3A_133 = arith.constant 0 : i32
      %dma_wait3A_134 = tpu.memref_slice %arg6[%run_scoped3A_120, %dma_wait3A_133] : memref<2x80xi32, #tpu.memory_space<vmem>> -> memref<1x80xi32, #tpu.memory_space<vmem>>
      %dma_wait3A_135 = tpu.memref_squeeze %dma_wait3A_134 : memref<1x80xi32, #tpu.memory_space<vmem>> -> memref<80xi32, #tpu.memory_space<vmem>>
      %dma_wait3A_136 = arith.constant 0 : i32
      %dma_wait3A_137 = arith.constant 0 : i32
      %dma_wait3A_138 = tpu.memref_slice %arg13[%dma_wait3A_136, %dma_wait3A_137] : memref<10240x144xf32, #tpu.memory_space<vmem_shared>> -> memref<10240x144xf32, #tpu.memory_space<vmem_shared>>
      tpu.wait_indirect_dma semaphore(%run_scoped3A_126 : memref<!tpu.dma_semaphore, #tpu.memory_space<semaphore_mem>>) src(%arg8 : memref<80x144xf32, #tpu.memory_space<vmem>>) dst(%dma_wait3A_138 : memref<10240x144xf32, #tpu.memory_space<vmem_shared>>)
      tpu.yield
    }) : () -> ()
    %barrier3A_121 = arith.constant 0 : index
    tpu.barrier barrier_id(%barrier3A_121)
    %mul3A_122 = arith.constant 640 : i32
    %mul3A_123 = arith.muli %arg1, %mul3A_122 : i32
    %mul3A_124 = arith.constant 640 : i32
    %mul3A_125 = arith.muli %arg1, %mul3A_124 : i32
    "tpu.region"() ({
      %run_scoped3A_126 = tpu.sem_alloc : memref<!tpu.dma_semaphore, #tpu.memory_space<semaphore_mem>>
      %dma_start3A_127 = arith.constant 0 : i32
      %dma_start3A_128 = tpu.memref_slice %arg5[%arg0, %mul3A_125, %dma_start3A_127] : memref<2x10240x144xf32, #tpu.memory_space<hbm>> -> memref<1x640x144xf32, #tpu.memory_space<hbm>>
      %dma_start3A_129 = tpu.memref_squeeze %dma_start3A_128 : memref<1x640x144xf32, #tpu.memory_space<hbm>> -> memref<640x144xf32, #tpu.memory_space<hbm>>
      %dma_start3A_130 = arith.constant 0 : i32
      %dma_start3A_131 = tpu.memref_slice %arg13[%mul3A_123, %dma_start3A_130] : memref<10240x144xf32, #tpu.memory_space<vmem_shared>> -> memref<640x144xf32, #tpu.memory_space<vmem_shared>>
      tpu.enqueue_dma source(%dma_start3A_131 : memref<640x144xf32, #tpu.memory_space<vmem_shared>>) target(%dma_start3A_129 : memref<640x144xf32, #tpu.memory_space<hbm>>) target_semaphore(%run_scoped3A_126 : memref<!tpu.dma_semaphore, #tpu.memory_space<semaphore_mem>>)
      %dma_wait3A_132 = arith.constant 0 : i32
      %dma_wait3A_133 = tpu.memref_slice %arg5[%arg0, %mul3A_125, %dma_wait3A_132] : memref<2x10240x144xf32, #tpu.memory_space<hbm>> -> memref<1x640x144xf32, #tpu.memory_space<hbm>>
      %dma_wait3A_134 = tpu.memref_squeeze %dma_wait3A_133 : memref<1x640x144xf32, #tpu.memory_space<hbm>> -> memref<640x144xf32, #tpu.memory_space<hbm>>
      %dma_wait3A_135 = arith.constant 0 : i32
      %dma_wait3A_136 = tpu.memref_slice %arg13[%mul3A_123, %dma_wait3A_135] : memref<10240x144xf32, #tpu.memory_space<vmem_shared>> -> memref<640x144xf32, #tpu.memory_space<vmem_shared>>
      tpu.wait_dma2 semaphore(%run_scoped3A_126 : memref<!tpu.dma_semaphore, #tpu.memory_space<semaphore_mem>>) src(%dma_wait3A_136 : memref<640x144xf32, #tpu.memory_space<vmem_shared>>) dst(%dma_wait3A_134 : memref<640x144xf32, #tpu.memory_space<hbm>>)
      tpu.yield
    }) : () -> ()
    return
  }
}

#map = affine_map<(d0, d1) -> (0, 0)>
#map1 = affine_map<(d0, d1) -> (0, 0, 0, 0)>
#map2 = affine_map<(d0, d1) -> (0, 0, 0)>
module attributes {stable_mosaic.version = 14 : i64} {
  func.func @edge_kernel(%arg0: i32, %arg1: i32, %arg2: memref<10000x144xf32, #tpu.memory_space<hbm>>, %arg3: memref<10000x16xf32, #tpu.memory_space<hbm>>, %arg4: memref<32x125x2x80xi32, #tpu.memory_space<hbm>>, %arg5: memref<2x10240x144xf32, #tpu.memory_space<hbm>>, %arg6: memref<2x80xi32, #tpu.memory_space<vmem>>, %arg7: memref<2x80xi32, #tpu.memory_space<vmem>>, %arg8: memref<80x144xf32, #tpu.memory_space<vmem>>, %arg9: memref<80x144xf32, #tpu.memory_space<vmem>>, %arg10: memref<80x16xf32, #tpu.memory_space<vmem>>, %arg11: memref<80x16xf32, #tpu.memory_space<vmem>>, %arg12: memref<32x144xf32, #tpu.memory_space<vmem>>, %arg13: memref<10240x144xf32, #tpu.memory_space<vmem_shared>>, %arg14: memref<!tpu.dma_semaphore, #tpu.memory_space<semaphore_mem>>, %arg15: memref<!tpu.dma_semaphore, #tpu.memory_space<semaphore_mem>>) attributes {dimension_semantics = [#tpu.dimension_semantics<core_parallel>, #tpu.dimension_semantics<subcore_parallel>], iteration_bounds = array<i64: 2, 16>, scalar_prefetch = 0 : i64, scratch_operands = 10 : i64, tpu.core_type = #tpu.core_type<sc_vector_subcore>, window_params = [{transform_indices = #map}, {transform_indices = #map}, {transform_indices = #map1}, {transform_indices = #map2}]} {
    %mul3A = arith.constant 16 : i32
    %mul3A_0 = arith.muli %arg0, %mul3A : i32
    %add3A = arith.addi %mul3A_0, %arg1 : i32
    %run_scoped3A = arith.constant 0 : i32
    "tpu.region"() ({
      %run_scoped3A_126 = tpu.sem_alloc : memref<!tpu.dma_semaphore, #tpu.memory_space<semaphore_mem>>
      %dma_start3A_127 = arith.constant 0 : i32
      %dma_start3A_128 = arith.constant 0 : i32
      %dma_start3A_129 = tpu.memref_slice %arg4[%add3A, %run_scoped3A, %dma_start3A_127, %dma_start3A_128] : memref<32x125x2x80xi32, #tpu.memory_space<hbm>> -> memref<1x1x2x80xi32, #tpu.memory_space<hbm>>
      %dma_start3A_130 = tpu.memref_squeeze %dma_start3A_129 : memref<1x1x2x80xi32, #tpu.memory_space<hbm>> -> memref<2x80xi32, #tpu.memory_space<hbm>>
      %dma_start3A_131 = arith.constant 0 : i32
      %dma_start3A_132 = arith.constant 0 : i32
      %dma_start3A_133 = tpu.memref_slice %arg4[%add3A, %run_scoped3A, %dma_start3A_131, %dma_start3A_132] : memref<32x125x2x80xi32, #tpu.memory_space<hbm>> -> memref<1x1x2x80xi32, #tpu.memory_space<hbm>>
      %dma_start3A_134 = tpu.memref_squeeze %dma_start3A_133 : memref<1x1x2x80xi32, #tpu.memory_space<hbm>> -> memref<2x80xi32, #tpu.memory_space<hbm>>
      tpu.enqueue_dma source(%dma_start3A_134 : memref<2x80xi32, #tpu.memory_space<hbm>>) target(%arg6 : memref<2x80xi32, #tpu.memory_space<vmem>>) target_semaphore(%run_scoped3A_126 : memref<!tpu.dma_semaphore, #tpu.memory_space<semaphore_mem>>)
      %dma_wait3A_135 = arith.constant 0 : i32
      %dma_wait3A_136 = arith.constant 0 : i32
      %dma_wait3A_137 = tpu.memref_slice %arg4[%add3A, %run_scoped3A, %dma_wait3A_135, %dma_wait3A_136] : memref<32x125x2x80xi32, #tpu.memory_space<hbm>> -> memref<1x1x2x80xi32, #tpu.memory_space<hbm>>
      %dma_wait3A_138 = tpu.memref_squeeze %dma_wait3A_137 : memref<1x1x2x80xi32, #tpu.memory_space<hbm>> -> memref<2x80xi32, #tpu.memory_space<hbm>>
      %dma_wait3A_139 = arith.constant 0 : i32
      %dma_wait3A_140 = arith.constant 0 : i32
      %dma_wait3A_141 = tpu.memref_slice %arg4[%add3A, %run_scoped3A, %dma_wait3A_139, %dma_wait3A_140] : memref<32x125x2x80xi32, #tpu.memory_space<hbm>> -> memref<1x1x2x80xi32, #tpu.memory_space<hbm>>
      %dma_wait3A_142 = tpu.memref_squeeze %dma_wait3A_141 : memref<1x1x2x80xi32, #tpu.memory_space<hbm>> -> memref<2x80xi32, #tpu.memory_space<hbm>>
      tpu.wait_dma2 semaphore(%run_scoped3A_126 : memref<!tpu.dma_semaphore, #tpu.memory_space<semaphore_mem>>) src(%dma_wait3A_142 : memref<2x80xi32, #tpu.memory_space<hbm>>) dst(%arg6 : memref<2x80xi32, #tpu.memory_space<vmem>>)
      tpu.yield
    }) : () -> ()
    %dma_start3A = arith.constant 0 : i32
    %dma_start3A_1 = arith.constant 0 : i32
    %dma_start3A_2 = tpu.memref_slice %arg6[%dma_start3A, %dma_start3A_1] : memref<2x80xi32, #tpu.memory_space<vmem>> -> memref<1x80xi32, #tpu.memory_space<vmem>>
    %dma_start3A_3 = tpu.memref_squeeze %dma_start3A_2 : memref<1x80xi32, #tpu.memory_space<vmem>> -> memref<80xi32, #tpu.memory_space<vmem>>
    %dma_start3A_4 = arith.constant 0 : i32
    %dma_start3A_5 = arith.constant 0 : i32
    %dma_start3A_6 = tpu.memref_slice %arg2[%dma_start3A_4, %dma_start3A_5] : memref<10000x144xf32, #tpu.memory_space<hbm>> -> memref<10000x144xf32, #tpu.memory_space<hbm>>
    tpu.enqueue_indirect_dma source(%dma_start3A_6 : memref<10000x144xf32, #tpu.memory_space<hbm>>) target(%arg8 : memref<80x144xf32, #tpu.memory_space<vmem>>) offsets(%dma_start3A_3 : memref<80xi32, #tpu.memory_space<vmem>>) semaphore(%arg14 : memref<!tpu.dma_semaphore, #tpu.memory_space<semaphore_mem>>)
    %dma_start3A_7 = arith.constant 1 : i32
    %dma_start3A_8 = arith.constant 0 : i32
    %dma_start3A_9 = tpu.memref_slice %arg6[%dma_start3A_7, %dma_start3A_8] : memref<2x80xi32, #tpu.memory_space<vmem>> -> memref<1x80xi32, #tpu.memory_space<vmem>>
    %dma_start3A_10 = tpu.memref_squeeze %dma_start3A_9 : memref<1x80xi32, #tpu.memory_space<vmem>> -> memref<80xi32, #tpu.memory_space<vmem>>
    %dma_start3A_11 = arith.constant 0 : i32
    %dma_start3A_12 = arith.constant 0 : i32
    %dma_start3A_13 = tpu.memref_slice %arg3[%dma_start3A_11, %dma_start3A_12] : memref<10000x16xf32, #tpu.memory_space<hbm>> -> memref<10000x16xf32, #tpu.memory_space<hbm>>
    tpu.enqueue_indirect_dma source(%dma_start3A_13 : memref<10000x16xf32, #tpu.memory_space<hbm>>) target(%arg10 : memref<80x16xf32, #tpu.memory_space<vmem>>) offsets(%dma_start3A_10 : memref<80xi32, #tpu.memory_space<vmem>>) semaphore(%arg14 : memref<!tpu.dma_semaphore, #tpu.memory_space<semaphore_mem>>)
    %scan3A = arith.constant 0 : i32
    %scan3A_14 = arith.constant 0 : i32
    %scan3A_15 = arith.constant 32 : i32
    %scan3A_16 = arith.addi %scan3A_14, %scan3A_15 : i32
    %scan3A_17 = arith.constant 1 : i32
    scf.for %scan3A_126 = %scan3A_14 to %scan3A_16 step %scan3A_17  : i32 {
      %broadcast_in_dim3A = arith.constant 0.000000e+00 : f32
      %broadcast_in_dim3A_127 = vector.broadcast %broadcast_in_dim3A : f32 to vector<16xf32>
      %swap3A = arith.index_cast %scan3A_126 : i32 to index
      %swap3A_128 = arith.constant 0 : index
      %swap3A_129 = tpu.vector_load %arg12[%swap3A, %swap3A_128] {strides = array<i32>} : memref<32x144xf32, #tpu.memory_space<vmem>>, vector<1x16xf32>,
      %swap3A_130 = vector.shape_cast %swap3A_129 : vector<1x16xf32> to vector<16xf32>
      %swap3A_131 = vector.shape_cast %broadcast_in_dim3A_127 : vector<16xf32> to vector<1x16xf32>
      tpu.vector_store %arg12[%swap3A, %swap3A_128], %swap3A_131 {strides = array<i32>} : memref<32x144xf32, #tpu.memory_space<vmem>>, vector<1x16xf32>,
      %broadcast_in_dim3A_132 = arith.constant 0.000000e+00 : f32
      %broadcast_in_dim3A_133 = vector.broadcast %broadcast_in_dim3A_132 : f32 to vector<16xf32>
      %swap3A_134 = arith.index_cast %scan3A_126 : i32 to index
      %swap3A_135 = arith.constant 16 : index
      %swap3A_136 = tpu.vector_load %arg12[%swap3A_134, %swap3A_135] {strides = array<i32>} : memref<32x144xf32, #tpu.memory_space<vmem>>, vector<1x16xf32>,
      %swap3A_137 = vector.shape_cast %swap3A_136 : vector<1x16xf32> to vector<16xf32>
      %swap3A_138 = vector.shape_cast %broadcast_in_dim3A_133 : vector<16xf32> to vector<1x16xf32>
      tpu.vector_store %arg12[%swap3A_134, %swap3A_135], %swap3A_138 {strides = array<i32>} : memref<32x144xf32, #tpu.memory_space<vmem>>, vector<1x16xf32>,
      %broadcast_in_dim3A_139 = arith.constant 0.000000e+00 : f32
      %broadcast_in_dim3A_140 = vector.broadcast %broadcast_in_dim3A_139 : f32 to vector<16xf32>
      %swap3A_141 = arith.index_cast %scan3A_126 : i32 to index
      %swap3A_142 = arith.constant 32 : index
      %swap3A_143 = tpu.vector_load %arg12[%swap3A_141, %swap3A_142] {strides = array<i32>} : memref<32x144xf32, #tpu.memory_space<vmem>>, vector<1x16xf32>,
      %swap3A_144 = vector.shape_cast %swap3A_143 : vector<1x16xf32> to vector<16xf32>
      %swap3A_145 = vector.shape_cast %broadcast_in_dim3A_140 : vector<16xf32> to vector<1x16xf32>
      tpu.vector_store %arg12[%swap3A_141, %swap3A_142], %swap3A_145 {strides = array<i32>} : memref<32x144xf32, #tpu.memory_space<vmem>>, vector<1x16xf32>,
      %broadcast_in_dim3A_146 = arith.constant 0.000000e+00 : f32
      %broadcast_in_dim3A_147 = vector.broadcast %broadcast_in_dim3A_146 : f32 to vector<16xf32>
      %swap3A_148 = arith.index_cast %scan3A_126 : i32 to index
      %swap3A_149 = arith.constant 48 : index
      %swap3A_150 = tpu.vector_load %arg12[%swap3A_148, %swap3A_149] {strides = array<i32>} : memref<32x144xf32, #tpu.memory_space<vmem>>, vector<1x16xf32>,
      %swap3A_151 = vector.shape_cast %swap3A_150 : vector<1x16xf32> to vector<16xf32>
      %swap3A_152 = vector.shape_cast %broadcast_in_dim3A_147 : vector<16xf32> to vector<1x16xf32>
      tpu.vector_store %arg12[%swap3A_148, %swap3A_149], %swap3A_152 {strides = array<i32>} : memref<32x144xf32, #tpu.memory_space<vmem>>, vector<1x16xf32>,
      %broadcast_in_dim3A_153 = arith.constant 0.000000e+00 : f32
      %broadcast_in_dim3A_154 = vector.broadcast %broadcast_in_dim3A_153 : f32 to vector<16xf32>
      %swap3A_155 = arith.index_cast %scan3A_126 : i32 to index
      %swap3A_156 = arith.constant 64 : index
      %swap3A_157 = tpu.vector_load %arg12[%swap3A_155, %swap3A_156] {strides = array<i32>} : memref<32x144xf32, #tpu.memory_space<vmem>>, vector<1x16xf32>,
      %swap3A_158 = vector.shape_cast %swap3A_157 : vector<1x16xf32> to vector<16xf32>
      %swap3A_159 = vector.shape_cast %broadcast_in_dim3A_154 : vector<16xf32> to vector<1x16xf32>
      tpu.vector_store %arg12[%swap3A_155, %swap3A_156], %swap3A_159 {strides = array<i32>} : memref<32x144xf32, #tpu.memory_space<vmem>>, vector<1x16xf32>,
      %broadcast_in_dim3A_160 = arith.constant 0.000000e+00 : f32
      %broadcast_in_dim3A_161 = vector.broadcast %broadcast_in_dim3A_160 : f32 to vector<16xf32>
      %swap3A_162 = arith.index_cast %scan3A_126 : i32 to index
      %swap3A_163 = arith.constant 80 : index
      %swap3A_164 = tpu.vector_load %arg12[%swap3A_162, %swap3A_163] {strides = array<i32>} : memref<32x144xf32, #tpu.memory_space<vmem>>, vector<1x16xf32>,
      %swap3A_165 = vector.shape_cast %swap3A_164 : vector<1x16xf32> to vector<16xf32>
      %swap3A_166 = vector.shape_cast %broadcast_in_dim3A_161 : vector<16xf32> to vector<1x16xf32>
      tpu.vector_store %arg12[%swap3A_162, %swap3A_163], %swap3A_166 {strides = array<i32>} : memref<32x144xf32, #tpu.memory_space<vmem>>, vector<1x16xf32>,
      %broadcast_in_dim3A_167 = arith.constant 0.000000e+00 : f32
      %broadcast_in_dim3A_168 = vector.broadcast %broadcast_in_dim3A_167 : f32 to vector<16xf32>
      %swap3A_169 = arith.index_cast %scan3A_126 : i32 to index
      %swap3A_170 = arith.constant 96 : index
      %swap3A_171 = tpu.vector_load %arg12[%swap3A_169, %swap3A_170] {strides = array<i32>} : memref<32x144xf32, #tpu.memory_space<vmem>>, vector<1x16xf32>,
      %swap3A_172 = vector.shape_cast %swap3A_171 : vector<1x16xf32> to vector<16xf32>
      %swap3A_173 = vector.shape_cast %broadcast_in_dim3A_168 : vector<16xf32> to vector<1x16xf32>
      tpu.vector_store %arg12[%swap3A_169, %swap3A_170], %swap3A_173 {strides = array<i32>} : memref<32x144xf32, #tpu.memory_space<vmem>>, vector<1x16xf32>,
      %broadcast_in_dim3A_174 = arith.constant 0.000000e+00 : f32
      %broadcast_in_dim3A_175 = vector.broadcast %broadcast_in_dim3A_174 : f32 to vector<16xf32>
      %swap3A_176 = arith.index_cast %scan3A_126 : i32 to index
      %swap3A_177 = arith.constant 112 : index
      %swap3A_178 = tpu.vector_load %arg12[%swap3A_176, %swap3A_177] {strides = array<i32>} : memref<32x144xf32, #tpu.memory_space<vmem>>, vector<1x16xf32>,
      %swap3A_179 = vector.shape_cast %swap3A_178 : vector<1x16xf32> to vector<16xf32>
      %swap3A_180 = vector.shape_cast %broadcast_in_dim3A_175 : vector<16xf32> to vector<1x16xf32>
      tpu.vector_store %arg12[%swap3A_176, %swap3A_177], %swap3A_180 {strides = array<i32>} : memref<32x144xf32, #tpu.memory_space<vmem>>, vector<1x16xf32>,
      %broadcast_in_dim3A_181 = arith.constant 0.000000e+00 : f32
      %broadcast_in_dim3A_182 = vector.broadcast %broadcast_in_dim3A_181 : f32 to vector<16xf32>
      %swap3A_183 = arith.index_cast %scan3A_126 : i32 to index
      %swap3A_184 = arith.constant 128 : index
      %swap3A_185 = tpu.vector_load %arg12[%swap3A_183, %swap3A_184] {strides = array<i32>} : memref<32x144xf32, #tpu.memory_space<vmem>>, vector<1x16xf32>,
      %swap3A_186 = vector.shape_cast %swap3A_185 : vector<1x16xf32> to vector<16xf32>
      %swap3A_187 = vector.shape_cast %broadcast_in_dim3A_182 : vector<16xf32> to vector<1x16xf32>
      tpu.vector_store %arg12[%swap3A_183, %swap3A_184], %swap3A_187 {strides = array<i32>} : memref<32x144xf32, #tpu.memory_space<vmem>>, vector<1x16xf32>,
    }
    %scan3A_18 = arith.constant 32 : i32
    %mul3A_19 = arith.constant 640 : i32
    %mul3A_20 = arith.muli %arg1, %mul3A_19 : i32
    %add3A_21 = arith.constant 0 : i32
    %add3A_22 = arith.addi %mul3A_20, %add3A_21 : i32
    "tpu.region"() ({
      %run_scoped3A_126 = tpu.sem_alloc : memref<!tpu.dma_semaphore, #tpu.memory_space<semaphore_mem>>
      %dma_start3A_127 = arith.constant 0 : i32
      %dma_start3A_128 = tpu.memref_slice %arg13[%add3A_22, %dma_start3A_127] : memref<10240x144xf32, #tpu.memory_space<vmem_shared>> -> memref<32x144xf32, #tpu.memory_space<vmem_shared>>
      %dma_start3A_129 = arith.constant 0 : i32
      %dma_start3A_130 = tpu.memref_slice %arg13[%add3A_22, %dma_start3A_129] : memref<10240x144xf32, #tpu.memory_space<vmem_shared>> -> memref<32x144xf32, #tpu.memory_space<vmem_shared>>
      tpu.enqueue_dma source(%arg12 : memref<32x144xf32, #tpu.memory_space<vmem>>) target(%dma_start3A_130 : memref<32x144xf32, #tpu.memory_space<vmem_shared>>) target_semaphore(%run_scoped3A_126 : memref<!tpu.dma_semaphore, #tpu.memory_space<semaphore_mem>>)
      %dma_wait3A_131 = arith.constant 0 : i32
      %dma_wait3A_132 = tpu.memref_slice %arg13[%add3A_22, %dma_wait3A_131] : memref<10240x144xf32, #tpu.memory_space<vmem_shared>> -> memref<32x144xf32, #tpu.memory_space<vmem_shared>>
      %dma_wait3A_133 = arith.constant 0 : i32
      %dma_wait3A_134 = tpu.memref_slice %arg13[%add3A_22, %dma_wait3A_133] : memref<10240x144xf32, #tpu.memory_space<vmem_shared>> -> memref<32x144xf32, #tpu.memory_space<vmem_shared>>
      tpu.wait_dma2 semaphore(%run_scoped3A_126 : memref<!tpu.dma_semaphore, #tpu.memory_space<semaphore_mem>>) src(%arg12 : memref<32x144xf32, #tpu.memory_space<vmem>>) dst(%dma_wait3A_134 : memref<32x144xf32, #tpu.memory_space<vmem_shared>>)
      tpu.yield
    }) : () -> ()
    %mul3A_23 = arith.constant 640 : i32
    %mul3A_24 = arith.muli %arg1, %mul3A_23 : i32
    %add3A_25 = arith.constant 32 : i32
    %add3A_26 = arith.addi %mul3A_24, %add3A_25 : i32
    "tpu.region"() ({
      %run_scoped3A_126 = tpu.sem_alloc : memref<!tpu.dma_semaphore, #tpu.memory_space<semaphore_mem>>
      %dma_start3A_127 = arith.constant 0 : i32
      %dma_start3A_128 = tpu.memref_slice %arg13[%add3A_26, %dma_start3A_127] : memref<10240x144xf32, #tpu.memory_space<vmem_shared>> -> memref<32x144xf32, #tpu.memory_space<vmem_shared>>
      %dma_start3A_129 = arith.constant 0 : i32
      %dma_start3A_130 = tpu.memref_slice %arg13[%add3A_26, %dma_start3A_129] : memref<10240x144xf32, #tpu.memory_space<vmem_shared>> -> memref<32x144xf32, #tpu.memory_space<vmem_shared>>
      tpu.enqueue_dma source(%arg12 : memref<32x144xf32, #tpu.memory_space<vmem>>) target(%dma_start3A_130 : memref<32x144xf32, #tpu.memory_space<vmem_shared>>) target_semaphore(%run_scoped3A_126 : memref<!tpu.dma_semaphore, #tpu.memory_space<semaphore_mem>>)
      %dma_wait3A_131 = arith.constant 0 : i32
      %dma_wait3A_132 = tpu.memref_slice %arg13[%add3A_26, %dma_wait3A_131] : memref<10240x144xf32, #tpu.memory_space<vmem_shared>> -> memref<32x144xf32, #tpu.memory_space<vmem_shared>>
      %dma_wait3A_133 = arith.constant 0 : i32
      %dma_wait3A_134 = tpu.memref_slice %arg13[%add3A_26, %dma_wait3A_133] : memref<10240x144xf32, #tpu.memory_space<vmem_shared>> -> memref<32x144xf32, #tpu.memory_space<vmem_shared>>
      tpu.wait_dma2 semaphore(%run_scoped3A_126 : memref<!tpu.dma_semaphore, #tpu.memory_space<semaphore_mem>>) src(%arg12 : memref<32x144xf32, #tpu.memory_space<vmem>>) dst(%dma_wait3A_134 : memref<32x144xf32, #tpu.memory_space<vmem_shared>>)
      tpu.yield
    }) : () -> ()
    %mul3A_27 = arith.constant 640 : i32
    %mul3A_28 = arith.muli %arg1, %mul3A_27 : i32
    %add3A_29 = arith.constant 64 : i32
    %add3A_30 = arith.addi %mul3A_28, %add3A_29 : i32
    "tpu.region"() ({
      %run_scoped3A_126 = tpu.sem_alloc : memref<!tpu.dma_semaphore, #tpu.memory_space<semaphore_mem>>
      %dma_start3A_127 = arith.constant 0 : i32
      %dma_start3A_128 = tpu.memref_slice %arg13[%add3A_30, %dma_start3A_127] : memref<10240x144xf32, #tpu.memory_space<vmem_shared>> -> memref<32x144xf32, #tpu.memory_space<vmem_shared>>
      %dma_start3A_129 = arith.constant 0 : i32
      %dma_start3A_130 = tpu.memref_slice %arg13[%add3A_30, %dma_start3A_129] : memref<10240x144xf32, #tpu.memory_space<vmem_shared>> -> memref<32x144xf32, #tpu.memory_space<vmem_shared>>
      tpu.enqueue_dma source(%arg12 : memref<32x144xf32, #tpu.memory_space<vmem>>) target(%dma_start3A_130 : memref<32x144xf32, #tpu.memory_space<vmem_shared>>) target_semaphore(%run_scoped3A_126 : memref<!tpu.dma_semaphore, #tpu.memory_space<semaphore_mem>>)
      %dma_wait3A_131 = arith.constant 0 : i32
      %dma_wait3A_132 = tpu.memref_slice %arg13[%add3A_30, %dma_wait3A_131] : memref<10240x144xf32, #tpu.memory_space<vmem_shared>> -> memref<32x144xf32, #tpu.memory_space<vmem_shared>>
      %dma_wait3A_133 = arith.constant 0 : i32
      %dma_wait3A_134 = tpu.memref_slice %arg13[%add3A_30, %dma_wait3A_133] : memref<10240x144xf32, #tpu.memory_space<vmem_shared>> -> memref<32x144xf32, #tpu.memory_space<vmem_shared>>
      tpu.wait_dma2 semaphore(%run_scoped3A_126 : memref<!tpu.dma_semaphore, #tpu.memory_space<semaphore_mem>>) src(%arg12 : memref<32x144xf32, #tpu.memory_space<vmem>>) dst(%dma_wait3A_134 : memref<32x144xf32, #tpu.memory_space<vmem_shared>>)
      tpu.yield
    }) : () -> ()
    %mul3A_31 = arith.constant 640 : i32
    %mul3A_32 = arith.muli %arg1, %mul3A_31 : i32
    %add3A_33 = arith.constant 96 : i32
    %add3A_34 = arith.addi %mul3A_32, %add3A_33 : i32
    "tpu.region"() ({
      %run_scoped3A_126 = tpu.sem_alloc : memref<!tpu.dma_semaphore, #tpu.memory_space<semaphore_mem>>
      %dma_start3A_127 = arith.constant 0 : i32
      %dma_start3A_128 = tpu.memref_slice %arg13[%add3A_34, %dma_start3A_127] : memref<10240x144xf32, #tpu.memory_space<vmem_shared>> -> memref<32x144xf32, #tpu.memory_space<vmem_shared>>
      %dma_start3A_129 = arith.constant 0 : i32
      %dma_start3A_130 = tpu.memref_slice %arg13[%add3A_34, %dma_start3A_129] : memref<10240x144xf32, #tpu.memory_space<vmem_shared>> -> memref<32x144xf32, #tpu.memory_space<vmem_shared>>
      tpu.enqueue_dma source(%arg12 : memref<32x144xf32, #tpu.memory_space<vmem>>) target(%dma_start3A_130 : memref<32x144xf32, #tpu.memory_space<vmem_shared>>) target_semaphore(%run_scoped3A_126 : memref<!tpu.dma_semaphore, #tpu.memory_space<semaphore_mem>>)
      %dma_wait3A_131 = arith.constant 0 : i32
      %dma_wait3A_132 = tpu.memref_slice %arg13[%add3A_34, %dma_wait3A_131] : memref<10240x144xf32, #tpu.memory_space<vmem_shared>> -> memref<32x144xf32, #tpu.memory_space<vmem_shared>>
      %dma_wait3A_133 = arith.constant 0 : i32
      %dma_wait3A_134 = tpu.memref_slice %arg13[%add3A_34, %dma_wait3A_133] : memref<10240x144xf32, #tpu.memory_space<vmem_shared>> -> memref<32x144xf32, #tpu.memory_space<vmem_shared>>
      tpu.wait_dma2 semaphore(%run_scoped3A_126 : memref<!tpu.dma_semaphore, #tpu.memory_space<semaphore_mem>>) src(%arg12 : memref<32x144xf32, #tpu.memory_space<vmem>>) dst(%dma_wait3A_134 : memref<32x144xf32, #tpu.memory_space<vmem_shared>>)
      tpu.yield
    }) : () -> ()
    %mul3A_35 = arith.constant 640 : i32
    %mul3A_36 = arith.muli %arg1, %mul3A_35 : i32
    %add3A_37 = arith.constant 128 : i32
    %add3A_38 = arith.addi %mul3A_36, %add3A_37 : i32
    "tpu.region"() ({
      %run_scoped3A_126 = tpu.sem_alloc : memref<!tpu.dma_semaphore, #tpu.memory_space<semaphore_mem>>
      %dma_start3A_127 = arith.constant 0 : i32
      %dma_start3A_128 = tpu.memref_slice %arg13[%add3A_38, %dma_start3A_127] : memref<10240x144xf32, #tpu.memory_space<vmem_shared>> -> memref<32x144xf32, #tpu.memory_space<vmem_shared>>
      %dma_start3A_129 = arith.constant 0 : i32
      %dma_start3A_130 = tpu.memref_slice %arg13[%add3A_38, %dma_start3A_129] : memref<10240x144xf32, #tpu.memory_space<vmem_shared>> -> memref<32x144xf32, #tpu.memory_space<vmem_shared>>
      tpu.enqueue_dma source(%arg12 : memref<32x144xf32, #tpu.memory_space<vmem>>) target(%dma_start3A_130 : memref<32x144xf32, #tpu.memory_space<vmem_shared>>) target_semaphore(%run_scoped3A_126 : memref<!tpu.dma_semaphore, #tpu.memory_space<semaphore_mem>>)
      %dma_wait3A_131 = arith.constant 0 : i32
      %dma_wait3A_132 = tpu.memref_slice %arg13[%add3A_38, %dma_wait3A_131] : memref<10240x144xf32, #tpu.memory_space<vmem_shared>> -> memref<32x144xf32, #tpu.memory_space<vmem_shared>>
      %dma_wait3A_133 = arith.constant 0 : i32
      %dma_wait3A_134 = tpu.memref_slice %arg13[%add3A_38, %dma_wait3A_133] : memref<10240x144xf32, #tpu.memory_space<vmem_shared>> -> memref<32x144xf32, #tpu.memory_space<vmem_shared>>
      tpu.wait_dma2 semaphore(%run_scoped3A_126 : memref<!tpu.dma_semaphore, #tpu.memory_space<semaphore_mem>>) src(%arg12 : memref<32x144xf32, #tpu.memory_space<vmem>>) dst(%dma_wait3A_134 : memref<32x144xf32, #tpu.memory_space<vmem_shared>>)
      tpu.yield
    }) : () -> ()
    %mul3A_39 = arith.constant 640 : i32
    %mul3A_40 = arith.muli %arg1, %mul3A_39 : i32
    %add3A_41 = arith.constant 160 : i32
    %add3A_42 = arith.addi %mul3A_40, %add3A_41 : i32
    "tpu.region"() ({
      %run_scoped3A_126 = tpu.sem_alloc : memref<!tpu.dma_semaphore, #tpu.memory_space<semaphore_mem>>
      %dma_start3A_127 = arith.constant 0 : i32
      %dma_start3A_128 = tpu.memref_slice %arg13[%add3A_42, %dma_start3A_127] : memref<10240x144xf32, #tpu.memory_space<vmem_shared>> -> memref<32x144xf32, #tpu.memory_space<vmem_shared>>
      %dma_start3A_129 = arith.constant 0 : i32
      %dma_start3A_130 = tpu.memref_slice %arg13[%add3A_42, %dma_start3A_129] : memref<10240x144xf32, #tpu.memory_space<vmem_shared>> -> memref<32x144xf32, #tpu.memory_space<vmem_shared>>
      tpu.enqueue_dma source(%arg12 : memref<32x144xf32, #tpu.memory_space<vmem>>) target(%dma_start3A_130 : memref<32x144xf32, #tpu.memory_space<vmem_shared>>) target_semaphore(%run_scoped3A_126 : memref<!tpu.dma_semaphore, #tpu.memory_space<semaphore_mem>>)
      %dma_wait3A_131 = arith.constant 0 : i32
      %dma_wait3A_132 = tpu.memref_slice %arg13[%add3A_42, %dma_wait3A_131] : memref<10240x144xf32, #tpu.memory_space<vmem_shared>> -> memref<32x144xf32, #tpu.memory_space<vmem_shared>>
      %dma_wait3A_133 = arith.constant 0 : i32
      %dma_wait3A_134 = tpu.memref_slice %arg13[%add3A_42, %dma_wait3A_133] : memref<10240x144xf32, #tpu.memory_space<vmem_shared>> -> memref<32x144xf32, #tpu.memory_space<vmem_shared>>
      tpu.wait_dma2 semaphore(%run_scoped3A_126 : memref<!tpu.dma_semaphore, #tpu.memory_space<semaphore_mem>>) src(%arg12 : memref<32x144xf32, #tpu.memory_space<vmem>>) dst(%dma_wait3A_134 : memref<32x144xf32, #tpu.memory_space<vmem_shared>>)
      tpu.yield
    }) : () -> ()
    %mul3A_43 = arith.constant 640 : i32
    %mul3A_44 = arith.muli %arg1, %mul3A_43 : i32
    %add3A_45 = arith.constant 192 : i32
    %add3A_46 = arith.addi %mul3A_44, %add3A_45 : i32
    "tpu.region"() ({
      %run_scoped3A_126 = tpu.sem_alloc : memref<!tpu.dma_semaphore, #tpu.memory_space<semaphore_mem>>
      %dma_start3A_127 = arith.constant 0 : i32
      %dma_start3A_128 = tpu.memref_slice %arg13[%add3A_46, %dma_start3A_127] : memref<10240x144xf32, #tpu.memory_space<vmem_shared>> -> memref<32x144xf32, #tpu.memory_space<vmem_shared>>
      %dma_start3A_129 = arith.constant 0 : i32
      %dma_start3A_130 = tpu.memref_slice %arg13[%add3A_46, %dma_start3A_129] : memref<10240x144xf32, #tpu.memory_space<vmem_shared>> -> memref<32x144xf32, #tpu.memory_space<vmem_shared>>
      tpu.enqueue_dma source(%arg12 : memref<32x144xf32, #tpu.memory_space<vmem>>) target(%dma_start3A_130 : memref<32x144xf32, #tpu.memory_space<vmem_shared>>) target_semaphore(%run_scoped3A_126 : memref<!tpu.dma_semaphore, #tpu.memory_space<semaphore_mem>>)
      %dma_wait3A_131 = arith.constant 0 : i32
      %dma_wait3A_132 = tpu.memref_slice %arg13[%add3A_46, %dma_wait3A_131] : memref<10240x144xf32, #tpu.memory_space<vmem_shared>> -> memref<32x144xf32, #tpu.memory_space<vmem_shared>>
      %dma_wait3A_133 = arith.constant 0 : i32
      %dma_wait3A_134 = tpu.memref_slice %arg13[%add3A_46, %dma_wait3A_133] : memref<10240x144xf32, #tpu.memory_space<vmem_shared>> -> memref<32x144xf32, #tpu.memory_space<vmem_shared>>
      tpu.wait_dma2 semaphore(%run_scoped3A_126 : memref<!tpu.dma_semaphore, #tpu.memory_space<semaphore_mem>>) src(%arg12 : memref<32x144xf32, #tpu.memory_space<vmem>>) dst(%dma_wait3A_134 : memref<32x144xf32, #tpu.memory_space<vmem_shared>>)
      tpu.yield
    }) : () -> ()
    %mul3A_47 = arith.constant 640 : i32
    %mul3A_48 = arith.muli %arg1, %mul3A_47 : i32
    %add3A_49 = arith.constant 224 : i32
    %add3A_50 = arith.addi %mul3A_48, %add3A_49 : i32
    "tpu.region"() ({
      %run_scoped3A_126 = tpu.sem_alloc : memref<!tpu.dma_semaphore, #tpu.memory_space<semaphore_mem>>
      %dma_start3A_127 = arith.constant 0 : i32
      %dma_start3A_128 = tpu.memref_slice %arg13[%add3A_50, %dma_start3A_127] : memref<10240x144xf32, #tpu.memory_space<vmem_shared>> -> memref<32x144xf32, #tpu.memory_space<vmem_shared>>
      %dma_start3A_129 = arith.constant 0 : i32
      %dma_start3A_130 = tpu.memref_slice %arg13[%add3A_50, %dma_start3A_129] : memref<10240x144xf32, #tpu.memory_space<vmem_shared>> -> memref<32x144xf32, #tpu.memory_space<vmem_shared>>
      tpu.enqueue_dma source(%arg12 : memref<32x144xf32, #tpu.memory_space<vmem>>) target(%dma_start3A_130 : memref<32x144xf32, #tpu.memory_space<vmem_shared>>) target_semaphore(%run_scoped3A_126 : memref<!tpu.dma_semaphore, #tpu.memory_space<semaphore_mem>>)
      %dma_wait3A_131 = arith.constant 0 : i32
      %dma_wait3A_132 = tpu.memref_slice %arg13[%add3A_50, %dma_wait3A_131] : memref<10240x144xf32, #tpu.memory_space<vmem_shared>> -> memref<32x144xf32, #tpu.memory_space<vmem_shared>>
      %dma_wait3A_133 = arith.constant 0 : i32
      %dma_wait3A_134 = tpu.memref_slice %arg13[%add3A_50, %dma_wait3A_133] : memref<10240x144xf32, #tpu.memory_space<vmem_shared>> -> memref<32x144xf32, #tpu.memory_space<vmem_shared>>
      tpu.wait_dma2 semaphore(%run_scoped3A_126 : memref<!tpu.dma_semaphore, #tpu.memory_space<semaphore_mem>>) src(%arg12 : memref<32x144xf32, #tpu.memory_space<vmem>>) dst(%dma_wait3A_134 : memref<32x144xf32, #tpu.memory_space<vmem_shared>>)
      tpu.yield
    }) : () -> ()
    %mul3A_51 = arith.constant 640 : i32
    %mul3A_52 = arith.muli %arg1, %mul3A_51 : i32
    %add3A_53 = arith.constant 256 : i32
    %add3A_54 = arith.addi %mul3A_52, %add3A_53 : i32
    "tpu.region"() ({
      %run_scoped3A_126 = tpu.sem_alloc : memref<!tpu.dma_semaphore, #tpu.memory_space<semaphore_mem>>
      %dma_start3A_127 = arith.constant 0 : i32
      %dma_start3A_128 = tpu.memref_slice %arg13[%add3A_54, %dma_start3A_127] : memref<10240x144xf32, #tpu.memory_space<vmem_shared>> -> memref<32x144xf32, #tpu.memory_space<vmem_shared>>
      %dma_start3A_129 = arith.constant 0 : i32
      %dma_start3A_130 = tpu.memref_slice %arg13[%add3A_54, %dma_start3A_129] : memref<10240x144xf32, #tpu.memory_space<vmem_shared>> -> memref<32x144xf32, #tpu.memory_space<vmem_shared>>
      tpu.enqueue_dma source(%arg12 : memref<32x144xf32, #tpu.memory_space<vmem>>) target(%dma_start3A_130 : memref<32x144xf32, #tpu.memory_space<vmem_shared>>) target_semaphore(%run_scoped3A_126 : memref<!tpu.dma_semaphore, #tpu.memory_space<semaphore_mem>>)
      %dma_wait3A_131 = arith.constant 0 : i32
      %dma_wait3A_132 = tpu.memref_slice %arg13[%add3A_54, %dma_wait3A_131] : memref<10240x144xf32, #tpu.memory_space<vmem_shared>> -> memref<32x144xf32, #tpu.memory_space<vmem_shared>>
      %dma_wait3A_133 = arith.constant 0 : i32
      %dma_wait3A_134 = tpu.memref_slice %arg13[%add3A_54, %dma_wait3A_133] : memref<10240x144xf32, #tpu.memory_space<vmem_shared>> -> memref<32x144xf32, #tpu.memory_space<vmem_shared>>
      tpu.wait_dma2 semaphore(%run_scoped3A_126 : memref<!tpu.dma_semaphore, #tpu.memory_space<semaphore_mem>>) src(%arg12 : memref<32x144xf32, #tpu.memory_space<vmem>>) dst(%dma_wait3A_134 : memref<32x144xf32, #tpu.memory_space<vmem_shared>>)
      tpu.yield
    }) : () -> ()
    %mul3A_55 = arith.constant 640 : i32
    %mul3A_56 = arith.muli %arg1, %mul3A_55 : i32
    %add3A_57 = arith.constant 288 : i32
    %add3A_58 = arith.addi %mul3A_56, %add3A_57 : i32
    "tpu.region"() ({
      %run_scoped3A_126 = tpu.sem_alloc : memref<!tpu.dma_semaphore, #tpu.memory_space<semaphore_mem>>
      %dma_start3A_127 = arith.constant 0 : i32
      %dma_start3A_128 = tpu.memref_slice %arg13[%add3A_58, %dma_start3A_127] : memref<10240x144xf32, #tpu.memory_space<vmem_shared>> -> memref<32x144xf32, #tpu.memory_space<vmem_shared>>
      %dma_start3A_129 = arith.constant 0 : i32
      %dma_start3A_130 = tpu.memref_slice %arg13[%add3A_58, %dma_start3A_129] : memref<10240x144xf32, #tpu.memory_space<vmem_shared>> -> memref<32x144xf32, #tpu.memory_space<vmem_shared>>
      tpu.enqueue_dma source(%arg12 : memref<32x144xf32, #tpu.memory_space<vmem>>) target(%dma_start3A_130 : memref<32x144xf32, #tpu.memory_space<vmem_shared>>) target_semaphore(%run_scoped3A_126 : memref<!tpu.dma_semaphore, #tpu.memory_space<semaphore_mem>>)
      %dma_wait3A_131 = arith.constant 0 : i32
      %dma_wait3A_132 = tpu.memref_slice %arg13[%add3A_58, %dma_wait3A_131] : memref<10240x144xf32, #tpu.memory_space<vmem_shared>> -> memref<32x144xf32, #tpu.memory_space<vmem_shared>>
      %dma_wait3A_133 = arith.constant 0 : i32
      %dma_wait3A_134 = tpu.memref_slice %arg13[%add3A_58, %dma_wait3A_133] : memref<10240x144xf32, #tpu.memory_space<vmem_shared>> -> memref<32x144xf32, #tpu.memory_space<vmem_shared>>
      tpu.wait_dma2 semaphore(%run_scoped3A_126 : memref<!tpu.dma_semaphore, #tpu.memory_space<semaphore_mem>>) src(%arg12 : memref<32x144xf32, #tpu.memory_space<vmem>>) dst(%dma_wait3A_134 : memref<32x144xf32, #tpu.memory_space<vmem_shared>>)
      tpu.yield
    }) : () -> ()
    %mul3A_59 = arith.constant 640 : i32
    %mul3A_60 = arith.muli %arg1, %mul3A_59 : i32
    %add3A_61 = arith.constant 320 : i32
    %add3A_62 = arith.addi %mul3A_60, %add3A_61 : i32
    "tpu.region"() ({
      %run_scoped3A_126 = tpu.sem_alloc : memref<!tpu.dma_semaphore, #tpu.memory_space<semaphore_mem>>
      %dma_start3A_127 = arith.constant 0 : i32
      %dma_start3A_128 = tpu.memref_slice %arg13[%add3A_62, %dma_start3A_127] : memref<10240x144xf32, #tpu.memory_space<vmem_shared>> -> memref<32x144xf32, #tpu.memory_space<vmem_shared>>
      %dma_start3A_129 = arith.constant 0 : i32
      %dma_start3A_130 = tpu.memref_slice %arg13[%add3A_62, %dma_start3A_129] : memref<10240x144xf32, #tpu.memory_space<vmem_shared>> -> memref<32x144xf32, #tpu.memory_space<vmem_shared>>
      tpu.enqueue_dma source(%arg12 : memref<32x144xf32, #tpu.memory_space<vmem>>) target(%dma_start3A_130 : memref<32x144xf32, #tpu.memory_space<vmem_shared>>) target_semaphore(%run_scoped3A_126 : memref<!tpu.dma_semaphore, #tpu.memory_space<semaphore_mem>>)
      %dma_wait3A_131 = arith.constant 0 : i32
      %dma_wait3A_132 = tpu.memref_slice %arg13[%add3A_62, %dma_wait3A_131] : memref<10240x144xf32, #tpu.memory_space<vmem_shared>> -> memref<32x144xf32, #tpu.memory_space<vmem_shared>>
      %dma_wait3A_133 = arith.constant 0 : i32
      %dma_wait3A_134 = tpu.memref_slice %arg13[%add3A_62, %dma_wait3A_133] : memref<10240x144xf32, #tpu.memory_space<vmem_shared>> -> memref<32x144xf32, #tpu.memory_space<vmem_shared>>
      tpu.wait_dma2 semaphore(%run_scoped3A_126 : memref<!tpu.dma_semaphore, #tpu.memory_space<semaphore_mem>>) src(%arg12 : memref<32x144xf32, #tpu.memory_space<vmem>>) dst(%dma_wait3A_134 : memref<32x144xf32, #tpu.memory_space<vmem_shared>>)
      tpu.yield
    }) : () -> ()
    %mul3A_63 = arith.constant 640 : i32
    %mul3A_64 = arith.muli %arg1, %mul3A_63 : i32
    %add3A_65 = arith.constant 352 : i32
    %add3A_66 = arith.addi %mul3A_64, %add3A_65 : i32
    "tpu.region"() ({
      %run_scoped3A_126 = tpu.sem_alloc : memref<!tpu.dma_semaphore, #tpu.memory_space<semaphore_mem>>
      %dma_start3A_127 = arith.constant 0 : i32
      %dma_start3A_128 = tpu.memref_slice %arg13[%add3A_66, %dma_start3A_127] : memref<10240x144xf32, #tpu.memory_space<vmem_shared>> -> memref<32x144xf32, #tpu.memory_space<vmem_shared>>
      %dma_start3A_129 = arith.constant 0 : i32
      %dma_start3A_130 = tpu.memref_slice %arg13[%add3A_66, %dma_start3A_129] : memref<10240x144xf32, #tpu.memory_space<vmem_shared>> -> memref<32x144xf32, #tpu.memory_space<vmem_shared>>
      tpu.enqueue_dma source(%arg12 : memref<32x144xf32, #tpu.memory_space<vmem>>) target(%dma_start3A_130 : memref<32x144xf32, #tpu.memory_space<vmem_shared>>) target_semaphore(%run_scoped3A_126 : memref<!tpu.dma_semaphore, #tpu.memory_space<semaphore_mem>>)
      %dma_wait3A_131 = arith.constant 0 : i32
      %dma_wait3A_132 = tpu.memref_slice %arg13[%add3A_66, %dma_wait3A_131] : memref<10240x144xf32, #tpu.memory_space<vmem_shared>> -> memref<32x144xf32, #tpu.memory_space<vmem_shared>>
      %dma_wait3A_133 = arith.constant 0 : i32
      %dma_wait3A_134 = tpu.memref_slice %arg13[%add3A_66, %dma_wait3A_133] : memref<10240x144xf32, #tpu.memory_space<vmem_shared>> -> memref<32x144xf32, #tpu.memory_space<vmem_shared>>
      tpu.wait_dma2 semaphore(%run_scoped3A_126 : memref<!tpu.dma_semaphore, #tpu.memory_space<semaphore_mem>>) src(%arg12 : memref<32x144xf32, #tpu.memory_space<vmem>>) dst(%dma_wait3A_134 : memref<32x144xf32, #tpu.memory_space<vmem_shared>>)
      tpu.yield
    }) : () -> ()
    %mul3A_67 = arith.constant 640 : i32
    %mul3A_68 = arith.muli %arg1, %mul3A_67 : i32
    %add3A_69 = arith.constant 384 : i32
    %add3A_70 = arith.addi %mul3A_68, %add3A_69 : i32
    "tpu.region"() ({
      %run_scoped3A_126 = tpu.sem_alloc : memref<!tpu.dma_semaphore, #tpu.memory_space<semaphore_mem>>
      %dma_start3A_127 = arith.constant 0 : i32
      %dma_start3A_128 = tpu.memref_slice %arg13[%add3A_70, %dma_start3A_127] : memref<10240x144xf32, #tpu.memory_space<vmem_shared>> -> memref<32x144xf32, #tpu.memory_space<vmem_shared>>
      %dma_start3A_129 = arith.constant 0 : i32
      %dma_start3A_130 = tpu.memref_slice %arg13[%add3A_70, %dma_start3A_129] : memref<10240x144xf32, #tpu.memory_space<vmem_shared>> -> memref<32x144xf32, #tpu.memory_space<vmem_shared>>
      tpu.enqueue_dma source(%arg12 : memref<32x144xf32, #tpu.memory_space<vmem>>) target(%dma_start3A_130 : memref<32x144xf32, #tpu.memory_space<vmem_shared>>) target_semaphore(%run_scoped3A_126 : memref<!tpu.dma_semaphore, #tpu.memory_space<semaphore_mem>>)
      %dma_wait3A_131 = arith.constant 0 : i32
      %dma_wait3A_132 = tpu.memref_slice %arg13[%add3A_70, %dma_wait3A_131] : memref<10240x144xf32, #tpu.memory_space<vmem_shared>> -> memref<32x144xf32, #tpu.memory_space<vmem_shared>>
      %dma_wait3A_133 = arith.constant 0 : i32
      %dma_wait3A_134 = tpu.memref_slice %arg13[%add3A_70, %dma_wait3A_133] : memref<10240x144xf32, #tpu.memory_space<vmem_shared>> -> memref<32x144xf32, #tpu.memory_space<vmem_shared>>
      tpu.wait_dma2 semaphore(%run_scoped3A_126 : memref<!tpu.dma_semaphore, #tpu.memory_space<semaphore_mem>>) src(%arg12 : memref<32x144xf32, #tpu.memory_space<vmem>>) dst(%dma_wait3A_134 : memref<32x144xf32, #tpu.memory_space<vmem_shared>>)
      tpu.yield
    }) : () -> ()
    %mul3A_71 = arith.constant 640 : i32
    %mul3A_72 = arith.muli %arg1, %mul3A_71 : i32
    %add3A_73 = arith.constant 416 : i32
    %add3A_74 = arith.addi %mul3A_72, %add3A_73 : i32
    "tpu.region"() ({
      %run_scoped3A_126 = tpu.sem_alloc : memref<!tpu.dma_semaphore, #tpu.memory_space<semaphore_mem>>
      %dma_start3A_127 = arith.constant 0 : i32
      %dma_start3A_128 = tpu.memref_slice %arg13[%add3A_74, %dma_start3A_127] : memref<10240x144xf32, #tpu.memory_space<vmem_shared>> -> memref<32x144xf32, #tpu.memory_space<vmem_shared>>
      %dma_start3A_129 = arith.constant 0 : i32
      %dma_start3A_130 = tpu.memref_slice %arg13[%add3A_74, %dma_start3A_129] : memref<10240x144xf32, #tpu.memory_space<vmem_shared>> -> memref<32x144xf32, #tpu.memory_space<vmem_shared>>
      tpu.enqueue_dma source(%arg12 : memref<32x144xf32, #tpu.memory_space<vmem>>) target(%dma_start3A_130 : memref<32x144xf32, #tpu.memory_space<vmem_shared>>) target_semaphore(%run_scoped3A_126 : memref<!tpu.dma_semaphore, #tpu.memory_space<semaphore_mem>>)
      %dma_wait3A_131 = arith.constant 0 : i32
      %dma_wait3A_132 = tpu.memref_slice %arg13[%add3A_74, %dma_wait3A_131] : memref<10240x144xf32, #tpu.memory_space<vmem_shared>> -> memref<32x144xf32, #tpu.memory_space<vmem_shared>>
      %dma_wait3A_133 = arith.constant 0 : i32
      %dma_wait3A_134 = tpu.memref_slice %arg13[%add3A_74, %dma_wait3A_133] : memref<10240x144xf32, #tpu.memory_space<vmem_shared>> -> memref<32x144xf32, #tpu.memory_space<vmem_shared>>
      tpu.wait_dma2 semaphore(%run_scoped3A_126 : memref<!tpu.dma_semaphore, #tpu.memory_space<semaphore_mem>>) src(%arg12 : memref<32x144xf32, #tpu.memory_space<vmem>>) dst(%dma_wait3A_134 : memref<32x144xf32, #tpu.memory_space<vmem_shared>>)
      tpu.yield
    }) : () -> ()
    %mul3A_75 = arith.constant 640 : i32
    %mul3A_76 = arith.muli %arg1, %mul3A_75 : i32
    %add3A_77 = arith.constant 448 : i32
    %add3A_78 = arith.addi %mul3A_76, %add3A_77 : i32
    "tpu.region"() ({
      %run_scoped3A_126 = tpu.sem_alloc : memref<!tpu.dma_semaphore, #tpu.memory_space<semaphore_mem>>
      %dma_start3A_127 = arith.constant 0 : i32
      %dma_start3A_128 = tpu.memref_slice %arg13[%add3A_78, %dma_start3A_127] : memref<10240x144xf32, #tpu.memory_space<vmem_shared>> -> memref<32x144xf32, #tpu.memory_space<vmem_shared>>
      %dma_start3A_129 = arith.constant 0 : i32
      %dma_start3A_130 = tpu.memref_slice %arg13[%add3A_78, %dma_start3A_129] : memref<10240x144xf32, #tpu.memory_space<vmem_shared>> -> memref<32x144xf32, #tpu.memory_space<vmem_shared>>
      tpu.enqueue_dma source(%arg12 : memref<32x144xf32, #tpu.memory_space<vmem>>) target(%dma_start3A_130 : memref<32x144xf32, #tpu.memory_space<vmem_shared>>) target_semaphore(%run_scoped3A_126 : memref<!tpu.dma_semaphore, #tpu.memory_space<semaphore_mem>>)
      %dma_wait3A_131 = arith.constant 0 : i32
      %dma_wait3A_132 = tpu.memref_slice %arg13[%add3A_78, %dma_wait3A_131] : memref<10240x144xf32, #tpu.memory_space<vmem_shared>> -> memref<32x144xf32, #tpu.memory_space<vmem_shared>>
      %dma_wait3A_133 = arith.constant 0 : i32
      %dma_wait3A_134 = tpu.memref_slice %arg13[%add3A_78, %dma_wait3A_133] : memref<10240x144xf32, #tpu.memory_space<vmem_shared>> -> memref<32x144xf32, #tpu.memory_space<vmem_shared>>
      tpu.wait_dma2 semaphore(%run_scoped3A_126 : memref<!tpu.dma_semaphore, #tpu.memory_space<semaphore_mem>>) src(%arg12 : memref<32x144xf32, #tpu.memory_space<vmem>>) dst(%dma_wait3A_134 : memref<32x144xf32, #tpu.memory_space<vmem_shared>>)
      tpu.yield
    }) : () -> ()
    %mul3A_79 = arith.constant 640 : i32
    %mul3A_80 = arith.muli %arg1, %mul3A_79 : i32
    %add3A_81 = arith.constant 480 : i32
    %add3A_82 = arith.addi %mul3A_80, %add3A_81 : i32
    "tpu.region"() ({
      %run_scoped3A_126 = tpu.sem_alloc : memref<!tpu.dma_semaphore, #tpu.memory_space<semaphore_mem>>
      %dma_start3A_127 = arith.constant 0 : i32
      %dma_start3A_128 = tpu.memref_slice %arg13[%add3A_82, %dma_start3A_127] : memref<10240x144xf32, #tpu.memory_space<vmem_shared>> -> memref<32x144xf32, #tpu.memory_space<vmem_shared>>
      %dma_start3A_129 = arith.constant 0 : i32
      %dma_start3A_130 = tpu.memref_slice %arg13[%add3A_82, %dma_start3A_129] : memref<10240x144xf32, #tpu.memory_space<vmem_shared>> -> memref<32x144xf32, #tpu.memory_space<vmem_shared>>
      tpu.enqueue_dma source(%arg12 : memref<32x144xf32, #tpu.memory_space<vmem>>) target(%dma_start3A_130 : memref<32x144xf32, #tpu.memory_space<vmem_shared>>) target_semaphore(%run_scoped3A_126 : memref<!tpu.dma_semaphore, #tpu.memory_space<semaphore_mem>>)
      %dma_wait3A_131 = arith.constant 0 : i32
      %dma_wait3A_132 = tpu.memref_slice %arg13[%add3A_82, %dma_wait3A_131] : memref<10240x144xf32, #tpu.memory_space<vmem_shared>> -> memref<32x144xf32, #tpu.memory_space<vmem_shared>>
      %dma_wait3A_133 = arith.constant 0 : i32
      %dma_wait3A_134 = tpu.memref_slice %arg13[%add3A_82, %dma_wait3A_133] : memref<10240x144xf32, #tpu.memory_space<vmem_shared>> -> memref<32x144xf32, #tpu.memory_space<vmem_shared>>
      tpu.wait_dma2 semaphore(%run_scoped3A_126 : memref<!tpu.dma_semaphore, #tpu.memory_space<semaphore_mem>>) src(%arg12 : memref<32x144xf32, #tpu.memory_space<vmem>>) dst(%dma_wait3A_134 : memref<32x144xf32, #tpu.memory_space<vmem_shared>>)
      tpu.yield
    }) : () -> ()
    %mul3A_83 = arith.constant 640 : i32
    %mul3A_84 = arith.muli %arg1, %mul3A_83 : i32
    %add3A_85 = arith.constant 512 : i32
    %add3A_86 = arith.addi %mul3A_84, %add3A_85 : i32
    "tpu.region"() ({
      %run_scoped3A_126 = tpu.sem_alloc : memref<!tpu.dma_semaphore, #tpu.memory_space<semaphore_mem>>
      %dma_start3A_127 = arith.constant 0 : i32
      %dma_start3A_128 = tpu.memref_slice %arg13[%add3A_86, %dma_start3A_127] : memref<10240x144xf32, #tpu.memory_space<vmem_shared>> -> memref<32x144xf32, #tpu.memory_space<vmem_shared>>
      %dma_start3A_129 = arith.constant 0 : i32
      %dma_start3A_130 = tpu.memref_slice %arg13[%add3A_86, %dma_start3A_129] : memref<10240x144xf32, #tpu.memory_space<vmem_shared>> -> memref<32x144xf32, #tpu.memory_space<vmem_shared>>
      tpu.enqueue_dma source(%arg12 : memref<32x144xf32, #tpu.memory_space<vmem>>) target(%dma_start3A_130 : memref<32x144xf32, #tpu.memory_space<vmem_shared>>) target_semaphore(%run_scoped3A_126 : memref<!tpu.dma_semaphore, #tpu.memory_space<semaphore_mem>>)
      %dma_wait3A_131 = arith.constant 0 : i32
      %dma_wait3A_132 = tpu.memref_slice %arg13[%add3A_86, %dma_wait3A_131] : memref<10240x144xf32, #tpu.memory_space<vmem_shared>> -> memref<32x144xf32, #tpu.memory_space<vmem_shared>>
      %dma_wait3A_133 = arith.constant 0 : i32
      %dma_wait3A_134 = tpu.memref_slice %arg13[%add3A_86, %dma_wait3A_133] : memref<10240x144xf32, #tpu.memory_space<vmem_shared>> -> memref<32x144xf32, #tpu.memory_space<vmem_shared>>
      tpu.wait_dma2 semaphore(%run_scoped3A_126 : memref<!tpu.dma_semaphore, #tpu.memory_space<semaphore_mem>>) src(%arg12 : memref<32x144xf32, #tpu.memory_space<vmem>>) dst(%dma_wait3A_134 : memref<32x144xf32, #tpu.memory_space<vmem_shared>>)
      tpu.yield
    }) : () -> ()
    %mul3A_87 = arith.constant 640 : i32
    %mul3A_88 = arith.muli %arg1, %mul3A_87 : i32
    %add3A_89 = arith.constant 544 : i32
    %add3A_90 = arith.addi %mul3A_88, %add3A_89 : i32
    "tpu.region"() ({
      %run_scoped3A_126 = tpu.sem_alloc : memref<!tpu.dma_semaphore, #tpu.memory_space<semaphore_mem>>
      %dma_start3A_127 = arith.constant 0 : i32
      %dma_start3A_128 = tpu.memref_slice %arg13[%add3A_90, %dma_start3A_127] : memref<10240x144xf32, #tpu.memory_space<vmem_shared>> -> memref<32x144xf32, #tpu.memory_space<vmem_shared>>
      %dma_start3A_129 = arith.constant 0 : i32
      %dma_start3A_130 = tpu.memref_slice %arg13[%add3A_90, %dma_start3A_129] : memref<10240x144xf32, #tpu.memory_space<vmem_shared>> -> memref<32x144xf32, #tpu.memory_space<vmem_shared>>
      tpu.enqueue_dma source(%arg12 : memref<32x144xf32, #tpu.memory_space<vmem>>) target(%dma_start3A_130 : memref<32x144xf32, #tpu.memory_space<vmem_shared>>) target_semaphore(%run_scoped3A_126 : memref<!tpu.dma_semaphore, #tpu.memory_space<semaphore_mem>>)
      %dma_wait3A_131 = arith.constant 0 : i32
      %dma_wait3A_132 = tpu.memref_slice %arg13[%add3A_90, %dma_wait3A_131] : memref<10240x144xf32, #tpu.memory_space<vmem_shared>> -> memref<32x144xf32, #tpu.memory_space<vmem_shared>>
      %dma_wait3A_133 = arith.constant 0 : i32
      %dma_wait3A_134 = tpu.memref_slice %arg13[%add3A_90, %dma_wait3A_133] : memref<10240x144xf32, #tpu.memory_space<vmem_shared>> -> memref<32x144xf32, #tpu.memory_space<vmem_shared>>
      tpu.wait_dma2 semaphore(%run_scoped3A_126 : memref<!tpu.dma_semaphore, #tpu.memory_space<semaphore_mem>>) src(%arg12 : memref<32x144xf32, #tpu.memory_space<vmem>>) dst(%dma_wait3A_134 : memref<32x144xf32, #tpu.memory_space<vmem_shared>>)
      tpu.yield
    }) : () -> ()
    %mul3A_91 = arith.constant 640 : i32
    %mul3A_92 = arith.muli %arg1, %mul3A_91 : i32
    %add3A_93 = arith.constant 576 : i32
    %add3A_94 = arith.addi %mul3A_92, %add3A_93 : i32
    "tpu.region"() ({
      %run_scoped3A_126 = tpu.sem_alloc : memref<!tpu.dma_semaphore, #tpu.memory_space<semaphore_mem>>
      %dma_start3A_127 = arith.constant 0 : i32
      %dma_start3A_128 = tpu.memref_slice %arg13[%add3A_94, %dma_start3A_127] : memref<10240x144xf32, #tpu.memory_space<vmem_shared>> -> memref<32x144xf32, #tpu.memory_space<vmem_shared>>
      %dma_start3A_129 = arith.constant 0 : i32
      %dma_start3A_130 = tpu.memref_slice %arg13[%add3A_94, %dma_start3A_129] : memref<10240x144xf32, #tpu.memory_space<vmem_shared>> -> memref<32x144xf32, #tpu.memory_space<vmem_shared>>
      tpu.enqueue_dma source(%arg12 : memref<32x144xf32, #tpu.memory_space<vmem>>) target(%dma_start3A_130 : memref<32x144xf32, #tpu.memory_space<vmem_shared>>) target_semaphore(%run_scoped3A_126 : memref<!tpu.dma_semaphore, #tpu.memory_space<semaphore_mem>>)
      %dma_wait3A_131 = arith.constant 0 : i32
      %dma_wait3A_132 = tpu.memref_slice %arg13[%add3A_94, %dma_wait3A_131] : memref<10240x144xf32, #tpu.memory_space<vmem_shared>> -> memref<32x144xf32, #tpu.memory_space<vmem_shared>>
      %dma_wait3A_133 = arith.constant 0 : i32
      %dma_wait3A_134 = tpu.memref_slice %arg13[%add3A_94, %dma_wait3A_133] : memref<10240x144xf32, #tpu.memory_space<vmem_shared>> -> memref<32x144xf32, #tpu.memory_space<vmem_shared>>
      tpu.wait_dma2 semaphore(%run_scoped3A_126 : memref<!tpu.dma_semaphore, #tpu.memory_space<semaphore_mem>>) src(%arg12 : memref<32x144xf32, #tpu.memory_space<vmem>>) dst(%dma_wait3A_134 : memref<32x144xf32, #tpu.memory_space<vmem_shared>>)
      tpu.yield
    }) : () -> ()
    %mul3A_95 = arith.constant 640 : i32
    %mul3A_96 = arith.muli %arg1, %mul3A_95 : i32
    %add3A_97 = arith.constant 608 : i32
    %add3A_98 = arith.addi %mul3A_96, %add3A_97 : i32
    "tpu.region"() ({
      %run_scoped3A_126 = tpu.sem_alloc : memref<!tpu.dma_semaphore, #tpu.memory_space<semaphore_mem>>
      %dma_start3A_127 = arith.constant 0 : i32
      %dma_start3A_128 = tpu.memref_slice %arg13[%add3A_98, %dma_start3A_127] : memref<10240x144xf32, #tpu.memory_space<vmem_shared>> -> memref<32x144xf32, #tpu.memory_space<vmem_shared>>
      %dma_start3A_129 = arith.constant 0 : i32
      %dma_start3A_130 = tpu.memref_slice %arg13[%add3A_98, %dma_start3A_129] : memref<10240x144xf32, #tpu.memory_space<vmem_shared>> -> memref<32x144xf32, #tpu.memory_space<vmem_shared>>
      tpu.enqueue_dma source(%arg12 : memref<32x144xf32, #tpu.memory_space<vmem>>) target(%dma_start3A_130 : memref<32x144xf32, #tpu.memory_space<vmem_shared>>) target_semaphore(%run_scoped3A_126 : memref<!tpu.dma_semaphore, #tpu.memory_space<semaphore_mem>>)
      %dma_wait3A_131 = arith.constant 0 : i32
      %dma_wait3A_132 = tpu.memref_slice %arg13[%add3A_98, %dma_wait3A_131] : memref<10240x144xf32, #tpu.memory_space<vmem_shared>> -> memref<32x144xf32, #tpu.memory_space<vmem_shared>>
      %dma_wait3A_133 = arith.constant 0 : i32
      %dma_wait3A_134 = tpu.memref_slice %arg13[%add3A_98, %dma_wait3A_133] : memref<10240x144xf32, #tpu.memory_space<vmem_shared>> -> memref<32x144xf32, #tpu.memory_space<vmem_shared>>
      tpu.wait_dma2 semaphore(%run_scoped3A_126 : memref<!tpu.dma_semaphore, #tpu.memory_space<semaphore_mem>>) src(%arg12 : memref<32x144xf32, #tpu.memory_space<vmem>>) dst(%dma_wait3A_134 : memref<32x144xf32, #tpu.memory_space<vmem_shared>>)
      tpu.yield
    }) : () -> ()
    %barrier3A = arith.constant 0 : index
    tpu.barrier barrier_id(%barrier3A)
    %iota3A = tpu.iota {dimensions = array<i32: 0>} : vector<16xi32>
    %scan3A_99 = arith.constant 0 : i32
    %scan3A_100 = arith.constant 0 : i32
    %scan3A_101 = arith.constant 62 : i32
    %scan3A_102 = arith.addi %scan3A_100, %scan3A_101 : i32
    %scan3A_103 = arith.constant 1 : i32
    scf.for %scan3A_126 = %scan3A_100 to %scan3A_102 step %scan3A_103  : i32 {
      %mul3A_127 = arith.constant 2 : i32
      %mul3A_128 = arith.muli %mul3A_127, %scan3A_126 : i32
      %add3A_129 = arith.constant 1 : i32
      %add3A_130 = arith.addi %mul3A_128, %add3A_129 : i32
      "tpu.region"() ({
        %run_scoped3A_197 = tpu.sem_alloc : memref<!tpu.dma_semaphore, #tpu.memory_space<semaphore_mem>>
        %dma_start3A_198 = arith.constant 0 : i32
        %dma_start3A_199 = arith.constant 0 : i32
        %dma_start3A_200 = tpu.memref_slice %arg4[%add3A, %add3A_130, %dma_start3A_198, %dma_start3A_199] : memref<32x125x2x80xi32, #tpu.memory_space<hbm>> -> memref<1x1x2x80xi32, #tpu.memory_space<hbm>>
        %dma_start3A_201 = tpu.memref_squeeze %dma_start3A_200 : memref<1x1x2x80xi32, #tpu.memory_space<hbm>> -> memref<2x80xi32, #tpu.memory_space<hbm>>
        %dma_start3A_202 = arith.constant 0 : i32
        %dma_start3A_203 = arith.constant 0 : i32
        %dma_start3A_204 = tpu.memref_slice %arg4[%add3A, %add3A_130, %dma_start3A_202, %dma_start3A_203] : memref<32x125x2x80xi32, #tpu.memory_space<hbm>> -> memref<1x1x2x80xi32, #tpu.memory_space<hbm>>
        %dma_start3A_205 = tpu.memref_squeeze %dma_start3A_204 : memref<1x1x2x80xi32, #tpu.memory_space<hbm>> -> memref<2x80xi32, #tpu.memory_space<hbm>>
        tpu.enqueue_dma source(%dma_start3A_205 : memref<2x80xi32, #tpu.memory_space<hbm>>) target(%arg7 : memref<2x80xi32, #tpu.memory_space<vmem>>) target_semaphore(%run_scoped3A_197 : memref<!tpu.dma_semaphore, #tpu.memory_space<semaphore_mem>>)
        %dma_wait3A_206 = arith.constant 0 : i32
        %dma_wait3A_207 = arith.constant 0 : i32
        %dma_wait3A_208 = tpu.memref_slice %arg4[%add3A, %add3A_130, %dma_wait3A_206, %dma_wait3A_207] : memref<32x125x2x80xi32, #tpu.memory_space<hbm>> -> memref<1x1x2x80xi32, #tpu.memory_space<hbm>>
        %dma_wait3A_209 = tpu.memref_squeeze %dma_wait3A_208 : memref<1x1x2x80xi32, #tpu.memory_space<hbm>> -> memref<2x80xi32, #tpu.memory_space<hbm>>
        %dma_wait3A_210 = arith.constant 0 : i32
        %dma_wait3A_211 = arith.constant 0 : i32
        %dma_wait3A_212 = tpu.memref_slice %arg4[%add3A, %add3A_130, %dma_wait3A_210, %dma_wait3A_211] : memref<32x125x2x80xi32, #tpu.memory_space<hbm>> -> memref<1x1x2x80xi32, #tpu.memory_space<hbm>>
        %dma_wait3A_213 = tpu.memref_squeeze %dma_wait3A_212 : memref<1x1x2x80xi32, #tpu.memory_space<hbm>> -> memref<2x80xi32, #tpu.memory_space<hbm>>
        tpu.wait_dma2 semaphore(%run_scoped3A_197 : memref<!tpu.dma_semaphore, #tpu.memory_space<semaphore_mem>>) src(%dma_wait3A_213 : memref<2x80xi32, #tpu.memory_space<hbm>>) dst(%arg7 : memref<2x80xi32, #tpu.memory_space<vmem>>)
        tpu.yield
      }) : () -> ()
      %dma_start3A_131 = arith.constant 0 : i32
      %dma_start3A_132 = arith.constant 0 : i32
      %dma_start3A_133 = tpu.memref_slice %arg7[%dma_start3A_131, %dma_start3A_132] : memref<2x80xi32, #tpu.memory_space<vmem>> -> memref<1x80xi32, #tpu.memory_space<vmem>>
      %dma_start3A_134 = tpu.memref_squeeze %dma_start3A_133 : memref<1x80xi32, #tpu.memory_space<vmem>> -> memref<80xi32, #tpu.memory_space<vmem>>
      %dma_start3A_135 = arith.constant 0 : i32
      %dma_start3A_136 = arith.constant 0 : i32
      %dma_start3A_137 = tpu.memref_slice %arg2[%dma_start3A_135, %dma_start3A_136] : memref<10000x144xf32, #tpu.memory_space<hbm>> -> memref<10000x144xf32, #tpu.memory_space<hbm>>
      tpu.enqueue_indirect_dma source(%dma_start3A_137 : memref<10000x144xf32, #tpu.memory_space<hbm>>) target(%arg9 : memref<80x144xf32, #tpu.memory_space<vmem>>) offsets(%dma_start3A_134 : memref<80xi32, #tpu.memory_space<vmem>>) semaphore(%arg15 : memref<!tpu.dma_semaphore, #tpu.memory_space<semaphore_mem>>)
      %dma_start3A_138 = arith.constant 1 : i32
      %dma_start3A_139 = arith.constant 0 : i32
      %dma_start3A_140 = tpu.memref_slice %arg7[%dma_start3A_138, %dma_start3A_139] : memref<2x80xi32, #tpu.memory_space<vmem>> -> memref<1x80xi32, #tpu.memory_space<vmem>>
      %dma_start3A_141 = tpu.memref_squeeze %dma_start3A_140 : memref<1x80xi32, #tpu.memory_space<vmem>> -> memref<80xi32, #tpu.memory_space<vmem>>
      %dma_start3A_142 = arith.constant 0 : i32
      %dma_start3A_143 = arith.constant 0 : i32
      %dma_start3A_144 = tpu.memref_slice %arg3[%dma_start3A_142, %dma_start3A_143] : memref<10000x16xf32, #tpu.memory_space<hbm>> -> memref<10000x16xf32, #tpu.memory_space<hbm>>
      tpu.enqueue_indirect_dma source(%dma_start3A_144 : memref<10000x16xf32, #tpu.memory_space<hbm>>) target(%arg11 : memref<80x16xf32, #tpu.memory_space<vmem>>) offsets(%dma_start3A_141 : memref<80xi32, #tpu.memory_space<vmem>>) semaphore(%arg15 : memref<!tpu.dma_semaphore, #tpu.memory_space<semaphore_mem>>)
      %dma_wait3A_145 = arith.constant 0 : i32
      %dma_wait3A_146 = arith.constant 0 : i32
      %dma_wait3A_147 = tpu.memref_slice %arg6[%dma_wait3A_145, %dma_wait3A_146] : memref<2x80xi32, #tpu.memory_space<vmem>> -> memref<1x80xi32, #tpu.memory_space<vmem>>
      %dma_wait3A_148 = tpu.memref_squeeze %dma_wait3A_147 : memref<1x80xi32, #tpu.memory_space<vmem>> -> memref<80xi32, #tpu.memory_space<vmem>>
      %dma_wait3A_149 = arith.constant 0 : i32
      %dma_wait3A_150 = arith.constant 0 : i32
      %dma_wait3A_151 = tpu.memref_slice %arg2[%dma_wait3A_149, %dma_wait3A_150] : memref<10000x144xf32, #tpu.memory_space<hbm>> -> memref<10000x144xf32, #tpu.memory_space<hbm>>
      tpu.wait_indirect_dma semaphore(%arg14 : memref<!tpu.dma_semaphore, #tpu.memory_space<semaphore_mem>>) src(%dma_wait3A_151 : memref<10000x144xf32, #tpu.memory_space<hbm>>) dst(%arg8 : memref<80x144xf32, #tpu.memory_space<vmem>>)
      %dma_wait3A_152 = arith.constant 1 : i32
      %dma_wait3A_153 = arith.constant 0 : i32
      %dma_wait3A_154 = tpu.memref_slice %arg6[%dma_wait3A_152, %dma_wait3A_153] : memref<2x80xi32, #tpu.memory_space<vmem>> -> memref<1x80xi32, #tpu.memory_space<vmem>>
      %dma_wait3A_155 = tpu.memref_squeeze %dma_wait3A_154 : memref<1x80xi32, #tpu.memory_space<vmem>> -> memref<80xi32, #tpu.memory_space<vmem>>
      %dma_wait3A_156 = arith.constant 0 : i32
      %dma_wait3A_157 = arith.constant 0 : i32
      %dma_wait3A_158 = tpu.memref_slice %arg3[%dma_wait3A_156, %dma_wait3A_157] : memref<10000x16xf32, #tpu.memory_space<hbm>> -> memref<10000x16xf32, #tpu.memory_space<hbm>>
      tpu.wait_indirect_dma semaphore(%arg14 : memref<!tpu.dma_semaphore, #tpu.memory_space<semaphore_mem>>) src(%dma_wait3A_158 : memref<10000x16xf32, #tpu.memory_space<hbm>>) dst(%arg10 : memref<80x16xf32, #tpu.memory_space<vmem>>)
      %parallel_loop3A_159 = arith.constant 0 : i32
      %parallel_loop3A_160 = arith.constant 80 : i32
      %parallel_loop3A_161 = arith.constant 1 : i32
      scf.for %parallel_loop3A_197 = %parallel_loop3A_159 to %parallel_loop3A_160 step %parallel_loop3A_161  : i32 {
        %parallel_loop3A_198 = arith.index_cast %parallel_loop3A_197 : i32 to index
        %parallel_loop3A_199 = arith.constant 0 : index
        %parallel_loop3A_200 = tpu.vector_load %arg8[%parallel_loop3A_198, %parallel_loop3A_199] {strides = array<i32>} : memref<80x144xf32, #tpu.memory_space<vmem>>, vector<1x16xf32>,
        %parallel_loop3A_201 = vector.shape_cast %parallel_loop3A_200 : vector<1x16xf32> to vector<16xf32>
        %parallel_loop3A_202 = arith.index_cast %parallel_loop3A_197 : i32 to index
        %parallel_loop3A_203 = arith.constant 16 : index
        %parallel_loop3A_204 = tpu.vector_load %arg8[%parallel_loop3A_202, %parallel_loop3A_203] {strides = array<i32>} : memref<80x144xf32, #tpu.memory_space<vmem>>, vector<1x16xf32>,
        %parallel_loop3A_205 = vector.shape_cast %parallel_loop3A_204 : vector<1x16xf32> to vector<16xf32>
        %parallel_loop3A_206 = arith.index_cast %parallel_loop3A_197 : i32 to index
        %parallel_loop3A_207 = arith.constant 32 : index
        %parallel_loop3A_208 = tpu.vector_load %arg8[%parallel_loop3A_206, %parallel_loop3A_207] {strides = array<i32>} : memref<80x144xf32, #tpu.memory_space<vmem>>, vector<1x16xf32>,
        %parallel_loop3A_209 = vector.shape_cast %parallel_loop3A_208 : vector<1x16xf32> to vector<16xf32>
        %parallel_loop3A_210 = arith.index_cast %parallel_loop3A_197 : i32 to index
        %parallel_loop3A_211 = arith.constant 48 : index
        %parallel_loop3A_212 = tpu.vector_load %arg8[%parallel_loop3A_210, %parallel_loop3A_211] {strides = array<i32>} : memref<80x144xf32, #tpu.memory_space<vmem>>, vector<1x16xf32>,
        %parallel_loop3A_213 = vector.shape_cast %parallel_loop3A_212 : vector<1x16xf32> to vector<16xf32>
        %parallel_loop3A_214 = arith.index_cast %parallel_loop3A_197 : i32 to index
        %parallel_loop3A_215 = arith.constant 64 : index
        %parallel_loop3A_216 = tpu.vector_load %arg8[%parallel_loop3A_214, %parallel_loop3A_215] {strides = array<i32>} : memref<80x144xf32, #tpu.memory_space<vmem>>, vector<1x16xf32>,
        %parallel_loop3A_217 = vector.shape_cast %parallel_loop3A_216 : vector<1x16xf32> to vector<16xf32>
        %parallel_loop3A_218 = arith.index_cast %parallel_loop3A_197 : i32 to index
        %parallel_loop3A_219 = arith.constant 80 : index
        %parallel_loop3A_220 = tpu.vector_load %arg8[%parallel_loop3A_218, %parallel_loop3A_219] {strides = array<i32>} : memref<80x144xf32, #tpu.memory_space<vmem>>, vector<1x16xf32>,
        %parallel_loop3A_221 = vector.shape_cast %parallel_loop3A_220 : vector<1x16xf32> to vector<16xf32>
        %parallel_loop3A_222 = arith.index_cast %parallel_loop3A_197 : i32 to index
        %parallel_loop3A_223 = arith.constant 96 : index
        %parallel_loop3A_224 = tpu.vector_load %arg8[%parallel_loop3A_222, %parallel_loop3A_223] {strides = array<i32>} : memref<80x144xf32, #tpu.memory_space<vmem>>, vector<1x16xf32>,
        %parallel_loop3A_225 = vector.shape_cast %parallel_loop3A_224 : vector<1x16xf32> to vector<16xf32>
        %parallel_loop3A_226 = arith.index_cast %parallel_loop3A_197 : i32 to index
        %parallel_loop3A_227 = arith.constant 112 : index
        %parallel_loop3A_228 = tpu.vector_load %arg8[%parallel_loop3A_226, %parallel_loop3A_227] {strides = array<i32>} : memref<80x144xf32, #tpu.memory_space<vmem>>, vector<1x16xf32>,
        %parallel_loop3A_229 = vector.shape_cast %parallel_loop3A_228 : vector<1x16xf32> to vector<16xf32>
        %parallel_loop3A_230 = arith.index_cast %parallel_loop3A_197 : i32 to index
        %parallel_loop3A_231 = arith.constant 128 : index
        %parallel_loop3A_232 = tpu.vector_load %arg8[%parallel_loop3A_230, %parallel_loop3A_231] {strides = array<i32>} : memref<80x144xf32, #tpu.memory_space<vmem>>, vector<1x16xf32>,
        %parallel_loop3A_233 = vector.shape_cast %parallel_loop3A_232 : vector<1x16xf32> to vector<16xf32>
        %parallel_loop3A_234 = arith.index_cast %parallel_loop3A_197 : i32 to index
        %parallel_loop3A_235 = arith.constant 0 : index
        %parallel_loop3A_236 = tpu.vector_load %arg10[%parallel_loop3A_234, %parallel_loop3A_235] {strides = array<i32>} : memref<80x16xf32, #tpu.memory_space<vmem>>, vector<1x16xf32>,
        %parallel_loop3A_237 = vector.shape_cast %parallel_loop3A_236 : vector<1x16xf32> to vector<16xf32>
        %parallel_loop3A_238 = arith.addf %parallel_loop3A_233, %parallel_loop3A_237 : vector<16xf32>
        %parallel_loop3A_239 = arith.constant 0.000000e+00 : f32
        %parallel_loop3A_240 = vector.broadcast %parallel_loop3A_239 : f32 to vector<16xf32>
        %parallel_loop3A_241 = arith.cmpf ogt, %parallel_loop3A_238, %parallel_loop3A_240 : vector<16xf32>
        %parallel_loop3A_242 = arith.constant 2.000000e-01 : f32
        %parallel_loop3A_243 = vector.broadcast %parallel_loop3A_242 : f32 to vector<16xf32>
        %parallel_loop3A_244 = arith.mulf %parallel_loop3A_243, %parallel_loop3A_238 : vector<16xf32>
        %parallel_loop3A_245 = arith.select %parallel_loop3A_241, %parallel_loop3A_238, %parallel_loop3A_244 : vector<16xi1>, vector<16xf32>
        %parallel_loop3A_246 = math.exp %parallel_loop3A_245 : vector<16xf32>
        %parallel_loop3A_247 = arith.constant 8 : i32
        %parallel_loop3A_248 = vector.broadcast %parallel_loop3A_247 : i32 to vector<16xi32>
        %parallel_loop3A_249 = arith.cmpi slt, %iota3A, %parallel_loop3A_248 : vector<16xi32>
        %parallel_loop3A_250 = arith.constant 0.000000e+00 : f32
        %parallel_loop3A_251 = vector.broadcast %parallel_loop3A_250 : f32 to vector<16xf32>
        %parallel_loop3A_252 = arith.select %parallel_loop3A_249, %parallel_loop3A_246, %parallel_loop3A_251 : vector<16xi1>, vector<16xf32>
        %parallel_loop3A_253 = arith.index_cast %parallel_loop3A_197 : i32 to index
        %parallel_loop3A_254 = arith.constant 128 : index
        %parallel_loop3A_255 = tpu.vector_load %arg8[%parallel_loop3A_253, %parallel_loop3A_254] {strides = array<i32>} : memref<80x144xf32, #tpu.memory_space<vmem>>, vector<1x16xf32>,
        %parallel_loop3A_256 = vector.shape_cast %parallel_loop3A_255 : vector<1x16xf32> to vector<16xf32>
        %parallel_loop3A_257 = vector.shape_cast %parallel_loop3A_252 : vector<16xf32> to vector<1x16xf32>
        tpu.vector_store %arg8[%parallel_loop3A_253, %parallel_loop3A_254], %parallel_loop3A_257 {strides = array<i32>} : memref<80x144xf32, #tpu.memory_space<vmem>>, vector<1x16xf32>,
        %parallel_loop3A_258 = arith.constant 0 : i32
        %parallel_loop3A_259 = vector.broadcast %parallel_loop3A_258 : i32 to vector<16x1xi32>
        %parallel_loop3A_260 = vector.shape_cast %parallel_loop3A_259 : vector<16x1xi32> to vector<16xi32>
        %parallel_loop3A_261 = tpu.dynamic_gather %parallel_loop3A_252[%parallel_loop3A_260] in [0] : vector<16xf32>, vector<16xi32> -> vector<16xf32>
        %parallel_loop3A_262 = arith.mulf %parallel_loop3A_201, %parallel_loop3A_261 : vector<16xf32>
        %parallel_loop3A_263 = arith.index_cast %parallel_loop3A_197 : i32 to index
        %parallel_loop3A_264 = arith.constant 0 : index
        %parallel_loop3A_265 = tpu.vector_load %arg8[%parallel_loop3A_263, %parallel_loop3A_264] {strides = array<i32>} : memref<80x144xf32, #tpu.memory_space<vmem>>, vector<1x16xf32>,
        %parallel_loop3A_266 = vector.shape_cast %parallel_loop3A_265 : vector<1x16xf32> to vector<16xf32>
        %parallel_loop3A_267 = vector.shape_cast %parallel_loop3A_262 : vector<16xf32> to vector<1x16xf32>
        tpu.vector_store %arg8[%parallel_loop3A_263, %parallel_loop3A_264], %parallel_loop3A_267 {strides = array<i32>} : memref<80x144xf32, #tpu.memory_space<vmem>>, vector<1x16xf32>,
        %parallel_loop3A_268 = arith.constant 1 : i32
        %parallel_loop3A_269 = vector.broadcast %parallel_loop3A_268 : i32 to vector<16x1xi32>
        %parallel_loop3A_270 = vector.shape_cast %parallel_loop3A_269 : vector<16x1xi32> to vector<16xi32>
        %parallel_loop3A_271 = tpu.dynamic_gather %parallel_loop3A_252[%parallel_loop3A_270] in [0] : vector<16xf32>, vector<16xi32> -> vector<16xf32>
        %parallel_loop3A_272 = arith.mulf %parallel_loop3A_205, %parallel_loop3A_271 : vector<16xf32>
        %parallel_loop3A_273 = arith.index_cast %parallel_loop3A_197 : i32 to index
        %parallel_loop3A_274 = arith.constant 16 : index
        %parallel_loop3A_275 = tpu.vector_load %arg8[%parallel_loop3A_273, %parallel_loop3A_274] {strides = array<i32>} : memref<80x144xf32, #tpu.memory_space<vmem>>, vector<1x16xf32>,
        %parallel_loop3A_276 = vector.shape_cast %parallel_loop3A_275 : vector<1x16xf32> to vector<16xf32>
        %parallel_loop3A_277 = vector.shape_cast %parallel_loop3A_272 : vector<16xf32> to vector<1x16xf32>
        tpu.vector_store %arg8[%parallel_loop3A_273, %parallel_loop3A_274], %parallel_loop3A_277 {strides = array<i32>} : memref<80x144xf32, #tpu.memory_space<vmem>>, vector<1x16xf32>,
        %parallel_loop3A_278 = arith.constant 2 : i32
        %parallel_loop3A_279 = vector.broadcast %parallel_loop3A_278 : i32 to vector<16x1xi32>
        %parallel_loop3A_280 = vector.shape_cast %parallel_loop3A_279 : vector<16x1xi32> to vector<16xi32>
        %parallel_loop3A_281 = tpu.dynamic_gather %parallel_loop3A_252[%parallel_loop3A_280] in [0] : vector<16xf32>, vector<16xi32> -> vector<16xf32>
        %parallel_loop3A_282 = arith.mulf %parallel_loop3A_209, %parallel_loop3A_281 : vector<16xf32>
        %parallel_loop3A_283 = arith.index_cast %parallel_loop3A_197 : i32 to index
        %parallel_loop3A_284 = arith.constant 32 : index
        %parallel_loop3A_285 = tpu.vector_load %arg8[%parallel_loop3A_283, %parallel_loop3A_284] {strides = array<i32>} : memref<80x144xf32, #tpu.memory_space<vmem>>, vector<1x16xf32>,
        %parallel_loop3A_286 = vector.shape_cast %parallel_loop3A_285 : vector<1x16xf32> to vector<16xf32>
        %parallel_loop3A_287 = vector.shape_cast %parallel_loop3A_282 : vector<16xf32> to vector<1x16xf32>
        tpu.vector_store %arg8[%parallel_loop3A_283, %parallel_loop3A_284], %parallel_loop3A_287 {strides = array<i32>} : memref<80x144xf32, #tpu.memory_space<vmem>>, vector<1x16xf32>,
        %parallel_loop3A_288 = arith.constant 3 : i32
        %parallel_loop3A_289 = vector.broadcast %parallel_loop3A_288 : i32 to vector<16x1xi32>
        %parallel_loop3A_290 = vector.shape_cast %parallel_loop3A_289 : vector<16x1xi32> to vector<16xi32>
        %parallel_loop3A_291 = tpu.dynamic_gather %parallel_loop3A_252[%parallel_loop3A_290] in [0] : vector<16xf32>, vector<16xi32> -> vector<16xf32>
        %parallel_loop3A_292 = arith.mulf %parallel_loop3A_213, %parallel_loop3A_291 : vector<16xf32>
        %parallel_loop3A_293 = arith.index_cast %parallel_loop3A_197 : i32 to index
        %parallel_loop3A_294 = arith.constant 48 : index
        %parallel_loop3A_295 = tpu.vector_load %arg8[%parallel_loop3A_293, %parallel_loop3A_294] {strides = array<i32>} : memref<80x144xf32, #tpu.memory_space<vmem>>, vector<1x16xf32>,
        %parallel_loop3A_296 = vector.shape_cast %parallel_loop3A_295 : vector<1x16xf32> to vector<16xf32>
        %parallel_loop3A_297 = vector.shape_cast %parallel_loop3A_292 : vector<16xf32> to vector<1x16xf32>
        tpu.vector_store %arg8[%parallel_loop3A_293, %parallel_loop3A_294], %parallel_loop3A_297 {strides = array<i32>} : memref<80x144xf32, #tpu.memory_space<vmem>>, vector<1x16xf32>,
        %parallel_loop3A_298 = arith.constant 4 : i32
        %parallel_loop3A_299 = vector.broadcast %parallel_loop3A_298 : i32 to vector<16x1xi32>
        %parallel_loop3A_300 = vector.shape_cast %parallel_loop3A_299 : vector<16x1xi32> to vector<16xi32>
        %parallel_loop3A_301 = tpu.dynamic_gather %parallel_loop3A_252[%parallel_loop3A_300] in [0] : vector<16xf32>, vector<16xi32> -> vector<16xf32>
        %parallel_loop3A_302 = arith.mulf %parallel_loop3A_217, %parallel_loop3A_301 : vector<16xf32>
        %parallel_loop3A_303 = arith.index_cast %parallel_loop3A_197 : i32 to index
        %parallel_loop3A_304 = arith.constant 64 : index
        %parallel_loop3A_305 = tpu.vector_load %arg8[%parallel_loop3A_303, %parallel_loop3A_304] {strides = array<i32>} : memref<80x144xf32, #tpu.memory_space<vmem>>, vector<1x16xf32>,
        %parallel_loop3A_306 = vector.shape_cast %parallel_loop3A_305 : vector<1x16xf32> to vector<16xf32>
        %parallel_loop3A_307 = vector.shape_cast %parallel_loop3A_302 : vector<16xf32> to vector<1x16xf32>
        tpu.vector_store %arg8[%parallel_loop3A_303, %parallel_loop3A_304], %parallel_loop3A_307 {strides = array<i32>} : memref<80x144xf32, #tpu.memory_space<vmem>>, vector<1x16xf32>,
        %parallel_loop3A_308 = arith.constant 5 : i32
        %parallel_loop3A_309 = vector.broadcast %parallel_loop3A_308 : i32 to vector<16x1xi32>
        %parallel_loop3A_310 = vector.shape_cast %parallel_loop3A_309 : vector<16x1xi32> to vector<16xi32>
        %parallel_loop3A_311 = tpu.dynamic_gather %parallel_loop3A_252[%parallel_loop3A_310] in [0] : vector<16xf32>, vector<16xi32> -> vector<16xf32>
        %parallel_loop3A_312 = arith.mulf %parallel_loop3A_221, %parallel_loop3A_311 : vector<16xf32>
        %parallel_loop3A_313 = arith.index_cast %parallel_loop3A_197 : i32 to index
        %parallel_loop3A_314 = arith.constant 80 : index
        %parallel_loop3A_315 = tpu.vector_load %arg8[%parallel_loop3A_313, %parallel_loop3A_314] {strides = array<i32>} : memref<80x144xf32, #tpu.memory_space<vmem>>, vector<1x16xf32>,
        %parallel_loop3A_316 = vector.shape_cast %parallel_loop3A_315 : vector<1x16xf32> to vector<16xf32>
        %parallel_loop3A_317 = vector.shape_cast %parallel_loop3A_312 : vector<16xf32> to vector<1x16xf32>
        tpu.vector_store %arg8[%parallel_loop3A_313, %parallel_loop3A_314], %parallel_loop3A_317 {strides = array<i32>} : memref<80x144xf32, #tpu.memory_space<vmem>>, vector<1x16xf32>,
        %parallel_loop3A_318 = arith.constant 6 : i32
        %parallel_loop3A_319 = vector.broadcast %parallel_loop3A_318 : i32 to vector<16x1xi32>
        %parallel_loop3A_320 = vector.shape_cast %parallel_loop3A_319 : vector<16x1xi32> to vector<16xi32>
        %parallel_loop3A_321 = tpu.dynamic_gather %parallel_loop3A_252[%parallel_loop3A_320] in [0] : vector<16xf32>, vector<16xi32> -> vector<16xf32>
        %parallel_loop3A_322 = arith.mulf %parallel_loop3A_225, %parallel_loop3A_321 : vector<16xf32>
        %parallel_loop3A_323 = arith.index_cast %parallel_loop3A_197 : i32 to index
        %parallel_loop3A_324 = arith.constant 96 : index
        %parallel_loop3A_325 = tpu.vector_load %arg8[%parallel_loop3A_323, %parallel_loop3A_324] {strides = array<i32>} : memref<80x144xf32, #tpu.memory_space<vmem>>, vector<1x16xf32>,
        %parallel_loop3A_326 = vector.shape_cast %parallel_loop3A_325 : vector<1x16xf32> to vector<16xf32>
        %parallel_loop3A_327 = vector.shape_cast %parallel_loop3A_322 : vector<16xf32> to vector<1x16xf32>
        tpu.vector_store %arg8[%parallel_loop3A_323, %parallel_loop3A_324], %parallel_loop3A_327 {strides = array<i32>} : memref<80x144xf32, #tpu.memory_space<vmem>>, vector<1x16xf32>,
        %parallel_loop3A_328 = arith.constant 7 : i32
        %parallel_loop3A_329 = vector.broadcast %parallel_loop3A_328 : i32 to vector<16x1xi32>
        %parallel_loop3A_330 = vector.shape_cast %parallel_loop3A_329 : vector<16x1xi32> to vector<16xi32>
        %parallel_loop3A_331 = tpu.dynamic_gather %parallel_loop3A_252[%parallel_loop3A_330] in [0] : vector<16xf32>, vector<16xi32> -> vector<16xf32>
        %parallel_loop3A_332 = arith.mulf %parallel_loop3A_229, %parallel_loop3A_331 : vector<16xf32>
        %parallel_loop3A_333 = arith.index_cast %parallel_loop3A_197 : i32 to index
        %parallel_loop3A_334 = arith.constant 112 : index
        %parallel_loop3A_335 = tpu.vector_load %arg8[%parallel_loop3A_333, %parallel_loop3A_334] {strides = array<i32>} : memref<80x144xf32, #tpu.memory_space<vmem>>, vector<1x16xf32>,
        %parallel_loop3A_336 = vector.shape_cast %parallel_loop3A_335 : vector<1x16xf32> to vector<16xf32>
        %parallel_loop3A_337 = vector.shape_cast %parallel_loop3A_332 : vector<16xf32> to vector<1x16xf32>
        tpu.vector_store %arg8[%parallel_loop3A_333, %parallel_loop3A_334], %parallel_loop3A_337 {strides = array<i32>} : memref<80x144xf32, #tpu.memory_space<vmem>>, vector<1x16xf32>,
      } {sc.loop_unroll_factor = 4 : i64, sc.parallel_access}
      %run_scoped3A_162 = arith.constant 1 : i32
      "tpu.region"() ({
        %run_scoped3A_197 = tpu.sem_alloc : memref<!tpu.dma_semaphore, #tpu.memory_space<semaphore_mem>>
        %dma_start3A_198 = arith.constant 0 : i32
        %dma_start3A_199 = tpu.memref_slice %arg6[%run_scoped3A_162, %dma_start3A_198] : memref<2x80xi32, #tpu.memory_space<vmem>> -> memref<1x80xi32, #tpu.memory_space<vmem>>
        %dma_start3A_200 = tpu.memref_squeeze %dma_start3A_199 : memref<1x80xi32, #tpu.memory_space<vmem>> -> memref<80xi32, #tpu.memory_space<vmem>>
        %dma_start3A_201 = arith.constant 0 : i32
        %dma_start3A_202 = arith.constant 0 : i32
        %dma_start3A_203 = tpu.memref_slice %arg13[%dma_start3A_201, %dma_start3A_202] : memref<10240x144xf32, #tpu.memory_space<vmem_shared>> -> memref<10240x144xf32, #tpu.memory_space<vmem_shared>>
        tpu.enqueue_indirect_dma source(%arg8 : memref<80x144xf32, #tpu.memory_space<vmem>>) target(%dma_start3A_203 : memref<10240x144xf32, #tpu.memory_space<vmem_shared>>) offsets(%dma_start3A_200 : memref<80xi32, #tpu.memory_space<vmem>>) semaphore(%run_scoped3A_197 : memref<!tpu.dma_semaphore, #tpu.memory_space<semaphore_mem>>) {add = true}
        %dma_wait3A_204 = arith.constant 0 : i32
        %dma_wait3A_205 = tpu.memref_slice %arg6[%run_scoped3A_162, %dma_wait3A_204] : memref<2x80xi32, #tpu.memory_space<vmem>> -> memref<1x80xi32, #tpu.memory_space<vmem>>
        %dma_wait3A_206 = tpu.memref_squeeze %dma_wait3A_205 : memref<1x80xi32, #tpu.memory_space<vmem>> -> memref<80xi32, #tpu.memory_space<vmem>>
        %dma_wait3A_207 = arith.constant 0 : i32
        %dma_wait3A_208 = arith.constant 0 : i32
        %dma_wait3A_209 = tpu.memref_slice %arg13[%dma_wait3A_207, %dma_wait3A_208] : memref<10240x144xf32, #tpu.memory_space<vmem_shared>> -> memref<10240x144xf32, #tpu.memory_space<vmem_shared>>
        tpu.wait_indirect_dma semaphore(%run_scoped3A_197 : memref<!tpu.dma_semaphore, #tpu.memory_space<semaphore_mem>>) src(%arg8 : memref<80x144xf32, #tpu.memory_space<vmem>>) dst(%dma_wait3A_209 : memref<10240x144xf32, #tpu.memory_space<vmem_shared>>)
        tpu.yield
      }) : () -> ()
      %add3A_163 = arith.constant 2 : i32
      %add3A_164 = arith.addi %mul3A_128, %add3A_163 : i32
      "tpu.region"() ({
        %run_scoped3A_197 = tpu.sem_alloc : memref<!tpu.dma_semaphore, #tpu.memory_space<semaphore_mem>>
        %dma_start3A_198 = arith.constant 0 : i32
        %dma_start3A_199 = arith.constant 0 : i32
        %dma_start3A_200 = tpu.memref_slice %arg4[%add3A, %add3A_164, %dma_start3A_198, %dma_start3A_199] : memref<32x125x2x80xi32, #tpu.memory_space<hbm>> -> memref<1x1x2x80xi32, #tpu.memory_space<hbm>>
        %dma_start3A_201 = tpu.memref_squeeze %dma_start3A_200 : memref<1x1x2x80xi32, #tpu.memory_space<hbm>> -> memref<2x80xi32, #tpu.memory_space<hbm>>
        %dma_start3A_202 = arith.constant 0 : i32
        %dma_start3A_203 = arith.constant 0 : i32
        %dma_start3A_204 = tpu.memref_slice %arg4[%add3A, %add3A_164, %dma_start3A_202, %dma_start3A_203] : memref<32x125x2x80xi32, #tpu.memory_space<hbm>> -> memref<1x1x2x80xi32, #tpu.memory_space<hbm>>
        %dma_start3A_205 = tpu.memref_squeeze %dma_start3A_204 : memref<1x1x2x80xi32, #tpu.memory_space<hbm>> -> memref<2x80xi32, #tpu.memory_space<hbm>>
        tpu.enqueue_dma source(%dma_start3A_205 : memref<2x80xi32, #tpu.memory_space<hbm>>) target(%arg6 : memref<2x80xi32, #tpu.memory_space<vmem>>) target_semaphore(%run_scoped3A_197 : memref<!tpu.dma_semaphore, #tpu.memory_space<semaphore_mem>>)
        %dma_wait3A_206 = arith.constant 0 : i32
        %dma_wait3A_207 = arith.constant 0 : i32
        %dma_wait3A_208 = tpu.memref_slice %arg4[%add3A, %add3A_164, %dma_wait3A_206, %dma_wait3A_207] : memref<32x125x2x80xi32, #tpu.memory_space<hbm>> -> memref<1x1x2x80xi32, #tpu.memory_space<hbm>>
        %dma_wait3A_209 = tpu.memref_squeeze %dma_wait3A_208 : memref<1x1x2x80xi32, #tpu.memory_space<hbm>> -> memref<2x80xi32, #tpu.memory_space<hbm>>
        %dma_wait3A_210 = arith.constant 0 : i32
        %dma_wait3A_211 = arith.constant 0 : i32
        %dma_wait3A_212 = tpu.memref_slice %arg4[%add3A, %add3A_164, %dma_wait3A_210, %dma_wait3A_211] : memref<32x125x2x80xi32, #tpu.memory_space<hbm>> -> memref<1x1x2x80xi32, #tpu.memory_space<hbm>>
        %dma_wait3A_213 = tpu.memref_squeeze %dma_wait3A_212 : memref<1x1x2x80xi32, #tpu.memory_space<hbm>> -> memref<2x80xi32, #tpu.memory_space<hbm>>
        tpu.wait_dma2 semaphore(%run_scoped3A_197 : memref<!tpu.dma_semaphore, #tpu.memory_space<semaphore_mem>>) src(%dma_wait3A_213 : memref<2x80xi32, #tpu.memory_space<hbm>>) dst(%arg6 : memref<2x80xi32, #tpu.memory_space<vmem>>)
        tpu.yield
      }) : () -> ()
      %dma_start3A_165 = arith.constant 0 : i32
      %dma_start3A_166 = arith.constant 0 : i32
      %dma_start3A_167 = tpu.memref_slice %arg6[%dma_start3A_165, %dma_start3A_166] : memref<2x80xi32, #tpu.memory_space<vmem>> -> memref<1x80xi32, #tpu.memory_space<vmem>>
      %dma_start3A_168 = tpu.memref_squeeze %dma_start3A_167 : memref<1x80xi32, #tpu.memory_space<vmem>> -> memref<80xi32, #tpu.memory_space<vmem>>
      %dma_start3A_169 = arith.constant 0 : i32
      %dma_start3A_170 = arith.constant 0 : i32
      %dma_start3A_171 = tpu.memref_slice %arg2[%dma_start3A_169, %dma_start3A_170] : memref<10000x144xf32, #tpu.memory_space<hbm>> -> memref<10000x144xf32, #tpu.memory_space<hbm>>
      tpu.enqueue_indirect_dma source(%dma_start3A_171 : memref<10000x144xf32, #tpu.memory_space<hbm>>) target(%arg8 : memref<80x144xf32, #tpu.memory_space<vmem>>) offsets(%dma_start3A_168 : memref<80xi32, #tpu.memory_space<vmem>>) semaphore(%arg14 : memref<!tpu.dma_semaphore, #tpu.memory_space<semaphore_mem>>)
      %dma_start3A_172 = arith.constant 1 : i32
      %dma_start3A_173 = arith.constant 0 : i32
      %dma_start3A_174 = tpu.memref_slice %arg6[%dma_start3A_172, %dma_start3A_173] : memref<2x80xi32, #tpu.memory_space<vmem>> -> memref<1x80xi32, #tpu.memory_space<vmem>>
      %dma_start3A_175 = tpu.memref_squeeze %dma_start3A_174 : memref<1x80xi32, #tpu.memory_space<vmem>> -> memref<80xi32, #tpu.memory_space<vmem>>
      %dma_start3A_176 = arith.constant 0 : i32
      %dma_start3A_177 = arith.constant 0 : i32
      %dma_start3A_178 = tpu.memref_slice %arg3[%dma_start3A_176, %dma_start3A_177] : memref<10000x16xf32, #tpu.memory_space<hbm>> -> memref<10000x16xf32, #tpu.memory_space<hbm>>
      tpu.enqueue_indirect_dma source(%dma_start3A_178 : memref<10000x16xf32, #tpu.memory_space<hbm>>) target(%arg10 : memref<80x16xf32, #tpu.memory_space<vmem>>) offsets(%dma_start3A_175 : memref<80xi32, #tpu.memory_space<vmem>>) semaphore(%arg14 : memref<!tpu.dma_semaphore, #tpu.memory_space<semaphore_mem>>)
      %dma_wait3A_179 = arith.constant 0 : i32
      %dma_wait3A_180 = arith.constant 0 : i32
      %dma_wait3A_181 = tpu.memref_slice %arg7[%dma_wait3A_179, %dma_wait3A_180] : memref<2x80xi32, #tpu.memory_space<vmem>> -> memref<1x80xi32, #tpu.memory_space<vmem>>
      %dma_wait3A_182 = tpu.memref_squeeze %dma_wait3A_181 : memref<1x80xi32, #tpu.memory_space<vmem>> -> memref<80xi32, #tpu.memory_space<vmem>>
      %dma_wait3A_183 = arith.constant 0 : i32
      %dma_wait3A_184 = arith.constant 0 : i32
      %dma_wait3A_185 = tpu.memref_slice %arg2[%dma_wait3A_183, %dma_wait3A_184] : memref<10000x144xf32, #tpu.memory_space<hbm>> -> memref<10000x144xf32, #tpu.memory_space<hbm>>
      tpu.wait_indirect_dma semaphore(%arg15 : memref<!tpu.dma_semaphore, #tpu.memory_space<semaphore_mem>>) src(%dma_wait3A_185 : memref<10000x144xf32, #tpu.memory_space<hbm>>) dst(%arg9 : memref<80x144xf32, #tpu.memory_space<vmem>>)
      %dma_wait3A_186 = arith.constant 1 : i32
      %dma_wait3A_187 = arith.constant 0 : i32
      %dma_wait3A_188 = tpu.memref_slice %arg7[%dma_wait3A_186, %dma_wait3A_187] : memref<2x80xi32, #tpu.memory_space<vmem>> -> memref<1x80xi32, #tpu.memory_space<vmem>>
      %dma_wait3A_189 = tpu.memref_squeeze %dma_wait3A_188 : memref<1x80xi32, #tpu.memory_space<vmem>> -> memref<80xi32, #tpu.memory_space<vmem>>
      %dma_wait3A_190 = arith.constant 0 : i32
      %dma_wait3A_191 = arith.constant 0 : i32
      %dma_wait3A_192 = tpu.memref_slice %arg3[%dma_wait3A_190, %dma_wait3A_191] : memref<10000x16xf32, #tpu.memory_space<hbm>> -> memref<10000x16xf32, #tpu.memory_space<hbm>>
      tpu.wait_indirect_dma semaphore(%arg15 : memref<!tpu.dma_semaphore, #tpu.memory_space<semaphore_mem>>) src(%dma_wait3A_192 : memref<10000x16xf32, #tpu.memory_space<hbm>>) dst(%arg11 : memref<80x16xf32, #tpu.memory_space<vmem>>)
      %parallel_loop3A_193 = arith.constant 0 : i32
      %parallel_loop3A_194 = arith.constant 80 : i32
      %parallel_loop3A_195 = arith.constant 1 : i32
      scf.for %parallel_loop3A_197 = %parallel_loop3A_193 to %parallel_loop3A_194 step %parallel_loop3A_195  : i32 {
        %parallel_loop3A_198 = arith.index_cast %parallel_loop3A_197 : i32 to index
        %parallel_loop3A_199 = arith.constant 0 : index
        %parallel_loop3A_200 = tpu.vector_load %arg9[%parallel_loop3A_198, %parallel_loop3A_199] {strides = array<i32>} : memref<80x144xf32, #tpu.memory_space<vmem>>, vector<1x16xf32>,
        %parallel_loop3A_201 = vector.shape_cast %parallel_loop3A_200 : vector<1x16xf32> to vector<16xf32>
        %parallel_loop3A_202 = arith.index_cast %parallel_loop3A_197 : i32 to index
        %parallel_loop3A_203 = arith.constant 16 : index
        %parallel_loop3A_204 = tpu.vector_load %arg9[%parallel_loop3A_202, %parallel_loop3A_203] {strides = array<i32>} : memref<80x144xf32, #tpu.memory_space<vmem>>, vector<1x16xf32>,
        %parallel_loop3A_205 = vector.shape_cast %parallel_loop3A_204 : vector<1x16xf32> to vector<16xf32>
        %parallel_loop3A_206 = arith.index_cast %parallel_loop3A_197 : i32 to index
        %parallel_loop3A_207 = arith.constant 32 : index
        %parallel_loop3A_208 = tpu.vector_load %arg9[%parallel_loop3A_206, %parallel_loop3A_207] {strides = array<i32>} : memref<80x144xf32, #tpu.memory_space<vmem>>, vector<1x16xf32>,
        %parallel_loop3A_209 = vector.shape_cast %parallel_loop3A_208 : vector<1x16xf32> to vector<16xf32>
        %parallel_loop3A_210 = arith.index_cast %parallel_loop3A_197 : i32 to index
        %parallel_loop3A_211 = arith.constant 48 : index
        %parallel_loop3A_212 = tpu.vector_load %arg9[%parallel_loop3A_210, %parallel_loop3A_211] {strides = array<i32>} : memref<80x144xf32, #tpu.memory_space<vmem>>, vector<1x16xf32>,
        %parallel_loop3A_213 = vector.shape_cast %parallel_loop3A_212 : vector<1x16xf32> to vector<16xf32>
        %parallel_loop3A_214 = arith.index_cast %parallel_loop3A_197 : i32 to index
        %parallel_loop3A_215 = arith.constant 64 : index
        %parallel_loop3A_216 = tpu.vector_load %arg9[%parallel_loop3A_214, %parallel_loop3A_215] {strides = array<i32>} : memref<80x144xf32, #tpu.memory_space<vmem>>, vector<1x16xf32>,
        %parallel_loop3A_217 = vector.shape_cast %parallel_loop3A_216 : vector<1x16xf32> to vector<16xf32>
        %parallel_loop3A_218 = arith.index_cast %parallel_loop3A_197 : i32 to index
        %parallel_loop3A_219 = arith.constant 80 : index
        %parallel_loop3A_220 = tpu.vector_load %arg9[%parallel_loop3A_218, %parallel_loop3A_219] {strides = array<i32>} : memref<80x144xf32, #tpu.memory_space<vmem>>, vector<1x16xf32>,
        %parallel_loop3A_221 = vector.shape_cast %parallel_loop3A_220 : vector<1x16xf32> to vector<16xf32>
        %parallel_loop3A_222 = arith.index_cast %parallel_loop3A_197 : i32 to index
        %parallel_loop3A_223 = arith.constant 96 : index
        %parallel_loop3A_224 = tpu.vector_load %arg9[%parallel_loop3A_222, %parallel_loop3A_223] {strides = array<i32>} : memref<80x144xf32, #tpu.memory_space<vmem>>, vector<1x16xf32>,
        %parallel_loop3A_225 = vector.shape_cast %parallel_loop3A_224 : vector<1x16xf32> to vector<16xf32>
        %parallel_loop3A_226 = arith.index_cast %parallel_loop3A_197 : i32 to index
        %parallel_loop3A_227 = arith.constant 112 : index
        %parallel_loop3A_228 = tpu.vector_load %arg9[%parallel_loop3A_226, %parallel_loop3A_227] {strides = array<i32>} : memref<80x144xf32, #tpu.memory_space<vmem>>, vector<1x16xf32>,
        %parallel_loop3A_229 = vector.shape_cast %parallel_loop3A_228 : vector<1x16xf32> to vector<16xf32>
        %parallel_loop3A_230 = arith.index_cast %parallel_loop3A_197 : i32 to index
        %parallel_loop3A_231 = arith.constant 128 : index
        %parallel_loop3A_232 = tpu.vector_load %arg9[%parallel_loop3A_230, %parallel_loop3A_231] {strides = array<i32>} : memref<80x144xf32, #tpu.memory_space<vmem>>, vector<1x16xf32>,
        %parallel_loop3A_233 = vector.shape_cast %parallel_loop3A_232 : vector<1x16xf32> to vector<16xf32>
        %parallel_loop3A_234 = arith.index_cast %parallel_loop3A_197 : i32 to index
        %parallel_loop3A_235 = arith.constant 0 : index
        %parallel_loop3A_236 = tpu.vector_load %arg11[%parallel_loop3A_234, %parallel_loop3A_235] {strides = array<i32>} : memref<80x16xf32, #tpu.memory_space<vmem>>, vector<1x16xf32>,
        %parallel_loop3A_237 = vector.shape_cast %parallel_loop3A_236 : vector<1x16xf32> to vector<16xf32>
        %parallel_loop3A_238 = arith.addf %parallel_loop3A_233, %parallel_loop3A_237 : vector<16xf32>
        %parallel_loop3A_239 = arith.constant 0.000000e+00 : f32
        %parallel_loop3A_240 = vector.broadcast %parallel_loop3A_239 : f32 to vector<16xf32>
        %parallel_loop3A_241 = arith.cmpf ogt, %parallel_loop3A_238, %parallel_loop3A_240 : vector<16xf32>
        %parallel_loop3A_242 = arith.constant 2.000000e-01 : f32
        %parallel_loop3A_243 = vector.broadcast %parallel_loop3A_242 : f32 to vector<16xf32>
        %parallel_loop3A_244 = arith.mulf %parallel_loop3A_243, %parallel_loop3A_238 : vector<16xf32>
        %parallel_loop3A_245 = arith.select %parallel_loop3A_241, %parallel_loop3A_238, %parallel_loop3A_244 : vector<16xi1>, vector<16xf32>
        %parallel_loop3A_246 = math.exp %parallel_loop3A_245 : vector<16xf32>
        %parallel_loop3A_247 = arith.constant 8 : i32
        %parallel_loop3A_248 = vector.broadcast %parallel_loop3A_247 : i32 to vector<16xi32>
        %parallel_loop3A_249 = arith.cmpi slt, %iota3A, %parallel_loop3A_248 : vector<16xi32>
        %parallel_loop3A_250 = arith.constant 0.000000e+00 : f32
        %parallel_loop3A_251 = vector.broadcast %parallel_loop3A_250 : f32 to vector<16xf32>
        %parallel_loop3A_252 = arith.select %parallel_loop3A_249, %parallel_loop3A_246, %parallel_loop3A_251 : vector<16xi1>, vector<16xf32>
        %parallel_loop3A_253 = arith.index_cast %parallel_loop3A_197 : i32 to index
        %parallel_loop3A_254 = arith.constant 128 : index
        %parallel_loop3A_255 = tpu.vector_load %arg9[%parallel_loop3A_253, %parallel_loop3A_254] {strides = array<i32>} : memref<80x144xf32, #tpu.memory_space<vmem>>, vector<1x16xf32>,
        %parallel_loop3A_256 = vector.shape_cast %parallel_loop3A_255 : vector<1x16xf32> to vector<16xf32>
        %parallel_loop3A_257 = vector.shape_cast %parallel_loop3A_252 : vector<16xf32> to vector<1x16xf32>
        tpu.vector_store %arg9[%parallel_loop3A_253, %parallel_loop3A_254], %parallel_loop3A_257 {strides = array<i32>} : memref<80x144xf32, #tpu.memory_space<vmem>>, vector<1x16xf32>,
        %parallel_loop3A_258 = arith.constant 0 : i32
        %parallel_loop3A_259 = vector.broadcast %parallel_loop3A_258 : i32 to vector<16x1xi32>
        %parallel_loop3A_260 = vector.shape_cast %parallel_loop3A_259 : vector<16x1xi32> to vector<16xi32>
        %parallel_loop3A_261 = tpu.dynamic_gather %parallel_loop3A_252[%parallel_loop3A_260] in [0] : vector<16xf32>, vector<16xi32> -> vector<16xf32>
        %parallel_loop3A_262 = arith.mulf %parallel_loop3A_201, %parallel_loop3A_261 : vector<16xf32>
        %parallel_loop3A_263 = arith.index_cast %parallel_loop3A_197 : i32 to index
        %parallel_loop3A_264 = arith.constant 0 : index
        %parallel_loop3A_265 = tpu.vector_load %arg9[%parallel_loop3A_263, %parallel_loop3A_264] {strides = array<i32>} : memref<80x144xf32, #tpu.memory_space<vmem>>, vector<1x16xf32>,
        %parallel_loop3A_266 = vector.shape_cast %parallel_loop3A_265 : vector<1x16xf32> to vector<16xf32>
        %parallel_loop3A_267 = vector.shape_cast %parallel_loop3A_262 : vector<16xf32> to vector<1x16xf32>
        tpu.vector_store %arg9[%parallel_loop3A_263, %parallel_loop3A_264], %parallel_loop3A_267 {strides = array<i32>} : memref<80x144xf32, #tpu.memory_space<vmem>>, vector<1x16xf32>,
        %parallel_loop3A_268 = arith.constant 1 : i32
        %parallel_loop3A_269 = vector.broadcast %parallel_loop3A_268 : i32 to vector<16x1xi32>
        %parallel_loop3A_270 = vector.shape_cast %parallel_loop3A_269 : vector<16x1xi32> to vector<16xi32>
        %parallel_loop3A_271 = tpu.dynamic_gather %parallel_loop3A_252[%parallel_loop3A_270] in [0] : vector<16xf32>, vector<16xi32> -> vector<16xf32>
        %parallel_loop3A_272 = arith.mulf %parallel_loop3A_205, %parallel_loop3A_271 : vector<16xf32>
        %parallel_loop3A_273 = arith.index_cast %parallel_loop3A_197 : i32 to index
        %parallel_loop3A_274 = arith.constant 16 : index
        %parallel_loop3A_275 = tpu.vector_load %arg9[%parallel_loop3A_273, %parallel_loop3A_274] {strides = array<i32>} : memref<80x144xf32, #tpu.memory_space<vmem>>, vector<1x16xf32>,
        %parallel_loop3A_276 = vector.shape_cast %parallel_loop3A_275 : vector<1x16xf32> to vector<16xf32>
        %parallel_loop3A_277 = vector.shape_cast %parallel_loop3A_272 : vector<16xf32> to vector<1x16xf32>
        tpu.vector_store %arg9[%parallel_loop3A_273, %parallel_loop3A_274], %parallel_loop3A_277 {strides = array<i32>} : memref<80x144xf32, #tpu.memory_space<vmem>>, vector<1x16xf32>,
        %parallel_loop3A_278 = arith.constant 2 : i32
        %parallel_loop3A_279 = vector.broadcast %parallel_loop3A_278 : i32 to vector<16x1xi32>
        %parallel_loop3A_280 = vector.shape_cast %parallel_loop3A_279 : vector<16x1xi32> to vector<16xi32>
        %parallel_loop3A_281 = tpu.dynamic_gather %parallel_loop3A_252[%parallel_loop3A_280] in [0] : vector<16xf32>, vector<16xi32> -> vector<16xf32>
        %parallel_loop3A_282 = arith.mulf %parallel_loop3A_209, %parallel_loop3A_281 : vector<16xf32>
        %parallel_loop3A_283 = arith.index_cast %parallel_loop3A_197 : i32 to index
        %parallel_loop3A_284 = arith.constant 32 : index
        %parallel_loop3A_285 = tpu.vector_load %arg9[%parallel_loop3A_283, %parallel_loop3A_284] {strides = array<i32>} : memref<80x144xf32, #tpu.memory_space<vmem>>, vector<1x16xf32>,
        %parallel_loop3A_286 = vector.shape_cast %parallel_loop3A_285 : vector<1x16xf32> to vector<16xf32>
        %parallel_loop3A_287 = vector.shape_cast %parallel_loop3A_282 : vector<16xf32> to vector<1x16xf32>
        tpu.vector_store %arg9[%parallel_loop3A_283, %parallel_loop3A_284], %parallel_loop3A_287 {strides = array<i32>} : memref<80x144xf32, #tpu.memory_space<vmem>>, vector<1x16xf32>,
        %parallel_loop3A_288 = arith.constant 3 : i32
        %parallel_loop3A_289 = vector.broadcast %parallel_loop3A_288 : i32 to vector<16x1xi32>
        %parallel_loop3A_290 = vector.shape_cast %parallel_loop3A_289 : vector<16x1xi32> to vector<16xi32>
        %parallel_loop3A_291 = tpu.dynamic_gather %parallel_loop3A_252[%parallel_loop3A_290] in [0] : vector<16xf32>, vector<16xi32> -> vector<16xf32>
        %parallel_loop3A_292 = arith.mulf %parallel_loop3A_213, %parallel_loop3A_291 : vector<16xf32>
        %parallel_loop3A_293 = arith.index_cast %parallel_loop3A_197 : i32 to index
        %parallel_loop3A_294 = arith.constant 48 : index
        %parallel_loop3A_295 = tpu.vector_load %arg9[%parallel_loop3A_293, %parallel_loop3A_294] {strides = array<i32>} : memref<80x144xf32, #tpu.memory_space<vmem>>, vector<1x16xf32>,
        %parallel_loop3A_296 = vector.shape_cast %parallel_loop3A_295 : vector<1x16xf32> to vector<16xf32>
        %parallel_loop3A_297 = vector.shape_cast %parallel_loop3A_292 : vector<16xf32> to vector<1x16xf32>
        tpu.vector_store %arg9[%parallel_loop3A_293, %parallel_loop3A_294], %parallel_loop3A_297 {strides = array<i32>} : memref<80x144xf32, #tpu.memory_space<vmem>>, vector<1x16xf32>,
        %parallel_loop3A_298 = arith.constant 4 : i32
        %parallel_loop3A_299 = vector.broadcast %parallel_loop3A_298 : i32 to vector<16x1xi32>
        %parallel_loop3A_300 = vector.shape_cast %parallel_loop3A_299 : vector<16x1xi32> to vector<16xi32>
        %parallel_loop3A_301 = tpu.dynamic_gather %parallel_loop3A_252[%parallel_loop3A_300] in [0] : vector<16xf32>, vector<16xi32> -> vector<16xf32>
        %parallel_loop3A_302 = arith.mulf %parallel_loop3A_217, %parallel_loop3A_301 : vector<16xf32>
        %parallel_loop3A_303 = arith.index_cast %parallel_loop3A_197 : i32 to index
        %parallel_loop3A_304 = arith.constant 64 : index
        %parallel_loop3A_305 = tpu.vector_load %arg9[%parallel_loop3A_303, %parallel_loop3A_304] {strides = array<i32>} : memref<80x144xf32, #tpu.memory_space<vmem>>, vector<1x16xf32>,
        %parallel_loop3A_306 = vector.shape_cast %parallel_loop3A_305 : vector<1x16xf32> to vector<16xf32>
        %parallel_loop3A_307 = vector.shape_cast %parallel_loop3A_302 : vector<16xf32> to vector<1x16xf32>
        tpu.vector_store %arg9[%parallel_loop3A_303, %parallel_loop3A_304], %parallel_loop3A_307 {strides = array<i32>} : memref<80x144xf32, #tpu.memory_space<vmem>>, vector<1x16xf32>,
        %parallel_loop3A_308 = arith.constant 5 : i32
        %parallel_loop3A_309 = vector.broadcast %parallel_loop3A_308 : i32 to vector<16x1xi32>
        %parallel_loop3A_310 = vector.shape_cast %parallel_loop3A_309 : vector<16x1xi32> to vector<16xi32>
        %parallel_loop3A_311 = tpu.dynamic_gather %parallel_loop3A_252[%parallel_loop3A_310] in [0] : vector<16xf32>, vector<16xi32> -> vector<16xf32>
        %parallel_loop3A_312 = arith.mulf %parallel_loop3A_221, %parallel_loop3A_311 : vector<16xf32>
        %parallel_loop3A_313 = arith.index_cast %parallel_loop3A_197 : i32 to index
        %parallel_loop3A_314 = arith.constant 80 : index
        %parallel_loop3A_315 = tpu.vector_load %arg9[%parallel_loop3A_313, %parallel_loop3A_314] {strides = array<i32>} : memref<80x144xf32, #tpu.memory_space<vmem>>, vector<1x16xf32>,
        %parallel_loop3A_316 = vector.shape_cast %parallel_loop3A_315 : vector<1x16xf32> to vector<16xf32>
        %parallel_loop3A_317 = vector.shape_cast %parallel_loop3A_312 : vector<16xf32> to vector<1x16xf32>
        tpu.vector_store %arg9[%parallel_loop3A_313, %parallel_loop3A_314], %parallel_loop3A_317 {strides = array<i32>} : memref<80x144xf32, #tpu.memory_space<vmem>>, vector<1x16xf32>,
        %parallel_loop3A_318 = arith.constant 6 : i32
        %parallel_loop3A_319 = vector.broadcast %parallel_loop3A_318 : i32 to vector<16x1xi32>
        %parallel_loop3A_320 = vector.shape_cast %parallel_loop3A_319 : vector<16x1xi32> to vector<16xi32>
        %parallel_loop3A_321 = tpu.dynamic_gather %parallel_loop3A_252[%parallel_loop3A_320] in [0] : vector<16xf32>, vector<16xi32> -> vector<16xf32>
        %parallel_loop3A_322 = arith.mulf %parallel_loop3A_225, %parallel_loop3A_321 : vector<16xf32>
        %parallel_loop3A_323 = arith.index_cast %parallel_loop3A_197 : i32 to index
        %parallel_loop3A_324 = arith.constant 96 : index
        %parallel_loop3A_325 = tpu.vector_load %arg9[%parallel_loop3A_323, %parallel_loop3A_324] {strides = array<i32>} : memref<80x144xf32, #tpu.memory_space<vmem>>, vector<1x16xf32>,
        %parallel_loop3A_326 = vector.shape_cast %parallel_loop3A_325 : vector<1x16xf32> to vector<16xf32>
        %parallel_loop3A_327 = vector.shape_cast %parallel_loop3A_322 : vector<16xf32> to vector<1x16xf32>
        tpu.vector_store %arg9[%parallel_loop3A_323, %parallel_loop3A_324], %parallel_loop3A_327 {strides = array<i32>} : memref<80x144xf32, #tpu.memory_space<vmem>>, vector<1x16xf32>,
        %parallel_loop3A_328 = arith.constant 7 : i32
        %parallel_loop3A_329 = vector.broadcast %parallel_loop3A_328 : i32 to vector<16x1xi32>
        %parallel_loop3A_330 = vector.shape_cast %parallel_loop3A_329 : vector<16x1xi32> to vector<16xi32>
        %parallel_loop3A_331 = tpu.dynamic_gather %parallel_loop3A_252[%parallel_loop3A_330] in [0] : vector<16xf32>, vector<16xi32> -> vector<16xf32>
        %parallel_loop3A_332 = arith.mulf %parallel_loop3A_229, %parallel_loop3A_331 : vector<16xf32>
        %parallel_loop3A_333 = arith.index_cast %parallel_loop3A_197 : i32 to index
        %parallel_loop3A_334 = arith.constant 112 : index
        %parallel_loop3A_335 = tpu.vector_load %arg9[%parallel_loop3A_333, %parallel_loop3A_334] {strides = array<i32>} : memref<80x144xf32, #tpu.memory_space<vmem>>, vector<1x16xf32>,
        %parallel_loop3A_336 = vector.shape_cast %parallel_loop3A_335 : vector<1x16xf32> to vector<16xf32>
        %parallel_loop3A_337 = vector.shape_cast %parallel_loop3A_332 : vector<16xf32> to vector<1x16xf32>
        tpu.vector_store %arg9[%parallel_loop3A_333, %parallel_loop3A_334], %parallel_loop3A_337 {strides = array<i32>} : memref<80x144xf32, #tpu.memory_space<vmem>>, vector<1x16xf32>,
      } {sc.loop_unroll_factor = 4 : i64, sc.parallel_access}
      %run_scoped3A_196 = arith.constant 1 : i32
      "tpu.region"() ({
        %run_scoped3A_197 = tpu.sem_alloc : memref<!tpu.dma_semaphore, #tpu.memory_space<semaphore_mem>>
        %dma_start3A_198 = arith.constant 0 : i32
        %dma_start3A_199 = tpu.memref_slice %arg7[%run_scoped3A_196, %dma_start3A_198] : memref<2x80xi32, #tpu.memory_space<vmem>> -> memref<1x80xi32, #tpu.memory_space<vmem>>
        %dma_start3A_200 = tpu.memref_squeeze %dma_start3A_199 : memref<1x80xi32, #tpu.memory_space<vmem>> -> memref<80xi32, #tpu.memory_space<vmem>>
        %dma_start3A_201 = arith.constant 0 : i32
        %dma_start3A_202 = arith.constant 0 : i32
        %dma_start3A_203 = tpu.memref_slice %arg13[%dma_start3A_201, %dma_start3A_202] : memref<10240x144xf32, #tpu.memory_space<vmem_shared>> -> memref<10240x144xf32, #tpu.memory_space<vmem_shared>>
        tpu.enqueue_indirect_dma source(%arg9 : memref<80x144xf32, #tpu.memory_space<vmem>>) target(%dma_start3A_203 : memref<10240x144xf32, #tpu.memory_space<vmem_shared>>) offsets(%dma_start3A_200 : memref<80xi32, #tpu.memory_space<vmem>>) semaphore(%run_scoped3A_197 : memref<!tpu.dma_semaphore, #tpu.memory_space<semaphore_mem>>) {add = true}
        %dma_wait3A_204 = arith.constant 0 : i32
        %dma_wait3A_205 = tpu.memref_slice %arg7[%run_scoped3A_196, %dma_wait3A_204] : memref<2x80xi32, #tpu.memory_space<vmem>> -> memref<1x80xi32, #tpu.memory_space<vmem>>
        %dma_wait3A_206 = tpu.memref_squeeze %dma_wait3A_205 : memref<1x80xi32, #tpu.memory_space<vmem>> -> memref<80xi32, #tpu.memory_space<vmem>>
        %dma_wait3A_207 = arith.constant 0 : i32
        %dma_wait3A_208 = arith.constant 0 : i32
        %dma_wait3A_209 = tpu.memref_slice %arg13[%dma_wait3A_207, %dma_wait3A_208] : memref<10240x144xf32, #tpu.memory_space<vmem_shared>> -> memref<10240x144xf32, #tpu.memory_space<vmem_shared>>
        tpu.wait_indirect_dma semaphore(%run_scoped3A_197 : memref<!tpu.dma_semaphore, #tpu.memory_space<semaphore_mem>>) src(%arg9 : memref<80x144xf32, #tpu.memory_space<vmem>>) dst(%dma_wait3A_209 : memref<10240x144xf32, #tpu.memory_space<vmem_shared>>)
        tpu.yield
      }) : () -> ()
    }
    %scan3A_104 = arith.constant 62 : i32
    %dma_wait3A = arith.constant 0 : i32
    %dma_wait3A_105 = arith.constant 0 : i32
    %dma_wait3A_106 = tpu.memref_slice %arg6[%dma_wait3A, %dma_wait3A_105] : memref<2x80xi32, #tpu.memory_space<vmem>> -> memref<1x80xi32, #tpu.memory_space<vmem>>
    %dma_wait3A_107 = tpu.memref_squeeze %dma_wait3A_106 : memref<1x80xi32, #tpu.memory_space<vmem>> -> memref<80xi32, #tpu.memory_space<vmem>>
    %dma_wait3A_108 = arith.constant 0 : i32
    %dma_wait3A_109 = arith.constant 0 : i32
    %dma_wait3A_110 = tpu.memref_slice %arg2[%dma_wait3A_108, %dma_wait3A_109] : memref<10000x144xf32, #tpu.memory_space<hbm>> -> memref<10000x144xf32, #tpu.memory_space<hbm>>
    tpu.wait_indirect_dma semaphore(%arg14 : memref<!tpu.dma_semaphore, #tpu.memory_space<semaphore_mem>>) src(%dma_wait3A_110 : memref<10000x144xf32, #tpu.memory_space<hbm>>) dst(%arg8 : memref<80x144xf32, #tpu.memory_space<vmem>>)
    %dma_wait3A_111 = arith.constant 1 : i32
    %dma_wait3A_112 = arith.constant 0 : i32
    %dma_wait3A_113 = tpu.memref_slice %arg6[%dma_wait3A_111, %dma_wait3A_112] : memref<2x80xi32, #tpu.memory_space<vmem>> -> memref<1x80xi32, #tpu.memory_space<vmem>>
    %dma_wait3A_114 = tpu.memref_squeeze %dma_wait3A_113 : memref<1x80xi32, #tpu.memory_space<vmem>> -> memref<80xi32, #tpu.memory_space<vmem>>
    %dma_wait3A_115 = arith.constant 0 : i32
    %dma_wait3A_116 = arith.constant 0 : i32
    %dma_wait3A_117 = tpu.memref_slice %arg3[%dma_wait3A_115, %dma_wait3A_116] : memref<10000x16xf32, #tpu.memory_space<hbm>> -> memref<10000x16xf32, #tpu.memory_space<hbm>>
    tpu.wait_indirect_dma semaphore(%arg14 : memref<!tpu.dma_semaphore, #tpu.memory_space<semaphore_mem>>) src(%dma_wait3A_117 : memref<10000x16xf32, #tpu.memory_space<hbm>>) dst(%arg10 : memref<80x16xf32, #tpu.memory_space<vmem>>)
    %parallel_loop3A = arith.constant 0 : i32
    %parallel_loop3A_118 = arith.constant 80 : i32
    %parallel_loop3A_119 = arith.constant 1 : i32
    scf.for %parallel_loop3A_126 = %parallel_loop3A to %parallel_loop3A_118 step %parallel_loop3A_119  : i32 {
      %parallel_loop3A_127 = arith.index_cast %parallel_loop3A_126 : i32 to index
      %parallel_loop3A_128 = arith.constant 0 : index
      %parallel_loop3A_129 = tpu.vector_load %arg8[%parallel_loop3A_127, %parallel_loop3A_128] {strides = array<i32>} : memref<80x144xf32, #tpu.memory_space<vmem>>, vector<1x16xf32>,
      %parallel_loop3A_130 = vector.shape_cast %parallel_loop3A_129 : vector<1x16xf32> to vector<16xf32>
      %parallel_loop3A_131 = arith.index_cast %parallel_loop3A_126 : i32 to index
      %parallel_loop3A_132 = arith.constant 16 : index
      %parallel_loop3A_133 = tpu.vector_load %arg8[%parallel_loop3A_131, %parallel_loop3A_132] {strides = array<i32>} : memref<80x144xf32, #tpu.memory_space<vmem>>, vector<1x16xf32>,
      %parallel_loop3A_134 = vector.shape_cast %parallel_loop3A_133 : vector<1x16xf32> to vector<16xf32>
      %parallel_loop3A_135 = arith.index_cast %parallel_loop3A_126 : i32 to index
      %parallel_loop3A_136 = arith.constant 32 : index
      %parallel_loop3A_137 = tpu.vector_load %arg8[%parallel_loop3A_135, %parallel_loop3A_136] {strides = array<i32>} : memref<80x144xf32, #tpu.memory_space<vmem>>, vector<1x16xf32>,
      %parallel_loop3A_138 = vector.shape_cast %parallel_loop3A_137 : vector<1x16xf32> to vector<16xf32>
      %parallel_loop3A_139 = arith.index_cast %parallel_loop3A_126 : i32 to index
      %parallel_loop3A_140 = arith.constant 48 : index
      %parallel_loop3A_141 = tpu.vector_load %arg8[%parallel_loop3A_139, %parallel_loop3A_140] {strides = array<i32>} : memref<80x144xf32, #tpu.memory_space<vmem>>, vector<1x16xf32>,
      %parallel_loop3A_142 = vector.shape_cast %parallel_loop3A_141 : vector<1x16xf32> to vector<16xf32>
      %parallel_loop3A_143 = arith.index_cast %parallel_loop3A_126 : i32 to index
      %parallel_loop3A_144 = arith.constant 64 : index
      %parallel_loop3A_145 = tpu.vector_load %arg8[%parallel_loop3A_143, %parallel_loop3A_144] {strides = array<i32>} : memref<80x144xf32, #tpu.memory_space<vmem>>, vector<1x16xf32>,
      %parallel_loop3A_146 = vector.shape_cast %parallel_loop3A_145 : vector<1x16xf32> to vector<16xf32>
      %parallel_loop3A_147 = arith.index_cast %parallel_loop3A_126 : i32 to index
      %parallel_loop3A_148 = arith.constant 80 : index
      %parallel_loop3A_149 = tpu.vector_load %arg8[%parallel_loop3A_147, %parallel_loop3A_148] {strides = array<i32>} : memref<80x144xf32, #tpu.memory_space<vmem>>, vector<1x16xf32>,
      %parallel_loop3A_150 = vector.shape_cast %parallel_loop3A_149 : vector<1x16xf32> to vector<16xf32>
      %parallel_loop3A_151 = arith.index_cast %parallel_loop3A_126 : i32 to index
      %parallel_loop3A_152 = arith.constant 96 : index
      %parallel_loop3A_153 = tpu.vector_load %arg8[%parallel_loop3A_151, %parallel_loop3A_152] {strides = array<i32>} : memref<80x144xf32, #tpu.memory_space<vmem>>, vector<1x16xf32>,
      %parallel_loop3A_154 = vector.shape_cast %parallel_loop3A_153 : vector<1x16xf32> to vector<16xf32>
      %parallel_loop3A_155 = arith.index_cast %parallel_loop3A_126 : i32 to index
      %parallel_loop3A_156 = arith.constant 112 : index
      %parallel_loop3A_157 = tpu.vector_load %arg8[%parallel_loop3A_155, %parallel_loop3A_156] {strides = array<i32>} : memref<80x144xf32, #tpu.memory_space<vmem>>, vector<1x16xf32>,
      %parallel_loop3A_158 = vector.shape_cast %parallel_loop3A_157 : vector<1x16xf32> to vector<16xf32>
      %parallel_loop3A_159 = arith.index_cast %parallel_loop3A_126 : i32 to index
      %parallel_loop3A_160 = arith.constant 128 : index
      %parallel_loop3A_161 = tpu.vector_load %arg8[%parallel_loop3A_159, %parallel_loop3A_160] {strides = array<i32>} : memref<80x144xf32, #tpu.memory_space<vmem>>, vector<1x16xf32>,
      %parallel_loop3A_162 = vector.shape_cast %parallel_loop3A_161 : vector<1x16xf32> to vector<16xf32>
      %parallel_loop3A_163 = arith.index_cast %parallel_loop3A_126 : i32 to index
      %parallel_loop3A_164 = arith.constant 0 : index
      %parallel_loop3A_165 = tpu.vector_load %arg10[%parallel_loop3A_163, %parallel_loop3A_164] {strides = array<i32>} : memref<80x16xf32, #tpu.memory_space<vmem>>, vector<1x16xf32>,
      %parallel_loop3A_166 = vector.shape_cast %parallel_loop3A_165 : vector<1x16xf32> to vector<16xf32>
      %parallel_loop3A_167 = arith.addf %parallel_loop3A_162, %parallel_loop3A_166 : vector<16xf32>
      %parallel_loop3A_168 = arith.constant 0.000000e+00 : f32
      %parallel_loop3A_169 = vector.broadcast %parallel_loop3A_168 : f32 to vector<16xf32>
      %parallel_loop3A_170 = arith.cmpf ogt, %parallel_loop3A_167, %parallel_loop3A_169 : vector<16xf32>
      %parallel_loop3A_171 = arith.constant 2.000000e-01 : f32
      %parallel_loop3A_172 = vector.broadcast %parallel_loop3A_171 : f32 to vector<16xf32>
      %parallel_loop3A_173 = arith.mulf %parallel_loop3A_172, %parallel_loop3A_167 : vector<16xf32>
      %parallel_loop3A_174 = arith.select %parallel_loop3A_170, %parallel_loop3A_167, %parallel_loop3A_173 : vector<16xi1>, vector<16xf32>
      %parallel_loop3A_175 = math.exp %parallel_loop3A_174 : vector<16xf32>
      %parallel_loop3A_176 = arith.constant 8 : i32
      %parallel_loop3A_177 = vector.broadcast %parallel_loop3A_176 : i32 to vector<16xi32>
      %parallel_loop3A_178 = arith.cmpi slt, %iota3A, %parallel_loop3A_177 : vector<16xi32>
      %parallel_loop3A_179 = arith.constant 0.000000e+00 : f32
      %parallel_loop3A_180 = vector.broadcast %parallel_loop3A_179 : f32 to vector<16xf32>
      %parallel_loop3A_181 = arith.select %parallel_loop3A_178, %parallel_loop3A_175, %parallel_loop3A_180 : vector<16xi1>, vector<16xf32>
      %parallel_loop3A_182 = arith.index_cast %parallel_loop3A_126 : i32 to index
      %parallel_loop3A_183 = arith.constant 128 : index
      %parallel_loop3A_184 = tpu.vector_load %arg8[%parallel_loop3A_182, %parallel_loop3A_183] {strides = array<i32>} : memref<80x144xf32, #tpu.memory_space<vmem>>, vector<1x16xf32>,
      %parallel_loop3A_185 = vector.shape_cast %parallel_loop3A_184 : vector<1x16xf32> to vector<16xf32>
      %parallel_loop3A_186 = vector.shape_cast %parallel_loop3A_181 : vector<16xf32> to vector<1x16xf32>
      tpu.vector_store %arg8[%parallel_loop3A_182, %parallel_loop3A_183], %parallel_loop3A_186 {strides = array<i32>} : memref<80x144xf32, #tpu.memory_space<vmem>>, vector<1x16xf32>,
      %parallel_loop3A_187 = arith.constant 0 : i32
      %parallel_loop3A_188 = vector.broadcast %parallel_loop3A_187 : i32 to vector<16x1xi32>
      %parallel_loop3A_189 = vector.shape_cast %parallel_loop3A_188 : vector<16x1xi32> to vector<16xi32>
      %parallel_loop3A_190 = tpu.dynamic_gather %parallel_loop3A_181[%parallel_loop3A_189] in [0] : vector<16xf32>, vector<16xi32> -> vector<16xf32>
      %parallel_loop3A_191 = arith.mulf %parallel_loop3A_130, %parallel_loop3A_190 : vector<16xf32>
      %parallel_loop3A_192 = arith.index_cast %parallel_loop3A_126 : i32 to index
      %parallel_loop3A_193 = arith.constant 0 : index
      %parallel_loop3A_194 = tpu.vector_load %arg8[%parallel_loop3A_192, %parallel_loop3A_193] {strides = array<i32>} : memref<80x144xf32, #tpu.memory_space<vmem>>, vector<1x16xf32>,
      %parallel_loop3A_195 = vector.shape_cast %parallel_loop3A_194 : vector<1x16xf32> to vector<16xf32>
      %parallel_loop3A_196 = vector.shape_cast %parallel_loop3A_191 : vector<16xf32> to vector<1x16xf32>
      tpu.vector_store %arg8[%parallel_loop3A_192, %parallel_loop3A_193], %parallel_loop3A_196 {strides = array<i32>} : memref<80x144xf32, #tpu.memory_space<vmem>>, vector<1x16xf32>,
      %parallel_loop3A_197 = arith.constant 1 : i32
      %parallel_loop3A_198 = vector.broadcast %parallel_loop3A_197 : i32 to vector<16x1xi32>
      %parallel_loop3A_199 = vector.shape_cast %parallel_loop3A_198 : vector<16x1xi32> to vector<16xi32>
      %parallel_loop3A_200 = tpu.dynamic_gather %parallel_loop3A_181[%parallel_loop3A_199] in [0] : vector<16xf32>, vector<16xi32> -> vector<16xf32>
      %parallel_loop3A_201 = arith.mulf %parallel_loop3A_134, %parallel_loop3A_200 : vector<16xf32>
      %parallel_loop3A_202 = arith.index_cast %parallel_loop3A_126 : i32 to index
      %parallel_loop3A_203 = arith.constant 16 : index
      %parallel_loop3A_204 = tpu.vector_load %arg8[%parallel_loop3A_202, %parallel_loop3A_203] {strides = array<i32>} : memref<80x144xf32, #tpu.memory_space<vmem>>, vector<1x16xf32>,
      %parallel_loop3A_205 = vector.shape_cast %parallel_loop3A_204 : vector<1x16xf32> to vector<16xf32>
      %parallel_loop3A_206 = vector.shape_cast %parallel_loop3A_201 : vector<16xf32> to vector<1x16xf32>
      tpu.vector_store %arg8[%parallel_loop3A_202, %parallel_loop3A_203], %parallel_loop3A_206 {strides = array<i32>} : memref<80x144xf32, #tpu.memory_space<vmem>>, vector<1x16xf32>,
      %parallel_loop3A_207 = arith.constant 2 : i32
      %parallel_loop3A_208 = vector.broadcast %parallel_loop3A_207 : i32 to vector<16x1xi32>
      %parallel_loop3A_209 = vector.shape_cast %parallel_loop3A_208 : vector<16x1xi32> to vector<16xi32>
      %parallel_loop3A_210 = tpu.dynamic_gather %parallel_loop3A_181[%parallel_loop3A_209] in [0] : vector<16xf32>, vector<16xi32> -> vector<16xf32>
      %parallel_loop3A_211 = arith.mulf %parallel_loop3A_138, %parallel_loop3A_210 : vector<16xf32>
      %parallel_loop3A_212 = arith.index_cast %parallel_loop3A_126 : i32 to index
      %parallel_loop3A_213 = arith.constant 32 : index
      %parallel_loop3A_214 = tpu.vector_load %arg8[%parallel_loop3A_212, %parallel_loop3A_213] {strides = array<i32>} : memref<80x144xf32, #tpu.memory_space<vmem>>, vector<1x16xf32>,
      %parallel_loop3A_215 = vector.shape_cast %parallel_loop3A_214 : vector<1x16xf32> to vector<16xf32>
      %parallel_loop3A_216 = vector.shape_cast %parallel_loop3A_211 : vector<16xf32> to vector<1x16xf32>
      tpu.vector_store %arg8[%parallel_loop3A_212, %parallel_loop3A_213], %parallel_loop3A_216 {strides = array<i32>} : memref<80x144xf32, #tpu.memory_space<vmem>>, vector<1x16xf32>,
      %parallel_loop3A_217 = arith.constant 3 : i32
      %parallel_loop3A_218 = vector.broadcast %parallel_loop3A_217 : i32 to vector<16x1xi32>
      %parallel_loop3A_219 = vector.shape_cast %parallel_loop3A_218 : vector<16x1xi32> to vector<16xi32>
      %parallel_loop3A_220 = tpu.dynamic_gather %parallel_loop3A_181[%parallel_loop3A_219] in [0] : vector<16xf32>, vector<16xi32> -> vector<16xf32>
      %parallel_loop3A_221 = arith.mulf %parallel_loop3A_142, %parallel_loop3A_220 : vector<16xf32>
      %parallel_loop3A_222 = arith.index_cast %parallel_loop3A_126 : i32 to index
      %parallel_loop3A_223 = arith.constant 48 : index
      %parallel_loop3A_224 = tpu.vector_load %arg8[%parallel_loop3A_222, %parallel_loop3A_223] {strides = array<i32>} : memref<80x144xf32, #tpu.memory_space<vmem>>, vector<1x16xf32>,
      %parallel_loop3A_225 = vector.shape_cast %parallel_loop3A_224 : vector<1x16xf32> to vector<16xf32>
      %parallel_loop3A_226 = vector.shape_cast %parallel_loop3A_221 : vector<16xf32> to vector<1x16xf32>
      tpu.vector_store %arg8[%parallel_loop3A_222, %parallel_loop3A_223], %parallel_loop3A_226 {strides = array<i32>} : memref<80x144xf32, #tpu.memory_space<vmem>>, vector<1x16xf32>,
      %parallel_loop3A_227 = arith.constant 4 : i32
      %parallel_loop3A_228 = vector.broadcast %parallel_loop3A_227 : i32 to vector<16x1xi32>
      %parallel_loop3A_229 = vector.shape_cast %parallel_loop3A_228 : vector<16x1xi32> to vector<16xi32>
      %parallel_loop3A_230 = tpu.dynamic_gather %parallel_loop3A_181[%parallel_loop3A_229] in [0] : vector<16xf32>, vector<16xi32> -> vector<16xf32>
      %parallel_loop3A_231 = arith.mulf %parallel_loop3A_146, %parallel_loop3A_230 : vector<16xf32>
      %parallel_loop3A_232 = arith.index_cast %parallel_loop3A_126 : i32 to index
      %parallel_loop3A_233 = arith.constant 64 : index
      %parallel_loop3A_234 = tpu.vector_load %arg8[%parallel_loop3A_232, %parallel_loop3A_233] {strides = array<i32>} : memref<80x144xf32, #tpu.memory_space<vmem>>, vector<1x16xf32>,
      %parallel_loop3A_235 = vector.shape_cast %parallel_loop3A_234 : vector<1x16xf32> to vector<16xf32>
      %parallel_loop3A_236 = vector.shape_cast %parallel_loop3A_231 : vector<16xf32> to vector<1x16xf32>
      tpu.vector_store %arg8[%parallel_loop3A_232, %parallel_loop3A_233], %parallel_loop3A_236 {strides = array<i32>} : memref<80x144xf32, #tpu.memory_space<vmem>>, vector<1x16xf32>,
      %parallel_loop3A_237 = arith.constant 5 : i32
      %parallel_loop3A_238 = vector.broadcast %parallel_loop3A_237 : i32 to vector<16x1xi32>
      %parallel_loop3A_239 = vector.shape_cast %parallel_loop3A_238 : vector<16x1xi32> to vector<16xi32>
      %parallel_loop3A_240 = tpu.dynamic_gather %parallel_loop3A_181[%parallel_loop3A_239] in [0] : vector<16xf32>, vector<16xi32> -> vector<16xf32>
      %parallel_loop3A_241 = arith.mulf %parallel_loop3A_150, %parallel_loop3A_240 : vector<16xf32>
      %parallel_loop3A_242 = arith.index_cast %parallel_loop3A_126 : i32 to index
      %parallel_loop3A_243 = arith.constant 80 : index
      %parallel_loop3A_244 = tpu.vector_load %arg8[%parallel_loop3A_242, %parallel_loop3A_243] {strides = array<i32>} : memref<80x144xf32, #tpu.memory_space<vmem>>, vector<1x16xf32>,
      %parallel_loop3A_245 = vector.shape_cast %parallel_loop3A_244 : vector<1x16xf32> to vector<16xf32>
      %parallel_loop3A_246 = vector.shape_cast %parallel_loop3A_241 : vector<16xf32> to vector<1x16xf32>
      tpu.vector_store %arg8[%parallel_loop3A_242, %parallel_loop3A_243], %parallel_loop3A_246 {strides = array<i32>} : memref<80x144xf32, #tpu.memory_space<vmem>>, vector<1x16xf32>,
      %parallel_loop3A_247 = arith.constant 6 : i32
      %parallel_loop3A_248 = vector.broadcast %parallel_loop3A_247 : i32 to vector<16x1xi32>
      %parallel_loop3A_249 = vector.shape_cast %parallel_loop3A_248 : vector<16x1xi32> to vector<16xi32>
      %parallel_loop3A_250 = tpu.dynamic_gather %parallel_loop3A_181[%parallel_loop3A_249] in [0] : vector<16xf32>, vector<16xi32> -> vector<16xf32>
      %parallel_loop3A_251 = arith.mulf %parallel_loop3A_154, %parallel_loop3A_250 : vector<16xf32>
      %parallel_loop3A_252 = arith.index_cast %parallel_loop3A_126 : i32 to index
      %parallel_loop3A_253 = arith.constant 96 : index
      %parallel_loop3A_254 = tpu.vector_load %arg8[%parallel_loop3A_252, %parallel_loop3A_253] {strides = array<i32>} : memref<80x144xf32, #tpu.memory_space<vmem>>, vector<1x16xf32>,
      %parallel_loop3A_255 = vector.shape_cast %parallel_loop3A_254 : vector<1x16xf32> to vector<16xf32>
      %parallel_loop3A_256 = vector.shape_cast %parallel_loop3A_251 : vector<16xf32> to vector<1x16xf32>
      tpu.vector_store %arg8[%parallel_loop3A_252, %parallel_loop3A_253], %parallel_loop3A_256 {strides = array<i32>} : memref<80x144xf32, #tpu.memory_space<vmem>>, vector<1x16xf32>,
      %parallel_loop3A_257 = arith.constant 7 : i32
      %parallel_loop3A_258 = vector.broadcast %parallel_loop3A_257 : i32 to vector<16x1xi32>
      %parallel_loop3A_259 = vector.shape_cast %parallel_loop3A_258 : vector<16x1xi32> to vector<16xi32>
      %parallel_loop3A_260 = tpu.dynamic_gather %parallel_loop3A_181[%parallel_loop3A_259] in [0] : vector<16xf32>, vector<16xi32> -> vector<16xf32>
      %parallel_loop3A_261 = arith.mulf %parallel_loop3A_158, %parallel_loop3A_260 : vector<16xf32>
      %parallel_loop3A_262 = arith.index_cast %parallel_loop3A_126 : i32 to index
      %parallel_loop3A_263 = arith.constant 112 : index
      %parallel_loop3A_264 = tpu.vector_load %arg8[%parallel_loop3A_262, %parallel_loop3A_263] {strides = array<i32>} : memref<80x144xf32, #tpu.memory_space<vmem>>, vector<1x16xf32>,
      %parallel_loop3A_265 = vector.shape_cast %parallel_loop3A_264 : vector<1x16xf32> to vector<16xf32>
      %parallel_loop3A_266 = vector.shape_cast %parallel_loop3A_261 : vector<16xf32> to vector<1x16xf32>
      tpu.vector_store %arg8[%parallel_loop3A_262, %parallel_loop3A_263], %parallel_loop3A_266 {strides = array<i32>} : memref<80x144xf32, #tpu.memory_space<vmem>>, vector<1x16xf32>,
    } {sc.loop_unroll_factor = 4 : i64, sc.parallel_access}
    %run_scoped3A_120 = arith.constant 1 : i32
    "tpu.region"() ({
      %run_scoped3A_126 = tpu.sem_alloc : memref<!tpu.dma_semaphore, #tpu.memory_space<semaphore_mem>>
      %dma_start3A_127 = arith.constant 0 : i32
      %dma_start3A_128 = tpu.memref_slice %arg6[%run_scoped3A_120, %dma_start3A_127] : memref<2x80xi32, #tpu.memory_space<vmem>> -> memref<1x80xi32, #tpu.memory_space<vmem>>
      %dma_start3A_129 = tpu.memref_squeeze %dma_start3A_128 : memref<1x80xi32, #tpu.memory_space<vmem>> -> memref<80xi32, #tpu.memory_space<vmem>>
      %dma_start3A_130 = arith.constant 0 : i32
      %dma_start3A_131 = arith.constant 0 : i32
      %dma_start3A_132 = tpu.memref_slice %arg13[%dma_start3A_130, %dma_start3A_131] : memref<10240x144xf32, #tpu.memory_space<vmem_shared>> -> memref<10240x144xf32, #tpu.memory_space<vmem_shared>>
      tpu.enqueue_indirect_dma source(%arg8 : memref<80x144xf32, #tpu.memory_space<vmem>>) target(%dma_start3A_132 : memref<10240x144xf32, #tpu.memory_space<vmem_shared>>) offsets(%dma_start3A_129 : memref<80xi32, #tpu.memory_space<vmem>>) semaphore(%run_scoped3A_126 : memref<!tpu.dma_semaphore, #tpu.memory_space<semaphore_mem>>) {add = true}
      %dma_wait3A_133 = arith.constant 0 : i32
      %dma_wait3A_134 = tpu.memref_slice %arg6[%run_scoped3A_120, %dma_wait3A_133] : memref<2x80xi32, #tpu.memory_space<vmem>> -> memref<1x80xi32, #tpu.memory_space<vmem>>
      %dma_wait3A_135 = tpu.memref_squeeze %dma_wait3A_134 : memref<1x80xi32, #tpu.memory_space<vmem>> -> memref<80xi32, #tpu.memory_space<vmem>>
      %dma_wait3A_136 = arith.constant 0 : i32
      %dma_wait3A_137 = arith.constant 0 : i32
      %dma_wait3A_138 = tpu.memref_slice %arg13[%dma_wait3A_136, %dma_wait3A_137] : memref<10240x144xf32, #tpu.memory_space<vmem_shared>> -> memref<10240x144xf32, #tpu.memory_space<vmem_shared>>
      tpu.wait_indirect_dma semaphore(%run_scoped3A_126 : memref<!tpu.dma_semaphore, #tpu.memory_space<semaphore_mem>>) src(%arg8 : memref<80x144xf32, #tpu.memory_space<vmem>>) dst(%dma_wait3A_138 : memref<10240x144xf32, #tpu.memory_space<vmem_shared>>)
      tpu.yield
    }) : () -> ()
    %barrier3A_121 = arith.constant 0 : index
    tpu.barrier barrier_id(%barrier3A_121)
    %mul3A_122 = arith.constant 640 : i32
    %mul3A_123 = arith.muli %arg1, %mul3A_122 : i32
    %mul3A_124 = arith.constant 640 : i32
    %mul3A_125 = arith.muli %arg1, %mul3A_124 : i32
    "tpu.region"() ({
      %run_scoped3A_126 = tpu.sem_alloc : memref<!tpu.dma_semaphore, #tpu.memory_space<semaphore_mem>>
      %dma_start3A_127 = arith.constant 0 : i32
      %dma_start3A_128 = tpu.memref_slice %arg5[%arg0, %mul3A_125, %dma_start3A_127] : memref<2x10240x144xf32, #tpu.memory_space<hbm>> -> memref<1x640x144xf32, #tpu.memory_space<hbm>>
      %dma_start3A_129 = tpu.memref_squeeze %dma_start3A_128 : memref<1x640x144xf32, #tpu.memory_space<hbm>> -> memref<640x144xf32, #tpu.memory_space<hbm>>
      %dma_start3A_130 = arith.constant 0 : i32
      %dma_start3A_131 = tpu.memref_slice %arg13[%mul3A_123, %dma_start3A_130] : memref<10240x144xf32, #tpu.memory_space<vmem_shared>> -> memref<640x144xf32, #tpu.memory_space<vmem_shared>>
      tpu.enqueue_dma source(%dma_start3A_131 : memref<640x144xf32, #tpu.memory_space<vmem_shared>>) target(%dma_start3A_129 : memref<640x144xf32, #tpu.memory_space<hbm>>) target_semaphore(%run_scoped3A_126 : memref<!tpu.dma_semaphore, #tpu.memory_space<semaphore_mem>>)
      %dma_wait3A_132 = arith.constant 0 : i32
      %dma_wait3A_133 = tpu.memref_slice %arg5[%arg0, %mul3A_125, %dma_wait3A_132] : memref<2x10240x144xf32, #tpu.memory_space<hbm>> -> memref<1x640x144xf32, #tpu.memory_space<hbm>>
      %dma_wait3A_134 = tpu.memref_squeeze %dma_wait3A_133 : memref<1x640x144xf32, #tpu.memory_space<hbm>> -> memref<640x144xf32, #tpu.memory_space<hbm>>
      %dma_wait3A_135 = arith.constant 0 : i32
      %dma_wait3A_136 = tpu.memref_slice %arg13[%mul3A_123, %dma_wait3A_135] : memref<10240x144xf32, #tpu.memory_space<vmem_shared>> -> memref<640x144xf32, #tpu.memory_space<vmem_shared>>
      tpu.wait_dma2 semaphore(%run_scoped3A_126 : memref<!tpu.dma_semaphore, #tpu.memory_space<semaphore_mem>>) src(%dma_wait3A_136 : memref<640x144xf32, #tpu.memory_space<vmem_shared>>) dst(%dma_wait3A_134 : memref<640x144xf32, #tpu.memory_space<hbm>>)
      tpu.yield
    }) : () -> ()
    return
  }
}

module attributes {stable_mosaic.version = 14 : i64} {
  func.func @_tc_pre_body(%arg0: i32, %arg1: memref<2000x128xf32, #tpu.memory_space<vmem>>, %arg2: memref<128x128xf32, #tpu.memory_space<vmem>>, %arg3: memref<128x16xf32, #tpu.memory_space<vmem>>, %arg4: memref<128x16xf32, #tpu.memory_space<vmem>>, %arg5: memref<2000x144xf32, #tpu.memory_space<vmem>>, %arg6: memref<2000x16xf32, #tpu.memory_space<vmem>>) attributes {dimension_semantics = [#tpu.dimension_semantics<arbitrary>], iteration_bounds = array<i64: 5>, scalar_prefetch = 0 : i64, scratch_operands = 0 : i64, tpu.core_type = #tpu.core_type<tc>, window_params = [{transform_indices = @transform_0, window_bounds = array<i64: 2000, 128>}, {pipeline_mode = #tpu.pipeline_mode<synchronous>, transform_indices = @transform_1, window_bounds = array<i64: 128, 128>}, {pipeline_mode = #tpu.pipeline_mode<synchronous>, transform_indices = @transform_2, window_bounds = array<i64: 128, 16>}, {pipeline_mode = #tpu.pipeline_mode<synchronous>, transform_indices = @transform_3, window_bounds = array<i64: 128, 16>}, {transform_indices = @transform_4, window_bounds = array<i64: 2000, 144>}, {transform_indices = @transform_5, window_bounds = array<i64: 2000, 16>}]} {
    %get3A = arith.constant 0 : index
    %get3A_0 = arith.constant 0 : index
    %get3A_1 = vector.load %arg1[%get3A, %get3A_0] : memref<2000x128xf32, #tpu.memory_space<vmem>>, vector<2000x128xf32>
    %get3A_2 = arith.constant 0 : index
    %get3A_3 = arith.constant 0 : index
    %get3A_4 = vector.load %arg2[%get3A_2, %get3A_3] : memref<128x128xf32, #tpu.memory_space<vmem>>, vector<128x128xf32>
    %dot_general3A = arith.constant dense<0.000000e+00> : vector<2000x128xf32>
    %dot_general3A_5 = tpu.matmul %get3A_1, %get3A_4, %dot_general3A {dimension_numbers = #tpu.dot_dimension_numbers<[1], [0], [0], [1], [0, 0, 1, 1], [], []>, transpose_lhs_hint = false} : vector<2000x128xf32>, vector<128x128xf32>, vector<2000x128xf32> -> vector<2000x128xf32>
    %swap3A = arith.constant 0 : index
    %swap3A_6 = arith.constant 0 : index
    %swap3A_7 = vector.load %arg5[%swap3A, %swap3A_6] : memref<2000x144xf32, #tpu.memory_space<vmem>>, vector<2000x128xf32>
    tpu.vector_store %arg5[%swap3A, %swap3A_6], %dot_general3A_5 {strides = array<i32>} : memref<2000x144xf32, #tpu.memory_space<vmem>>, vector<2000x128xf32>,
    %get3A_8 = arith.constant 0 : index
    %get3A_9 = arith.constant 0 : index
    %get3A_10 = vector.load %arg3[%get3A_8, %get3A_9] : memref<128x16xf32, #tpu.memory_space<vmem>>, vector<128x16xf32>
    %dot_general3A_11 = arith.constant dense<0.000000e+00> : vector<2000x16xf32>
    %dot_general3A_12 = tpu.matmul %dot_general3A_5, %get3A_10, %dot_general3A_11 {dimension_numbers = #tpu.dot_dimension_numbers<[1], [0], [0], [1], [0, 0, 1, 1], [], []>, transpose_lhs_hint = false} : vector<2000x128xf32>, vector<128x16xf32>, vector<2000x16xf32> -> vector<2000x16xf32>
    %swap3A_13 = arith.constant 0 : index
    %swap3A_14 = arith.constant 128 : index
    %swap3A_15 = vector.load %arg5[%swap3A_13, %swap3A_14] : memref<2000x144xf32, #tpu.memory_space<vmem>>, vector<2000x16xf32>
    tpu.vector_store %arg5[%swap3A_13, %swap3A_14], %dot_general3A_12 {strides = array<i32>} : memref<2000x144xf32, #tpu.memory_space<vmem>>, vector<2000x16xf32>,
    %get3A_16 = arith.constant 0 : index
    %get3A_17 = arith.constant 0 : index
    %get3A_18 = vector.load %arg4[%get3A_16, %get3A_17] : memref<128x16xf32, #tpu.memory_space<vmem>>, vector<128x16xf32>
    %dot_general3A_19 = arith.constant dense<0.000000e+00> : vector<2000x16xf32>
    %dot_general3A_20 = tpu.matmul %dot_general3A_5, %get3A_18, %dot_general3A_19 {dimension_numbers = #tpu.dot_dimension_numbers<[1], [0], [0], [1], [0, 0, 1, 1], [], []>, transpose_lhs_hint = false} : vector<2000x128xf32>, vector<128x16xf32>, vector<2000x16xf32> -> vector<2000x16xf32>
    %swap3A_21 = arith.constant 0 : index
    %swap3A_22 = arith.constant 0 : index
    %swap3A_23 = vector.load %arg6[%swap3A_21, %swap3A_22] : memref<2000x16xf32, #tpu.memory_space<vmem>>, vector<2000x16xf32>
    tpu.vector_store %arg6[%swap3A_21, %swap3A_22], %dot_general3A_20 {strides = array<i32>} : memref<2000x16xf32, #tpu.memory_space<vmem>>, vector<2000x16xf32>,
    return
  }
  func.func @transform_0(%arg0: i32) -> (i32, i32) {
    %c0_i32 = arith.constant 0 : i32
    %c0_i32_0 = arith.constant 0 : i32
    return %arg0, %c0_i32 : i32, i32
  }
  func.func @transform_1(%arg0: i32) -> (i32, i32) {
    %c0_i32 = arith.constant 0 : i32
    %c0_i32_0 = arith.constant 0 : i32
    %c0_i32_1 = arith.constant 0 : i32
    return %c0_i32, %c0_i32_0 : i32, i32
  }
  func.func @transform_2(%arg0: i32) -> (i32, i32) {
    %c0_i32 = arith.constant 0 : i32
    %c0_i32_0 = arith.constant 0 : i32
    %c0_i32_1 = arith.constant 0 : i32
    return %c0_i32, %c0_i32_0 : i32, i32
  }
  func.func @transform_3(%arg0: i32) -> (i32, i32) {
    %c0_i32 = arith.constant 0 : i32
    %c0_i32_0 = arith.constant 0 : i32
    %c0_i32_1 = arith.constant 0 : i32
    return %c0_i32, %c0_i32_0 : i32, i32
  }
  func.func @transform_4(%arg0: i32) -> (i32, i32) {
    %c0_i32 = arith.constant 0 : i32
    %c0_i32_0 = arith.constant 0 : i32
    return %arg0, %c0_i32 : i32, i32
  }
  func.func @transform_5(%arg0: i32) -> (i32, i32) {
    %c0_i32 = arith.constant 0 : i32
    %c0_i32_0 = arith.constant 0 : i32
    return %arg0, %c0_i32 : i32, i32
  }
}

module attributes {stable_mosaic.version = 14 : i64} {
  func.func @_tc_mid_body(%arg0: i32, %arg1: memref<2x2000x144xf32, #tpu.memory_space<vmem>>, %arg2: memref<1x128xf32, #tpu.memory_space<vmem>>, %arg3: memref<1x128xf32, #tpu.memory_space<vmem>>, %arg4: memref<1x128xf32, #tpu.memory_space<vmem>>, %arg5: memref<128x128xf32, #tpu.memory_space<vmem>>, %arg6: memref<128x16xf32, #tpu.memory_space<vmem>>, %arg7: memref<128x16xf32, #tpu.memory_space<vmem>>, %arg8: memref<16x128xf32, #tpu.memory_space<vmem>>, %arg9: memref<2000x144xf32, #tpu.memory_space<vmem>>, %arg10: memref<2000x16xf32, #tpu.memory_space<vmem>>) attributes {dimension_semantics = [#tpu.dimension_semantics<arbitrary>], iteration_bounds = array<i64: 5>, scalar_prefetch = 0 : i64, scratch_operands = 0 : i64, tpu.core_type = #tpu.core_type<tc>, window_params = [{transform_indices = @transform_0, window_bounds = array<i64: 2, 2000, 144>}, {pipeline_mode = #tpu.pipeline_mode<synchronous>, transform_indices = @transform_1, window_bounds = array<i64: 1, 128>}, {pipeline_mode = #tpu.pipeline_mode<synchronous>, transform_indices = @transform_2, window_bounds = array<i64: 1, 128>}, {pipeline_mode = #tpu.pipeline_mode<synchronous>, transform_indices = @transform_3, window_bounds = array<i64: 1, 128>}, {pipeline_mode = #tpu.pipeline_mode<synchronous>, transform_indices = @transform_4, window_bounds = array<i64: 128, 128>}, {pipeline_mode = #tpu.pipeline_mode<synchronous>, transform_indices = @transform_5, window_bounds = array<i64: 128, 16>}, {pipeline_mode = #tpu.pipeline_mode<synchronous>, transform_indices = @transform_6, window_bounds = array<i64: 128, 16>}, {pipeline_mode = #tpu.pipeline_mode<synchronous>, transform_indices = @transform_7, window_bounds = array<i64: 16, 128>}, {transform_indices = @transform_8, window_bounds = array<i64: 2000, 144>}, {transform_indices = @transform_9, window_bounds = array<i64: 2000, 16>}]} {
    %get3A = arith.constant 0 : index
    %get3A_0 = arith.constant 0 : index
    %get3A_1 = arith.constant 0 : index
    %get3A_2 = vector.load %arg1[%get3A, %get3A_0, %get3A_1] : memref<2x2000x144xf32, #tpu.memory_space<vmem>>, vector<1x2000x144xf32>
    %get3A_3 = vector.shape_cast %get3A_2 : vector<1x2000x144xf32> to vector<2000x144xf32>
    %get3A_4 = arith.constant 1 : index
    %get3A_5 = arith.constant 0 : index
    %get3A_6 = arith.constant 0 : index
    %get3A_7 = vector.load %arg1[%get3A_4, %get3A_5, %get3A_6] : memref<2x2000x144xf32, #tpu.memory_space<vmem>>, vector<1x2000x144xf32>
    %get3A_8 = vector.shape_cast %get3A_7 : vector<1x2000x144xf32> to vector<2000x144xf32>
    %add3A = arith.addf %get3A_3, %get3A_8 : vector<2000x144xf32>
    %slice3A = vector.extract_strided_slice %add3A {offsets = [0, 128], sizes = [2000, 16], strides = [1, 1]} : vector<2000x144xf32> to vector<2000x16xf32>
    %get3A_9 = arith.constant 0 : index
    %get3A_10 = arith.constant 0 : index
    %get3A_11 = vector.load %arg8[%get3A_9, %get3A_10] : memref<16x128xf32, #tpu.memory_space<vmem>>, vector<16x128xf32>
    %dot_general3A = arith.constant dense<0.000000e+00> : vector<2000x128xf32>
    %dot_general3A_12 = tpu.matmul %slice3A, %get3A_11, %dot_general3A {dimension_numbers = #tpu.dot_dimension_numbers<[1], [0], [0], [1], [0, 0, 1, 1], [], []>, transpose_lhs_hint = false} : vector<2000x16xf32>, vector<16x128xf32>, vector<2000x128xf32> -> vector<2000x128xf32>
    %slice3A_13 = vector.extract_strided_slice %add3A {offsets = [0, 0], sizes = [2000, 128], strides = [1, 1]} : vector<2000x144xf32> to vector<2000x128xf32>
    %add3A_14 = arith.constant 1.000000e-16 : f32
    %add3A_15 = vector.broadcast %add3A_14 : f32 to vector<2000x128xf32>
    %add3A_16 = arith.addf %dot_general3A_12, %add3A_15 : vector<2000x128xf32>
    %div3A = arith.divf %slice3A_13, %add3A_16 : vector<2000x128xf32>
    %get3A_17 = arith.constant 0 : index
    %get3A_18 = arith.constant 0 : index
    %get3A_19 = vector.load %arg2[%get3A_17, %get3A_18] : memref<1x128xf32, #tpu.memory_space<vmem>>, vector<1x128xf32>
    %add3A_20 = vector.broadcast %get3A_19 : vector<1x128xf32> to vector<2000x128xf32>
    %add3A_21 = arith.addf %div3A, %add3A_20 : vector<2000x128xf32>
    %get3A_22 = arith.constant 0 : index
    %get3A_23 = arith.constant 0 : index
    %get3A_24 = vector.load %arg3[%get3A_22, %get3A_23] : memref<1x128xf32, #tpu.memory_space<vmem>>, vector<1x128xf32>
    %mul3A = vector.broadcast %get3A_24 : vector<1x128xf32> to vector<2000x128xf32>
    %mul3A_25 = arith.mulf %add3A_21, %mul3A : vector<2000x128xf32>
    %get3A_26 = arith.constant 0 : index
    %get3A_27 = arith.constant 0 : index
    %get3A_28 = vector.load %arg4[%get3A_26, %get3A_27] : memref<1x128xf32, #tpu.memory_space<vmem>>, vector<1x128xf32>
    %add3A_29 = vector.broadcast %get3A_28 : vector<1x128xf32> to vector<2000x128xf32>
    %add3A_30 = arith.addf %mul3A_25, %add3A_29 : vector<2000x128xf32>
    %gt3A = arith.constant 0.000000e+00 : f32
    %gt3A_31 = vector.broadcast %gt3A : f32 to vector<2000x128xf32>
    %gt3A_32 = arith.cmpf ogt, %add3A_30, %gt3A_31 : vector<2000x128xf32>
    %exp3A = math.exp %add3A_30 : vector<2000x128xf32>
    %sub3A = arith.constant 1.000000e+00 : f32
    %sub3A_33 = vector.broadcast %sub3A : f32 to vector<2000x128xf32>
    %sub3A_34 = arith.subf %exp3A, %sub3A_33 : vector<2000x128xf32>
    %select_n3A = arith.select %gt3A_32, %add3A_30, %sub3A_34 : vector<2000x128xi1>, vector<2000x128xf32>
    %get3A_35 = arith.constant 0 : index
    %get3A_36 = arith.constant 0 : index
    %get3A_37 = vector.load %arg5[%get3A_35, %get3A_36] : memref<128x128xf32, #tpu.memory_space<vmem>>, vector<128x128xf32>
    %dot_general3A_38 = arith.constant dense<0.000000e+00> : vector<2000x128xf32>
    %dot_general3A_39 = tpu.matmul %select_n3A, %get3A_37, %dot_general3A_38 {dimension_numbers = #tpu.dot_dimension_numbers<[1], [0], [0], [1], [0, 0, 1, 1], [], []>, transpose_lhs_hint = false} : vector<2000x128xf32>, vector<128x128xf32>, vector<2000x128xf32> -> vector<2000x128xf32>
    %swap3A = arith.constant 0 : index
    %swap3A_40 = arith.constant 0 : index
    %swap3A_41 = vector.load %arg9[%swap3A, %swap3A_40] : memref<2000x144xf32, #tpu.memory_space<vmem>>, vector<2000x128xf32>
    tpu.vector_store %arg9[%swap3A, %swap3A_40], %dot_general3A_39 {strides = array<i32>} : memref<2000x144xf32, #tpu.memory_space<vmem>>, vector<2000x128xf32>,
    %get3A_42 = arith.constant 0 : index
    %get3A_43 = arith.constant 0 : index
    %get3A_44 = vector.load %arg6[%get3A_42, %get3A_43] : memref<128x16xf32, #tpu.memory_space<vmem>>, vector<128x16xf32>
    %dot_general3A_45 = arith.constant dense<0.000000e+00> : vector<2000x16xf32>
    %dot_general3A_46 = tpu.matmul %dot_general3A_39, %get3A_44, %dot_general3A_45 {dimension_numbers = #tpu.dot_dimension_numbers<[1], [0], [0], [1], [0, 0, 1, 1], [], []>, transpose_lhs_hint = false} : vector<2000x128xf32>, vector<128x16xf32>, vector<2000x16xf32> -> vector<2000x16xf32>
    %swap3A_47 = arith.constant 0 : index
    %swap3A_48 = arith.constant 128 : index
    %swap3A_49 = vector.load %arg9[%swap3A_47, %swap3A_48] : memref<2000x144xf32, #tpu.memory_space<vmem>>, vector<2000x16xf32>
    tpu.vector_store %arg9[%swap3A_47, %swap3A_48], %dot_general3A_46 {strides = array<i32>} : memref<2000x144xf32, #tpu.memory_space<vmem>>, vector<2000x16xf32>,
    %get3A_50 = arith.constant 0 : index
    %get3A_51 = arith.constant 0 : index
    %get3A_52 = vector.load %arg7[%get3A_50, %get3A_51] : memref<128x16xf32, #tpu.memory_space<vmem>>, vector<128x16xf32>
    %dot_general3A_53 = arith.constant dense<0.000000e+00> : vector<2000x16xf32>
    %dot_general3A_54 = tpu.matmul %dot_general3A_39, %get3A_52, %dot_general3A_53 {dimension_numbers = #tpu.dot_dimension_numbers<[1], [0], [0], [1], [0, 0, 1, 1], [], []>, transpose_lhs_hint = false} : vector<2000x128xf32>, vector<128x16xf32>, vector<2000x16xf32> -> vector<2000x16xf32>
    %swap3A_55 = arith.constant 0 : index
    %swap3A_56 = arith.constant 0 : index
    %swap3A_57 = vector.load %arg10[%swap3A_55, %swap3A_56] : memref<2000x16xf32, #tpu.memory_space<vmem>>, vector<2000x16xf32>
    tpu.vector_store %arg10[%swap3A_55, %swap3A_56], %dot_general3A_54 {strides = array<i32>} : memref<2000x16xf32, #tpu.memory_space<vmem>>, vector<2000x16xf32>,
    return
  }
  func.func @transform_0(%arg0: i32) -> (i32, i32, i32) {
    %c0_i32 = arith.constant 0 : i32
    %c0_i32_0 = arith.constant 0 : i32
    %c0_i32_1 = arith.constant 0 : i32
    return %c0_i32, %arg0, %c0_i32_0 : i32, i32, i32
  }
  func.func @transform_1(%arg0: i32) -> (i32, i32) {
    %c0_i32 = arith.constant 0 : i32
    %c0_i32_0 = arith.constant 0 : i32
    %c0_i32_1 = arith.constant 0 : i32
    return %c0_i32, %c0_i32_0 : i32, i32
  }
  func.func @transform_2(%arg0: i32) -> (i32, i32) {
    %c0_i32 = arith.constant 0 : i32
    %c0_i32_0 = arith.constant 0 : i32
    %c0_i32_1 = arith.constant 0 : i32
    return %c0_i32, %c0_i32_0 : i32, i32
  }
  func.func @transform_3(%arg0: i32) -> (i32, i32) {
    %c0_i32 = arith.constant 0 : i32
    %c0_i32_0 = arith.constant 0 : i32
    %c0_i32_1 = arith.constant 0 : i32
    return %c0_i32, %c0_i32_0 : i32, i32
  }
  func.func @transform_4(%arg0: i32) -> (i32, i32) {
    %c0_i32 = arith.constant 0 : i32
    %c0_i32_0 = arith.constant 0 : i32
    %c0_i32_1 = arith.constant 0 : i32
    return %c0_i32, %c0_i32_0 : i32, i32
  }
  func.func @transform_5(%arg0: i32) -> (i32, i32) {
    %c0_i32 = arith.constant 0 : i32
    %c0_i32_0 = arith.constant 0 : i32
    %c0_i32_1 = arith.constant 0 : i32
    return %c0_i32, %c0_i32_0 : i32, i32
  }
  func.func @transform_6(%arg0: i32) -> (i32, i32) {
    %c0_i32 = arith.constant 0 : i32
    %c0_i32_0 = arith.constant 0 : i32
    %c0_i32_1 = arith.constant 0 : i32
    return %c0_i32, %c0_i32_0 : i32, i32
  }
  func.func @transform_7(%arg0: i32) -> (i32, i32) {
    %c0_i32 = arith.constant 0 : i32
    %c0_i32_0 = arith.constant 0 : i32
    %c0_i32_1 = arith.constant 0 : i32
    return %c0_i32, %c0_i32_0 : i32, i32
  }
  func.func @transform_8(%arg0: i32) -> (i32, i32) {
    %c0_i32 = arith.constant 0 : i32
    %c0_i32_0 = arith.constant 0 : i32
    return %arg0, %c0_i32 : i32, i32
  }
  func.func @transform_9(%arg0: i32) -> (i32, i32) {
    %c0_i32 = arith.constant 0 : i32
    %c0_i32_0 = arith.constant 0 : i32
    return %arg0, %c0_i32 : i32, i32
  }
}

module attributes {stable_mosaic.version = 14 : i64} {
  func.func @_tc_post_body(%arg0: i32, %arg1: memref<2x2000x144xf32, #tpu.memory_space<vmem>>, %arg2: memref<1x128xf32, #tpu.memory_space<vmem>>, %arg3: memref<16x128xf32, #tpu.memory_space<vmem>>, %arg4: memref<2000x128xf32, #tpu.memory_space<vmem>>) attributes {dimension_semantics = [#tpu.dimension_semantics<arbitrary>], iteration_bounds = array<i64: 5>, scalar_prefetch = 0 : i64, scratch_operands = 0 : i64, tpu.core_type = #tpu.core_type<tc>, window_params = [{transform_indices = @transform_0, window_bounds = array<i64: 2, 2000, 144>}, {pipeline_mode = #tpu.pipeline_mode<synchronous>, transform_indices = @transform_1, window_bounds = array<i64: 1, 128>}, {pipeline_mode = #tpu.pipeline_mode<synchronous>, transform_indices = @transform_2, window_bounds = array<i64: 16, 128>}, {transform_indices = @transform_3, window_bounds = array<i64: 2000, 128>}]} {
    %get3A = arith.constant 0 : index
    %get3A_0 = arith.constant 0 : index
    %get3A_1 = arith.constant 0 : index
    %get3A_2 = vector.load %arg1[%get3A, %get3A_0, %get3A_1] : memref<2x2000x144xf32, #tpu.memory_space<vmem>>, vector<1x2000x144xf32>
    %get3A_3 = vector.shape_cast %get3A_2 : vector<1x2000x144xf32> to vector<2000x144xf32>
    %get3A_4 = arith.constant 1 : index
    %get3A_5 = arith.constant 0 : index
    %get3A_6 = arith.constant 0 : index
    %get3A_7 = vector.load %arg1[%get3A_4, %get3A_5, %get3A_6] : memref<2x2000x144xf32, #tpu.memory_space<vmem>>, vector<1x2000x144xf32>
    %get3A_8 = vector.shape_cast %get3A_7 : vector<1x2000x144xf32> to vector<2000x144xf32>
    %add3A = arith.addf %get3A_3, %get3A_8 : vector<2000x144xf32>
    %slice3A = vector.extract_strided_slice %add3A {offsets = [0, 128], sizes = [2000, 16], strides = [1, 1]} : vector<2000x144xf32> to vector<2000x16xf32>
    %get3A_9 = arith.constant 0 : index
    %get3A_10 = arith.constant 0 : index
    %get3A_11 = vector.load %arg3[%get3A_9, %get3A_10] : memref<16x128xf32, #tpu.memory_space<vmem>>, vector<16x128xf32>
    %dot_general3A = arith.constant dense<0.000000e+00> : vector<2000x128xf32>
    %dot_general3A_12 = tpu.matmul %slice3A, %get3A_11, %dot_general3A {dimension_numbers = #tpu.dot_dimension_numbers<[1], [0], [0], [1], [0, 0, 1, 1], [], []>, transpose_lhs_hint = false} : vector<2000x16xf32>, vector<16x128xf32>, vector<2000x128xf32> -> vector<2000x128xf32>
    %slice3A_13 = vector.extract_strided_slice %add3A {offsets = [0, 0], sizes = [2000, 128], strides = [1, 1]} : vector<2000x144xf32> to vector<2000x128xf32>
    %add3A_14 = arith.constant 1.000000e-16 : f32
    %add3A_15 = vector.broadcast %add3A_14 : f32 to vector<2000x128xf32>
    %add3A_16 = arith.addf %dot_general3A_12, %add3A_15 : vector<2000x128xf32>
    %div3A = arith.divf %slice3A_13, %add3A_16 : vector<2000x128xf32>
    %get3A_17 = arith.constant 0 : index
    %get3A_18 = arith.constant 0 : index
    %get3A_19 = vector.load %arg2[%get3A_17, %get3A_18] : memref<1x128xf32, #tpu.memory_space<vmem>>, vector<1x128xf32>
    %add3A_20 = vector.broadcast %get3A_19 : vector<1x128xf32> to vector<2000x128xf32>
    %add3A_21 = arith.addf %div3A, %add3A_20 : vector<2000x128xf32>
    %swap3A = arith.constant 0 : index
    %swap3A_22 = arith.constant 0 : index
    %swap3A_23 = vector.load %arg4[%swap3A, %swap3A_22] : memref<2000x128xf32, #tpu.memory_space<vmem>>, vector<2000x128xf32>
    tpu.vector_store %arg4[%swap3A, %swap3A_22], %add3A_21 {strides = array<i32>} : memref<2000x128xf32, #tpu.memory_space<vmem>>, vector<2000x128xf32>,
    return
  }
  func.func @transform_0(%arg0: i32) -> (i32, i32, i32) {
    %c0_i32 = arith.constant 0 : i32
    %c0_i32_0 = arith.constant 0 : i32
    %c0_i32_1 = arith.constant 0 : i32
    return %c0_i32, %arg0, %c0_i32_0 : i32, i32, i32
  }
  func.func @transform_1(%arg0: i32) -> (i32, i32) {
    %c0_i32 = arith.constant 0 : i32
    %c0_i32_0 = arith.constant 0 : i32
    %c0_i32_1 = arith.constant 0 : i32
    return %c0_i32, %c0_i32_0 : i32, i32
  }
  func.func @transform_2(%arg0: i32) -> (i32, i32) {
    %c0_i32 = arith.constant 0 : i32
    %c0_i32_0 = arith.constant 0 : i32
    %c0_i32_1 = arith.constant 0 : i32
    return %c0_i32, %c0_i32_0 : i32, i32
  }
  func.func @transform_3(%arg0: i32) -> (i32, i32) {
    %c0_i32 = arith.constant 0 : i32
    %c0_i32_0 = arith.constant 0 : i32
    return %arg0, %c0_i32 : i32, i32
  }
}

</mosaic_0001>

<sc_bundles>
// kernel: kernel.10.cloned.1.call-start
scs
__scs_entry_jumppad:
0x0: {  	(pc) =	sbr.rel $0x88, $3  }
0x1: {  	(tag) =	ssettag $0x0;
	lr =	simm.s32 $0x1  }
0x2: {  	[smem:$0x3F95] =	sst lr;
	_ =	strace $0xD0000000  }
0x3: {  	_ = 	snop  }
0x4: {  	_ = 	snop  }
0x5: {  	_ = 	snop  }
0x6: {  	_ = 	snop  }
0x7: {  	_ = 	snop  }
__scs_overlays_trampoline_lowered:
0x8: {  	[smem:$0x3FA4] =	sst s0  }
0x9: {  	[smem:$0x3FA5] =	sst s1  }
0xa: {  	[smem:$0x3FA6] =	sst s2  }
0xb: {  	[smem:$0x3FA7] =	sst s3  }
0xc: {  	[smem:$0x3FA8] =	sst s4  }
0xd: {  	[smem:$0x3FA9] =	sst s5  }
0xe: {  	[smem:$0x3FAA] =	sst s6  }
0xf: {  	[smem:$0x3FAB] =	sst s7  }
0x10: {  	[smem:$0x3FAC] =	sst s8  }
0x11: {  	[smem:$0x3FAD] =	sst s9;
	s0 =	simm.s32 @!p0 $0x0  }
0x12: {  	s1 =	sld [smem:$0x3F93];
	s0 =	simm.s32 @p0 $0x1  }
0x13: {  	[smem:$0x3FAE] =	sst s0;
	s0 =	simm.s32 @!p1 $0x0  }
0x14: {  	s2 =	sld [smem:$0x3F92];
	s0 =	simm.s32 @p1 $0x1  }
0x15: {  	[smem:$0x3FAF] =	sst s0;
	s0 =	simm.s32 @!p2 $0x0  }
0x16: {  	s3 =	sld [smem:$0x3FDB];
	s0 =	simm.s32 @p2 $0x1  }
0x17: {  	s4 =	simm.s32 $0x1BF5;
	[smem:$0x3FB1] =	sst s0  }
0x18: {  	s0 =	sld [smem:$0x3F94];
	_ =	swait.ge [sflag:s4], $0x0  }
0x19: {  	s7 =	sld [smem:$0x3F95]  }
0x1a: {  	s8 =	sadd.s32 $0xFFFFE003, lr  }
0x1b: {  	s9 =	sadd.s32 $0xFFFFFEF7, lr;
	s5 =	simm.s32 $0xFFFFFFFF;
	p2 =	slt.u32 s8, $0xFFFFF086  }
0x1c: {  	p1 =	slt.u32 s9, $0xF7A;
	s5 =	simm.s32 @!p2 $0x0  }
0x1d: {  	s5 =	simm.s32 @p1 $0x1;
	p0 =	seq.s32 s7, s2  }
0x1e: {  	s7 =	smul.u32 @!p0 $0xF7A, s2;
	p2 =	seq.s32 @!p0 s5, $0x0  }
0x1f: {  	s9 =	smul.u32 $0xF7A, s1;
	s8 =	simm.s32 @!p0 $0x1BF5;
	p2 =	por !p2, p0  }
0x20: {  	[sflag:s8] =	ssyncset.s32 @!p0 $0xFFFFF086;
	s6 =	sadd.s32 @!p0 s3, s7;
	s7 =	simm.s32 @!p0 $0x108  }
0x21: {  	s3 =	sadd.s32 s3, s9;
	s6 =	sadd.s32 @!p0 $0x88, s6;
	s7 =	simm.s32 @p2 $0x1082  }
0x22: {  	[simem:s7], [sflag:s8] =	dma.local @!p0 [hbm:s6], $0xF7A  }
0x23: {  	s9 =	sor.u32 $0xD0000000, s2;
	s6 =	simm.s32 $0x108;
	_ =	swait.ge @!p0 [sflag:s8], $0x0  }
0x24: {  	s3 =	sadd.s32 $0x88, s3;
	s6 =	simm.s32 @!p1 $0x1082;
	[sflag:s4] =	ssyncset.s32 $0xFFFFF086  }
0x25: {  	[simem:s6], [sflag:s4] =	dma.local [hbm:s3], $0xF7A  }
0x26: {  	[smem:$0x3F95] =	sst s1;
	(tag) =	ssettag s2;
	_ =	strace s9  }
0x27: {  	s1 =	sld [smem:$0x3FA5]  }
0x28: {  	s2 =	sld [smem:$0x3FA6]  }
0x29: {  	s4 =	sld [smem:$0x3FA8]  }
0x2a: {  	p0 =	seq.s32 s5, $0x0;
	s5 =	sld [smem:$0x3FA9]  }
0x2b: {  	s6 =	sld [smem:$0x3FAA]  }
0x2c: {  	s7 =	sld [smem:$0x3FAB]  }
0x2d: {  	s3 =	simm.s32 $0x108;
	s8 =	sld [smem:$0x3FAC]  }
0x2e: {  	s3 =	simm.s32 @!p0 $0x1082;
	s9 =	sld [smem:$0x3FAD]  }
0x2f: {  	lr =	sadd.s32 s0, s3;
	s0 =	sld [smem:$0x3FA4]  }
0x30: {  	s3 =	sld [smem:$0x3FA7]  }
0x31: {  	[smem:$0x3FB0] =	sst s10  }
0x32: {  	s10 =	sld [smem:$0x3FAE];
	_ =	sdelay $0x3  }
0x33: {  	p0 =	seq.s32 s10, $0x1;
	s10 =	sld [smem:$0x3FB0];
	_ =	sdelay $0x3  }
0x34: {  	[smem:$0x3FB0] =	sst s10  }
0x35: {  	s10 =	sld [smem:$0x3FAF];
	_ =	sdelay $0x3  }
0x36: {  	p1 =	seq.s32 s10, $0x1;
	s10 =	sld [smem:$0x3FB0];
	_ =	sdelay $0x3  }
0x37: {  	[smem:$0x3FB0] =	sst s10  }
0x38: {  	s10 =	sld [smem:$0x3FB1]  }
0x39: {  	_ = 	snop;
	(pc) =	sbr.ind lr, $3  }
0x3a: {  	_ = 	snop  }
0x3b: {  	_ = 	snop  }
0x3c: {  	p2 =	seq.s32 s10, $0x1;
	s10 =	sld [smem:$0x3FB0]  }
0x3d: {  	_ =	shalt  }
0x3e: {  	_ =	shalt  }
0x3f: {  	_ =	shalt  }
0x40: {  	_ =	shalt  }
0x41: {  	_ =	shalt  }
0x42: {  	_ =	shalt  }
0x43: {  	_ =	shalt  }
0x44: {  	_ =	shalt  }
0x45: {  	_ =	shalt  }
0x46: {  	_ =	shalt  }
0x47: {  	_ =	shalt  }
0x48: {  	_ =	shalt  }
0x49: {  	_ =	shalt  }
0x4a: {  	_ =	shalt  }
0x4b: {  	_ =	shalt  }
0x4c: {  	_ =	shalt  }
0x4d: {  	_ =	shalt  }
0x4e: {  	_ =	shalt  }
0x4f: {  	_ =	shalt  }
0x50: {  	_ =	shalt  }
0x51: {  	_ =	shalt  }
0x52: {  	_ =	shalt  }
0x53: {  	_ =	shalt  }
0x54: {  	_ =	shalt  }
0x55: {  	_ =	shalt  }
0x56: {  	_ =	shalt  }
0x57: {  	_ =	shalt  }
0x58: {  	_ =	shalt  }
0x59: {  	_ =	shalt  }
0x5a: {  	_ =	shalt  }
0x5b: {  	_ =	shalt  }
0x5c: {  	_ =	shalt  }
0x5d: {  	_ =	shalt  }
0x5e: {  	_ =	shalt  }
0x5f: {  	_ =	shalt  }
0x60: {  	_ =	shalt  }
0x61: {  	_ =	shalt  }
0x62: {  	_ =	shalt  }
0x63: {  	_ =	shalt  }
0x64: {  	_ =	shalt  }
0x65: {  	_ =	shalt  }
0x66: {  	_ =	shalt  }
0x67: {  	_ =	shalt  }
0x68: {  	_ =	shalt  }
0x69: {  	_ =	shalt  }
0x6a: {  	_ =	shalt  }
0x6b: {  	_ =	shalt  }
0x6c: {  	_ =	shalt  }
0x6d: {  	_ =	shalt  }
0x6e: {  	_ =	shalt  }
0x6f: {  	_ =	shalt  }
0x70: {  	_ =	shalt  }
0x71: {  	_ =	shalt  }
0x72: {  	_ =	shalt  }
0x73: {  	_ =	shalt  }
0x74: {  	_ =	shalt  }
0x75: {  	_ =	shalt  }
0x76: {  	_ =	shalt  }
0x77: {  	_ =	shalt  }
0x78: {  	_ =	shalt  }
0x79: {  	_ =	shalt  }
0x7a: {  	_ =	shalt  }
0x7b: {  	_ =	shalt  }
0x7c: {  	_ =	shalt  }
0x7d: {  	_ =	shalt  }
0x7e: {  	_ =	shalt  }
0x7f: {  	_ =	shalt  }
0x80: {  	_ =	shalt  }
0x81: {  	_ =	shalt  }
0x82: {  	_ =	shalt  }
0x83: {  	_ =	shalt  }
0x84: {  	_ =	shalt  }
0x85: {  	_ =	shalt  }
0x86: {  	_ =	shalt  }
0x87: {  	_ =	shalt  }
.Lfunc_end0:
.L_simem_size_0:
called_computation.1_lowered:
.L_overlay_start_0:
0x88: {  	s2 =	sld [smem:$0x3FD9]  }
0x89: {  	s3 =	sld [smem:$0x3FFE];
	_ =	sdelay $0x1  }
0x8a: {  	s1 =	srdreg.scid  }
0x8b: {  	s0 =	sand.u32 $0x1, s1  }
0x8c: {  	s17 =	sshll.u32 s0, $0xA;
	s2 =	sadd.s32 s3, s2  }
0x8d: {  	s2 =	sadd.s32 s2, s17  }
0x8e: {  	[smem:$0x3FBC] =	sst s2  }
0x8f: {  	_ = 	snop  }
0x90: {  	s2 =	sld [smem:$0x3FD0];
	(tm) =	ssettm $0x1  }
0x91: {  	s18 =	sld [smem:$0x3FFB];
	_ =	sdelay $0x3  }
0x92: {  	_ =	strace s18  }
0x93: {  	s3 =	sld [smem:$0x3FFC];
	_ =	sdelay $0x3  }
0x94: {  	_ =	strace s3  }
0x95: {  	s3 =	sld [smem:$0x3FFD];
	_ =	sdelay $0x3  }
0x96: {  	_ =	strace s3  }
0x97: {  	_ =	strace $0x8FFFFFFF  }
0x98: {  	s19 =	sld [smem:$0x3FDB];
	_ =	sdelay $0x1  }
0x99: {  	s4 =	simm.s32 $_scs_section_size  }
0x9a: {  	s5 =	simm.s32 $_size__tile_overlayer_lowered;
	s6 =	simm.s32 $_tile_overlayer_lowered  }
0x9b: {  	s22 =	simm.s32 $0x1BFF;
	s21 =	sshll.u32 s6, $0x1;
	s3 =	sadd.s32 s4, s19  }
0x9c: {  	s7 =	simm.s32 $0x0;
	s20 =	sshll.u32 s5, $0x1;
	s5 =	sadd.s32 s21, s3  }
0x9d: {  	[timem:s7], [sflag:s22] =	dma.local [hbm:s5], s20  }
0x9e: {  	_ =	swait.ge [sflag:s22], s20  }
0x9f: {  	s4 =	ssub.s32 $0x0, s20;
	[sflag:s22] =	ssyncset.done $0x0  }
0xa0: {  	[sflag:s22] =	ssyncadd.s32 s4;
	_ =	sdelay $0x1  }
0xa1: {  	s23 =	simm.s32 $0x1B8B  }
0xa2: {  	_ =	swait.ge [sflag:s23], $0x1  }
0xa3: {  	[sflag:s23] =	ssyncset.done $0x0  }
0xa4: {  	s25 =	simm.s32 $0x1B8E;
	s24 =	sld [smem:$0x3FFE];
	[sflag:s23] =	ssyncadd.s32 $0xFFFFFFFF  }
0xa5: {  	s26 =	simm.s32 $execute0_lowered;
	[smem:$0x3FD2] =	sst s25  }
0xa6: {  	s5 =	sshll.u32 s26, $0x1;
	_ =	strace $0x80000049;
	[dreg:$0x1] =	wrdreg $0xFFFFFFFF  }
0xa7: {  	s28 =	simm.s32 $_size_execute0_lowered;
	s3 =	sadd.s32 s3, s5;
	[dreg:$0x0] =	wrdreg $0x0  }
0xa8: {  	s5 =	sshll.u32 s28, $0x1;
	[dreg:$0x2] =	wrdreg s3  }
0xa9: {  	[dreg:$0x3] =	wrdreg s5  }
0xaa: {  	[dreg:$0x4] =	wrdreg $0xC0  }
0xab: {  	_ =	task [dreg:s7], $0x5FFFF  }
0xac: {  	[dreg:$0x1] =	wrdreg $0xFFFFFFFF  }
0xad: {  	[dreg:$0x0] =	wrdreg $0x60  }
0xae: {  	[dreg:$0x2] =	wrdreg s24  }
0xaf: {  	[dreg:$0x3] =	wrdreg s2  }
0xb0: {  	[dreg:$0x4] =	wrdreg $0x77400  }
0xb1: {  	[dreg:$0x5] =	wrdreg $0x9  }
0xb2: {  	_ =	task.clear_ibuf [dreg:s7], $0x6FFFF;
	_ =	strace $0x90000049  }
0xb3: {  	s29 =	simm.s32 $0x9;
	_ =	strace $0x8000004B  }
0xb4: {  	_ =	swait.ge [sflag:s29], $0x1  }
0xb5: {  	[sflag:s29] =	ssyncadd.s32 $0xFFFFFFFF  }
0xb6: {  	_ =	strace $0x9000004B  }
0xb7: {  	_ =	sfence  }
0xb8: {  	s30 =	sld [smem:$0x0];
	_ =	sdelay $0x2  }
0xb9: {  	s31 =	sshll.u32 s1, $0xD;
	s1 =	sshrl.u32 s1, $0x2  }
0xba: {  	s3 =	sand.u32 $0x4000, s31;
	s1 =	sadd.s32 s1, s30  }
0xbb: {  	s0 =	sor.u32 s3, s0;
	s1 =	sshll.u32 s1, $0x11  }
0xbc: {  	s0 =	sor.u32 s1, s0  }
0xbd: {  	s0 =	sadd.s32 $0x8F2B, s0  }
0xbe: {  	[sflag:s0] =	ssyncadd.remote.s32 $0x1  }
0xbf: {  	_ =	sfence.sel $0xFFFF  }
0xc0: {  	[dreg:$0x0] =	wrdreg $0xFFFFFFFF;
	(pc) =	sbr.abs _section_cstart, $3  }
0xc1: {  	[dreg:$0x1] =	wrdreg $0xFFFFFFFF  }
0xc2: {  	_ =	task.clear_ibuf [dreg:s7], $0x2FFFF;
	_ =	strace $0x9FFFFFFF  }
0xc3: {  	(tm) =	ssettm $0x7FFFFFFF  }
tec
execute0_lowered:
.L_overlay_start_1:
0x0: {  	(tag) =	ssettag $0x1  }
0x1: {  	s1 =	srdreg.scid  }
0x2: {  	s10 =	stileid.u32;
	s1 =	sand.u32 $0x1, s1  }
0x3: {  	s0 =	rddreg [dreg:$0x0];
	s7 =	smul.u32 $0x16800, s10;
	s6 =	sshll.u32 s1, $0x4  }
0x4: {  	s2 =	rddreg [dreg:$0x1];
	s6 =	sor.u32 s10, s6;
	s10 =	smul.u32 $0x5A000, s10  }
0x5: {  	s3 =	rddreg [dreg:$0x2];
	s4 =	simm.s32 $0x0;
	s9 =	smul.u32 $0x4E20, s6  }
0x6: {  	[smem:$0x7FF] =	sst s4;
	s5 =	smul.u32 $0x168000, s1  }
0x7: {  	_ =	strace $0x8000004A;
	s10 =	sshrl.u32 s10, $0x2;
	s11 =	sshrl.u32 s9, $0x3  }
0x8: {  	s1 =	ssub.s32 $0x2, s1;
	s10 =	sadd.s32 s10, s3;
	s26 =	sadd.s32 s2, s11  }
0x9: {  	s25 =	sshrl.u32 s1, $0x1;
	s11 =	sadd.s32 $0x1200, s10;
	[dreg:$0x4] =	wrdreg s26  }
0xa: {  	s8 =	sadd.s32 s7, s5;
	s12 =	sadd.s32 $0x2400, s10;
	[dreg:$0x5] =	wrdreg s11  }
0xb: {  	s5 =	sadd.s32 $0x1A00, s0;
	s13 =	sadd.s32 $0x3600, s10;
	[dreg:$0x6] =	wrdreg s12  }
0xc: {  	s6 =	sadd.s32 $0x2DA00, s0;
	s14 =	sadd.s32 $0x4800, s10;
	[dreg:$0x7] =	wrdreg s13  }
0xd: {  	s1 =	ssub.s32 s1, s25;
	s15 =	sadd.s32 $0x5A00, s10;
	[dreg:$0x8] =	wrdreg s14  }
0xe: {  	s8 =	sshrl.u32 s8, $0x3;
	s16 =	sadd.s32 $0x6C00, s10;
	[dreg:$0x9] =	wrdreg s15  }
0xf: {  	s0 =	sadd.s32 s8, s0;
	s17 =	sadd.s32 $0x7E00, s10;
	[dreg:$0xa] =	wrdreg s16  }
0x10: {  	s8 =	sadd.s32 s7, s3;
	s18 =	sadd.s32 $0x9000, s10;
	[dreg:$0xb] =	wrdreg s17  }
0x11: {  	s29 =	sadd.s32 $0xA0, s9;
	s19 =	sadd.s32 $0xA200, s10;
	[dreg:$0xc] =	wrdreg s18  }
0x12: {  	s30 =	sadd.s32 $0x140, s9;
	s20 =	sadd.s32 $0xB400, s10;
	[dreg:$0xd] =	wrdreg s19  }
0x13: {  	s7 =	simm.s32 $0x50;
	s21 =	sadd.s32 $0xC600, s10;
	[dreg:$0xe] =	wrdreg s20  }
0x14: {  	s9 =	simm.s32 $0x140;
	s22 =	sadd.s32 $0xD800, s10;
	[dreg:$0xf] =	wrdreg s21  }
0x15: {  	s23 =	sadd.s32 $0xEA00, s10;
	s24 =	sadd.s32 $0xFC00, s10;
	[dreg:$0x10] =	wrdreg s22  }
0x16: {  	s25 =	sadd.s32 $0x10E00, s10;
	s28 =	sadd.s32 $0x15600, s10;
	[dreg:$0x11] =	wrdreg s23  }
0x17: {  	s31 =	sadd.s32 $0x32A00, s0;
	s0 =	smax.u32 s1, $0x1;
	[dreg:$0x12] =	wrdreg s24  }
0x18: {  	s1 =	simm.s32 $0x3;
	[dreg:$0x13] =	wrdreg s25;
	s26 =	sadd.s32 $0x12000, s10  }
0x19: {  	s25 =	sadd.s32 $0x13200, s10;
	s11 =	simm.s32 $0x6540;
	s12 =	simm.s32 $0xA0  }
0x1a: {  	s13 =	simm.s32 $0x2E40;
	s14 =	simm.s32 $0xF0;
	s15 =	simm.s32 $0x6040  }
0x1b: {  	s16 =	simm.s32 $0x1;
	s17 =	simm.s32 $0x2;
	s18 =	simm.s32 $0x0  }
0x1c: {  	v0 =	vimm.f32 $0.0e+00;
	vm0 =	vmmov $0x1;
	v1 =	vimm.s32 $0x0;
	[dreg:$0x14] =	wrdreg s26;
	s26 =	sadd.s32 $0x14400, s10;
	s10 =	simm.s32 $0x5B40  }
.LBB2_1:
0x1d: {  	s19 =	rddreg [dreg:$0x4]  }
0x1e: {  	[tilespmem:s4], [sflag:$0x3] =	stream.linear.gather [hbm4b:s19+s4], $0xA0, $0x38;
	[tilespmem:$0x1DF40] =	vst v63  }
0x1f: {  	_ =	swait.ge [sflag:s1], $0xA0  }
0x20: {  	[sflag:s1] =	ssyncset.done $0x0  }
0x21: {  	[sflag:s1] =	ssyncadd.s32 $0xFFFFFF60  }
0x22: {  	[tilespmem:s9], [sflag:$0x1] =	stream.indirect.gather [hbm4b:s5+s7], $0x90, s4, s7, $0xb8;
	[tilespmem:$0x1DF40] =	vst v63  }
0x23: {  	s20 =	simm.s32 $0x240;
	s19 =	simm.s32 $0x0  }
0x24: {  	[tilespmem:s10], [sflag:$0x1] =	stream.indirect.gather [hbm4b:s6+s7], $0x10, s7, s7, $0xb8;
	[tilespmem:$0x1DF40] =	vst v63  }
.LBB2_2:
0x25: {  	p0 =	sne.s32 s20, $0x45C0;
	[tilespmem:s19+$0x65C0] =	vst v0  }
0x26: {  	[tilespmem:s19+$0x6540] =	vst v0  }
0x27: {  	[tilespmem:s19+$0x6550] =	vst v0  }
0x28: {  	[tilespmem:s19+$0x6560] =	vst v0  }
.Ltmp0:
0x29: {  	[tilespmem:s19+$0x6570] =	vst v0;
	(pc) =	sbr.rel @p0 .LBB2_2-.Ltmp0, $4  }
0x2a: {  	[tilespmem:s19+$0x6580] =	vst v0  }
0x2b: {  	[tilespmem:s19+$0x6590] =	vst v0  }
0x2c: {  	[tilespmem:s19+$0x65A0] =	vst v0  }
0x2d: {  	[tilespmem:s19+$0x65B0] =	vst v0;
	s19 =	sshra.s32 s20, $0x2;
	s20 =	sadd.s32 $0x240, s20  }
0x2e: {  	[tilespmem:s19+$0x65C0] =	vst v0  }
0x2f: {  	[tilespmem:s19+$0x6540] =	vst v0  }
0x30: {  	[tilespmem:s19+$0x6550] =	vst v0  }
0x31: {  	[tilespmem:s19+$0x6560] =	vst v0  }
0x32: {  	[tilespmem:s19+$0x6570] =	vst v0  }
0x33: {  	[tilespmem:s19+$0x6580] =	vst v0  }
0x34: {  	[tilespmem:s19+$0x6590] =	vst v0  }
0x35: {  	[tilespmem:s19+$0x65A0] =	vst v0  }
0x36: {  	[tilespmem:s19+$0x65B0] =	vst v0  }
0x37: {  	[spmem:s8] =	stream.linear.scatter [tilespmem:s11], [sflag:$0x3], $0x1200, $0x38;
	[tilespmem:$0x1DF40] =	vst v63  }
0x38: {  	_ =	swait.ge [sflag:s1], $0x1200  }
0x39: {  	[sflag:s1] =	ssyncset.done $0x0  }
0x3a: {  	s24 =	rddreg [dreg:$0x5];
	[sflag:s1] =	ssyncadd.s32 $0xFFFFEE00  }
0x3b: {  	[spmem:s24] =	stream.linear.scatter [tilespmem:s11], [sflag:$0x3], $0x1200, $0x38;
	[tilespmem:$0x1DF40] =	vst v63  }
0x3c: {  	_ =	swait.ge [sflag:s1], $0x1200  }
0x3d: {  	[sflag:s1] =	ssyncset.done $0x0  }
0x3e: {  	s20 =	rddreg [dreg:$0x6];
	[sflag:s1] =	ssyncadd.s32 $0xFFFFEE00  }
0x3f: {  	[spmem:s20] =	stream.linear.scatter [tilespmem:s11], [sflag:$0x3], $0x1200, $0x38;
	[tilespmem:$0x1DF40] =	vst v63  }
0x40: {  	_ =	swait.ge [sflag:s1], $0x1200  }
0x41: {  	[sflag:s1] =	ssyncset.done $0x0  }
0x42: {  	s21 =	rddreg [dreg:$0x7];
	[sflag:s1] =	ssyncadd.s32 $0xFFFFEE00  }
0x43: {  	[spmem:s21] =	stream.linear.scatter [tilespmem:s11], [sflag:$0x3], $0x1200, $0x38;
	[tilespmem:$0x1DF40] =	vst v63  }
0x44: {  	_ =	swait.ge [sflag:s1], $0x1200  }
0x45: {  	[sflag:s1] =	ssyncset.done $0x0  }
0x46: {  	s22 =	rddreg [dreg:$0x8];
	[sflag:s1] =	ssyncadd.s32 $0xFFFFEE00  }
0x47: {  	[spmem:s22] =	stream.linear.scatter [tilespmem:s11], [sflag:$0x3], $0x1200, $0x38;
	[tilespmem:$0x1DF40] =	vst v63  }
0x48: {  	_ =	swait.ge [sflag:s1], $0x1200  }
0x49: {  	[sflag:s1] =	ssyncset.done $0x0  }
0x4a: {  	s23 =	rddreg [dreg:$0x9];
	[sflag:s1] =	ssyncadd.s32 $0xFFFFEE00  }
0x4b: {  	[spmem:s23] =	stream.linear.scatter [tilespmem:s11], [sflag:$0x3], $0x1200, $0x38;
	[tilespmem:$0x1DF40] =	vst v63  }
0x4c: {  	_ =	swait.ge [sflag:s1], $0x1200  }
0x4d: {  	[sflag:s1] =	ssyncset.done $0x0  }
0x4e: {  	s24 =	rddreg [dreg:$0xa];
	[sflag:s1] =	ssyncadd.s32 $0xFFFFEE00  }
0x4f: {  	[spmem:s24] =	stream.linear.scatter [tilespmem:s11], [sflag:$0x3], $0x1200, $0x38;
	[tilespmem:$0x1DF40] =	vst v63  }
0x50: {  	_ =	swait.ge [sflag:s1], $0x1200  }
0x51: {  	[sflag:s1] =	ssyncset.done $0x0  }
0x52: {  	s20 =	rddreg [dreg:$0xb];
	[sflag:s1] =	ssyncadd.s32 $0xFFFFEE00  }
0x53: {  	[spmem:s20] =	stream.linear.scatter [tilespmem:s11], [sflag:$0x3], $0x1200, $0x38;
	[tilespmem:$0x1DF40] =	vst v63  }
0x54: {  	_ =	swait.ge [sflag:s1], $0x1200  }
0x55: {  	[sflag:s1] =	ssyncset.done $0x0  }
0x56: {  	s21 =	rddreg [dreg:$0xc];
	[sflag:s1] =	ssyncadd.s32 $0xFFFFEE00  }
0x57: {  	[spmem:s21] =	stream.linear.scatter [tilespmem:s11], [sflag:$0x3], $0x1200, $0x38;
	[tilespmem:$0x1DF40] =	vst v63  }
0x58: {  	_ =	swait.ge [sflag:s1], $0x1200  }
0x59: {  	[sflag:s1] =	ssyncset.done $0x0  }
0x5a: {  	s22 =	rddreg [dreg:$0xd];
	[sflag:s1] =	ssyncadd.s32 $0xFFFFEE00  }
0x5b: {  	[spmem:s22] =	stream.linear.scatter [tilespmem:s11], [sflag:$0x3], $0x1200, $0x38;
	[tilespmem:$0x1DF40] =	vst v63  }
0x5c: {  	_ =	swait.ge [sflag:s1], $0x1200  }
0x5d: {  	[sflag:s1] =	ssyncset.done $0x0  }
0x5e: {  	s23 =	rddreg [dreg:$0xe];
	[sflag:s1] =	ssyncadd.s32 $0xFFFFEE00  }
0x5f: {  	[spmem:s23] =	stream.linear.scatter [tilespmem:s11], [sflag:$0x3], $0x1200, $0x38;
	[tilespmem:$0x1DF40] =	vst v63  }
0x60: {  	_ =	swait.ge [sflag:s1], $0x1200  }
0x61: {  	[sflag:s1] =	ssyncset.done $0x0  }
0x62: {  	s24 =	rddreg [dreg:$0xf];
	[sflag:s1] =	ssyncadd.s32 $0xFFFFEE00  }
0x63: {  	[spmem:s24] =	stream.linear.scatter [tilespmem:s11], [sflag:$0x3], $0x1200, $0x38;
	[tilespmem:$0x1DF40] =	vst v63  }
0x64: {  	_ =	swait.ge [sflag:s1], $0x1200  }
0x65: {  	[sflag:s1] =	ssyncset.done $0x0  }
0x66: {  	s20 =	rddreg [dreg:$0x10];
	[sflag:s1] =	ssyncadd.s32 $0xFFFFEE00  }
0x67: {  	[spmem:s20] =	stream.linear.scatter [tilespmem:s11], [sflag:$0x3], $0x1200, $0x38;
	[tilespmem:$0x1DF40] =	vst v63  }
0x68: {  	_ =	swait.ge [sflag:s1], $0x1200  }
0x69: {  	[sflag:s1] =	ssyncset.done $0x0  }
0x6a: {  	s21 =	rddreg [dreg:$0x11];
	[sflag:s1] =	ssyncadd.s32 $0xFFFFEE00  }
0x6b: {  	[spmem:s21] =	stream.linear.scatter [tilespmem:s11], [sflag:$0x3], $0x1200, $0x38;
	[tilespmem:$0x1DF40] =	vst v63  }
0x6c: {  	_ =	swait.ge [sflag:s1], $0x1200  }
0x6d: {  	[sflag:s1] =	ssyncset.done $0x0  }
0x6e: {  	s22 =	rddreg [dreg:$0x12];
	[sflag:s1] =	ssyncadd.s32 $0xFFFFEE00  }
0x6f: {  	[spmem:s22] =	stream.linear.scatter [tilespmem:s11], [sflag:$0x3], $0x1200, $0x38;
	[tilespmem:$0x1DF40] =	vst v63  }
0x70: {  	_ =	swait.ge [sflag:s1], $0x1200  }
0x71: {  	[sflag:s1] =	ssyncset.done $0x0  }
0x72: {  	s23 =	rddreg [dreg:$0x13];
	[sflag:s1] =	ssyncadd.s32 $0xFFFFEE00  }
0x73: {  	[spmem:s23] =	stream.linear.scatter [tilespmem:s11], [sflag:$0x3], $0x1200, $0x38;
	[tilespmem:$0x1DF40] =	vst v63  }
0x74: {  	_ =	swait.ge [sflag:s1], $0x1200  }
0x75: {  	[sflag:s1] =	ssyncset.done $0x0  }
0x76: {  	s24 =	rddreg [dreg:$0x14];
	[sflag:s1] =	ssyncadd.s32 $0xFFFFEE00  }
0x77: {  	[spmem:s24] =	stream.linear.scatter [tilespmem:s11], [sflag:$0x3], $0x1200, $0x38;
	[tilespmem:$0x1DF40] =	vst v63  }
0x78: {  	_ =	swait.ge [sflag:s1], $0x1200  }
0x79: {  	[sflag:s1] =	ssyncset.done $0x0  }
0x7a: {  	[sflag:s1] =	ssyncadd.s32 $0xFFFFEE00  }
0x7b: {  	[spmem:s25] =	stream.linear.scatter [tilespmem:s11], [sflag:$0x3], $0x1200, $0x38;
	[tilespmem:$0x1DF40] =	vst v63  }
0x7c: {  	_ =	swait.ge [sflag:s1], $0x1200  }
0x7d: {  	[sflag:s1] =	ssyncset.done $0x0  }
0x7e: {  	[sflag:s1] =	ssyncadd.s32 $0xFFFFEE00  }
0x7f: {  	[spmem:s26] =	stream.linear.scatter [tilespmem:s11], [sflag:$0x3], $0x1200, $0x38;
	[tilespmem:$0x1DF40] =	vst v63  }
0x80: {  	_ =	swait.ge [sflag:s1], $0x1200  }
0x81: {  	[sflag:s1] =	ssyncset.done $0x0  }
0x82: {  	[sflag:s1] =	ssyncadd.s32 $0xFFFFEE00  }
0x83: {  	[spmem:s28] =	stream.linear.scatter [tilespmem:s11], [sflag:$0x3], $0x1200, $0x38;
	[tilespmem:$0x1DF40] =	vst v63  }
0x84: {  	_ =	swait.ge [sflag:s1], $0x1200  }
0x85: {  	[sflag:s1] =	ssyncset.done $0x0  }
0x86: {  	[sflag:s1] =	ssyncadd.s32 $0xFFFFEE00  }
0x87: {  	s19 =	simm.s32 $0x0;
	[bflag:$0x0] =	sbarrier.arrive $0xFFFF  }
.LBB2_4:
0x88: {  	s20 =	smul.u32 $0x140, s19;
	_ =	sdelay $0x1  }
0x89: {  	s21 =	sadd.s32 s20, s29  }
0x8a: {  	s21 =	sshrl.u32 s21, $0x3  }
0x8b: {  	s21 =	sadd.s32 s2, s21  }
0x8c: {  	[tilespmem:s12], [sflag:$0x3] =	stream.linear.gather [hbm4b:s21+s4], $0xA0, $0x38;
	[tilespmem:$0x1DF40] =	vst v63  }
0x8d: {  	_ =	swait.ge [sflag:s1], $0xA0  }
0x8e: {  	[sflag:s1] =	ssyncset.done $0x0  }
0x8f: {  	[sflag:s1] =	ssyncadd.s32 $0xFFFFFF60  }
0x90: {  	[tilespmem:s13], [sflag:$0x2] =	stream.indirect.gather [hbm4b:s5+s7], $0x90, s12, s7, $0xb8;
	[tilespmem:$0x1DF40] =	vst v63  }
0x91: {  	_ = 	snop  }
0x92: {  	[tilespmem:s15], [sflag:$0x2] =	stream.indirect.gather [hbm4b:s6+s7], $0x10, s14, s7, $0xb8;
	[tilespmem:$0x1DF40] =	vst v63  }
0x93: {  	_ =	swait.ge [sflag:s16], $0x2D00  }
0x94: {  	[sflag:s16] =	ssyncset.done $0x0  }
0x95: {  	[sflag:s16] =	ssyncadd.s32 $0xFFFFD300  }
0x96: {  	_ =	swait.ge [sflag:s16], $0x500  }
0x97: {  	[sflag:s16] =	ssyncset.done $0x0  }
0x98: {  	s21 =	simm.s32 $0x260;
	[sflag:s16] =	ssyncadd.s32 $0xFFFFFB00  }
0x99: {  	s22 =	simm.s32 $0x5B60;
	v2 =	vld [tilespmem:s21+$0x110]  }
0x9a: {  	v3 =	vld [tilespmem:s22+$0x10]  }
0x9b: {  	v4 =	vld [tilespmem:s21+$0xFFFFFF60]  }
0x9c: {  	v5 =	vld [tilespmem:s22+$0xFFFFFFE0]  }
0x9d: {  	v6 =	vld [tilespmem:s21+$0xFFFFFFF0]  }
0x9e: {  	v7 =	vld [tilespmem:s22+$0xFFFFFFF0]  }
0x9f: {  	v8 =	vld [tilespmem:s21+$0x80];
	v2 =	vadd.f32 v3, v2  }
0xa0: {  	v3 =	vld [tilespmem:s22+$0x0]  }
0xa1: {  	v9 =	vld [tilespmem:s21+$0xFFFFFEF0];
	v10 =	vmul.f32 $2.000000030e-01, v2  }
0xa2: {  	v11 =	vld [tilespmem:s21+$0xFFFFFF00];
	vm1 =	vgt.f32 v2, $0.0e+00  }
0xa3: {  	v12 =	vld [tilespmem:s21+$0xFFFFFF10];
	v4 =	vadd.f32 v5, v4;
	v2 =	vsel vm1, v2, v10  }
0xa4: {  	v13 =	vld [tilespmem:s21+$0xFFFFFF30];
	v5 =	vadd.f32 v7, v6;
	v2 =	vmul.f32 $1.442695020e+00, v2  }
0xa5: {  	v14 =	vld [tilespmem:s21+$0xFFFFFF40];
	v6 =	vmul.f32 $2.000000030e-01, v4;
	v3 =	vadd.f32 v3, v8  }
0xa6: {  	v15 =	vld [tilespmem:s21+$0xFFFFFF50];
	v7 =	vmul.f32 $2.000000030e-01, v5;
	vm1 =	vgt.f32 v4, $0.0e+00;
	(erf) = vpow2.f32 v2  }
0xa7: {  	v16 =	vld [tilespmem:s21+$0xFFFFFF70];
	vm2 =	vgt.f32 v5, $0.0e+00;
	v2 =	vsel vm1, v4, v6;
	v4 =	vmul.f32 $2.000000030e-01, v3  }
0xa8: {  	v17 =	vld [tilespmem:s21+$0xFFFFFF80];
	v5 =	vsel vm2, v5, v7;
	vm1 =	vgt.f32 v3, $0.0e+00;
	v2 =	vmul.f32 $1.442695020e+00, v2  }
0xa9: {  	v18 =	vld [tilespmem:s21+$0xFFFFFF90];
	v5 =	vmul.f32 $1.442695020e+00, v5;
	v3 =	vsel vm1, v3, v4  }
0xaa: {  	v19 =	vld [tilespmem:s21+$0xFFFFFFA0];
	v3 =	vmul.f32 $1.442695020e+00, v3;
	(erf) = vpow2.f32 v2  }
0xab: {  	v20 =	vld [tilespmem:s21+$0xFFFFFFB0];
	(erf) = vpow2.f32 v5  }
0xac: {  	v21 =	vld [tilespmem:s21+$0xFFFFFFC0];
	(erf) = vpow2.f32 v3  }
0xad: {  	v22 =	vld [tilespmem:s21+$0xFFFFFFD0]  }
0xae: {  	v3 =	vld [tilespmem:s21+$0x100]  }
0xaf: {  	v27 =	vld [tilespmem:s21+$0xFFFFFFE0];
	v2 =	vpop (erf)  }
0xb0: {  	v28 =	vld [tilespmem:s21+$0x0];
	v4 =	vnsel vm0, $0x0, v2  }
0xb1: {  	v29 =	vld [tilespmem:s21+$0x10];
	v2 =	vperm.xlane v4, v1  }
0xb2: {  	v30 =	vld [tilespmem:s21+$0x20]  }
0xb3: {  	v31 =	vld [tilespmem:s21+$0x30];
	v5 =	vmul.f32 v2, v3;
	v3 =	vpop (erf)  }
0xb4: {  	v10 =	vld [tilespmem:s21+$0xFFFFFF20];
	[tilespmem:s21+$0x110] =	vst v4;
	v6 =	vnsel vm0, $0x0, v3;
	v7 =	vpop (erf)  }
0xb5: {  	v4 =	vld [tilespmem:s21+$0x40];
	v3 =	vperm.xlane v6, v1;
	v7 =	vnsel vm0, $0x0, v7;
	[tilespmem:s21+$0x100] =	vst v5;
	v8 =	vpop (erf)  }
0xb6: {  	v5 =	vld [tilespmem:s21+$0x50];
	[tilespmem:s21+$0xFFFFFF60] =	vst v6;
	v32 =	vperm.xlane v7, v1;
	v23 =	vnsel vm0, $0x0, v8  }
0xb7: {  	v6 =	vld [tilespmem:s21+$0x60];
	[tilespmem:s21+$0xFFFFFFF0] =	vst v7;
	v9 =	vmul.f32 v3, v9;
	v7 =	vperm.xlane v23, v1  }
0xb8: {  	v8 =	vld [tilespmem:s21+$0x70];
	v11 =	vmul.f32 v3, v11;
	v12 =	vmul.f32 v3, v12;
	[tilespmem:s21+$0x80] =	vst v23  }
0xb9: {  	v23 =	vmul.f32 v3, v10;
	v13 =	vmul.f32 v3, v13;
	v10 =	vld [tilespmem:s21+$0xA0];
	[tilespmem:s21+$0xFFFFFEF0] =	vst v9  }
0xba: {  	v25 =	vmul.f32 v32, v18;
	v18 =	vmul.f32 v32, v27;
	v27 =	vld [tilespmem:s21+$0xFFFFFEE0];
	[tilespmem:s21+$0xFFFFFF00] =	vst v11  }
0xbb: {  	v14 =	vmul.f32 v3, v14;
	v15 =	vmul.f32 v3, v15;
	v9 =	vld [tilespmem:s21+$0x90];
	[tilespmem:s21+$0xFFFFFF10] =	vst v12  }
0xbc: {  	v16 =	vmul.f32 v32, v16;
	v26 =	vmul.f32 v32, v17;
	v11 =	vld [tilespmem:s21+$0xB0];
	[tilespmem:s21+$0xFFFFFF20] =	vst v23  }
0xbd: {  	v24 =	vmul.f32 v32, v20;
	v21 =	vmul.f32 v32, v21;
	v12 =	vld [tilespmem:s21+$0xC0];
	[tilespmem:s21+$0xFFFFFF30] =	vst v13  }
0xbe: {  	v22 =	vmul.f32 v32, v22;
	v23 =	vmul.f32 v32, v19;
	v13 =	vld [tilespmem:s21+$0xD0];
	[tilespmem:s21+$0xFFFFFF40] =	vst v14  }
0xbf: {  	v14 =	vld [tilespmem:s21+$0xE0];
	[tilespmem:s21+$0xFFFFFF50] =	vst v15;
	v20 =	vmul.f32 v7, v28;
	v17 =	vmul.f32 v7, v29  }
0xc0: {  	s23 =	simm.s32 $0x0;
	s24 =	simm.s32 $0x4A0;
	v15 =	vld [tilespmem:s21+$0xF0];
	v19 =	vmul.f32 v7, v30;
	[tilespmem:s21+$0xFFFFFF70] =	vst v16;
	v16 =	vmul.f32 v7, v31  }
.LBB2_5:
0xc1: {  	v28 =	vld [tilespmem:s24+$0x110];
	[tilespmem:s21+$0xFFFFFF80] =	vst v26;
	v4 =	vmul.f32 v7, v4;
	v5 =	vmul.f32 v7, v5;
	s22 =	sadd.s32 $0x40, s22  }
0xc2: {  	s23 =	sadd.s32 $0x4, s23;
	v6 =	vmul.f32 v7, v6;
	v7 =	vmul.f32 v7, v8;
	v26 =	vld [tilespmem:s22+$0x10];
	[tilespmem:s21+$0xFFFFFF90] =	vst v25  }
0xc3: {  	v9 =	vmul.f32 v2, v9;
	v10 =	vmul.f32 v2, v10;
	p0 =	slt.u32 s23, $0x4C;
	v8 =	vld [tilespmem:s24+$0xFFFFFF60];
	[tilespmem:s21+$0xFFFFFFA0] =	vst v23  }
0xc4: {  	v11 =	vmul.f32 v2, v11;
	v12 =	vmul.f32 v2, v12;
	v23 =	vld [tilespmem:s22+$0xFFFFFFE0];
	[tilespmem:s21+$0xFFFFFFB0] =	vst v24  }
0xc5: {  	v13 =	vmul.f32 v2, v13;
	v24 =	vld [tilespmem:s24+$0xFFFFFFF0];
	v3 =	vmul.f32 v3, v27;
	[tilespmem:s21+$0xFFFFFFC0] =	vst v21  }
0xc6: {  	v14 =	vmul.f32 v2, v14;
	v2 =	vmul.f32 v2, v15;
	v21 =	vld [tilespmem:s22+$0xFFFFFFF0];
	[tilespmem:s21+$0xFFFFFFD0] =	vst v22  }
0xc7: {  	v15 =	vld [tilespmem:s24+$0x80];
	v22 =	vadd.f32 v26, v28;
	[tilespmem:s21+$0xFFFFFEE0] =	vst v3  }
0xc8: {  	v3 =	vld [tilespmem:s22+$0x0];
	[tilespmem:s21+$0xFFFFFFE0] =	vst v18  }
0xc9: {  	v18 =	vld [tilespmem:s24+$0xFFFFFEF0];
	v8 =	vadd.f32 v23, v8;
	v23 =	vmul.f32 $2.000000030e-01, v22;
	[tilespmem:s21+$0x0] =	vst v20  }
0xca: {  	vm1 =	vgt.f32 v22, $0.0e+00;
	v20 =	vld [tilespmem:s24+$0xFFFFFF00];
	[tilespmem:s21+$0x10] =	vst v17  }
0xcb: {  	v17 =	vld [tilespmem:s24+$0xFFFFFF10];
	v25 =	vmul.f32 $2.000000030e-01, v8;
	v21 =	vadd.f32 v21, v24;
	v22 =	vsel vm1, v22, v23;
	[tilespmem:s21+$0x20] =	vst v19  }
0xcc: {  	vm1 =	vgt.f32 v8, $0.0e+00;
	v19 =	vld [tilespmem:s24+$0xFFFFFF20];
	v22 =	vmul.f32 $1.442695020e+00, v22;
	[tilespmem:s21+$0x30] =	vst v16  }
0xcd: {  	v16 =	vld [tilespmem:s24+$0xFFFFFF30];
	vm2 =	vgt.f32 v21, $0.0e+00;
	v23 =	vmul.f32 $2.000000030e-01, v21;
	v3 =	vadd.f32 v3, v15;
	[tilespmem:s21+$0x40] =	vst v4  }
0xce: {  	v4 =	vsel vm1, v8, v25;
	v15 =	vld [tilespmem:s24+$0xFFFFFF40];
	(erf) = vpow2.f32 v22;
	[tilespmem:s21+$0x50] =	vst v5  }
0xcf: {  	v22 =	vld [tilespmem:s24+$0xFFFFFF50];
	v5 =	vsel vm2, v21, v23;
	vm1 =	vgt.f32 v3, $0.0e+00;
	v8 =	vmul.f32 $2.000000030e-01, v3;
	[tilespmem:s21+$0x60] =	vst v6  }
0xd0: {  	v4 =	vmul.f32 $1.442695020e+00, v4;
	v21 =	vld [tilespmem:s24+$0xFFFFFF70];
	v5 =	vmul.f32 $1.442695020e+00, v5;
	[tilespmem:s21+$0x70] =	vst v7  }
0xd1: {  	v23 =	vld [tilespmem:s24+$0xFFFFFF80];
	v3 =	vsel vm1, v3, v8;
	[tilespmem:s21+$0x90] =	vst v9  }
0xd2: {  	v24 =	vld [tilespmem:s24+$0xFFFFFF90];
	v3 =	vmul.f32 $1.442695020e+00, v3;
	(erf) = vpow2.f32 v4;
	[tilespmem:s21+$0xA0] =	vst v10  }
0xd3: {  	v27 =	vld [tilespmem:s24+$0xFFFFFFA0];
	(erf) = vpow2.f32 v5;
	[tilespmem:s21+$0xB0] =	vst v11  }
0xd4: {  	v28 =	vld [tilespmem:s24+$0xFFFFFFB0];
	(erf) = vpow2.f32 v3;
	[tilespmem:s21+$0xC0] =	vst v12  }
0xd5: {  	v29 =	vld [tilespmem:s24+$0xFFFFFFC0];
	[tilespmem:s21+$0xD0] =	vst v13  }
0xd6: {  	v3 =	vld [tilespmem:s24+$0x100];
	[tilespmem:s21+$0xE0] =	vst v14  }
0xd7: {  	v14 =	vld [tilespmem:s24+$0xFFFFFFD0];
	v4 =	vpop (erf);
	[tilespmem:s21+$0xF0] =	vst v2;
	s21 =	smov.u32 s24  }
0xd8: {  	v30 =	vld [tilespmem:s24+$0xFFFFFFE0];
	v2 =	vnsel vm0, $0x0, v4  }
0xd9: {  	v31 =	vld [tilespmem:s24+$0x0];
	[tilespmem:s24+$0x110] =	vst v2;
	v2 =	vperm.xlane v2, v1  }
0xda: {  	v32 =	vld [tilespmem:s24+$0x10]  }
0xdb: {  	v33 =	vld [tilespmem:s24+$0x20];
	v5 =	vmul.f32 v2, v3;
	v3 =	vpop (erf)  }
0xdc: {  	v6 =	vnsel vm0, $0x0, v3;
	v34 =	vld [tilespmem:s24+$0x30];
	v4 =	vpop (erf)  }
0xdd: {  	v3 =	vperm.xlane v6, v1;
	v7 =	vnsel vm0, $0x0, v4;
	v4 =	vld [tilespmem:s24+$0x40];
	[tilespmem:s24+$0x100] =	vst v5;
	v8 =	vpop (erf)  }
0xde: {  	[tilespmem:s24+$0xFFFFFF60] =	vst v6;
	v35 =	vperm.xlane v7, v1;
	v5 =	vld [tilespmem:s24+$0x50];
	v9 =	vnsel vm0, $0x0, v8  }
0xdf: {  	v10 =	vmul.f32 v3, v18;
	[tilespmem:s24+$0xFFFFFFF0] =	vst v7;
	v6 =	vld [tilespmem:s24+$0x60];
	v7 =	vperm.xlane v9, v1  }
0xe0: {  	v11 =	vmul.f32 v3, v20;
	v12 =	vmul.f32 v3, v17;
	v8 =	vld [tilespmem:s24+$0x70];
	[tilespmem:s24+$0x80] =	vst v9  }
0xe1: {  	v13 =	vmul.f32 v3, v19;
	v16 =	vmul.f32 v3, v16;
	[tilespmem:s24+$0xFFFFFEF0] =	vst v10;
	v9 =	vld [tilespmem:s24+$0x90]  }
0xe2: {  	v15 =	vmul.f32 v3, v15;
	v17 =	vmul.f32 v3, v22;
	[tilespmem:s24+$0xFFFFFF00] =	vst v11;
	v10 =	vld [tilespmem:s24+$0xA0]  }
0xe3: {  	v19 =	vmul.f32 v35, v21;
	v26 =	vmul.f32 v35, v23;
	[tilespmem:s24+$0xFFFFFF10] =	vst v12;
	v11 =	vld [tilespmem:s24+$0xB0]  }
.Ltmp1:
0xe4: {  	v25 =	vmul.f32 v35, v24;
	v23 =	vmul.f32 v35, v27;
	[tilespmem:s24+$0xFFFFFF20] =	vst v13;
	v12 =	vld [tilespmem:s24+$0xC0];
	(pc) =	sbr.rel @p0 .LBB2_5-.Ltmp1, $4  }
0xe5: {  	v24 =	vmul.f32 v35, v28;
	v21 =	vmul.f32 v35, v29;
	[tilespmem:s24+$0xFFFFFF30] =	vst v16;
	v13 =	vld [tilespmem:s24+$0xD0]  }
0xe6: {  	v22 =	vmul.f32 v35, v14;
	v18 =	vmul.f32 v35, v30;
	[tilespmem:s24+$0xFFFFFF40] =	vst v15;
	v14 =	vld [tilespmem:s24+$0xE0]  }
0xe7: {  	v20 =	vmul.f32 v7, v31;
	[tilespmem:s24+$0xFFFFFF50] =	vst v17;
	v17 =	vmul.f32 v7, v32;
	v15 =	vld [tilespmem:s24+$0xF0]  }
0xe8: {  	v16 =	vmul.f32 v7, v34;
	s24 =	sadd.s32 $0x240, s24;
	v27 =	vld [tilespmem:s21+$0xFFFFFEE0];
	[tilespmem:s21+$0xFFFFFF70] =	vst v19;
	v19 =	vmul.f32 v7, v33  }
0xe9: {  	[tilespmem:s21+$0xFFFFFF80] =	vst v26  }
0xea: {  	[tilespmem:s21+$0xFFFFFF90] =	vst v25  }
0xeb: {  	[tilespmem:s21+$0xFFFFFFA0] =	vst v23  }
0xec: {  	[tilespmem:s21+$0xFFFFFFB0] =	vst v24  }
0xed: {  	[tilespmem:s21+$0xFFFFFFC0] =	vst v21  }
0xee: {  	[tilespmem:s21+$0xFFFFFFD0] =	vst v22  }
0xef: {  	[tilespmem:s21+$0xFFFFFFE0] =	vst v18  }
0xf0: {  	[tilespmem:s21+$0x0] =	vst v20  }
0xf1: {  	[tilespmem:s21+$0x10] =	vst v17;
	v3 =	vmul.f32 v3, v27  }
0xf2: {  	[tilespmem:s21+$0x20] =	vst v19  }
0xf3: {  	[tilespmem:s21+$0xFFFFFEE0] =	vst v3;
	v3 =	vmul.f32 v7, v4  }
0xf4: {  	[tilespmem:s21+$0x30] =	vst v16;
	v4 =	vmul.f32 v7, v5  }
0xf5: {  	v5 =	vmul.f32 v7, v6;
	[tilespmem:s21+$0x40] =	vst v3  }
0xf6: {  	v3 =	vmul.f32 v7, v8;
	[tilespmem:s21+$0x50] =	vst v4  }
0xf7: {  	v4 =	vmul.f32 v2, v9;
	[tilespmem:s21+$0x60] =	vst v5  }
0xf8: {  	v5 =	vmul.f32 v2, v10;
	[tilespmem:s21+$0x70] =	vst v3  }
0xf9: {  	v3 =	vmul.f32 v2, v11;
	[tilespmem:s21+$0x90] =	vst v4  }
0xfa: {  	v4 =	vmul.f32 v2, v12;
	[tilespmem:s21+$0xA0] =	vst v5  }
0xfb: {  	v5 =	vmul.f32 v2, v13;
	[tilespmem:s21+$0xB0] =	vst v3  }
0xfc: {  	v3 =	vmul.f32 v2, v14;
	[tilespmem:s21+$0xC0] =	vst v4  }
0xfd: {  	v2 =	vmul.f32 v2, v15;
	[tilespmem:s21+$0xD0] =	vst v5  }
0xfe: {  	[tilespmem:s21+$0xE0] =	vst v3  }
0xff: {  	[tilespmem:s21+$0xF0] =	vst v2  }
0x100: {  	[spmem:s3] =	stream.indirect.scatter.add.f32 [tilespmem:s9], [sflag:$0x3], $0x90, s7, s7, $0xb8;
	[tilespmem:$0x1DF40] =	vst v63  }
0x101: {  	s20 =	sadd.s32 s20, s30;
	_ =	swait.ge [sflag:s1], $0x2D00  }
0x102: {  	s20 =	sshrl.u32 s20, $0x3;
	[sflag:s1] =	ssyncset.done $0x0  }
0x103: {  	s20 =	sadd.s32 s2, s20;
	[sflag:s1] =	ssyncadd.s32 $0xFFFFD300  }
0x104: {  	[tilespmem:s4], [sflag:$0x3] =	stream.linear.gather [hbm4b:s20+s4], $0xA0, $0x38;
	[tilespmem:$0x1DF40] =	vst v63  }
0x105: {  	_ =	swait.ge [sflag:s1], $0xA0  }
0x106: {  	[sflag:s1] =	ssyncset.done $0x0  }
0x107: {  	[sflag:s1] =	ssyncadd.s32 $0xFFFFFF60  }
0x108: {  	[tilespmem:s9], [sflag:$0x1] =	stream.indirect.gather [hbm4b:s5+s7], $0x90, s4, s7, $0xb8;
	[tilespmem:$0x1DF40] =	vst v63  }
0x109: {  	_ = 	snop  }
0x10a: {  	[tilespmem:s10], [sflag:$0x1] =	stream.indirect.gather [hbm4b:s6+s7], $0x10, s7, s7, $0xb8;
	[tilespmem:$0x1DF40] =	vst v63  }
0x10b: {  	_ =	swait.ge [sflag:s17], $0x2D00  }
0x10c: {  	[sflag:s17] =	ssyncset.done $0x0  }
0x10d: {  	[sflag:s17] =	ssyncadd.s32 $0xFFFFD300  }
0x10e: {  	_ =	swait.ge [sflag:s17], $0x500  }
0x10f: {  	[sflag:s17] =	ssyncset.done $0x0  }
0x110: {  	s20 =	simm.s32 $0x2F60;
	[sflag:s17] =	ssyncadd.s32 $0xFFFFFB00  }
0x111: {  	s21 =	simm.s32 $0x6060;
	v2 =	vld [tilespmem:s20+$0x110]  }
0x112: {  	v3 =	vld [tilespmem:s21+$0x10]  }
0x113: {  	v4 =	vld [tilespmem:s20+$0xFFFFFF60]  }
0x114: {  	v5 =	vld [tilespmem:s21+$0xFFFFFFE0]  }
0x115: {  	v6 =	vld [tilespmem:s20+$0xFFFFFFF0]  }
0x116: {  	v7 =	vld [tilespmem:s21+$0xFFFFFFF0]  }
0x117: {  	v8 =	vld [tilespmem:s20+$0x80];
	v2 =	vadd.f32 v3, v2  }
0x118: {  	v3 =	vld [tilespmem:s21+$0x0]  }
0x119: {  	v9 =	vld [tilespmem:s20+$0xFFFFFEF0];
	v10 =	vmul.f32 $2.000000030e-01, v2  }
0x11a: {  	v11 =	vld [tilespmem:s20+$0xFFFFFF00];
	vm1 =	vgt.f32 v2, $0.0e+00  }
0x11b: {  	v12 =	vld [tilespmem:s20+$0xFFFFFF10];
	v4 =	vadd.f32 v5, v4;
	v2 =	vsel vm1, v2, v10  }
0x11c: {  	v13 =	vld [tilespmem:s20+$0xFFFFFF30];
	v5 =	vadd.f32 v7, v6;
	v2 =	vmul.f32 $1.442695020e+00, v2  }
0x11d: {  	v14 =	vld [tilespmem:s20+$0xFFFFFF40];
	v6 =	vmul.f32 $2.000000030e-01, v4;
	v3 =	vadd.f32 v3, v8  }
0x11e: {  	v15 =	vld [tilespmem:s20+$0xFFFFFF50];
	v7 =	vmul.f32 $2.000000030e-01, v5;
	vm1 =	vgt.f32 v4, $0.0e+00;
	(erf) = vpow2.f32 v2  }
0x11f: {  	v16 =	vld [tilespmem:s20+$0xFFFFFF70];
	vm2 =	vgt.f32 v5, $0.0e+00;
	v2 =	vsel vm1, v4, v6;
	v4 =	vmul.f32 $2.000000030e-01, v3  }
0x120: {  	v17 =	vld [tilespmem:s20+$0xFFFFFF80];
	v5 =	vsel vm2, v5, v7;
	vm1 =	vgt.f32 v3, $0.0e+00;
	v2 =	vmul.f32 $1.442695020e+00, v2  }
0x121: {  	v18 =	vld [tilespmem:s20+$0xFFFFFF90];
	v5 =	vmul.f32 $1.442695020e+00, v5;
	v3 =	vsel vm1, v3, v4  }
0x122: {  	v19 =	vld [tilespmem:s20+$0xFFFFFFA0];
	v3 =	vmul.f32 $1.442695020e+00, v3;
	(erf) = vpow2.f32 v2  }
0x123: {  	v20 =	vld [tilespmem:s20+$0xFFFFFFB0];
	(erf) = vpow2.f32 v5  }
0x124: {  	v21 =	vld [tilespmem:s20+$0xFFFFFFC0];
	(erf) = vpow2.f32 v3  }
0x125: {  	v22 =	vld [tilespmem:s20+$0xFFFFFFD0]  }
0x126: {  	v3 =	vld [tilespmem:s20+$0x100]  }
0x127: {  	v27 =	vld [tilespmem:s20+$0xFFFFFFE0];
	v2 =	vpop (erf)  }
0x128: {  	v28 =	vld [tilespmem:s20+$0x0];
	v4 =	vnsel vm0, $0x0, v2  }
0x129: {  	v29 =	vld [tilespmem:s20+$0x10];
	v2 =	vperm.xlane v4, v1  }
0x12a: {  	v30 =	vld [tilespmem:s20+$0x20]  }
0x12b: {  	v31 =	vld [tilespmem:s20+$0x30];
	v5 =	vmul.f32 v2, v3;
	v3 =	vpop (erf)  }
0x12c: {  	v10 =	vld [tilespmem:s20+$0xFFFFFF20];
	[tilespmem:s20+$0x110] =	vst v4;
	v6 =	vnsel vm0, $0x0, v3;
	v7 =	vpop (erf)  }
0x12d: {  	v4 =	vld [tilespmem:s20+$0x40];
	v3 =	vperm.xlane v6, v1;
	v7 =	vnsel vm0, $0x0, v7;
	[tilespmem:s20+$0x100] =	vst v5;
	v8 =	vpop (erf)  }
0x12e: {  	v5 =	vld [tilespmem:s20+$0x50];
	[tilespmem:s20+$0xFFFFFF60] =	vst v6;
	v32 =	vperm.xlane v7, v1;
	v23 =	vnsel vm0, $0x0, v8  }
0x12f: {  	v6 =	vld [tilespmem:s20+$0x60];
	[tilespmem:s20+$0xFFFFFFF0] =	vst v7;
	v9 =	vmul.f32 v3, v9;
	v7 =	vperm.xlane v23, v1  }
0x130: {  	v8 =	vld [tilespmem:s20+$0x70];
	v11 =	vmul.f32 v3, v11;
	v12 =	vmul.f32 v3, v12;
	[tilespmem:s20+$0x80] =	vst v23  }
0x131: {  	v23 =	vmul.f32 v3, v10;
	v13 =	vmul.f32 v3, v13;
	v10 =	vld [tilespmem:s20+$0xA0];
	[tilespmem:s20+$0xFFFFFEF0] =	vst v9  }
0x132: {  	v25 =	vmul.f32 v32, v18;
	v18 =	vmul.f32 v32, v27;
	v27 =	vld [tilespmem:s20+$0xFFFFFEE0];
	[tilespmem:s20+$0xFFFFFF00] =	vst v11  }
0x133: {  	v14 =	vmul.f32 v3, v14;
	v15 =	vmul.f32 v3, v15;
	v9 =	vld [tilespmem:s20+$0x90];
	[tilespmem:s20+$0xFFFFFF10] =	vst v12  }
0x134: {  	v16 =	vmul.f32 v32, v16;
	v26 =	vmul.f32 v32, v17;
	v11 =	vld [tilespmem:s20+$0xB0];
	[tilespmem:s20+$0xFFFFFF20] =	vst v23  }
0x135: {  	v24 =	vmul.f32 v32, v20;
	v21 =	vmul.f32 v32, v21;
	v12 =	vld [tilespmem:s20+$0xC0];
	[tilespmem:s20+$0xFFFFFF30] =	vst v13  }
0x136: {  	v22 =	vmul.f32 v32, v22;
	v23 =	vmul.f32 v32, v19;
	v13 =	vld [tilespmem:s20+$0xD0];
	[tilespmem:s20+$0xFFFFFF40] =	vst v14  }
0x137: {  	v14 =	vld [tilespmem:s20+$0xE0];
	[tilespmem:s20+$0xFFFFFF50] =	vst v15;
	v20 =	vmul.f32 v7, v28;
	v17 =	vmul.f32 v7, v29  }
0x138: {  	s22 =	simm.s32 $0x0;
	s23 =	simm.s32 $0x31A0;
	v15 =	vld [tilespmem:s20+$0xF0];
	v19 =	vmul.f32 v7, v30;
	[tilespmem:s20+$0xFFFFFF70] =	vst v16;
	v16 =	vmul.f32 v7, v31  }
.LBB2_7:
0x139: {  	v28 =	vld [tilespmem:s23+$0x110];
	[tilespmem:s20+$0xFFFFFF80] =	vst v26;
	v4 =	vmul.f32 v7, v4;
	v5 =	vmul.f32 v7, v5;
	s21 =	sadd.s32 $0x40, s21  }
0x13a: {  	s22 =	sadd.s32 $0x4, s22;
	v6 =	vmul.f32 v7, v6;
	v7 =	vmul.f32 v7, v8;
	v26 =	vld [tilespmem:s21+$0x10];
	[tilespmem:s20+$0xFFFFFF90] =	vst v25  }
0x13b: {  	v9 =	vmul.f32 v2, v9;
	v10 =	vmul.f32 v2, v10;
	p0 =	slt.u32 s22, $0x4C;
	v8 =	vld [tilespmem:s23+$0xFFFFFF60];
	[tilespmem:s20+$0xFFFFFFA0] =	vst v23  }
0x13c: {  	v11 =	vmul.f32 v2, v11;
	v12 =	vmul.f32 v2, v12;
	v23 =	vld [tilespmem:s21+$0xFFFFFFE0];
	[tilespmem:s20+$0xFFFFFFB0] =	vst v24  }
0x13d: {  	v13 =	vmul.f32 v2, v13;
	v24 =	vld [tilespmem:s23+$0xFFFFFFF0];
	v3 =	vmul.f32 v3, v27;
	[tilespmem:s20+$0xFFFFFFC0] =	vst v21  }
0x13e: {  	v14 =	vmul.f32 v2, v14;
	v2 =	vmul.f32 v2, v15;
	v21 =	vld [tilespmem:s21+$0xFFFFFFF0];
	[tilespmem:s20+$0xFFFFFFD0] =	vst v22  }
0x13f: {  	v15 =	vld [tilespmem:s23+$0x80];
	v22 =	vadd.f32 v26, v28;
	[tilespmem:s20+$0xFFFFFEE0] =	vst v3  }
0x140: {  	v3 =	vld [tilespmem:s21+$0x0];
	[tilespmem:s20+$0xFFFFFFE0] =	vst v18  }
0x141: {  	v18 =	vld [tilespmem:s23+$0xFFFFFEF0];
	v8 =	vadd.f32 v23, v8;
	v23 =	vmul.f32 $2.000000030e-01, v22;
	[tilespmem:s20+$0x0] =	vst v20  }
0x142: {  	vm1 =	vgt.f32 v22, $0.0e+00;
	v20 =	vld [tilespmem:s23+$0xFFFFFF00];
	[tilespmem:s20+$0x10] =	vst v17  }
0x143: {  	v17 =	vld [tilespmem:s23+$0xFFFFFF10];
	v25 =	vmul.f32 $2.000000030e-01, v8;
	v21 =	vadd.f32 v21, v24;
	v22 =	vsel vm1, v22, v23;
	[tilespmem:s20+$0x20] =	vst v19  }
0x144: {  	vm1 =	vgt.f32 v8, $0.0e+00;
	v19 =	vld [tilespmem:s23+$0xFFFFFF20];
	v22 =	vmul.f32 $1.442695020e+00, v22;
	[tilespmem:s20+$0x30] =	vst v16  }
0x145: {  	v16 =	vld [tilespmem:s23+$0xFFFFFF30];
	vm2 =	vgt.f32 v21, $0.0e+00;
	v23 =	vmul.f32 $2.000000030e-01, v21;
	v3 =	vadd.f32 v3, v15;
	[tilespmem:s20+$0x40] =	vst v4  }
0x146: {  	v4 =	vsel vm1, v8, v25;
	v15 =	vld [tilespmem:s23+$0xFFFFFF40];
	(erf) = vpow2.f32 v22;
	[tilespmem:s20+$0x50] =	vst v5  }
0x147: {  	v22 =	vld [tilespmem:s23+$0xFFFFFF50];
	v5 =	vsel vm2, v21, v23;
	vm1 =	vgt.f32 v3, $0.0e+00;
	v8 =	vmul.f32 $2.000000030e-01, v3;
	[tilespmem:s20+$0x60] =	vst v6  }
0x148: {  	v4 =	vmul.f32 $1.442695020e+00, v4;
	v21 =	vld [tilespmem:s23+$0xFFFFFF70];
	v5 =	vmul.f32 $1.442695020e+00, v5;
	[tilespmem:s20+$0x70] =	vst v7  }
0x149: {  	v23 =	vld [tilespmem:s23+$0xFFFFFF80];
	v3 =	vsel vm1, v3, v8;
	[tilespmem:s20+$0x90] =	vst v9  }
0x14a: {  	v24 =	vld [tilespmem:s23+$0xFFFFFF90];
	v3 =	vmul.f32 $1.442695020e+00, v3;
	(erf) = vpow2.f32 v4;
	[tilespmem:s20+$0xA0] =	vst v10  }
0x14b: {  	v27 =	vld [tilespmem:s23+$0xFFFFFFA0];
	(erf) = vpow2.f32 v5;
	[tilespmem:s20+$0xB0] =	vst v11  }
0x14c: {  	v28 =	vld [tilespmem:s23+$0xFFFFFFB0];
	(erf) = vpow2.f32 v3;
	[tilespmem:s20+$0xC0] =	vst v12  }
0x14d: {  	v29 =	vld [tilespmem:s23+$0xFFFFFFC0];
	[tilespmem:s20+$0xD0] =	vst v13  }
0x14e: {  	v3 =	vld [tilespmem:s23+$0x100];
	[tilespmem:s20+$0xE0] =	vst v14  }
0x14f: {  	v14 =	vld [tilespmem:s23+$0xFFFFFFD0];
	v4 =	vpop (erf);
	[tilespmem:s20+$0xF0] =	vst v2;
	s20 =	smov.u32 s23  }
0x150: {  	v30 =	vld [tilespmem:s23+$0xFFFFFFE0];
	v2 =	vnsel vm0, $0x0, v4  }
0x151: {  	v31 =	vld [tilespmem:s23+$0x0];
	[tilespmem:s23+$0x110] =	vst v2;
	v2 =	vperm.xlane v2, v1  }
0x152: {  	v32 =	vld [tilespmem:s23+$0x10]  }
0x153: {  	v33 =	vld [tilespmem:s23+$0x20];
	v5 =	vmul.f32 v2, v3;
	v3 =	vpop (erf)  }
0x154: {  	v6 =	vnsel vm0, $0x0, v3;
	v34 =	vld [tilespmem:s23+$0x30];
	v4 =	vpop (erf)  }
0x155: {  	v3 =	vperm.xlane v6, v1;
	v7 =	vnsel vm0, $0x0, v4;
	v4 =	vld [tilespmem:s23+$0x40];
	[tilespmem:s23+$0x100] =	vst v5;
	v8 =	vpop (erf)  }
0x156: {  	[tilespmem:s23+$0xFFFFFF60] =	vst v6;
	v35 =	vperm.xlane v7, v1;
	v5 =	vld [tilespmem:s23+$0x50];
	v9 =	vnsel vm0, $0x0, v8  }
0x157: {  	v10 =	vmul.f32 v3, v18;
	[tilespmem:s23+$0xFFFFFFF0] =	vst v7;
	v6 =	vld [tilespmem:s23+$0x60];
	v7 =	vperm.xlane v9, v1  }
0x158: {  	v11 =	vmul.f32 v3, v20;
	v12 =	vmul.f32 v3, v17;
	v8 =	vld [tilespmem:s23+$0x70];
	[tilespmem:s23+$0x80] =	vst v9  }
0x159: {  	v13 =	vmul.f32 v3, v19;
	v16 =	vmul.f32 v3, v16;
	[tilespmem:s23+$0xFFFFFEF0] =	vst v10;
	v9 =	vld [tilespmem:s23+$0x90]  }
0x15a: {  	v15 =	vmul.f32 v3, v15;
	v17 =	vmul.f32 v3, v22;
	[tilespmem:s23+$0xFFFFFF00] =	vst v11;
	v10 =	vld [tilespmem:s23+$0xA0]  }
0x15b: {  	v19 =	vmul.f32 v35, v21;
	v26 =	vmul.f32 v35, v23;
	[tilespmem:s23+$0xFFFFFF10] =	vst v12;
	v11 =	vld [tilespmem:s23+$0xB0]  }
.Ltmp2:
0x15c: {  	v25 =	vmul.f32 v35, v24;
	v23 =	vmul.f32 v35, v27;
	[tilespmem:s23+$0xFFFFFF20] =	vst v13;
	v12 =	vld [tilespmem:s23+$0xC0];
	(pc) =	sbr.rel @p0 .LBB2_7-.Ltmp2, $4  }
0x15d: {  	v24 =	vmul.f32 v35, v28;
	v21 =	vmul.f32 v35, v29;
	[tilespmem:s23+$0xFFFFFF30] =	vst v16;
	v13 =	vld [tilespmem:s23+$0xD0]  }
0x15e: {  	v22 =	vmul.f32 v35, v14;
	v18 =	vmul.f32 v35, v30;
	[tilespmem:s23+$0xFFFFFF40] =	vst v15;
	v14 =	vld [tilespmem:s23+$0xE0]  }
0x15f: {  	v20 =	vmul.f32 v7, v31;
	[tilespmem:s23+$0xFFFFFF50] =	vst v17;
	v17 =	vmul.f32 v7, v32;
	v15 =	vld [tilespmem:s23+$0xF0]  }
0x160: {  	v16 =	vmul.f32 v7, v34;
	s23 =	sadd.s32 $0x240, s23;
	v27 =	vld [tilespmem:s20+$0xFFFFFEE0];
	[tilespmem:s20+$0xFFFFFF70] =	vst v19;
	v19 =	vmul.f32 v7, v33  }
0x161: {  	[tilespmem:s20+$0xFFFFFF80] =	vst v26  }
0x162: {  	[tilespmem:s20+$0xFFFFFF90] =	vst v25  }
0x163: {  	[tilespmem:s20+$0xFFFFFFA0] =	vst v23  }
0x164: {  	[tilespmem:s20+$0xFFFFFFB0] =	vst v24  }
0x165: {  	[tilespmem:s20+$0xFFFFFFC0] =	vst v21  }
0x166: {  	[tilespmem:s20+$0xFFFFFFD0] =	vst v22  }
0x167: {  	[tilespmem:s20+$0xFFFFFFE0] =	vst v18  }
0x168: {  	[tilespmem:s20+$0x0] =	vst v20  }
0x169: {  	[tilespmem:s20+$0x10] =	vst v17  }
0x16a: {  	v58 =	vmul.f32 v7, v5;
	[tilespmem:s20+$0x20] =	vst v19  }
0x16b: {  	v59 =	vmul.f32 v7, v6;
	[tilespmem:s20+$0x30] =	vst v16  }
0x16c: {  	[tilespmem:s20+$0x50] =	vst v58;
	v3 =	vmul.f32 v3, v27  }
0x16d: {  	v60 =	vmul.f32 v2, v9;
	[tilespmem:s20+$0x60] =	vst v59  }
0x16e: {  	[tilespmem:s20+$0xFFFFFEE0] =	vst v3;
	v3 =	vmul.f32 v7, v4  }
0x16f: {  	v61 =	vmul.f32 v2, v10;
	[tilespmem:s20+$0x90] =	vst v60  }
0x170: {  	[tilespmem:s20+$0x40] =	vst v3;
	v3 =	vmul.f32 v7, v8  }
0x171: {  	v62 =	vmul.f32 v2, v12;
	[tilespmem:s20+$0xA0] =	vst v61  }
0x172: {  	[tilespmem:s20+$0x70] =	vst v3;
	v3 =	vmul.f32 v2, v11  }
0x173: {  	v63 =	vmul.f32 v2, v13;
	[tilespmem:s20+$0xC0] =	vst v62  }
0x174: {  	[tilespmem:s20+$0xB0] =	vst v3;
	v3 =	vmul.f32 v2, v14  }
0x175: {  	s19 =	sadd.s32 $0x1, s19;
	[tilespmem:s20+$0xD0] =	vst v63;
	v2 =	vmul.f32 v2, v15  }
0x176: {  	p0 =	sne.s32 s19, $0x3E;
	[tilespmem:s20+$0xE0] =	vst v3  }
.Ltmp3:
0x177: {  	[tilespmem:s20+$0xF0] =	vst v2;
	(pc) =	sbr.rel @p0 .LBB2_4-.Ltmp3, $4  }
0x178: {  	[spmem:s3] =	stream.indirect.scatter.add.f32 [tilespmem:s13], [sflag:$0x3], $0x90, s14, s7, $0xb8;
	[tilespmem:$0x1DF40] =	vst v63  }
0x179: {  	_ =	swait.ge [sflag:s1], $0x2D00  }
0x17a: {  	[sflag:s1] =	ssyncset.done $0x0  }
0x17b: {  	[sflag:s1] =	ssyncadd.s32 $0xFFFFD300  }
0x17c: {  	_ =	swait.ge [sflag:s16], $0x2D00  }
0x17d: {  	[sflag:s16] =	ssyncset.done $0x0  }
0x17e: {  	[sflag:s16] =	ssyncadd.s32 $0xFFFFD300  }
0x17f: {  	_ =	swait.ge [sflag:s16], $0x500  }
0x180: {  	[sflag:s16] =	ssyncset.done $0x0  }
0x181: {  	s19 =	simm.s32 $0x260;
	[sflag:s16] =	ssyncadd.s32 $0xFFFFFB00  }
0x182: {  	s20 =	simm.s32 $0x5B60;
	v2 =	vld [tilespmem:s19+$0x110]  }
0x183: {  	v3 =	vld [tilespmem:s20+$0x10]  }
0x184: {  	v4 =	vld [tilespmem:s19+$0xFFFFFF60]  }
0x185: {  	v5 =	vld [tilespmem:s20+$0xFFFFFFE0]  }
0x186: {  	v6 =	vld [tilespmem:s19+$0xFFFFFFF0]  }
0x187: {  	v7 =	vld [tilespmem:s20+$0xFFFFFFF0]  }
0x188: {  	v8 =	vld [tilespmem:s19+$0x80];
	v2 =	vadd.f32 v3, v2  }
0x189: {  	v3 =	vld [tilespmem:s20+$0x0]  }
0x18a: {  	v9 =	vld [tilespmem:s19+$0xFFFFFEF0];
	v10 =	vmul.f32 $2.000000030e-01, v2  }
0x18b: {  	v11 =	vld [tilespmem:s19+$0xFFFFFF00];
	vm1 =	vgt.f32 v2, $0.0e+00  }
0x18c: {  	v12 =	vld [tilespmem:s19+$0xFFFFFF10];
	v4 =	vadd.f32 v5, v4;
	v2 =	vsel vm1, v2, v10  }
0x18d: {  	v13 =	vld [tilespmem:s19+$0xFFFFFF30];
	v5 =	vadd.f32 v7, v6;
	v2 =	vmul.f32 $1.442695020e+00, v2  }
0x18e: {  	v14 =	vld [tilespmem:s19+$0xFFFFFF40];
	v6 =	vmul.f32 $2.000000030e-01, v4;
	v3 =	vadd.f32 v3, v8  }
0x18f: {  	v15 =	vld [tilespmem:s19+$0xFFFFFF50];
	v7 =	vmul.f32 $2.000000030e-01, v5;
	vm1 =	vgt.f32 v4, $0.0e+00;
	(erf) = vpow2.f32 v2  }
0x190: {  	v16 =	vld [tilespmem:s19+$0xFFFFFF70];
	vm2 =	vgt.f32 v5, $0.0e+00;
	v2 =	vsel vm1, v4, v6;
	v4 =	vmul.f32 $2.000000030e-01, v3  }
0x191: {  	v17 =	vld [tilespmem:s19+$0xFFFFFF80];
	v5 =	vsel vm2, v5, v7;
	vm1 =	vgt.f32 v3, $0.0e+00;
	v2 =	vmul.f32 $1.442695020e+00, v2  }
0x192: {  	v18 =	vld [tilespmem:s19+$0xFFFFFF90];
	v5 =	vmul.f32 $1.442695020e+00, v5;
	v3 =	vsel vm1, v3, v4  }
0x193: {  	v19 =	vld [tilespmem:s19+$0xFFFFFFA0];
	v3 =	vmul.f32 $1.442695020e+00, v3;
	(erf) = vpow2.f32 v2  }
0x194: {  	v20 =	vld [tilespmem:s19+$0xFFFFFFB0];
	(erf) = vpow2.f32 v5  }
0x195: {  	v21 =	vld [tilespmem:s19+$0xFFFFFFC0];
	(erf) = vpow2.f32 v3  }
0x196: {  	v22 =	vld [tilespmem:s19+$0xFFFFFFD0]  }
0x197: {  	v3 =	vld [tilespmem:s19+$0x100]  }
0x198: {  	v27 =	vld [tilespmem:s19+$0xFFFFFFE0];
	v2 =	vpop (erf)  }
0x199: {  	v28 =	vld [tilespmem:s19+$0x0];
	v4 =	vnsel vm0, $0x0, v2  }
0x19a: {  	v29 =	vld [tilespmem:s19+$0x10];
	v2 =	vperm.xlane v4, v1  }
0x19b: {  	v30 =	vld [tilespmem:s19+$0x20]  }
0x19c: {  	v31 =	vld [tilespmem:s19+$0x30];
	v5 =	vmul.f32 v2, v3;
	v3 =	vpop (erf)  }
0x19d: {  	v10 =	vld [tilespmem:s19+$0xFFFFFF20];
	[tilespmem:s19+$0x110] =	vst v4;
	v6 =	vnsel vm0, $0x0, v3;
	v7 =	vpop (erf)  }
0x19e: {  	v4 =	vld [tilespmem:s19+$0x40];
	v3 =	vperm.xlane v6, v1;
	v7 =	vnsel vm0, $0x0, v7;
	[tilespmem:s19+$0x100] =	vst v5;
	v8 =	vpop (erf)  }
0x19f: {  	v5 =	vld [tilespmem:s19+$0x50];
	[tilespmem:s19+$0xFFFFFF60] =	vst v6;
	v32 =	vperm.xlane v7, v1;
	v23 =	vnsel vm0, $0x0, v8  }
0x1a0: {  	v6 =	vld [tilespmem:s19+$0x60];
	[tilespmem:s19+$0xFFFFFFF0] =	vst v7;
	v9 =	vmul.f32 v3, v9;
	v7 =	vperm.xlane v23, v1  }
0x1a1: {  	v8 =	vld [tilespmem:s19+$0x70];
	v11 =	vmul.f32 v3, v11;
	v12 =	vmul.f32 v3, v12;
	[tilespmem:s19+$0x80] =	vst v23  }
0x1a2: {  	v23 =	vmul.f32 v3, v10;
	v13 =	vmul.f32 v3, v13;
	v10 =	vld [tilespmem:s19+$0xA0];
	[tilespmem:s19+$0xFFFFFEF0] =	vst v9  }
0x1a3: {  	v25 =	vmul.f32 v32, v18;
	v18 =	vmul.f32 v32, v27;
	v27 =	vld [tilespmem:s19+$0xFFFFFEE0];
	[tilespmem:s19+$0xFFFFFF00] =	vst v11  }
0x1a4: {  	v14 =	vmul.f32 v3, v14;
	v15 =	vmul.f32 v3, v15;
	v9 =	vld [tilespmem:s19+$0x90];
	[tilespmem:s19+$0xFFFFFF10] =	vst v12  }
0x1a5: {  	v16 =	vmul.f32 v32, v16;
	v26 =	vmul.f32 v32, v17;
	v11 =	vld [tilespmem:s19+$0xB0];
	[tilespmem:s19+$0xFFFFFF20] =	vst v23  }
0x1a6: {  	v24 =	vmul.f32 v32, v20;
	v21 =	vmul.f32 v32, v21;
	v12 =	vld [tilespmem:s19+$0xC0];
	[tilespmem:s19+$0xFFFFFF30] =	vst v13  }
0x1a7: {  	v22 =	vmul.f32 v32, v22;
	v23 =	vmul.f32 v32, v19;
	v13 =	vld [tilespmem:s19+$0xD0];
	[tilespmem:s19+$0xFFFFFF40] =	vst v14  }
0x1a8: {  	v14 =	vld [tilespmem:s19+$0xE0];
	[tilespmem:s19+$0xFFFFFF50] =	vst v15;
	v20 =	vmul.f32 v7, v28;
	v17 =	vmul.f32 v7, v29  }
0x1a9: {  	s21 =	simm.s32 $0x0;
	s22 =	simm.s32 $0x4A0;
	v15 =	vld [tilespmem:s19+$0xF0];
	v19 =	vmul.f32 v7, v30;
	[tilespmem:s19+$0xFFFFFF70] =	vst v16;
	v16 =	vmul.f32 v7, v31  }
.LBB2_10:
0x1aa: {  	v28 =	vld [tilespmem:s22+$0x110];
	[tilespmem:s19+$0xFFFFFF80] =	vst v26;
	v4 =	vmul.f32 v7, v4;
	v5 =	vmul.f32 v7, v5;
	s20 =	sadd.s32 $0x40, s20  }
0x1ab: {  	s21 =	sadd.s32 $0x4, s21;
	v6 =	vmul.f32 v7, v6;
	v7 =	vmul.f32 v7, v8;
	v26 =	vld [tilespmem:s20+$0x10];
	[tilespmem:s19+$0xFFFFFF90] =	vst v25  }
0x1ac: {  	v9 =	vmul.f32 v2, v9;
	v10 =	vmul.f32 v2, v10;
	p0 =	slt.u32 s21, $0x4C;
	v8 =	vld [tilespmem:s22+$0xFFFFFF60];
	[tilespmem:s19+$0xFFFFFFA0] =	vst v23  }
0x1ad: {  	v11 =	vmul.f32 v2, v11;
	v12 =	vmul.f32 v2, v12;
	v23 =	vld [tilespmem:s20+$0xFFFFFFE0];
	[tilespmem:s19+$0xFFFFFFB0] =	vst v24  }
0x1ae: {  	v13 =	vmul.f32 v2, v13;
	v24 =	vld [tilespmem:s22+$0xFFFFFFF0];
	v3 =	vmul.f32 v3, v27;
	[tilespmem:s19+$0xFFFFFFC0] =	vst v21  }
0x1af: {  	v14 =	vmul.f32 v2, v14;
	v2 =	vmul.f32 v2, v15;
	v21 =	vld [tilespmem:s20+$0xFFFFFFF0];
	[tilespmem:s19+$0xFFFFFFD0] =	vst v22  }
0x1b0: {  	v15 =	vld [tilespmem:s22+$0x80];
	v22 =	vadd.f32 v26, v28;
	[tilespmem:s19+$0xFFFFFEE0] =	vst v3  }
0x1b1: {  	v3 =	vld [tilespmem:s20+$0x0];
	[tilespmem:s19+$0xFFFFFFE0] =	vst v18  }
0x1b2: {  	v18 =	vld [tilespmem:s22+$0xFFFFFEF0];
	v8 =	vadd.f32 v23, v8;
	v23 =	vmul.f32 $2.000000030e-01, v22;
	[tilespmem:s19+$0x0] =	vst v20  }
0x1b3: {  	vm1 =	vgt.f32 v22, $0.0e+00;
	v20 =	vld [tilespmem:s22+$0xFFFFFF00];
	[tilespmem:s19+$0x10] =	vst v17  }
0x1b4: {  	v17 =	vld [tilespmem:s22+$0xFFFFFF10];
	v25 =	vmul.f32 $2.000000030e-01, v8;
	v21 =	vadd.f32 v21, v24;
	v22 =	vsel vm1, v22, v23;
	[tilespmem:s19+$0x20] =	vst v19  }
0x1b5: {  	vm1 =	vgt.f32 v8, $0.0e+00;
	v19 =	vld [tilespmem:s22+$0xFFFFFF20];
	v22 =	vmul.f32 $1.442695020e+00, v22;
	[tilespmem:s19+$0x30] =	vst v16  }
0x1b6: {  	v16 =	vld [tilespmem:s22+$0xFFFFFF30];
	vm2 =	vgt.f32 v21, $0.0e+00;
	v23 =	vmul.f32 $2.000000030e-01, v21;
	v3 =	vadd.f32 v3, v15;
	[tilespmem:s19+$0x40] =	vst v4  }
0x1b7: {  	v4 =	vsel vm1, v8, v25;
	v15 =	vld [tilespmem:s22+$0xFFFFFF40];
	(erf) = vpow2.f32 v22;
	[tilespmem:s19+$0x50] =	vst v5  }
0x1b8: {  	v22 =	vld [tilespmem:s22+$0xFFFFFF50];
	v5 =	vsel vm2, v21, v23;
	vm1 =	vgt.f32 v3, $0.0e+00;
	v8 =	vmul.f32 $2.000000030e-01, v3;
	[tilespmem:s19+$0x60] =	vst v6  }
0x1b9: {  	v4 =	vmul.f32 $1.442695020e+00, v4;
	v21 =	vld [tilespmem:s22+$0xFFFFFF70];
	v5 =	vmul.f32 $1.442695020e+00, v5;
	[tilespmem:s19+$0x70] =	vst v7  }
0x1ba: {  	v23 =	vld [tilespmem:s22+$0xFFFFFF80];
	v3 =	vsel vm1, v3, v8;
	[tilespmem:s19+$0x90] =	vst v9  }
0x1bb: {  	v24 =	vld [tilespmem:s22+$0xFFFFFF90];
	v3 =	vmul.f32 $1.442695020e+00, v3;
	(erf) = vpow2.f32 v4;
	[tilespmem:s19+$0xA0] =	vst v10  }
0x1bc: {  	v27 =	vld [tilespmem:s22+$0xFFFFFFA0];
	(erf) = vpow2.f32 v5;
	[tilespmem:s19+$0xB0] =	vst v11  }
0x1bd: {  	v28 =	vld [tilespmem:s22+$0xFFFFFFB0];
	(erf) = vpow2.f32 v3;
	[tilespmem:s19+$0xC0] =	vst v12  }
0x1be: {  	v29 =	vld [tilespmem:s22+$0xFFFFFFC0];
	[tilespmem:s19+$0xD0] =	vst v13  }
0x1bf: {  	v3 =	vld [tilespmem:s22+$0x100];
	[tilespmem:s19+$0xE0] =	vst v14  }
0x1c0: {  	v14 =	vld [tilespmem:s22+$0xFFFFFFD0];
	v4 =	vpop (erf);
	[tilespmem:s19+$0xF0] =	vst v2;
	s19 =	smov.u32 s22  }
0x1c1: {  	v30 =	vld [tilespmem:s22+$0xFFFFFFE0];
	v2 =	vnsel vm0, $0x0, v4  }
0x1c2: {  	v31 =	vld [tilespmem:s22+$0x0];
	[tilespmem:s22+$0x110] =	vst v2;
	v2 =	vperm.xlane v2, v1  }
0x1c3: {  	v32 =	vld [tilespmem:s22+$0x10]  }
0x1c4: {  	v33 =	vld [tilespmem:s22+$0x20];
	v5 =	vmul.f32 v2, v3;
	v3 =	vpop (erf)  }
0x1c5: {  	v6 =	vnsel vm0, $0x0, v3;
	v34 =	vld [tilespmem:s22+$0x30];
	v4 =	vpop (erf)  }
0x1c6: {  	v3 =	vperm.xlane v6, v1;
	v7 =	vnsel vm0, $0x0, v4;
	v4 =	vld [tilespmem:s22+$0x40];
	[tilespmem:s22+$0x100] =	vst v5;
	v8 =	vpop (erf)  }
0x1c7: {  	[tilespmem:s22+$0xFFFFFF60] =	vst v6;
	v35 =	vperm.xlane v7, v1;
	v5 =	vld [tilespmem:s22+$0x50];
	v9 =	vnsel vm0, $0x0, v8  }
0x1c8: {  	v10 =	vmul.f32 v3, v18;
	[tilespmem:s22+$0xFFFFFFF0] =	vst v7;
	v6 =	vld [tilespmem:s22+$0x60];
	v7 =	vperm.xlane v9, v1  }
0x1c9: {  	v11 =	vmul.f32 v3, v20;
	v12 =	vmul.f32 v3, v17;
	v8 =	vld [tilespmem:s22+$0x70];
	[tilespmem:s22+$0x80] =	vst v9  }
0x1ca: {  	v13 =	vmul.f32 v3, v19;
	v16 =	vmul.f32 v3, v16;
	[tilespmem:s22+$0xFFFFFEF0] =	vst v10;
	v9 =	vld [tilespmem:s22+$0x90]  }
0x1cb: {  	v15 =	vmul.f32 v3, v15;
	v17 =	vmul.f32 v3, v22;
	[tilespmem:s22+$0xFFFFFF00] =	vst v11;
	v10 =	vld [tilespmem:s22+$0xA0]  }
0x1cc: {  	v19 =	vmul.f32 v35, v21;
	v26 =	vmul.f32 v35, v23;
	[tilespmem:s22+$0xFFFFFF10] =	vst v12;
	v11 =	vld [tilespmem:s22+$0xB0]  }
.Ltmp4:
0x1cd: {  	v25 =	vmul.f32 v35, v24;
	v23 =	vmul.f32 v35, v27;
	[tilespmem:s22+$0xFFFFFF20] =	vst v13;
	v12 =	vld [tilespmem:s22+$0xC0];
	(pc) =	sbr.rel @p0 .LBB2_10-.Ltmp4, $4  }
0x1ce: {  	v24 =	vmul.f32 v35, v28;
	v21 =	vmul.f32 v35, v29;
	[tilespmem:s22+$0xFFFFFF30] =	vst v16;
	v13 =	vld [tilespmem:s22+$0xD0]  }
0x1cf: {  	v22 =	vmul.f32 v35, v14;
	v18 =	vmul.f32 v35, v30;
	[tilespmem:s22+$0xFFFFFF40] =	vst v15;
	v14 =	vld [tilespmem:s22+$0xE0]  }
0x1d0: {  	v20 =	vmul.f32 v7, v31;
	[tilespmem:s22+$0xFFFFFF50] =	vst v17;
	v17 =	vmul.f32 v7, v32;
	v15 =	vld [tilespmem:s22+$0xF0]  }
0x1d1: {  	v16 =	vmul.f32 v7, v34;
	s22 =	sadd.s32 $0x240, s22;
	v27 =	vld [tilespmem:s19+$0xFFFFFEE0];
	[tilespmem:s19+$0xFFFFFF70] =	vst v19;
	v19 =	vmul.f32 v7, v33  }
0x1d2: {  	[tilespmem:s19+$0xFFFFFF80] =	vst v26  }
0x1d3: {  	[tilespmem:s19+$0xFFFFFF90] =	vst v25  }
0x1d4: {  	[tilespmem:s19+$0xFFFFFFA0] =	vst v23  }
0x1d5: {  	[tilespmem:s19+$0xFFFFFFB0] =	vst v24  }
0x1d6: {  	[tilespmem:s19+$0xFFFFFFC0] =	vst v21  }
0x1d7: {  	[tilespmem:s19+$0xFFFFFFD0] =	vst v22  }
0x1d8: {  	[tilespmem:s19+$0xFFFFFFE0] =	vst v18  }
0x1d9: {  	[tilespmem:s19+$0x0] =	vst v20  }
0x1da: {  	[tilespmem:s19+$0x10] =	vst v17  }
0x1db: {  	v58 =	vmul.f32 v7, v5;
	[tilespmem:s19+$0x20] =	vst v19  }
0x1dc: {  	v59 =	vmul.f32 v7, v6;
	[tilespmem:s19+$0x30] =	vst v16  }
0x1dd: {  	[tilespmem:s19+$0x50] =	vst v58;
	v3 =	vmul.f32 v3, v27  }
0x1de: {  	v60 =	vmul.f32 v2, v9;
	[tilespmem:s19+$0x60] =	vst v59  }
0x1df: {  	[tilespmem:s19+$0xFFFFFEE0] =	vst v3;
	v3 =	vmul.f32 v7, v4  }
0x1e0: {  	v61 =	vmul.f32 v2, v10;
	[tilespmem:s19+$0x90] =	vst v60  }
0x1e1: {  	[tilespmem:s19+$0x40] =	vst v3;
	v3 =	vmul.f32 v7, v8  }
0x1e2: {  	v62 =	vmul.f32 v2, v12;
	[tilespmem:s19+$0xA0] =	vst v61  }
0x1e3: {  	[tilespmem:s19+$0x70] =	vst v3;
	v3 =	vmul.f32 v2, v11  }
0x1e4: {  	v63 =	vmul.f32 v2, v13;
	[tilespmem:s19+$0xC0] =	vst v62  }
0x1e5: {  	[tilespmem:s19+$0xB0] =	vst v3;
	v3 =	vmul.f32 v2, v14  }
0x1e6: {  	[tilespmem:s19+$0xD0] =	vst v63;
	v2 =	vmul.f32 v2, v15  }
0x1e7: {  	[tilespmem:s19+$0xE0] =	vst v3  }
0x1e8: {  	[tilespmem:s19+$0xF0] =	vst v2  }
0x1e9: {  	[spmem:s3] =	stream.indirect.scatter.add.f32 [tilespmem:s9], [sflag:$0x3], $0x90, s7, s7, $0xb8;
	[tilespmem:$0x1DF40] =	vst v63  }
0x1ea: {  	s24 =	stileid.u32;
	_ =	swait.ge [sflag:s1], $0x2D00  }
0x1eb: {  	s20 =	sshrl.u32 s8, $0x3;
	s18 =	sadd.s32 $0x1, s18;
	[sflag:s1] =	ssyncset.done $0x0  }
0x1ec: {  	p0 =	sne.s32 s18, s0;
	s19 =	sshll.u32 s24, $0x6;
	[sflag:s1] =	ssyncadd.s32 $0xFFFFD300  }
.Ltmp5:
0x1ed: {  	s19 =	sor.u32 $0x1C03, s19;
	[bflag:$0x0] =	sbarrier.arrive $0xFFFF;
	(pc) =	sbr.rel @p0 .LBB2_1-.Ltmp5, $4  }
0x1ee: {  	[hbm:s31], [sflag:s19] =	dma.local [spmem:s20], $0x2D00  }
0x1ef: {  	_ =	swait.ge [sflag:s1], $0x2D00  }
0x1f0: {  	[sflag:s1] =	ssyncset.done $0x0  }
0x1f1: {  	[sflag:s1] =	ssyncadd.s32 $0xFFFFD300  }
0x1f2: {  	_ =	sfence.sel $0x180000  }
0x1f3: {  	[bflag:$0x0] =	sbarrier.arrive $0xFFFF  }
0x1f4: {  	_ =	strace $0x9000004A  }
0x1f5: {  	s0 =	stileid.u32;
	[bflag:$0x2] =	sbarrier.arrive $0xFFFF  }
0x1f6: {  	p0 =	sne.s32 s0, $0x0;
	s0 =	rddreg [dreg:$0x3]  }
0x1f7: {  	s0 =	sadd.s32 @!p0 $0x100000, s0  }
0x1f8: {  	[sflag:s0] =	ssyncadd.tile.s32 @!p0 $0x1;
	_ =	shalt  }
.Lfunc_end2:
_tile_overlayer_lowered:
.L_overlay_start_2:
0x1f9: {  	(tag) =	ssettag $0x2  }
0x1fa: {  	s0 =	rddreg [dreg:$0x0];
	s2 =	stileid.u32  }
0x1fb: {  	s1 =	rddreg [dreg:$0x1];
	p0 =	sne.s32 s2, $0x0  }
0x1fc: {  	s3 =	rddreg [dreg:$0x2];
	[bflag:$0x3] =	sbarrier.arrive $0xFFFF;
	s2 =	simm.s32 @!p0 $0x1C03  }
0x1fd: {  	[timem:s3], [sflag:s2] =	dma.local @!p0 [hbm:s0], s1  }
0x1fe: {  	s0 =	simm.s32 @!p0 $0x3  }
0x1ff: {  	_ =	swait.ge @!p0 [sflag:s0], s1  }
0x200: {  	s1 =	ssub.s32 @!p0 $0x0, s1;
	[sflag:s0] =	ssyncset.done @!p0 $0x0  }
0x201: {  	[sflag:s0] =	ssyncadd.s32 @!p0 s1  }
0x202: {  	[bflag:$0x3] =	sbarrier.arrive $0xFFFF  }
0x203: {  	_ =	shalt  }

// kernel: kernel.7.cloned.1.call-start
scs
__scs_entry_jumppad:
0x0: {  	(pc) =	sbr.rel $0x88, $3  }
0x1: {  	(tag) =	ssettag $0x0;
	lr =	simm.s32 $0x1  }
0x2: {  	[smem:$0x3F95] =	sst lr;
	_ =	strace $0xD0000000  }
0x3: {  	_ = 	snop  }
0x4: {  	_ = 	snop  }
0x5: {  	_ = 	snop  }
0x6: {  	_ = 	snop  }
0x7: {  	_ = 	snop  }
__scs_overlays_trampoline_lowered:
0x8: {  	[smem:$0x3FA4] =	sst s0  }
0x9: {  	[smem:$0x3FA5] =	sst s1  }
0xa: {  	[smem:$0x3FA6] =	sst s2  }
0xb: {  	[smem:$0x3FA7] =	sst s3  }
0xc: {  	[smem:$0x3FA8] =	sst s4  }
0xd: {  	[smem:$0x3FA9] =	sst s5  }
0xe: {  	[smem:$0x3FAA] =	sst s6  }
0xf: {  	[smem:$0x3FAB] =	sst s7  }
0x10: {  	[smem:$0x3FAC] =	sst s8  }
0x11: {  	[smem:$0x3FAD] =	sst s9;
	s0 =	simm.s32 @!p0 $0x0  }
0x12: {  	s1 =	sld [smem:$0x3F93];
	s0 =	simm.s32 @p0 $0x1  }
0x13: {  	[smem:$0x3FAE] =	sst s0;
	s0 =	simm.s32 @!p1 $0x0  }
0x14: {  	s2 =	sld [smem:$0x3F92];
	s0 =	simm.s32 @p1 $0x1  }
0x15: {  	[smem:$0x3FAF] =	sst s0;
	s0 =	simm.s32 @!p2 $0x0  }
0x16: {  	s3 =	sld [smem:$0x3FDB];
	s0 =	simm.s32 @p2 $0x1  }
0x17: {  	s4 =	simm.s32 $0x1BF5;
	[smem:$0x3FB1] =	sst s0  }
0x18: {  	s0 =	sld [smem:$0x3F94];
	_ =	swait.ge [sflag:s4], $0x0  }
0x19: {  	s7 =	sld [smem:$0x3F95]  }
0x1a: {  	s8 =	sadd.s32 $0xFFFFE003, lr  }
0x1b: {  	s9 =	sadd.s32 $0xFFFFFEF7, lr;
	s5 =	simm.s32 $0xFFFFFFFF;
	p2 =	slt.u32 s8, $0xFFFFF086  }
0x1c: {  	p1 =	slt.u32 s9, $0xF7A;
	s5 =	simm.s32 @!p2 $0x0  }
0x1d: {  	s5 =	simm.s32 @p1 $0x1;
	p0 =	seq.s32 s7, s2  }
0x1e: {  	s7 =	smul.u32 @!p0 $0xF7A, s2;
	p2 =	seq.s32 @!p0 s5, $0x0  }
0x1f: {  	s9 =	smul.u32 $0xF7A, s1;
	s8 =	simm.s32 @!p0 $0x1BF5;
	p2 =	por !p2, p0  }
0x20: {  	[sflag:s8] =	ssyncset.s32 @!p0 $0xFFFFF086;
	s6 =	sadd.s32 @!p0 s3, s7;
	s7 =	simm.s32 @!p0 $0x108  }
0x21: {  	s3 =	sadd.s32 s3, s9;
	s6 =	sadd.s32 @!p0 $0x88, s6;
	s7 =	simm.s32 @p2 $0x1082  }
0x22: {  	[simem:s7], [sflag:s8] =	dma.local @!p0 [hbm:s6], $0xF7A  }
0x23: {  	s9 =	sor.u32 $0xD0000000, s2;
	s6 =	simm.s32 $0x108;
	_ =	swait.ge @!p0 [sflag:s8], $0x0  }
0x24: {  	s3 =	sadd.s32 $0x88, s3;
	s6 =	simm.s32 @!p1 $0x1082;
	[sflag:s4] =	ssyncset.s32 $0xFFFFF086  }
0x25: {  	[simem:s6], [sflag:s4] =	dma.local [hbm:s3], $0xF7A  }
0x26: {  	[smem:$0x3F95] =	sst s1;
	(tag) =	ssettag s2;
	_ =	strace s9  }
0x27: {  	s1 =	sld [smem:$0x3FA5]  }
0x28: {  	s2 =	sld [smem:$0x3FA6]  }
0x29: {  	s4 =	sld [smem:$0x3FA8]  }
0x2a: {  	p0 =	seq.s32 s5, $0x0;
	s5 =	sld [smem:$0x3FA9]  }
0x2b: {  	s6 =	sld [smem:$0x3FAA]  }
0x2c: {  	s7 =	sld [smem:$0x3FAB]  }
0x2d: {  	s3 =	simm.s32 $0x108;
	s8 =	sld [smem:$0x3FAC]  }
0x2e: {  	s3 =	simm.s32 @!p0 $0x1082;
	s9 =	sld [smem:$0x3FAD]  }
0x2f: {  	lr =	sadd.s32 s0, s3;
	s0 =	sld [smem:$0x3FA4]  }
0x30: {  	s3 =	sld [smem:$0x3FA7]  }
0x31: {  	[smem:$0x3FB0] =	sst s10  }
0x32: {  	s10 =	sld [smem:$0x3FAE];
	_ =	sdelay $0x3  }
0x33: {  	p0 =	seq.s32 s10, $0x1;
	s10 =	sld [smem:$0x3FB0];
	_ =	sdelay $0x3  }
0x34: {  	[smem:$0x3FB0] =	sst s10  }
0x35: {  	s10 =	sld [smem:$0x3FAF];
	_ =	sdelay $0x3  }
0x36: {  	p1 =	seq.s32 s10, $0x1;
	s10 =	sld [smem:$0x3FB0];
	_ =	sdelay $0x3  }
0x37: {  	[smem:$0x3FB0] =	sst s10  }
0x38: {  	s10 =	sld [smem:$0x3FB1]  }
0x39: {  	_ = 	snop;
	(pc) =	sbr.ind lr, $3  }
0x3a: {  	_ = 	snop  }
0x3b: {  	_ = 	snop  }
0x3c: {  	p2 =	seq.s32 s10, $0x1;
	s10 =	sld [smem:$0x3FB0]  }
0x3d: {  	_ =	shalt  }
0x3e: {  	_ =	shalt  }
0x3f: {  	_ =	shalt  }
0x40: {  	_ =	shalt  }
0x41: {  	_ =	shalt  }
0x42: {  	_ =	shalt  }
0x43: {  	_ =	shalt  }
0x44: {  	_ =	shalt  }
0x45: {  	_ =	shalt  }
0x46: {  	_ =	shalt  }
0x47: {  	_ =	shalt  }
0x48: {  	_ =	shalt  }
0x49: {  	_ =	shalt  }
0x4a: {  	_ =	shalt  }
0x4b: {  	_ =	shalt  }
0x4c: {  	_ =	shalt  }
0x4d: {  	_ =	shalt  }
0x4e: {  	_ =	shalt  }
0x4f: {  	_ =	shalt  }
0x50: {  	_ =	shalt  }
0x51: {  	_ =	shalt  }
0x52: {  	_ =	shalt  }
0x53: {  	_ =	shalt  }
0x54: {  	_ =	shalt  }
0x55: {  	_ =	shalt  }
0x56: {  	_ =	shalt  }
0x57: {  	_ =	shalt  }
0x58: {  	_ =	shalt  }
0x59: {  	_ =	shalt  }
0x5a: {  	_ =	shalt  }
0x5b: {  	_ =	shalt  }
0x5c: {  	_ =	shalt  }
0x5d: {  	_ =	shalt  }
0x5e: {  	_ =	shalt  }
0x5f: {  	_ =	shalt  }
0x60: {  	_ =	shalt  }
0x61: {  	_ =	shalt  }
0x62: {  	_ =	shalt  }
0x63: {  	_ =	shalt  }
0x64: {  	_ =	shalt  }
0x65: {  	_ =	shalt  }
0x66: {  	_ =	shalt  }
0x67: {  	_ =	shalt  }
0x68: {  	_ =	shalt  }
0x69: {  	_ =	shalt  }
0x6a: {  	_ =	shalt  }
0x6b: {  	_ =	shalt  }
0x6c: {  	_ =	shalt  }
0x6d: {  	_ =	shalt  }
0x6e: {  	_ =	shalt  }
0x6f: {  	_ =	shalt  }
0x70: {  	_ =	shalt  }
0x71: {  	_ =	shalt  }
0x72: {  	_ =	shalt  }
0x73: {  	_ =	shalt  }
0x74: {  	_ =	shalt  }
0x75: {  	_ =	shalt  }
0x76: {  	_ =	shalt  }
0x77: {  	_ =	shalt  }
0x78: {  	_ =	shalt  }
0x79: {  	_ =	shalt  }
0x7a: {  	_ =	shalt  }
0x7b: {  	_ =	shalt  }
0x7c: {  	_ =	shalt  }
0x7d: {  	_ =	shalt  }
0x7e: {  	_ =	shalt  }
0x7f: {  	_ =	shalt  }
0x80: {  	_ =	shalt  }
0x81: {  	_ =	shalt  }
0x82: {  	_ =	shalt  }
0x83: {  	_ =	shalt  }
0x84: {  	_ =	shalt  }
0x85: {  	_ =	shalt  }
0x86: {  	_ =	shalt  }
0x87: {  	_ =	shalt  }
.Lfunc_end0:
.L_simem_size_0:
called_computation_lowered:
.L_overlay_start_0:
0x88: {  	s2 =	sld [smem:$0x3FD9]  }
0x89: {  	s3 =	sld [smem:$0x3FFE];
	_ =	sdelay $0x1  }
0x8a: {  	s1 =	srdreg.scid  }
0x8b: {  	s0 =	sand.u32 $0x1, s1  }
0x8c: {  	s17 =	sshll.u32 s0, $0xA;
	s2 =	sadd.s32 s3, s2  }
0x8d: {  	s2 =	sadd.s32 s2, s17  }
0x8e: {  	[smem:$0x3FBC] =	sst s2  }
0x8f: {  	_ = 	snop  }
0x90: {  	s2 =	sld [smem:$0x3FD0];
	(tm) =	ssettm $0x1  }
0x91: {  	s18 =	sld [smem:$0x3FFB];
	_ =	sdelay $0x3  }
0x92: {  	_ =	strace s18  }
0x93: {  	s3 =	sld [smem:$0x3FFC];
	_ =	sdelay $0x3  }
0x94: {  	_ =	strace s3  }
0x95: {  	s3 =	sld [smem:$0x3FFD];
	_ =	sdelay $0x3  }
0x96: {  	_ =	strace s3  }
0x97: {  	_ =	strace $0x8FFFFFFF  }
0x98: {  	s19 =	sld [smem:$0x3FDB];
	_ =	sdelay $0x1  }
0x99: {  	s4 =	simm.s32 $_scs_section_size  }
0x9a: {  	s5 =	simm.s32 $_size__tile_overlayer_lowered;
	s6 =	simm.s32 $_tile_overlayer_lowered  }
0x9b: {  	s22 =	simm.s32 $0x1BFF;
	s21 =	sshll.u32 s6, $0x1;
	s3 =	sadd.s32 s4, s19  }
0x9c: {  	s7 =	simm.s32 $0x0;
	s20 =	sshll.u32 s5, $0x1;
	s5 =	sadd.s32 s21, s3  }
0x9d: {  	[timem:s7], [sflag:s22] =	dma.local [hbm:s5], s20  }
0x9e: {  	_ =	swait.ge [sflag:s22], s20  }
0x9f: {  	s4 =	ssub.s32 $0x0, s20;
	[sflag:s22] =	ssyncset.done $0x0  }
0xa0: {  	[sflag:s22] =	ssyncadd.s32 s4;
	_ =	sdelay $0x1  }
0xa1: {  	s23 =	simm.s32 $0x1B8B  }
0xa2: {  	_ =	swait.ge [sflag:s23], $0x1  }
0xa3: {  	[sflag:s23] =	ssyncset.done $0x0  }
0xa4: {  	s25 =	simm.s32 $0x1B8E;
	s24 =	sld [smem:$0x3FFE];
	[sflag:s23] =	ssyncadd.s32 $0xFFFFFFFF  }
0xa5: {  	s26 =	simm.s32 $execute0_lowered;
	[smem:$0x3FD2] =	sst s25  }
0xa6: {  	s5 =	sshll.u32 s26, $0x1;
	_ =	strace $0x80000046;
	[dreg:$0x1] =	wrdreg $0xFFFFFFFF  }
0xa7: {  	s28 =	simm.s32 $_size_execute0_lowered;
	s3 =	sadd.s32 s3, s5;
	[dreg:$0x0] =	wrdreg $0x0  }
0xa8: {  	s5 =	sshll.u32 s28, $0x1;
	[dreg:$0x2] =	wrdreg s3  }
0xa9: {  	[dreg:$0x3] =	wrdreg s5  }
0xaa: {  	[dreg:$0x4] =	wrdreg $0xC0  }
0xab: {  	_ =	task [dreg:s7], $0x5FFFF  }
0xac: {  	[dreg:$0x1] =	wrdreg $0xFFFFFFFF  }
0xad: {  	[dreg:$0x0] =	wrdreg $0x60  }
0xae: {  	[dreg:$0x2] =	wrdreg s24  }
0xaf: {  	[dreg:$0x3] =	wrdreg s2  }
0xb0: {  	[dreg:$0x4] =	wrdreg $0x77400  }
0xb1: {  	[dreg:$0x5] =	wrdreg $0x9  }
0xb2: {  	_ =	task.clear_ibuf [dreg:s7], $0x6FFFF;
	_ =	strace $0x90000046  }
0xb3: {  	s29 =	simm.s32 $0x9;
	_ =	strace $0x80000048  }
0xb4: {  	_ =	swait.ge [sflag:s29], $0x1  }
0xb5: {  	[sflag:s29] =	ssyncadd.s32 $0xFFFFFFFF  }
0xb6: {  	_ =	strace $0x90000048  }
0xb7: {  	_ =	sfence  }
0xb8: {  	s30 =	sld [smem:$0x0];
	_ =	sdelay $0x2  }
0xb9: {  	s31 =	sshll.u32 s1, $0xD;
	s1 =	sshrl.u32 s1, $0x2  }
0xba: {  	s3 =	sand.u32 $0x4000, s31;
	s1 =	sadd.s32 s1, s30  }
0xbb: {  	s0 =	sor.u32 s3, s0;
	s1 =	sshll.u32 s1, $0x11  }
0xbc: {  	s0 =	sor.u32 s1, s0  }
0xbd: {  	s0 =	sadd.s32 $0x8F2B, s0  }
0xbe: {  	[sflag:s0] =	ssyncadd.remote.s32 $0x1  }
0xbf: {  	_ =	sfence.sel $0xFFFF  }
0xc0: {  	[dreg:$0x0] =	wrdreg $0xFFFFFFFF;
	(pc) =	sbr.abs _section_cstart, $3  }
0xc1: {  	[dreg:$0x1] =	wrdreg $0xFFFFFFFF  }
0xc2: {  	_ =	task.clear_ibuf [dreg:s7], $0x2FFFF;
	_ =	strace $0x9FFFFFFF  }
0xc3: {  	(tm) =	ssettm $0x7FFFFFFF  }
tec
execute0_lowered:
.L_overlay_start_1:
0x0: {  	(tag) =	ssettag $0x1  }
0x1: {  	s1 =	srdreg.scid  }
0x2: {  	s10 =	stileid.u32;
	s1 =	sand.u32 $0x1, s1  }
0x3: {  	s0 =	rddreg [dreg:$0x0];
	s7 =	smul.u32 $0x16800, s10;
	s6 =	sshll.u32 s1, $0x4  }
0x4: {  	s2 =	rddreg [dreg:$0x1];
	s6 =	sor.u32 s10, s6;
	s10 =	smul.u32 $0x5A000, s10  }
0x5: {  	s3 =	rddreg [dreg:$0x2];
	s4 =	simm.s32 $0x0;
	s9 =	smul.u32 $0x4E20, s6  }
0x6: {  	[smem:$0x7FF] =	sst s4;
	s5 =	smul.u32 $0x168000, s1  }
0x7: {  	_ =	strace $0x80000047;
	s10 =	sshrl.u32 s10, $0x2;
	s11 =	sshrl.u32 s9, $0x3  }
0x8: {  	s1 =	ssub.s32 $0x2, s1;
	s10 =	sadd.s32 s10, s3;
	s26 =	sadd.s32 s2, s11  }
0x9: {  	s25 =	sshrl.u32 s1, $0x1;
	s11 =	sadd.s32 $0x1200, s10;
	[dreg:$0x4] =	wrdreg s26  }
0xa: {  	s8 =	sadd.s32 s7, s5;
	s12 =	sadd.s32 $0x2400, s10;
	[dreg:$0x5] =	wrdreg s11  }
0xb: {  	s5 =	sadd.s32 $0x1A00, s0;
	s13 =	sadd.s32 $0x3600, s10;
	[dreg:$0x6] =	wrdreg s12  }
0xc: {  	s6 =	sadd.s32 $0x2DA00, s0;
	s14 =	sadd.s32 $0x4800, s10;
	[dreg:$0x7] =	wrdreg s13  }
0xd: {  	s1 =	ssub.s32 s1, s25;
	s15 =	sadd.s32 $0x5A00, s10;
	[dreg:$0x8] =	wrdreg s14  }
0xe: {  	s8 =	sshrl.u32 s8, $0x3;
	s16 =	sadd.s32 $0x6C00, s10;
	[dreg:$0x9] =	wrdreg s15  }
0xf: {  	s0 =	sadd.s32 s8, s0;
	s17 =	sadd.s32 $0x7E00, s10;
	[dreg:$0xa] =	wrdreg s16  }
0x10: {  	s8 =	sadd.s32 s7, s3;
	s18 =	sadd.s32 $0x9000, s10;
	[dreg:$0xb] =	wrdreg s17  }
0x11: {  	s29 =	sadd.s32 $0xA0, s9;
	s19 =	sadd.s32 $0xA200, s10;
	[dreg:$0xc] =	wrdreg s18  }
0x12: {  	s30 =	sadd.s32 $0x140, s9;
	s20 =	sadd.s32 $0xB400, s10;
	[dreg:$0xd] =	wrdreg s19  }
0x13: {  	s7 =	simm.s32 $0x50;
	s21 =	sadd.s32 $0xC600, s10;
	[dreg:$0xe] =	wrdreg s20  }
0x14: {  	s9 =	simm.s32 $0x140;
	s22 =	sadd.s32 $0xD800, s10;
	[dreg:$0xf] =	wrdreg s21  }
0x15: {  	s23 =	sadd.s32 $0xEA00, s10;
	s24 =	sadd.s32 $0xFC00, s10;
	[dreg:$0x10] =	wrdreg s22  }
0x16: {  	s25 =	sadd.s32 $0x10E00, s10;
	s28 =	sadd.s32 $0x15600, s10;
	[dreg:$0x11] =	wrdreg s23  }
0x17: {  	s31 =	sadd.s32 $0x32A00, s0;
	s0 =	smax.u32 s1, $0x1;
	[dreg:$0x12] =	wrdreg s24  }
0x18: {  	s1 =	simm.s32 $0x3;
	[dreg:$0x13] =	wrdreg s25;
	s26 =	sadd.s32 $0x12000, s10  }
0x19: {  	v0 =	vimm.f32 $0.0e+00;
	s25 =	sadd.s32 $0x13200, s10;
	s11 =	simm.s32 $0x6540;
	s12 =	simm.s32 $0xA0  }
0x1a: {  	vm0 =	vmmov $0xff;
	v51 =	vimm.s32 $0x0;
	v42 =	vimm.s32 $0x1;
	s13 =	simm.s32 $0x2E40;
	s14 =	simm.s32 $0xF0;
	s15 =	simm.s32 $0x6040  }
0x1b: {  	v47 =	vimm.s32 $0x2;
	v49 =	vimm.s32 $0x3;
	v40 =	vimm.s32 $0x4;
	s16 =	simm.s32 $0x1;
	s17 =	simm.s32 $0x2;
	s18 =	simm.s32 $0x0  }
0x1c: {  	v45 =	vimm.s32 $0x5;
	v46 =	vimm.s32 $0x6;
	v10 =	vimm.s32 $0x7;
	[dreg:$0x14] =	wrdreg s26;
	s26 =	sadd.s32 $0x14400, s10;
	s10 =	simm.s32 $0x5B40  }
.LBB2_1:
0x1d: {  	s19 =	rddreg [dreg:$0x4]  }
0x1e: {  	[tilespmem:s4], [sflag:$0x3] =	stream.linear.gather [hbm4b:s19+s4], $0xA0, $0x38;
	[tilespmem:$0x1DF40] =	vst v63  }
0x1f: {  	_ =	swait.ge [sflag:s1], $0xA0  }
0x20: {  	[sflag:s1] =	ssyncset.done $0x0  }
0x21: {  	[sflag:s1] =	ssyncadd.s32 $0xFFFFFF60  }
0x22: {  	[tilespmem:s9], [sflag:$0x1] =	stream.indirect.gather [hbm4b:s5+s7], $0x90, s4, s7, $0xb8;
	[tilespmem:$0x1DF40] =	vst v63  }
0x23: {  	s20 =	simm.s32 $0x240;
	s19 =	simm.s32 $0x0  }
0x24: {  	[tilespmem:s10], [sflag:$0x1] =	stream.indirect.gather [hbm4b:s6+s7], $0x10, s7, s7, $0xb8;
	[tilespmem:$0x1DF40] =	vst v63  }
.LBB2_2:
0x25: {  	p0 =	sne.s32 s20, $0x45C0;
	[tilespmem:s19+$0x65C0] =	vst v0  }
0x26: {  	[tilespmem:s19+$0x6540] =	vst v0  }
0x27: {  	[tilespmem:s19+$0x6550] =	vst v0  }
0x28: {  	[tilespmem:s19+$0x6560] =	vst v0  }
.Ltmp0:
0x29: {  	[tilespmem:s19+$0x6570] =	vst v0;
	(pc) =	sbr.rel @p0 .LBB2_2-.Ltmp0, $4  }
0x2a: {  	[tilespmem:s19+$0x6580] =	vst v0  }
0x2b: {  	[tilespmem:s19+$0x6590] =	vst v0  }
0x2c: {  	[tilespmem:s19+$0x65A0] =	vst v0  }
0x2d: {  	[tilespmem:s19+$0x65B0] =	vst v0;
	s19 =	sshra.s32 s20, $0x2;
	s20 =	sadd.s32 $0x240, s20  }
0x2e: {  	[tilespmem:s19+$0x65C0] =	vst v0  }
0x2f: {  	[tilespmem:s19+$0x6540] =	vst v0  }
0x30: {  	[tilespmem:s19+$0x6550] =	vst v0  }
0x31: {  	[tilespmem:s19+$0x6560] =	vst v0  }
0x32: {  	[tilespmem:s19+$0x6570] =	vst v0  }
0x33: {  	[tilespmem:s19+$0x6580] =	vst v0  }
0x34: {  	[tilespmem:s19+$0x6590] =	vst v0  }
0x35: {  	[tilespmem:s19+$0x65A0] =	vst v0  }
0x36: {  	[tilespmem:s19+$0x65B0] =	vst v0  }
0x37: {  	[spmem:s8] =	stream.linear.scatter [tilespmem:s11], [sflag:$0x3], $0x1200, $0x38;
	[tilespmem:$0x1DF40] =	vst v63  }
0x38: {  	_ =	swait.ge [sflag:s1], $0x1200  }
0x39: {  	[sflag:s1] =	ssyncset.done $0x0  }
0x3a: {  	s24 =	rddreg [dreg:$0x5];
	[sflag:s1] =	ssyncadd.s32 $0xFFFFEE00  }
0x3b: {  	[spmem:s24] =	stream.linear.scatter [tilespmem:s11], [sflag:$0x3], $0x1200, $0x38;
	[tilespmem:$0x1DF40] =	vst v63  }
0x3c: {  	_ =	swait.ge [sflag:s1], $0x1200  }
0x3d: {  	[sflag:s1] =	ssyncset.done $0x0  }
0x3e: {  	s20 =	rddreg [dreg:$0x6];
	[sflag:s1] =	ssyncadd.s32 $0xFFFFEE00  }
0x3f: {  	[spmem:s20] =	stream.linear.scatter [tilespmem:s11], [sflag:$0x3], $0x1200, $0x38;
	[tilespmem:$0x1DF40] =	vst v63  }
0x40: {  	_ =	swait.ge [sflag:s1], $0x1200  }
0x41: {  	[sflag:s1] =	ssyncset.done $0x0  }
0x42: {  	s21 =	rddreg [dreg:$0x7];
	[sflag:s1] =	ssyncadd.s32 $0xFFFFEE00  }
0x43: {  	[spmem:s21] =	stream.linear.scatter [tilespmem:s11], [sflag:$0x3], $0x1200, $0x38;
	[tilespmem:$0x1DF40] =	vst v63  }
0x44: {  	_ =	swait.ge [sflag:s1], $0x1200  }
0x45: {  	[sflag:s1] =	ssyncset.done $0x0  }
0x46: {  	s22 =	rddreg [dreg:$0x8];
	[sflag:s1] =	ssyncadd.s32 $0xFFFFEE00  }
0x47: {  	[spmem:s22] =	stream.linear.scatter [tilespmem:s11], [sflag:$0x3], $0x1200, $0x38;
	[tilespmem:$0x1DF40] =	vst v63  }
0x48: {  	_ =	swait.ge [sflag:s1], $0x1200  }
0x49: {  	[sflag:s1] =	ssyncset.done $0x0  }
0x4a: {  	s23 =	rddreg [dreg:$0x9];
	[sflag:s1] =	ssyncadd.s32 $0xFFFFEE00  }
0x4b: {  	[spmem:s23] =	stream.linear.scatter [tilespmem:s11], [sflag:$0x3], $0x1200, $0x38;
	[tilespmem:$0x1DF40] =	vst v63  }
0x4c: {  	_ =	swait.ge [sflag:s1], $0x1200  }
0x4d: {  	[sflag:s1] =	ssyncset.done $0x0  }
0x4e: {  	s24 =	rddreg [dreg:$0xa];
	[sflag:s1] =	ssyncadd.s32 $0xFFFFEE00  }
0x4f: {  	[spmem:s24] =	stream.linear.scatter [tilespmem:s11], [sflag:$0x3], $0x1200, $0x38;
	[tilespmem:$0x1DF40] =	vst v63  }
0x50: {  	_ =	swait.ge [sflag:s1], $0x1200  }
0x51: {  	[sflag:s1] =	ssyncset.done $0x0  }
0x52: {  	s20 =	rddreg [dreg:$0xb];
	[sflag:s1] =	ssyncadd.s32 $0xFFFFEE00  }
0x53: {  	[spmem:s20] =	stream.linear.scatter [tilespmem:s11], [sflag:$0x3], $0x1200, $0x38;
	[tilespmem:$0x1DF40] =	vst v63  }
0x54: {  	_ =	swait.ge [sflag:s1], $0x1200  }
0x55: {  	[sflag:s1] =	ssyncset.done $0x0  }
0x56: {  	s21 =	rddreg [dreg:$0xc];
	[sflag:s1] =	ssyncadd.s32 $0xFFFFEE00  }
0x57: {  	[spmem:s21] =	stream.linear.scatter [tilespmem:s11], [sflag:$0x3], $0x1200, $0x38;
	[tilespmem:$0x1DF40] =	vst v63  }
0x58: {  	_ =	swait.ge [sflag:s1], $0x1200  }
0x59: {  	[sflag:s1] =	ssyncset.done $0x0  }
0x5a: {  	s22 =	rddreg [dreg:$0xd];
	[sflag:s1] =	ssyncadd.s32 $0xFFFFEE00  }
0x5b: {  	[spmem:s22] =	stream.linear.scatter [tilespmem:s11], [sflag:$0x3], $0x1200, $0x38;
	[tilespmem:$0x1DF40] =	vst v63  }
0x5c: {  	_ =	swait.ge [sflag:s1], $0x1200  }
0x5d: {  	[sflag:s1] =	ssyncset.done $0x0  }
0x5e: {  	s23 =	rddreg [dreg:$0xe];
	[sflag:s1] =	ssyncadd.s32 $0xFFFFEE00  }
0x5f: {  	[spmem:s23] =	stream.linear.scatter [tilespmem:s11], [sflag:$0x3], $0x1200, $0x38;
	[tilespmem:$0x1DF40] =	vst v63  }
0x60: {  	_ =	swait.ge [sflag:s1], $0x1200  }
0x61: {  	[sflag:s1] =	ssyncset.done $0x0  }
0x62: {  	s24 =	rddreg [dreg:$0xf];
	[sflag:s1] =	ssyncadd.s32 $0xFFFFEE00  }
0x63: {  	[spmem:s24] =	stream.linear.scatter [tilespmem:s11], [sflag:$0x3], $0x1200, $0x38;
	[tilespmem:$0x1DF40] =	vst v63  }
0x64: {  	_ =	swait.ge [sflag:s1], $0x1200  }
0x65: {  	[sflag:s1] =	ssyncset.done $0x0  }
0x66: {  	s20 =	rddreg [dreg:$0x10];
	[sflag:s1] =	ssyncadd.s32 $0xFFFFEE00  }
0x67: {  	[spmem:s20] =	stream.linear.scatter [tilespmem:s11], [sflag:$0x3], $0x1200, $0x38;
	[tilespmem:$0x1DF40] =	vst v63  }
0x68: {  	_ =	swait.ge [sflag:s1], $0x1200  }
0x69: {  	[sflag:s1] =	ssyncset.done $0x0  }
0x6a: {  	s21 =	rddreg [dreg:$0x11];
	[sflag:s1] =	ssyncadd.s32 $0xFFFFEE00  }
0x6b: {  	[spmem:s21] =	stream.linear.scatter [tilespmem:s11], [sflag:$0x3], $0x1200, $0x38;
	[tilespmem:$0x1DF40] =	vst v63  }
0x6c: {  	_ =	swait.ge [sflag:s1], $0x1200  }
0x6d: {  	[sflag:s1] =	ssyncset.done $0x0  }
0x6e: {  	s22 =	rddreg [dreg:$0x12];
	[sflag:s1] =	ssyncadd.s32 $0xFFFFEE00  }
0x6f: {  	[spmem:s22] =	stream.linear.scatter [tilespmem:s11], [sflag:$0x3], $0x1200, $0x38;
	[tilespmem:$0x1DF40] =	vst v63  }
0x70: {  	_ =	swait.ge [sflag:s1], $0x1200  }
0x71: {  	[sflag:s1] =	ssyncset.done $0x0  }
0x72: {  	s23 =	rddreg [dreg:$0x13];
	[sflag:s1] =	ssyncadd.s32 $0xFFFFEE00  }
0x73: {  	[spmem:s23] =	stream.linear.scatter [tilespmem:s11], [sflag:$0x3], $0x1200, $0x38;
	[tilespmem:$0x1DF40] =	vst v63  }
0x74: {  	_ =	swait.ge [sflag:s1], $0x1200  }
0x75: {  	[sflag:s1] =	ssyncset.done $0x0  }
0x76: {  	s24 =	rddreg [dreg:$0x14];
	[sflag:s1] =	ssyncadd.s32 $0xFFFFEE00  }
0x77: {  	[spmem:s24] =	stream.linear.scatter [tilespmem:s11], [sflag:$0x3], $0x1200, $0x38;
	[tilespmem:$0x1DF40] =	vst v63  }
0x78: {  	_ =	swait.ge [sflag:s1], $0x1200  }
0x79: {  	[sflag:s1] =	ssyncset.done $0x0  }
0x7a: {  	[sflag:s1] =	ssyncadd.s32 $0xFFFFEE00  }
0x7b: {  	[spmem:s25] =	stream.linear.scatter [tilespmem:s11], [sflag:$0x3], $0x1200, $0x38;
	[tilespmem:$0x1DF40] =	vst v63  }
0x7c: {  	_ =	swait.ge [sflag:s1], $0x1200  }
0x7d: {  	[sflag:s1] =	ssyncset.done $0x0  }
0x7e: {  	[sflag:s1] =	ssyncadd.s32 $0xFFFFEE00  }
0x7f: {  	[spmem:s26] =	stream.linear.scatter [tilespmem:s11], [sflag:$0x3], $0x1200, $0x38;
	[tilespmem:$0x1DF40] =	vst v63  }
0x80: {  	_ =	swait.ge [sflag:s1], $0x1200  }
0x81: {  	[sflag:s1] =	ssyncset.done $0x0  }
0x82: {  	[sflag:s1] =	ssyncadd.s32 $0xFFFFEE00  }
0x83: {  	[spmem:s28] =	stream.linear.scatter [tilespmem:s11], [sflag:$0x3], $0x1200, $0x38;
	[tilespmem:$0x1DF40] =	vst v63  }
0x84: {  	_ =	swait.ge [sflag:s1], $0x1200  }
0x85: {  	[sflag:s1] =	ssyncset.done $0x0  }
0x86: {  	[sflag:s1] =	ssyncadd.s32 $0xFFFFEE00  }
0x87: {  	s19 =	simm.s32 $0x0;
	[bflag:$0x0] =	sbarrier.arrive $0xFFFF  }
.LBB2_4:
0x88: {  	s20 =	smul.u32 $0x140, s19;
	_ =	sdelay $0x1  }
0x89: {  	s21 =	sadd.s32 s20, s29  }
0x8a: {  	s21 =	sshrl.u32 s21, $0x3  }
0x8b: {  	s21 =	sadd.s32 s2, s21  }
0x8c: {  	[tilespmem:s12], [sflag:$0x3] =	stream.linear.gather [hbm4b:s21+s4], $0xA0, $0x38;
	[tilespmem:$0x1DF40] =	vst v63  }
0x8d: {  	_ =	swait.ge [sflag:s1], $0xA0  }
0x8e: {  	[sflag:s1] =	ssyncset.done $0x0  }
0x8f: {  	[sflag:s1] =	ssyncadd.s32 $0xFFFFFF60  }
0x90: {  	[tilespmem:s13], [sflag:$0x2] =	stream.indirect.gather [hbm4b:s5+s7], $0x90, s12, s7, $0xb8;
	[tilespmem:$0x1DF40] =	vst v63  }
0x91: {  	_ = 	snop  }
0x92: {  	[tilespmem:s15], [sflag:$0x2] =	stream.indirect.gather [hbm4b:s6+s7], $0x10, s14, s7, $0xb8;
	[tilespmem:$0x1DF40] =	vst v63  }
0x93: {  	_ =	swait.ge [sflag:s16], $0x2D00  }
0x94: {  	[sflag:s16] =	ssyncset.done $0x0  }
0x95: {  	[sflag:s16] =	ssyncadd.s32 $0xFFFFD300  }
0x96: {  	_ =	swait.ge [sflag:s16], $0x500  }
0x97: {  	[sflag:s16] =	ssyncset.done $0x0  }
0x98: {  	s21 =	simm.s32 $0x260;
	[sflag:s16] =	ssyncadd.s32 $0xFFFFFB00  }
0x99: {  	s22 =	simm.s32 $0x5B60;
	v0 =	vld [tilespmem:s21+$0x110]  }
0x9a: {  	v1 =	vld [tilespmem:s22+$0x10];
	_ =	sdelay $0x2  }
0x9b: {  	v2 =	vld [tilespmem:s21+$0xFFFFFF60]  }
0x9c: {  	v3 =	vld [tilespmem:s22+$0xFFFFFFE0]  }
0x9d: {  	v4 =	vld [tilespmem:s21+$0xFFFFFFF0];
	v0 =	vadd.f32 v1, v0  }
0x9e: {  	v5 =	vld [tilespmem:s22+$0xFFFFFFF0]  }
0x9f: {  	v6 =	vld [tilespmem:s21+$0x80];
	v9 =	vmul.f32 $2.000000030e-01, v0  }
0xa0: {  	v15 =	vld [tilespmem:s21+$0xFFFFFEF0];
	vm1 =	vgt.f32 v0, $0.0e+00  }
0xa1: {  	v16 =	vld [tilespmem:s21+$0xFFFFFF00];
	v2 =	vadd.f32 v3, v2;
	v0 =	vsel vm1, v0, v9  }
0xa2: {  	v1 =	vld [tilespmem:s22+$0x0];
	v0 =	vmul.f32 $1.442695020e+00, v0  }
0xa3: {  	v17 =	vld [tilespmem:s21+$0xFFFFFF10];
	v3 =	vmul.f32 $2.000000030e-01, v2  }
0xa4: {  	v18 =	vld [tilespmem:s21+$0xFFFFFF20];
	vm1 =	vgt.f32 v2, $0.0e+00;
	(erf) = vpow2.f32 v0  }
0xa5: {  	v19 =	vld [tilespmem:s21+$0xFFFFFF30];
	v2 =	vsel vm1, v2, v3  }
0xa6: {  	v20 =	vld [tilespmem:s21+$0xFFFFFF40];
	v2 =	vmul.f32 $1.442695020e+00, v2  }
0xa7: {  	v21 =	vld [tilespmem:s21+$0xFFFFFF50];
	v1 =	vadd.f32 v1, v6;
	v0 =	vadd.f32 v5, v4  }
0xa8: {  	v22 =	vld [tilespmem:s21+$0xFFFFFF70];
	(erf) = vpow2.f32 v2  }
0xa9: {  	v23 =	vld [tilespmem:s21+$0xFFFFFF80];
	v2 =	vmul.f32 $2.000000030e-01, v1;
	v3 =	vmul.f32 $2.000000030e-01, v0  }
0xaa: {  	v24 =	vld [tilespmem:s21+$0xFFFFFF90];
	vm1 =	vgt.f32 v0, $0.0e+00  }
0xab: {  	v25 =	vld [tilespmem:s21+$0xFFFFFFA0];
	v0 =	vsel vm1, v0, v3;
	vm1 =	vgt.f32 v1, $0.0e+00  }
0xac: {  	v26 =	vld [tilespmem:s21+$0xFFFFFFB0];
	v0 =	vmul.f32 $1.442695020e+00, v0;
	v1 =	vsel vm1, v1, v2  }
0xad: {  	v27 =	vld [tilespmem:s21+$0xFFFFFFC0];
	v1 =	vmul.f32 $1.442695020e+00, v1;
	v2 =	vpop (erf)  }
0xae: {  	(erf) = vpow2.f32 v0;
	v0 =	vld [tilespmem:s21+$0x100];
	v43 =	vnsel vm0, $0x0, v2  }
0xaf: {  	v31 =	vld [tilespmem:s21+$0xFFFFFFD0];
	(erf) = vpow2.f32 v1;
	v1 =	vperm.xlane v43, v10  }
0xb0: {  	v35 =	vld [tilespmem:s21+$0xFFFFFFE0]  }
0xb1: {  	v36 =	vld [tilespmem:s21+$0x0];
	v9 =	vperm.xlane v43, v51  }
0xb2: {  	v38 =	vld [tilespmem:s21+$0x10];
	v12 =	vperm.xlane v43, v42;
	v10 =	vperm.xlane v43, v47  }
0xb3: {  	v32 =	vld [tilespmem:s21+$0x20];
	v11 =	vperm.xlane v43, v49;
	v0 =	vmul.f32 v1, v0;
	v1 =	vpop (erf)  }
0xb4: {  	v29 =	vld [tilespmem:s21+$0x30];
	v14 =	vperm.xlane v43, v40;
	v13 =	vperm.xlane v43, v45;
	v6 =	vnsel vm0, $0x0, v1  }
0xb5: {  	v28 =	vld [tilespmem:s21+$0x40];
	v50 =	vperm.xlane v6, v51;
	v63 =	vperm.xlane v6, v42  }
0xb6: {  	v33 =	vld [tilespmem:s21+$0x50];
	v2 =	vperm.xlane v6, v47;
	v3 =	vperm.xlane v6, v49  }
0xb7: {  	v44 =	vimm.s32 $0x7;
	v30 =	vld [tilespmem:s21+$0x60];
	[tilespmem:s21+$0x100] =	vst v0;
	v1 =	vpop (erf);
	v5 =	vperm.xlane v6, v40;
	v0 =	vperm.xlane v6, v45  }
0xb8: {  	v34 =	vld [tilespmem:s21+$0x90];
	v45 =	vnsel vm0, $0x0, v1;
	v4 =	vperm.xlane v6, v46;
	v1 =	vperm.xlane v6, v44  }
0xb9: {  	v37 =	vld [tilespmem:s21+$0xA0];
	v60 =	vperm.xlane v45, v51;
	v57 =	vperm.xlane v45, v42  }
0xba: {  	v48 =	vimm.s32 $0x5;
	v39 =	vld [tilespmem:s21+$0xB0];
	v59 =	vperm.xlane v45, v47;
	v54 =	vperm.xlane v45, v49  }
0xbb: {  	v7 =	vimm.s32 $0x6;
	v41 =	vpop (erf);
	v61 =	vperm.xlane v45, v40;
	v58 =	vperm.xlane v45, v48;
	v40 =	vld [tilespmem:s21+$0xC0]  }
0xbc: {  	v62 =	vperm.xlane v45, v7;
	v55 =	vperm.xlane v45, v44;
	v44 =	vld [tilespmem:s21+$0xE0];
	v46 =	vnsel vm0, $0x0, v41  }
0xbd: {  	[tilespmem:s21+$0xFFFFFFF0] =	vst v45;
	v45 =	vld [tilespmem:s21+$0xF0];
	v56 =	vperm.xlane v46, v51;
	v53 =	vperm.xlane v46, v42  }
0xbe: {  	[tilespmem:s21+$0xFFFFFF60] =	vst v6;
	v6 =	vimm.s32 $0x4;
	v41 =	vld [tilespmem:s21+$0xD0];
	v52 =	vperm.xlane v46, v47;
	v51 =	vperm.xlane v46, v49  }
0xbf: {  	v8 =	vimm.s32 $0x7;
	[tilespmem:s21+$0x110] =	vst v43;
	v42 =	vld [tilespmem:s21+$0x70];
	v49 =	vperm.xlane v46, v6;
	v48 =	vperm.xlane v46, v48  }
0xc0: {  	s23 =	simm.s32 $0x0;
	s24 =	simm.s32 $0x4A0;
	[tilespmem:s21+$0x80] =	vst v46;
	v6 =	vld [tilespmem:s21+$0xFFFFFEE0];
	v47 =	vperm.xlane v46, v7;
	v46 =	vperm.xlane v46, v8  }
.LBB2_5:
0xc1: {  	v8 =	vimm.s32 $0x6  }
0xc2: {  	v7 =	vld [tilespmem:s24+$0x110];
	v15 =	vmul.f32 v63, v15;
	s22 =	sadd.s32 $0x40, s22;
	v63 =	vperm.xlane v43, v8  }
0xc3: {  	s23 =	sadd.s32 $0x4, s23;
	v2 =	vmul.f32 v2, v16;
	v3 =	vmul.f32 v3, v17;
	v43 =	vld [tilespmem:s22+$0x10]  }
0xc4: {  	v5 =	vmul.f32 v5, v18;
	v0 =	vmul.f32 v0, v19;
	p0 =	slt.u32 s23, $0x4C;
	v16 =	vld [tilespmem:s24+$0xFFFFFF60];
	[tilespmem:s21+$0xFFFFFEF0] =	vst v15  }
0xc5: {  	v1 =	vmul.f32 v1, v21;
	v17 =	vld [tilespmem:s22+$0xFFFFFFE0];
	[tilespmem:s21+$0xFFFFFF00] =	vst v2;
	v2 =	vmul.f32 v4, v20  }
0xc6: {  	v6 =	vmul.f32 v50, v6;
	v4 =	vld [tilespmem:s24+$0xFFFFFFF0];
	[tilespmem:s21+$0xFFFFFF10] =	vst v3;
	v3 =	vmul.f32 v60, v22  }
0xc7: {  	v20 =	vmul.f32 v59, v24;
	v18 =	vld [tilespmem:s22+$0xFFFFFFF0];
	[tilespmem:s21+$0xFFFFFF20] =	vst v5;
	v5 =	vmul.f32 v57, v23  }
0xc8: {  	v22 =	vmul.f32 v61, v26;
	v21 =	vld [tilespmem:s24+$0x80];
	v7 =	vadd.f32 v43, v7;
	[tilespmem:s21+$0xFFFFFEE0] =	vst v6;
	v6 =	vmul.f32 v54, v25  }
0xc9: {  	v24 =	vmul.f32 v62, v31;
	v23 =	vld [tilespmem:s22+$0x0];
	[tilespmem:s21+$0xFFFFFF30] =	vst v0;
	v0 =	vmul.f32 v58, v27  }
0xca: {  	v15 =	vld [tilespmem:s24+$0xFFFFFEF0];
	v25 =	vadd.f32 v17, v16;
	v19 =	vmul.f32 $2.000000030e-01, v7;
	[tilespmem:s21+$0xFFFFFF40] =	vst v2;
	v2 =	vmul.f32 v55, v35  }
0xcb: {  	v27 =	vmul.f32 v53, v38;
	vm1 =	vgt.f32 v7, $0.0e+00;
	v16 =	vld [tilespmem:s24+$0xFFFFFF00];
	[tilespmem:s21+$0xFFFFFF50] =	vst v1;
	v1 =	vmul.f32 v56, v36  }
0xcc: {  	v17 =	vld [tilespmem:s24+$0xFFFFFF10];
	v26 =	vmul.f32 $2.000000030e-01, v25;
	v4 =	vadd.f32 v18, v4;
	v7 =	vsel vm1, v7, v19;
	[tilespmem:s21+$0xFFFFFF70] =	vst v3  }
0xcd: {  	vm1 =	vgt.f32 v25, $0.0e+00;
	v18 =	vld [tilespmem:s24+$0xFFFFFF20];
	v3 =	vmul.f32 $1.442695020e+00, v7;
	[tilespmem:s21+$0xFFFFFF80] =	vst v5;
	v5 =	vmul.f32 v52, v32  }
0xce: {  	v19 =	vld [tilespmem:s24+$0xFFFFFF30];
	vm2 =	vgt.f32 v4, $0.0e+00;
	v7 =	vmul.f32 $2.000000030e-01, v4;
	v31 =	vadd.f32 v23, v21;
	[tilespmem:s21+$0xFFFFFF90] =	vst v20  }
0xcf: {  	v23 =	vsel vm1, v25, v26;
	v20 =	vld [tilespmem:s24+$0xFFFFFF40];
	(erf) = vpow2.f32 v3;
	[tilespmem:s21+$0xFFFFFFA0] =	vst v6;
	v3 =	vmul.f32 v51, v29  }
0xd0: {  	v21 =	vld [tilespmem:s24+$0xFFFFFF50];
	v4 =	vsel vm2, v4, v7;
	vm1 =	vgt.f32 v31, $0.0e+00;
	v6 =	vmul.f32 $2.000000030e-01, v31;
	[tilespmem:s21+$0xFFFFFFB0] =	vst v22  }
0xd1: {  	v7 =	vmul.f32 $1.442695020e+00, v23;
	v22 =	vld [tilespmem:s24+$0xFFFFFF70];
	v4 =	vmul.f32 $1.442695020e+00, v4;
	[tilespmem:s21+$0xFFFFFFC0] =	vst v0  }
0xd2: {  	v23 =	vld [tilespmem:s24+$0xFFFFFF80];
	v0 =	vsel vm1, v31, v6;
	[tilespmem:s21+$0xFFFFFFD0] =	vst v24;
	v6 =	vmul.f32 v49, v28;
	v28 =	vmul.f32 v48, v33  }
0xd3: {  	v24 =	vld [tilespmem:s24+$0xFFFFFF90];
	v0 =	vmul.f32 $1.442695020e+00, v0;
	(erf) = vpow2.f32 v7;
	[tilespmem:s21+$0xFFFFFFE0] =	vst v2  }
0xd4: {  	v25 =	vld [tilespmem:s24+$0xFFFFFFA0];
	(erf) = vpow2.f32 v4;
	[tilespmem:s21+$0x0] =	vst v1;
	v1 =	vmul.f32 v47, v30  }
0xd5: {  	v26 =	vld [tilespmem:s24+$0xFFFFFFB0];
	(erf) = vpow2.f32 v0;
	[tilespmem:s21+$0x10] =	vst v27;
	v0 =	vmul.f32 v46, v42  }
0xd6: {  	v8 =	vimm.s32 $0x7;
	v2 =	vmul.f32 v9, v34;
	v4 =	vmul.f32 v12, v37;
	v27 =	vld [tilespmem:s24+$0xFFFFFFC0];
	[tilespmem:s21+$0x20] =	vst v5  }
0xd7: {  	v51 =	vimm.s32 $0x0;
	v7 =	vmul.f32 v10, v39;
	v34 =	vmul.f32 v11, v40;
	v5 =	vld [tilespmem:s24+$0x100];
	[tilespmem:s21+$0x30] =	vst v3  }
0xd8: {  	v49 =	vimm.s32 $0x2;
	v37 =	vmul.f32 v13, v44;
	v31 =	vld [tilespmem:s24+$0xFFFFFFD0];
	v3 =	vpop (erf);
	[tilespmem:s21+$0x40] =	vst v6;
	v6 =	vmul.f32 v14, v41  }
0xd9: {  	v48 =	vimm.s32 $0x3;
	v39 =	vmul.f32 v63, v45;
	v35 =	vld [tilespmem:s24+$0xFFFFFFE0];
	v43 =	vnsel vm0, $0x0, v3;
	[tilespmem:s21+$0x50] =	vst v28  }
0xda: {  	v44 =	vimm.s32 $0x1;
	v36 =	vld [tilespmem:s24+$0x0];
	v9 =	vperm.xlane v43, v51;
	v3 =	vperm.xlane v43, v8;
	[tilespmem:s21+$0x60] =	vst v1  }
0xdb: {  	v45 =	vimm.s32 $0x5;
	v12 =	vperm.xlane v43, v44;
	v10 =	vperm.xlane v43, v49;
	v38 =	vld [tilespmem:s24+$0x10];
	[tilespmem:s21+$0x70] =	vst v0  }
0xdc: {  	v47 =	vimm.s32 $0x4;
	v11 =	vperm.xlane v43, v48;
	v32 =	vld [tilespmem:s24+$0x20];
	v3 =	vmul.f32 v3, v5;
	v1 =	vpop (erf);
	[tilespmem:s21+$0x90] =	vst v2  }
0xdd: {  	v14 =	vperm.xlane v43, v47;
	v13 =	vperm.xlane v43, v45;
	v40 =	vnsel vm0, $0x0, v1;
	v29 =	vld [tilespmem:s24+$0x30];
	v1 =	vpop (erf);
	[tilespmem:s21+$0xA0] =	vst v4  }
0xde: {  	v50 =	vperm.xlane v40, v51;
	v63 =	vperm.xlane v40, v44;
	v41 =	vnsel vm0, $0x0, v1;
	v28 =	vld [tilespmem:s24+$0x40];
	[tilespmem:s24+$0x100] =	vst v3;
	v0 =	vpop (erf)  }
0xdf: {  	v2 =	vperm.xlane v40, v49;
	v3 =	vperm.xlane v40, v48;
	v33 =	vld [tilespmem:s24+$0x50];
	v46 =	vnsel vm0, $0x0, v0;
	[tilespmem:s21+$0xB0] =	vst v7  }
0xe0: {  	v5 =	vperm.xlane v40, v47;
	v0 =	vperm.xlane v40, v45;
	v7 =	vimm.s32 $0x6;
	v30 =	vld [tilespmem:s24+$0x60];
	[tilespmem:s21+$0xC0] =	vst v34  }
0xe1: {  	v1 =	vperm.xlane v40, v8;
	v4 =	vperm.xlane v40, v7;
	v42 =	vld [tilespmem:s24+$0x70];
	[tilespmem:s21+$0xD0] =	vst v6  }
0xe2: {  	v60 =	vperm.xlane v41, v51;
	v57 =	vperm.xlane v41, v44;
	v34 =	vld [tilespmem:s24+$0x90];
	[tilespmem:s21+$0xE0] =	vst v37  }
0xe3: {  	v59 =	vperm.xlane v41, v49;
	v54 =	vperm.xlane v41, v48;
	v37 =	vld [tilespmem:s24+$0xA0];
	[tilespmem:s21+$0xF0] =	vst v39;
	s21 =	smov.u32 s24  }
0xe4: {  	v61 =	vperm.xlane v41, v47;
	v58 =	vperm.xlane v41, v45;
	[tilespmem:s24+$0xFFFFFF60] =	vst v40;
	v39 =	vld [tilespmem:s24+$0xB0]  }
.Ltmp1:
0xe5: {  	v55 =	vperm.xlane v41, v8;
	v62 =	vperm.xlane v41, v7;
	v7 =	vimm.s32 $0x6;
	[tilespmem:s24+$0xFFFFFFF0] =	vst v41;
	v40 =	vld [tilespmem:s24+$0xC0];
	(pc) =	sbr.rel @p0 .LBB2_5-.Ltmp1, $4  }
0xe6: {  	v56 =	vperm.xlane v46, v51;
	v53 =	vperm.xlane v46, v44;
	[tilespmem:s24+$0x80] =	vst v46;
	v41 =	vld [tilespmem:s24+$0xD0]  }
0xe7: {  	v52 =	vperm.xlane v46, v49;
	v51 =	vperm.xlane v46, v48;
	v44 =	vld [tilespmem:s24+$0xE0];
	[tilespmem:s24+$0x110] =	vst v43  }
0xe8: {  	v49 =	vperm.xlane v46, v47;
	v48 =	vperm.xlane v46, v45;
	v45 =	vld [tilespmem:s24+$0xF0]  }
0xe9: {  	v47 =	vperm.xlane v46, v7;
	v46 =	vperm.xlane v46, v8;
	s24 =	sadd.s32 $0x240, s24;
	v6 =	vld [tilespmem:s21+$0xFFFFFEE0]  }
0xea: {  	v7 =	vmul.f32 v63, v15  }
0xeb: {  	v2 =	vmul.f32 v2, v16  }
0xec: {  	v3 =	vmul.f32 v3, v17;
	[tilespmem:s21+$0xFFFFFEF0] =	vst v7  }
0xed: {  	v5 =	vmul.f32 v5, v18;
	[tilespmem:s21+$0xFFFFFF00] =	vst v2  }
0xee: {  	v0 =	vmul.f32 v0, v19;
	[tilespmem:s21+$0xFFFFFF10] =	vst v3  }
0xef: {  	v1 =	vmul.f32 v1, v21;
	[tilespmem:s21+$0xFFFFFF20] =	vst v5  }
0xf0: {  	v3 =	vmul.f32 v4, v20;
	[tilespmem:s21+$0xFFFFFF30] =	vst v0  }
0xf1: {  	v0 =	vmul.f32 v60, v22;
	[tilespmem:s21+$0xFFFFFF50] =	vst v1  }
0xf2: {  	v1 =	vmul.f32 v59, v24;
	[tilespmem:s21+$0xFFFFFF40] =	vst v3  }
0xf3: {  	v2 =	vmul.f32 v50, v6;
	[tilespmem:s21+$0xFFFFFF70] =	vst v0  }
0xf4: {  	v0 =	vmul.f32 v54, v25;
	[tilespmem:s21+$0xFFFFFF90] =	vst v1  }
0xf5: {  	v1 =	vmul.f32 v58, v27;
	[tilespmem:s21+$0xFFFFFEE0] =	vst v2  }
0xf6: {  	v3 =	vmul.f32 v14, v41;
	[tilespmem:s21+$0xFFFFFFA0] =	vst v0  }
0xf7: {  	v2 =	vmul.f32 v57, v23;
	[tilespmem:s21+$0xFFFFFFC0] =	vst v1  }
0xf8: {  	v0 =	vmul.f32 v62, v31;
	[tilespmem:s21+$0xD0] =	vst v3  }
0xf9: {  	v1 =	vmul.f32 v56, v36;
	[tilespmem:s21+$0xFFFFFF80] =	vst v2  }
0xfa: {  	v2 =	vmul.f32 v61, v26;
	[tilespmem:s21+$0xFFFFFFD0] =	vst v0  }
0xfb: {  	v0 =	vmul.f32 v53, v38;
	[tilespmem:s21+$0x0] =	vst v1  }
0xfc: {  	v1 =	vmul.f32 v51, v29;
	[tilespmem:s21+$0xFFFFFFB0] =	vst v2  }
0xfd: {  	v2 =	vmul.f32 v55, v35;
	[tilespmem:s21+$0x10] =	vst v0  }
0xfe: {  	v0 =	vmul.f32 v49, v28;
	[tilespmem:s21+$0x30] =	vst v1  }
0xff: {  	v1 =	vmul.f32 v47, v30;
	[tilespmem:s21+$0xFFFFFFE0] =	vst v2  }
0x100: {  	v2 =	vmul.f32 v52, v32;
	[tilespmem:s21+$0x40] =	vst v0  }
0x101: {  	v0 =	vmul.f32 v46, v42;
	[tilespmem:s21+$0x60] =	vst v1  }
0x102: {  	v1 =	vmul.f32 v12, v37;
	[tilespmem:s21+$0x20] =	vst v2  }
0x103: {  	v2 =	vmul.f32 v48, v33;
	[tilespmem:s21+$0x70] =	vst v0  }
0x104: {  	v47 =	vimm.s32 $0x6;
	v0 =	vmul.f32 v10, v39;
	[tilespmem:s21+$0xA0] =	vst v1  }
0x105: {  	v1 =	vperm.xlane v43, v47;
	[tilespmem:s21+$0x50] =	vst v2;
	v2 =	vmul.f32 v9, v34  }
0x106: {  	[tilespmem:s21+$0xB0] =	vst v0;
	v0 =	vmul.f32 v13, v44  }
0x107: {  	v1 =	vmul.f32 v1, v45;
	[tilespmem:s21+$0x90] =	vst v2  }
0x108: {  	v2 =	vmul.f32 v11, v40;
	[tilespmem:s21+$0xE0] =	vst v0  }
0x109: {  	[tilespmem:s21+$0xF0] =	vst v1  }
0x10a: {  	[tilespmem:s21+$0xC0] =	vst v2  }
0x10b: {  	[spmem:s3] =	stream.indirect.scatter.add.f32 [tilespmem:s9], [sflag:$0x3], $0x90, s7, s7, $0xb8;
	[tilespmem:$0x1DF40] =	vst v63  }
0x10c: {  	s20 =	sadd.s32 s20, s30;
	_ =	swait.ge [sflag:s1], $0x2D00  }
0x10d: {  	s20 =	sshrl.u32 s20, $0x3;
	[sflag:s1] =	ssyncset.done $0x0  }
0x10e: {  	s20 =	sadd.s32 s2, s20;
	[sflag:s1] =	ssyncadd.s32 $0xFFFFD300  }
0x10f: {  	[tilespmem:s4], [sflag:$0x3] =	stream.linear.gather [hbm4b:s20+s4], $0xA0, $0x38;
	[tilespmem:$0x1DF40] =	vst v63  }
0x110: {  	_ =	swait.ge [sflag:s1], $0xA0  }
0x111: {  	[sflag:s1] =	ssyncset.done $0x0  }
0x112: {  	[sflag:s1] =	ssyncadd.s32 $0xFFFFFF60  }
0x113: {  	[tilespmem:s9], [sflag:$0x1] =	stream.indirect.gather [hbm4b:s5+s7], $0x90, s4, s7, $0xb8;
	[tilespmem:$0x1DF40] =	vst v63  }
0x114: {  	_ = 	snop  }
0x115: {  	[tilespmem:s10], [sflag:$0x1] =	stream.indirect.gather [hbm4b:s6+s7], $0x10, s7, s7, $0xb8;
	[tilespmem:$0x1DF40] =	vst v63  }
0x116: {  	_ =	swait.ge [sflag:s17], $0x2D00  }
0x117: {  	[sflag:s17] =	ssyncset.done $0x0  }
0x118: {  	[sflag:s17] =	ssyncadd.s32 $0xFFFFD300  }
0x119: {  	_ =	swait.ge [sflag:s17], $0x500  }
0x11a: {  	[sflag:s17] =	ssyncset.done $0x0  }
0x11b: {  	s20 =	simm.s32 $0x2F60;
	[sflag:s17] =	ssyncadd.s32 $0xFFFFFB00  }
0x11c: {  	s21 =	simm.s32 $0x6060;
	v0 =	vld [tilespmem:s20+$0x110]  }
0x11d: {  	v1 =	vld [tilespmem:s21+$0x10];
	_ =	sdelay $0x2  }
0x11e: {  	v2 =	vld [tilespmem:s20+$0xFFFFFF60]  }
0x11f: {  	v3 =	vld [tilespmem:s21+$0xFFFFFFE0]  }
0x120: {  	v4 =	vld [tilespmem:s20+$0xFFFFFFF0];
	v0 =	vadd.f32 v1, v0  }
0x121: {  	v5 =	vld [tilespmem:s21+$0xFFFFFFF0]  }
0x122: {  	v6 =	vld [tilespmem:s20+$0x80];
	v7 =	vmul.f32 $2.000000030e-01, v0  }
0x123: {  	v15 =	vld [tilespmem:s20+$0xFFFFFEF0];
	vm1 =	vgt.f32 v0, $0.0e+00  }
0x124: {  	v16 =	vld [tilespmem:s20+$0xFFFFFF00];
	v2 =	vadd.f32 v3, v2;
	v0 =	vsel vm1, v0, v7  }
0x125: {  	v1 =	vld [tilespmem:s21+$0x0];
	v0 =	vmul.f32 $1.442695020e+00, v0  }
0x126: {  	v17 =	vld [tilespmem:s20+$0xFFFFFF10];
	v3 =	vmul.f32 $2.000000030e-01, v2  }
0x127: {  	v18 =	vld [tilespmem:s20+$0xFFFFFF20];
	vm1 =	vgt.f32 v2, $0.0e+00;
	(erf) = vpow2.f32 v0  }
0x128: {  	v19 =	vld [tilespmem:s20+$0xFFFFFF30];
	v2 =	vsel vm1, v2, v3  }
0x129: {  	v20 =	vld [tilespmem:s20+$0xFFFFFF40];
	v2 =	vmul.f32 $1.442695020e+00, v2  }
0x12a: {  	v21 =	vld [tilespmem:s20+$0xFFFFFF50];
	v1 =	vadd.f32 v1, v6;
	v0 =	vadd.f32 v5, v4  }
0x12b: {  	v22 =	vld [tilespmem:s20+$0xFFFFFF70];
	(erf) = vpow2.f32 v2  }
0x12c: {  	v23 =	vld [tilespmem:s20+$0xFFFFFF80];
	v2 =	vmul.f32 $2.000000030e-01, v1;
	v3 =	vmul.f32 $2.000000030e-01, v0  }
0x12d: {  	v24 =	vld [tilespmem:s20+$0xFFFFFF90];
	vm1 =	vgt.f32 v0, $0.0e+00  }
0x12e: {  	v25 =	vld [tilespmem:s20+$0xFFFFFFA0];
	v0 =	vsel vm1, v0, v3;
	vm1 =	vgt.f32 v1, $0.0e+00  }
0x12f: {  	v26 =	vld [tilespmem:s20+$0xFFFFFFB0];
	v0 =	vmul.f32 $1.442695020e+00, v0;
	v1 =	vsel vm1, v1, v2  }
0x130: {  	v27 =	vld [tilespmem:s20+$0xFFFFFFC0];
	v1 =	vmul.f32 $1.442695020e+00, v1;
	v2 =	vpop (erf)  }
0x131: {  	v44 =	vimm.s32 $0x0;
	(erf) = vpow2.f32 v0;
	v0 =	vld [tilespmem:s20+$0x100];
	v43 =	vnsel vm0, $0x0, v2  }
0x132: {  	v31 =	vld [tilespmem:s20+$0xFFFFFFD0];
	(erf) = vpow2.f32 v1;
	v1 =	vperm.xlane v43, v44  }
0x133: {  	v8 =	vimm.s32 $0x7;
	v49 =	vimm.s32 $0x2;
	v35 =	vld [tilespmem:s20+$0xFFFFFFE0]  }
0x134: {  	v42 =	vimm.s32 $0x1;
	v48 =	vimm.s32 $0x3;
	v36 =	vld [tilespmem:s20+$0x0];
	[tilespmem:$0x1FFF0] =	vst v1;
	v1 =	vperm.xlane v43, v8  }
0x135: {  	v45 =	vimm.s32 $0x4;
	v12 =	vperm.xlane v43, v42;
	v10 =	vperm.xlane v43, v49;
	v38 =	vld [tilespmem:s20+$0x10]  }
0x136: {  	v9 =	vimm.s32 $0x5;
	v11 =	vperm.xlane v43, v48;
	v32 =	vld [tilespmem:s20+$0x20];
	v1 =	vmul.f32 v1, v0;
	v0 =	vpop (erf)  }
0x137: {  	v14 =	vperm.xlane v43, v45;
	v13 =	vperm.xlane v43, v9;
	v29 =	vld [tilespmem:s20+$0x30];
	v6 =	vnsel vm0, $0x0, v0  }
0x138: {  	v28 =	vld [tilespmem:s20+$0x40];
	v50 =	vperm.xlane v6, v44;
	v0 =	vperm.xlane v6, v42  }
0x139: {  	v33 =	vld [tilespmem:s20+$0x50];
	v2 =	vperm.xlane v6, v49;
	v3 =	vperm.xlane v6, v48  }
0x13a: {  	v30 =	vld [tilespmem:s20+$0x60];
	v4 =	vpop (erf);
	[tilespmem:s20+$0x100] =	vst v1;
	v5 =	vperm.xlane v6, v45;
	v1 =	vperm.xlane v6, v9  }
0x13b: {  	v34 =	vld [tilespmem:s20+$0x90];
	v7 =	vnsel vm0, $0x0, v4;
	v4 =	vperm.xlane v6, v47;
	v63 =	vperm.xlane v6, v8  }
0x13c: {  	v37 =	vld [tilespmem:s20+$0xA0];
	v60 =	vperm.xlane v7, v44;
	v57 =	vperm.xlane v7, v42  }
0x13d: {  	v39 =	vld [tilespmem:s20+$0xB0];
	v59 =	vperm.xlane v7, v49;
	v54 =	vperm.xlane v7, v48  }
0x13e: {  	v40 =	vld [tilespmem:s20+$0xC0];
	v55 =	vpop (erf);
	v61 =	vperm.xlane v7, v45;
	v58 =	vperm.xlane v7, v9  }
0x13f: {  	v41 =	vld [tilespmem:s20+$0xD0];
	v62 =	vperm.xlane v7, v47;
	v46 =	vnsel vm0, $0x0, v55;
	v55 =	vperm.xlane v7, v8  }
0x140: {  	[tilespmem:s20+$0xFFFFFF60] =	vst v6;
	v6 =	vld [tilespmem:s20+$0xFFFFFEE0];
	v56 =	vperm.xlane v46, v44;
	v53 =	vperm.xlane v46, v42  }
0x141: {  	[tilespmem:s20+$0x110] =	vst v43;
	v44 =	vld [tilespmem:s20+$0xE0];
	v52 =	vperm.xlane v46, v49;
	v51 =	vperm.xlane v46, v48  }
0x142: {  	[tilespmem:s20+$0xFFFFFFF0] =	vst v7;
	v42 =	vld [tilespmem:s20+$0x70];
	v49 =	vperm.xlane v46, v45;
	v48 =	vperm.xlane v46, v9  }
0x143: {  	s22 =	simm.s32 $0x0;
	s23 =	simm.s32 $0x31A0;
	v45 =	vld [tilespmem:s20+$0xF0];
	[tilespmem:s20+$0x80] =	vst v46;
	v47 =	vperm.xlane v46, v47;
	v46 =	vperm.xlane v46, v8  }
.LBB2_7:
0x144: {  	_ = 	snop  }
0x145: {  	v0 =	vmul.f32 v0, v15  }
0x146: {  	v2 =	vmul.f32 v2, v16  }
0x147: {  	v7 =	vld [tilespmem:s23+$0x110];
	s21 =	sadd.s32 $0x40, s21;
	v3 =	vmul.f32 v3, v17;
	[tilespmem:s20+$0xFFFFFEF0] =	vst v0  }
0x148: {  	v6 =	vmul.f32 v50, v6;
	v0 =	vmul.f32 v5, v18;
	v5 =	vld [tilespmem:s21+$0xFFFFFFE0];
	[tilespmem:s20+$0xFFFFFF00] =	vst v2  }
0x149: {  	v8 =	vimm.s32 $0x6;
	v15 =	vld [tilespmem:s21+$0x10];
	v1 =	vmul.f32 v1, v19;
	[tilespmem:s20+$0xFFFFFF10] =	vst v3  }
0x14a: {  	v8 =	vperm.xlane v43, v8;
	v16 =	vld [tilespmem:s23+$0xFFFFFF60];
	[tilespmem:s20+$0xFFFFFEE0] =	vst v6  }
0x14b: {  	v19 =	vld [tilespmem:s21+$0xFFFFFFF0];
	v2 =	vmul.f32 v4, v20;
	[tilespmem:s20+$0xFFFFFF30] =	vst v1  }
0x14c: {  	v8 =	vmul.f32 v8, v45;
	v18 =	vld [tilespmem:s23+$0xFFFFFFF0];
	v4 =	vmul.f32 v63, v21;
	[tilespmem:s20+$0xFFFFFF20] =	vst v0  }
0x14d: {  	v3 =	vmul.f32 v60, v22;
	v20 =	vmul.f32 v59, v24;
	v21 =	vld [tilespmem:s23+$0x80];
	[tilespmem:s20+$0xFFFFFF40] =	vst v2  }
0x14e: {  	v6 =	vmul.f32 v54, v25;
	v0 =	vmul.f32 v57, v23;
	v23 =	vld [tilespmem:s21+$0x0];
	v7 =	vadd.f32 v15, v7;
	[tilespmem:s20+$0xFFFFFF50] =	vst v4  }
0x14f: {  	v22 =	vmul.f32 v61, v26;
	v1 =	vmul.f32 v58, v27;
	v15 =	vld [tilespmem:s23+$0xFFFFFEF0];
	[tilespmem:s20+$0xFFFFFF70] =	vst v3  }
0x150: {  	v24 =	vmul.f32 v62, v31;
	[tilespmem:s20+$0xFFFFFF90] =	vst v20;
	v17 =	vld [tilespmem:s23+$0xFFFFFF10];
	v25 =	vmul.f32 $2.000000030e-01, v7  }
0x151: {  	v27 =	vmul.f32 v53, v38;
	[tilespmem:s20+$0xFFFFFFA0] =	vst v6;
	v20 =	vld [tilespmem:s23+$0xFFFFFF40];
	vm1 =	vgt.f32 v7, $0.0e+00;
	v5 =	vadd.f32 v5, v16  }
0x152: {  	v2 =	vmul.f32 v55, v35;
	[tilespmem:s20+$0xFFFFFFB0] =	vst v22;
	v31 =	vadd.f32 v19, v18;
	v18 =	vld [tilespmem:s23+$0xFFFFFF20];
	v7 =	vsel vm1, v7, v25  }
0x153: {  	[tilespmem:s20+$0xFFFFFF80] =	vst v0;
	v19 =	vld [tilespmem:s23+$0xFFFFFF30];
	v26 =	vmul.f32 $2.000000030e-01, v5;
	v3 =	vmul.f32 $1.442695020e+00, v7  }
0x154: {  	[tilespmem:s20+$0xFFFFFFC0] =	vst v1;
	v0 =	vmul.f32 v52, v32;
	v22 =	vld [tilespmem:s23+$0xFFFFFF70];
	v25 =	vadd.f32 v23, v21;
	vm1 =	vgt.f32 v5, $0.0e+00  }
0x155: {  	[tilespmem:s20+$0xFFFFFFD0] =	vst v24;
	v24 =	vld [tilespmem:s23+$0xFFFFFF90];
	v7 =	vmul.f32 $2.000000030e-01, v31;
	v5 =	vsel vm1, v5, v26;
	(erf) = vpow2.f32 v3  }
0x156: {  	v54 =	vmul.f32 v11, v40;
	[tilespmem:s20+$0xFFFFFFE0] =	vst v2;
	v16 =	vld [tilespmem:s23+$0xFFFFFF00];
	vm2 =	vgt.f32 v31, $0.0e+00;
	v5 =	vmul.f32 $1.442695020e+00, v5  }
0x157: {  	v4 =	vmul.f32 v56, v36;
	[tilespmem:s20+$0x20] =	vst v0;
	v0 =	vld [tilespmem:$0x1FFF0];
	v6 =	vsel vm2, v31, v7;
	v7 =	vmul.f32 $2.000000030e-01, v25  }
0x158: {  	v9 =	vimm.s32 $0x7;
	[tilespmem:s20+$0x10] =	vst v27;
	v27 =	vld [tilespmem:s23+$0xFFFFFFC0];
	v6 =	vmul.f32 $1.442695020e+00, v6;
	(erf) = vpow2.f32 v5  }
0x159: {  	v55 =	vmul.f32 v13, v44;
	v2 =	vmul.f32 v47, v30;
	v35 =	vld [tilespmem:s23+$0xFFFFFFE0];
	vm1 =	vgt.f32 v25, $0.0e+00  }
0x15a: {  	[tilespmem:s20+$0xC0] =	vst v54;
	v21 =	vld [tilespmem:s23+$0xFFFFFF50];
	v3 =	vmul.f32 v51, v29;
	v1 =	vsel vm1, v25, v7;
	(erf) = vpow2.f32 v6  }
0x15b: {  	v45 =	vimm.s32 $0x5;
	[tilespmem:s20+$0x0] =	vst v4;
	v4 =	vmul.f32 v12, v37;
	v23 =	vld [tilespmem:s23+$0xFFFFFF80];
	v1 =	vmul.f32 $1.442695020e+00, v1  }
0x15c: {  	v44 =	vimm.s32 $0x3;
	[tilespmem:s20+$0x60] =	vst v2;
	v26 =	vld [tilespmem:s23+$0xFFFFFFB0];
	v0 =	vmul.f32 v0, v34;
	v7 =	vmul.f32 v49, v28  }
0x15d: {  	v47 =	vimm.s32 $0x4;
	v31 =	vld [tilespmem:s23+$0xFFFFFFD0];
	v28 =	vmul.f32 v48, v33;
	[tilespmem:s20+$0x30] =	vst v3;
	(erf) = vpow2.f32 v1  }
0x15e: {  	v25 =	vld [tilespmem:s23+$0xFFFFFFA0];
	v6 =	vmul.f32 v10, v39;
	[tilespmem:s20+$0x40] =	vst v7;
	v7 =	vmul.f32 v14, v41;
	v41 =	vimm.s32 $0x1;
	v3 =	vpop (erf)  }
0x15f: {  	[tilespmem:s20+$0xA0] =	vst v4;
	v5 =	vld [tilespmem:s23+$0x100];
	v1 =	vmul.f32 v46, v42;
	v43 =	vnsel vm0, $0x0, v3;
	v3 =	vimm.s32 $0x0  }
0x160: {  	v48 =	vimm.s32 $0x2;
	v36 =	vld [tilespmem:s23+$0x0];
	[tilespmem:s20+$0x90] =	vst v0;
	v3 =	vperm.xlane v43, v3;
	v12 =	vperm.xlane v43, v41  }
0x161: {  	v0 =	vimm.s32 $0x0;
	[tilespmem:s20+$0x50] =	vst v28;
	v38 =	vld [tilespmem:s23+$0x10];
	v10 =	vperm.xlane v43, v48;
	v11 =	vperm.xlane v43, v44;
	v2 =	vpop (erf)  }
0x162: {  	v32 =	vld [tilespmem:s23+$0x20];
	[tilespmem:s20+$0xB0] =	vst v6;
	v14 =	vperm.xlane v43, v47;
	v13 =	vperm.xlane v43, v45;
	v39 =	vnsel vm0, $0x0, v2  }
0x163: {  	v49 =	vimm.s32 $0x6;
	v29 =	vld [tilespmem:s23+$0x30];
	[tilespmem:$0x1FFF0] =	vst v3;
	v3 =	vperm.xlane v43, v9;
	v2 =	vpop (erf);
	v50 =	vperm.xlane v39, v0  }
0x164: {  	[tilespmem:s20+$0x70] =	vst v1;
	v34 =	vld [tilespmem:s23+$0x90];
	v0 =	vperm.xlane v39, v41;
	v40 =	vnsel vm0, $0x0, v2;
	v2 =	vperm.xlane v39, v48  }
0x165: {  	v28 =	vld [tilespmem:s23+$0x40];
	v4 =	vperm.xlane v39, v49;
	v3 =	vmul.f32 v3, v5  }
0x166: {  	v6 =	vimm.s32 $0x0;
	v33 =	vld [tilespmem:s23+$0x50];
	v1 =	vpop (erf);
	v63 =	vperm.xlane v39, v9;
	[tilespmem:s23+$0xFFFFFF60] =	vst v39;
	v5 =	vperm.xlane v39, v47  }
0x167: {  	v30 =	vld [tilespmem:s23+$0x60];
	v46 =	vnsel vm0, $0x0, v1;
	v1 =	vperm.xlane v39, v45;
	v60 =	vperm.xlane v40, v6;
	[tilespmem:s23+$0x100] =	vst v3  }
0x168: {  	v42 =	vld [tilespmem:s23+$0x70];
	v57 =	vperm.xlane v40, v41;
	v59 =	vperm.xlane v40, v48;
	[tilespmem:s20+$0xD0] =	vst v7  }
0x169: {  	s22 =	sadd.s32 $0x4, s22;
	v54 =	vperm.xlane v40, v44;
	v61 =	vperm.xlane v40, v47;
	[tilespmem:s20+$0xE0] =	vst v55;
	v37 =	vld [tilespmem:s23+$0xA0]  }
0x16a: {  	p0 =	slt.u32 s22, $0x4C;
	v58 =	vperm.xlane v40, v45;
	v3 =	vperm.xlane v39, v44;
	[tilespmem:s20+$0xF0] =	vst v8;
	v39 =	vld [tilespmem:s23+$0xB0]  }
.Ltmp2:
0x16b: {  	v6 =	vimm.s32 $0x0;
	[tilespmem:s23+$0xFFFFFFF0] =	vst v40;
	v62 =	vperm.xlane v40, v49;
	v55 =	vperm.xlane v40, v9;
	v40 =	vld [tilespmem:s23+$0xC0];
	(pc) =	sbr.rel @p0 .LBB2_7-.Ltmp2, $4  }
0x16c: {  	v56 =	vperm.xlane v46, v6;
	v53 =	vperm.xlane v46, v41;
	v41 =	vld [tilespmem:s23+$0xD0]  }
0x16d: {  	v52 =	vperm.xlane v46, v48;
	v51 =	vperm.xlane v46, v44;
	v44 =	vld [tilespmem:s23+$0xE0]  }
0x16e: {  	[tilespmem:s23+$0x80] =	vst v46;
	v49 =	vperm.xlane v46, v47;
	v48 =	vperm.xlane v46, v45;
	s20 =	smov.u32 s23;
	v8 =	vimm.s32 $0x6;
	v45 =	vld [tilespmem:s23+$0xF0]  }
0x16f: {  	v7 =	vimm.s32 $0x6;
	[tilespmem:s23+$0x110] =	vst v43;
	v6 =	vld [tilespmem:s20+$0xFFFFFEE0];
	v47 =	vperm.xlane v46, v8;
	v46 =	vperm.xlane v46, v9;
	s23 =	sadd.s32 $0x240, s23  }
0x170: {  	v0 =	vmul.f32 v0, v15  }
0x171: {  	v2 =	vmul.f32 v2, v16  }
0x172: {  	v3 =	vmul.f32 v3, v17;
	[tilespmem:s20+$0xFFFFFEF0] =	vst v0  }
0x173: {  	v17 =	vmul.f32 v5, v18;
	[tilespmem:s20+$0xFFFFFF00] =	vst v2  }
0x174: {  	v1 =	vmul.f32 v1, v19;
	[tilespmem:s20+$0xFFFFFF10] =	vst v3  }
0x175: {  	v20 =	vmul.f32 v4, v20;
	[tilespmem:s20+$0xFFFFFF20] =	vst v17  }
0x176: {  	v21 =	vmul.f32 v63, v21;
	[tilespmem:s20+$0xFFFFFF30] =	vst v1  }
0x177: {  	v22 =	vmul.f32 v60, v22;
	[tilespmem:s20+$0xFFFFFF40] =	vst v20  }
0x178: {  	v23 =	vmul.f32 v57, v23;
	[tilespmem:s20+$0xFFFFFF50] =	vst v21  }
0x179: {  	v24 =	vmul.f32 v59, v24;
	[tilespmem:s20+$0xFFFFFF70] =	vst v22  }
0x17a: {  	v25 =	vmul.f32 v54, v25;
	[tilespmem:s20+$0xFFFFFF80] =	vst v23  }
0x17b: {  	v26 =	vmul.f32 v61, v26;
	[tilespmem:s20+$0xFFFFFF90] =	vst v24  }
0x17c: {  	v27 =	vmul.f32 v58, v27;
	[tilespmem:s20+$0xFFFFFFA0] =	vst v25  }
0x17d: {  	v31 =	vmul.f32 v62, v31;
	[tilespmem:s20+$0xFFFFFFB0] =	vst v26  }
0x17e: {  	v35 =	vmul.f32 v55, v35;
	[tilespmem:s20+$0xFFFFFFC0] =	vst v27  }
0x17f: {  	v36 =	vmul.f32 v56, v36;
	[tilespmem:s20+$0xFFFFFFD0] =	vst v31  }
0x180: {  	v38 =	vmul.f32 v53, v38;
	[tilespmem:s20+$0xFFFFFFE0] =	vst v35  }
0x181: {  	v53 =	vmul.f32 v49, v28;
	[tilespmem:s20+$0x0] =	vst v36  }
0x182: {  	v54 =	vmul.f32 v48, v33;
	[tilespmem:s20+$0x10] =	vst v38  }
0x183: {  	[tilespmem:s20+$0x40] =	vst v53;
	v18 =	vmul.f32 v50, v6  }
0x184: {  	[tilespmem:s20+$0x50] =	vst v54;
	v50 =	vmul.f32 v52, v32  }
0x185: {  	v52 =	vmul.f32 v51, v29;
	[tilespmem:s20+$0xFFFFFEE0] =	vst v18  }
0x186: {  	v55 =	vmul.f32 v47, v30;
	[tilespmem:s20+$0x20] =	vst v50  }
0x187: {  	v56 =	vmul.f32 v46, v42;
	[tilespmem:s20+$0x30] =	vst v52  }
0x188: {  	v57 =	vmul.f32 v12, v37;
	v0 =	vld [tilespmem:$0x1FFF0];
	[tilespmem:s20+$0x60] =	vst v55  }
0x189: {  	v58 =	vmul.f32 v10, v39;
	[tilespmem:s20+$0x70] =	vst v56  }
0x18a: {  	v59 =	vmul.f32 v11, v40;
	[tilespmem:s20+$0xA0] =	vst v57  }
0x18b: {  	v60 =	vperm.xlane v43, v7;
	v61 =	vmul.f32 v14, v41;
	[tilespmem:s20+$0xB0] =	vst v58  }
0x18c: {  	v62 =	vmul.f32 v13, v44;
	[tilespmem:s20+$0xC0] =	vst v59  }
0x18d: {  	v63 =	vmul.f32 v60, v45;
	[tilespmem:s20+$0xD0] =	vst v61  }
0x18e: {  	s19 =	sadd.s32 $0x1, s19;
	[tilespmem:s20+$0xE0] =	vst v62;
	v0 =	vmul.f32 v0, v34  }
0x18f: {  	p0 =	sne.s32 s19, $0x3E;
	[tilespmem:s20+$0xF0] =	vst v63  }
.Ltmp3:
0x190: {  	[tilespmem:s20+$0x90] =	vst v0;
	(pc) =	sbr.rel @p0 .LBB2_4-.Ltmp3, $4  }
0x191: {  	[spmem:s3] =	stream.indirect.scatter.add.f32 [tilespmem:s13], [sflag:$0x3], $0x90, s14, s7, $0xb8;
	[tilespmem:$0x1DF40] =	vst v63  }
0x192: {  	v49 =	vimm.s32 $0x3;
	v40 =	vimm.s32 $0x4;
	_ =	swait.ge [sflag:s1], $0x2D00  }
0x193: {  	v10 =	vimm.s32 $0x7;
	v42 =	vimm.s32 $0x1;
	v47 =	vimm.s32 $0x2;
	[sflag:s1] =	ssyncset.done $0x0  }
0x194: {  	v46 =	vimm.s32 $0x6;
	v45 =	vimm.s32 $0x5;
	v51 =	vimm.s32 $0x0;
	[sflag:s1] =	ssyncadd.s32 $0xFFFFD300  }
0x195: {  	_ =	swait.ge [sflag:s16], $0x2D00  }
0x196: {  	[sflag:s16] =	ssyncset.done $0x0  }
0x197: {  	[sflag:s16] =	ssyncadd.s32 $0xFFFFD300  }
0x198: {  	_ =	swait.ge [sflag:s16], $0x500  }
0x199: {  	[sflag:s16] =	ssyncset.done $0x0  }
0x19a: {  	s19 =	simm.s32 $0x260;
	[sflag:s16] =	ssyncadd.s32 $0xFFFFFB00  }
0x19b: {  	s20 =	simm.s32 $0x5B60;
	v0 =	vld [tilespmem:s19+$0x110]  }
0x19c: {  	v1 =	vld [tilespmem:s20+$0x10]  }
0x19d: {  	v2 =	vld [tilespmem:s19+$0xFFFFFF60]  }
0x19e: {  	v3 =	vld [tilespmem:s20+$0xFFFFFFE0]  }
0x19f: {  	v4 =	vld [tilespmem:s19+$0xFFFFFFF0]  }
0x1a0: {  	v5 =	vld [tilespmem:s20+$0xFFFFFFF0]  }
0x1a1: {  	v6 =	vld [tilespmem:s19+$0x80];
	v0 =	vadd.f32 v1, v0  }
0x1a2: {  	v15 =	vld [tilespmem:s19+$0xFFFFFEF0]  }
0x1a3: {  	v16 =	vld [tilespmem:s19+$0xFFFFFF00];
	v7 =	vmul.f32 $2.000000030e-01, v0  }
0x1a4: {  	v17 =	vld [tilespmem:s19+$0xFFFFFF10];
	vm1 =	vgt.f32 v0, $0.0e+00  }
0x1a5: {  	v18 =	vld [tilespmem:s19+$0xFFFFFF20];
	v2 =	vadd.f32 v3, v2;
	v0 =	vsel vm1, v0, v7  }
0x1a6: {  	v1 =	vld [tilespmem:s20+$0x0];
	v0 =	vmul.f32 $1.442695020e+00, v0  }
0x1a7: {  	v19 =	vld [tilespmem:s19+$0xFFFFFF30];
	v3 =	vmul.f32 $2.000000030e-01, v2  }
0x1a8: {  	v20 =	vld [tilespmem:s19+$0xFFFFFF40];
	vm1 =	vgt.f32 v2, $0.0e+00;
	(erf) = vpow2.f32 v0  }
0x1a9: {  	v21 =	vld [tilespmem:s19+$0xFFFFFF50];
	v2 =	vsel vm1, v2, v3;
	v0 =	vadd.f32 v5, v4  }
0x1aa: {  	v22 =	vld [tilespmem:s19+$0xFFFFFF70];
	v2 =	vmul.f32 $1.442695020e+00, v2  }
0x1ab: {  	v23 =	vld [tilespmem:s19+$0xFFFFFF80];
	v1 =	vadd.f32 v1, v6;
	v3 =	vmul.f32 $2.000000030e-01, v0  }
0x1ac: {  	v24 =	vld [tilespmem:s19+$0xFFFFFF90];
	(erf) = vpow2.f32 v2;
	vm1 =	vgt.f32 v0, $0.0e+00  }
0x1ad: {  	v25 =	vld [tilespmem:s19+$0xFFFFFFA0];
	v2 =	vmul.f32 $2.000000030e-01, v1;
	v0 =	vsel vm1, v0, v3  }
0x1ae: {  	v26 =	vld [tilespmem:s19+$0xFFFFFFB0];
	vm1 =	vgt.f32 v1, $0.0e+00;
	v0 =	vmul.f32 $1.442695020e+00, v0  }
0x1af: {  	v27 =	vld [tilespmem:s19+$0xFFFFFFC0];
	v1 =	vsel vm1, v1, v2  }
0x1b0: {  	v1 =	vmul.f32 $1.442695020e+00, v1;
	(erf) = vpow2.f32 v0;
	v0 =	vld [tilespmem:s19+$0x100]  }
0x1b1: {  	v31 =	vld [tilespmem:s19+$0xFFFFFFD0];
	v2 =	vpop (erf)  }
0x1b2: {  	v35 =	vld [tilespmem:s19+$0xFFFFFFE0];
	(erf) = vpow2.f32 v1;
	v43 =	vnsel vm0, $0x0, v2  }
0x1b3: {  	v36 =	vld [tilespmem:s19+$0x0];
	v9 =	vperm.xlane v43, v51;
	v1 =	vperm.xlane v43, v10  }
0x1b4: {  	v38 =	vld [tilespmem:s19+$0x10];
	v12 =	vperm.xlane v43, v42;
	v10 =	vperm.xlane v43, v47  }
0x1b5: {  	v32 =	vld [tilespmem:s19+$0x20];
	v11 =	vperm.xlane v43, v49;
	v1 =	vmul.f32 v1, v0;
	v0 =	vpop (erf)  }
0x1b6: {  	v29 =	vld [tilespmem:s19+$0x30];
	v14 =	vperm.xlane v43, v40;
	v13 =	vperm.xlane v43, v45;
	v6 =	vnsel vm0, $0x0, v0  }
0x1b7: {  	v28 =	vld [tilespmem:s19+$0x40];
	v50 =	vperm.xlane v6, v51;
	v0 =	vperm.xlane v6, v42  }
0x1b8: {  	v33 =	vld [tilespmem:s19+$0x50];
	v2 =	vperm.xlane v6, v47;
	v3 =	vperm.xlane v6, v49  }
0x1b9: {  	v41 =	vimm.s32 $0x7;
	v30 =	vld [tilespmem:s19+$0x60];
	[tilespmem:s19+$0x100] =	vst v1;
	v5 =	vperm.xlane v6, v40;
	v1 =	vperm.xlane v6, v45;
	v4 =	vpop (erf)  }
0x1ba: {  	v34 =	vld [tilespmem:s19+$0x90];
	v63 =	vperm.xlane v6, v41;
	v7 =	vnsel vm0, $0x0, v4;
	v4 =	vperm.xlane v6, v46  }
0x1bb: {  	v37 =	vld [tilespmem:s19+$0xA0];
	v60 =	vperm.xlane v7, v51;
	v57 =	vperm.xlane v7, v42  }
0x1bc: {  	v39 =	vld [tilespmem:s19+$0xB0];
	v59 =	vperm.xlane v7, v47;
	v54 =	vperm.xlane v7, v49  }
0x1bd: {  	v44 =	vimm.s32 $0x0;
	v8 =	vpop (erf);
	v61 =	vperm.xlane v7, v40;
	v58 =	vperm.xlane v7, v45;
	v40 =	vld [tilespmem:s19+$0xC0]  }
0x1be: {  	v62 =	vperm.xlane v7, v46;
	v55 =	vperm.xlane v7, v41;
	v41 =	vld [tilespmem:s19+$0xD0];
	v8 =	vnsel vm0, $0x0, v8  }
0x1bf: {  	[tilespmem:s19+$0x110] =	vst v43;
	v56 =	vperm.xlane v8, v44;
	v53 =	vperm.xlane v8, v42;
	v44 =	vld [tilespmem:s19+$0xE0]  }
0x1c0: {  	[tilespmem:s19+$0xFFFFFF60] =	vst v6;
	v6 =	vimm.s32 $0x4;
	v42 =	vld [tilespmem:s19+$0x70];
	v52 =	vperm.xlane v8, v47;
	v51 =	vperm.xlane v8, v49  }
0x1c1: {  	[tilespmem:s19+$0xFFFFFFF0] =	vst v7;
	v7 =	vimm.s32 $0x7;
	v49 =	vperm.xlane v8, v6;
	v48 =	vperm.xlane v8, v45;
	v45 =	vld [tilespmem:s19+$0xF0]  }
0x1c2: {  	s21 =	simm.s32 $0x0;
	s22 =	simm.s32 $0x4A0;
	[tilespmem:s19+$0x80] =	vst v8;
	v6 =	vld [tilespmem:s19+$0xFFFFFEE0];
	v47 =	vperm.xlane v8, v46;
	v46 =	vperm.xlane v8, v7  }
.LBB2_10:
0x1c3: {  	_ =	sdelay $0x3  }
0x1c4: {  	v0 =	vmul.f32 v0, v15  }
0x1c5: {  	v2 =	vmul.f32 v2, v16  }
0x1c6: {  	v7 =	vld [tilespmem:s22+$0x110];
	s20 =	sadd.s32 $0x40, s20;
	v3 =	vmul.f32 v3, v17;
	[tilespmem:s19+$0xFFFFFEF0] =	vst v0  }
0x1c7: {  	v6 =	vmul.f32 v50, v6;
	v0 =	vmul.f32 v5, v18;
	v5 =	vld [tilespmem:s20+$0xFFFFFFE0];
	[tilespmem:s19+$0xFFFFFF00] =	vst v2  }
0x1c8: {  	v8 =	vimm.s32 $0x6;
	v15 =	vld [tilespmem:s20+$0x10];
	v1 =	vmul.f32 v1, v19;
	[tilespmem:s19+$0xFFFFFF10] =	vst v3  }
0x1c9: {  	v8 =	vperm.xlane v43, v8;
	v16 =	vld [tilespmem:s22+$0xFFFFFF60];
	[tilespmem:s19+$0xFFFFFEE0] =	vst v6  }
0x1ca: {  	v19 =	vld [tilespmem:s20+$0xFFFFFFF0];
	v2 =	vmul.f32 v4, v20;
	[tilespmem:s19+$0xFFFFFF30] =	vst v1  }
0x1cb: {  	v8 =	vmul.f32 v8, v45;
	v18 =	vld [tilespmem:s22+$0xFFFFFFF0];
	v4 =	vmul.f32 v63, v21;
	[tilespmem:s19+$0xFFFFFF20] =	vst v0  }
0x1cc: {  	v3 =	vmul.f32 v60, v22;
	v20 =	vmul.f32 v59, v24;
	v21 =	vld [tilespmem:s22+$0x80];
	[tilespmem:s19+$0xFFFFFF40] =	vst v2  }
0x1cd: {  	v6 =	vmul.f32 v54, v25;
	v0 =	vmul.f32 v57, v23;
	v23 =	vld [tilespmem:s20+$0x0];
	v7 =	vadd.f32 v15, v7;
	[tilespmem:s19+$0xFFFFFF50] =	vst v4  }
0x1ce: {  	v22 =	vmul.f32 v61, v26;
	v1 =	vmul.f32 v58, v27;
	v15 =	vld [tilespmem:s22+$0xFFFFFEF0];
	[tilespmem:s19+$0xFFFFFF70] =	vst v3  }
0x1cf: {  	v24 =	vmul.f32 v62, v31;
	[tilespmem:s19+$0xFFFFFF90] =	vst v20;
	v17 =	vld [tilespmem:s22+$0xFFFFFF10];
	v25 =	vmul.f32 $2.000000030e-01, v7  }
0x1d0: {  	v27 =	vmul.f32 v53, v38;
	v54 =	vmul.f32 v11, v40;
	[tilespmem:s19+$0xFFFFFFA0] =	vst v6;
	v20 =	vld [tilespmem:s22+$0xFFFFFF40];
	vm1 =	vgt.f32 v7, $0.0e+00  }
0x1d1: {  	[tilespmem:s19+$0xFFFFFFB0] =	vst v22;
	v31 =	vadd.f32 v19, v18;
	v18 =	vld [tilespmem:s22+$0xFFFFFF20];
	v5 =	vadd.f32 v5, v16;
	v7 =	vsel vm1, v7, v25  }
0x1d2: {  	v2 =	vmul.f32 v55, v35;
	[tilespmem:s19+$0xFFFFFF80] =	vst v0;
	v19 =	vld [tilespmem:s22+$0xFFFFFF30];
	v3 =	vmul.f32 $1.442695020e+00, v7  }
0x1d3: {  	v4 =	vmul.f32 v56, v36;
	[tilespmem:s19+$0xFFFFFFC0] =	vst v1;
	v22 =	vld [tilespmem:s22+$0xFFFFFF70];
	v26 =	vmul.f32 $2.000000030e-01, v5  }
0x1d4: {  	[tilespmem:s19+$0xFFFFFFD0] =	vst v24;
	v55 =	vmul.f32 v13, v44;
	v24 =	vld [tilespmem:s22+$0xFFFFFF90];
	vm1 =	vgt.f32 v5, $0.0e+00;
	(erf) = vpow2.f32 v3  }
0x1d5: {  	[tilespmem:s19+$0xFFFFFFE0] =	vst v2;
	v16 =	vld [tilespmem:s22+$0xFFFFFF00];
	v25 =	vadd.f32 v23, v21;
	v7 =	vmul.f32 $2.000000030e-01, v31;
	v5 =	vsel vm1, v5, v26  }
0x1d6: {  	[tilespmem:s19+$0x10] =	vst v27;
	v0 =	vmul.f32 v52, v32;
	v27 =	vld [tilespmem:s22+$0xFFFFFFC0];
	vm2 =	vgt.f32 v31, $0.0e+00;
	v5 =	vmul.f32 $1.442695020e+00, v5  }
0x1d7: {  	[tilespmem:s19+$0xC0] =	vst v54;
	v2 =	vmul.f32 v47, v30;
	v35 =	vld [tilespmem:s22+$0xFFFFFFE0];
	v6 =	vsel vm2, v31, v7;
	v7 =	vmul.f32 $2.000000030e-01, v25  }
0x1d8: {  	[tilespmem:s19+$0x0] =	vst v4;
	v21 =	vld [tilespmem:s22+$0xFFFFFF50];
	vm1 =	vgt.f32 v25, $0.0e+00;
	v6 =	vmul.f32 $1.442695020e+00, v6;
	(erf) = vpow2.f32 v5  }
0x1d9: {  	v4 =	vmul.f32 v12, v37;
	[tilespmem:s19+$0x20] =	vst v0;
	v23 =	vld [tilespmem:s22+$0xFFFFFF80];
	v3 =	vmul.f32 v51, v29;
	v1 =	vsel vm1, v25, v7  }
0x1da: {  	[tilespmem:s19+$0x60] =	vst v2;
	v26 =	vld [tilespmem:s22+$0xFFFFFFB0];
	v1 =	vmul.f32 $1.442695020e+00, v1;
	(erf) = vpow2.f32 v6  }
0x1db: {  	v45 =	vimm.s32 $0x4;
	v0 =	vmul.f32 v9, v34;
	[tilespmem:s19+$0xA0] =	vst v4;
	v31 =	vld [tilespmem:s22+$0xFFFFFFD0];
	v7 =	vmul.f32 v49, v28  }
0x1dc: {  	v44 =	vimm.s32 $0x1;
	v28 =	vmul.f32 v48, v33;
	v25 =	vld [tilespmem:s22+$0xFFFFFFA0];
	[tilespmem:s19+$0x30] =	vst v3;
	(erf) = vpow2.f32 v1  }
0x1dd: {  	v9 =	vimm.s32 $0x7;
	v5 =	vld [tilespmem:s22+$0x100];
	v6 =	vmul.f32 v10, v39;
	[tilespmem:s19+$0x40] =	vst v7;
	v7 =	vmul.f32 v14, v41;
	v3 =	vpop (erf)  }
0x1de: {  	[tilespmem:$0x1FFE0] =	vst v15;
	v36 =	vld [tilespmem:s22+$0x0];
	v41 =	vimm.s32 $0x0;
	v1 =	vmul.f32 v46, v42;
	v43 =	vnsel vm0, $0x0, v3  }
0x1df: {  	v49 =	vimm.s32 $0x2;
	[tilespmem:s19+$0x50] =	vst v28;
	v38 =	vld [tilespmem:s22+$0x10];
	v15 =	vperm.xlane v43, v41;
	v3 =	vperm.xlane v43, v9  }
0x1e0: {  	v47 =	vimm.s32 $0x3;
	[tilespmem:s19+$0x90] =	vst v0;
	v32 =	vld [tilespmem:s22+$0x20];
	v12 =	vperm.xlane v43, v44;
	v10 =	vperm.xlane v43, v49  }
0x1e1: {  	v48 =	vimm.s32 $0x5;
	v29 =	vld [tilespmem:s22+$0x30];
	[tilespmem:s19+$0xB0] =	vst v6;
	v11 =	vperm.xlane v43, v47;
	v14 =	vperm.xlane v43, v45;
	v2 =	vpop (erf)  }
0x1e2: {  	[tilespmem:s19+$0x70] =	vst v1;
	v34 =	vld [tilespmem:s22+$0x90];
	v13 =	vperm.xlane v43, v48;
	v3 =	vmul.f32 v3, v5;
	v39 =	vnsel vm0, $0x0, v2  }
0x1e3: {  	v6 =	vimm.s32 $0x6;
	v28 =	vld [tilespmem:s22+$0x40];
	v2 =	vpop (erf);
	v50 =	vperm.xlane v39, v41;
	v0 =	vperm.xlane v39, v44  }
0x1e4: {  	v33 =	vld [tilespmem:s22+$0x50];
	v51 =	vnsel vm0, $0x0, v2;
	v2 =	vperm.xlane v39, v49;
	v5 =	vperm.xlane v39, v45;
	[tilespmem:s22+$0xFFFFFF60] =	vst v39  }
0x1e5: {  	v30 =	vld [tilespmem:s22+$0x60];
	v1 =	vpop (erf);
	v4 =	vperm.xlane v39, v6;
	v63 =	vperm.xlane v39, v9;
	[tilespmem:s22+$0x100] =	vst v3  }
0x1e6: {  	v42 =	vld [tilespmem:s22+$0x70];
	v3 =	vperm.xlane v39, v47;
	v46 =	vnsel vm0, $0x0, v1;
	v1 =	vperm.xlane v39, v48;
	[tilespmem:s19+$0xD0] =	vst v7  }
0x1e7: {  	v60 =	vperm.xlane v51, v41;
	v57 =	vperm.xlane v51, v44;
	[tilespmem:s19+$0xE0] =	vst v55;
	v37 =	vld [tilespmem:s22+$0xA0]  }
0x1e8: {  	s21 =	sadd.s32 $0x4, s21;
	v59 =	vperm.xlane v51, v49;
	v54 =	vperm.xlane v51, v47;
	[tilespmem:s19+$0xF0] =	vst v8;
	v39 =	vld [tilespmem:s22+$0xB0]  }
0x1e9: {  	p0 =	slt.u32 s21, $0x4C;
	v61 =	vperm.xlane v51, v45;
	v58 =	vperm.xlane v51, v48;
	v40 =	vld [tilespmem:s22+$0xC0]  }
.Ltmp4:
0x1ea: {  	v62 =	vperm.xlane v51, v6;
	v56 =	vperm.xlane v46, v41;
	v41 =	vld [tilespmem:s22+$0xD0];
	(pc) =	sbr.rel @p0 .LBB2_10-.Ltmp4, $4  }
0x1eb: {  	v55 =	vperm.xlane v51, v9;
	v53 =	vperm.xlane v46, v44;
	v44 =	vld [tilespmem:s22+$0xE0]  }
0x1ec: {  	[tilespmem:s22+$0xFFFFFFF0] =	vst v51;
	s19 =	smov.u32 s22;
	v52 =	vperm.xlane v46, v49;
	v49 =	vperm.xlane v46, v45;
	v45 =	vld [tilespmem:s22+$0xF0]  }
0x1ed: {  	v8 =	vimm.s32 $0x6;
	[tilespmem:s22+$0x80] =	vst v46;
	v51 =	vperm.xlane v46, v47;
	v48 =	vperm.xlane v46, v48;
	v6 =	vld [tilespmem:s19+$0xFFFFFEE0]  }
0x1ee: {  	v7 =	vimm.s32 $0x6;
	[tilespmem:s22+$0x110] =	vst v43;
	v47 =	vperm.xlane v46, v8;
	v46 =	vperm.xlane v46, v9;
	v9 =	vmovc v15;
	v15 =	vld [tilespmem:$0x1FFE0];
	s22 =	sadd.s32 $0x240, s22  }
0x1ef: {  	v2 =	vmul.f32 v2, v16  }
0x1f0: {  	v1 =	vmul.f32 v1, v19  }
0x1f1: {  	v3 =	vmul.f32 v3, v17;
	[tilespmem:s19+$0xFFFFFF00] =	vst v2  }
0x1f2: {  	[tilespmem:s19+$0xFFFFFF30] =	vst v1;
	v1 =	vmul.f32 v60, v22  }
0x1f3: {  	[tilespmem:s19+$0xFFFFFF10] =	vst v3;
	v3 =	vmul.f32 v14, v41  }
0x1f4: {  	v2 =	vmul.f32 v50, v6;
	[tilespmem:s19+$0xFFFFFF70] =	vst v1  }
0x1f5: {  	v0 =	vmul.f32 v0, v15;
	[tilespmem:s19+$0xD0] =	vst v3  }
0x1f6: {  	v1 =	vmul.f32 v54, v25;
	[tilespmem:s19+$0xFFFFFEE0] =	vst v2  }
0x1f7: {  	v2 =	vmul.f32 v63, v21;
	[tilespmem:s19+$0xFFFFFEF0] =	vst v0  }
0x1f8: {  	v0 =	vmul.f32 v5, v18;
	[tilespmem:s19+$0xFFFFFFA0] =	vst v1  }
0x1f9: {  	v1 =	vmul.f32 v62, v31;
	[tilespmem:s19+$0xFFFFFF50] =	vst v2  }
0x1fa: {  	v2 =	vmul.f32 v59, v24;
	[tilespmem:s19+$0xFFFFFF20] =	vst v0  }
0x1fb: {  	v0 =	vmul.f32 v4, v20;
	[tilespmem:s19+$0xFFFFFFD0] =	vst v1  }
0x1fc: {  	v1 =	vmul.f32 v53, v38;
	[tilespmem:s19+$0xFFFFFF90] =	vst v2  }
0x1fd: {  	v2 =	vmul.f32 v58, v27;
	[tilespmem:s19+$0xFFFFFF40] =	vst v0  }
0x1fe: {  	v0 =	vmul.f32 v57, v23;
	[tilespmem:s19+$0x10] =	vst v1  }
0x1ff: {  	v1 =	vmul.f32 v49, v28;
	[tilespmem:s19+$0xFFFFFFC0] =	vst v2  }
0x200: {  	v2 =	vmul.f32 v56, v36;
	[tilespmem:s19+$0xFFFFFF80] =	vst v0  }
0x201: {  	v0 =	vmul.f32 v61, v26;
	[tilespmem:s19+$0x40] =	vst v1  }
0x202: {  	v1 =	vmul.f32 v46, v42;
	[tilespmem:s19+$0x0] =	vst v2  }
0x203: {  	[tilespmem:s19+$0xFFFFFFB0] =	vst v0;
	v0 =	vmul.f32 v55, v35  }
0x204: {  	v2 =	vmul.f32 v51, v29;
	[tilespmem:s19+$0x70] =	vst v1  }
0x205: {  	[tilespmem:s19+$0xFFFFFFE0] =	vst v0;
	v0 =	vmul.f32 v52, v32  }
0x206: {  	[tilespmem:s19+$0x30] =	vst v2;
	v2 =	vmul.f32 v47, v30  }
0x207: {  	[tilespmem:s19+$0x20] =	vst v0;
	v0 =	vmul.f32 v48, v33  }
0x208: {  	[tilespmem:s19+$0x60] =	vst v2;
	v2 =	vmul.f32 v12, v37  }
0x209: {  	[tilespmem:s19+$0x50] =	vst v0;
	v0 =	vmul.f32 v9, v34  }
0x20a: {  	v1 =	vmul.f32 v10, v39;
	[tilespmem:s19+$0xA0] =	vst v2  }
0x20b: {  	v2 =	vperm.xlane v43, v7;
	[tilespmem:s19+$0x90] =	vst v0;
	v0 =	vmul.f32 v11, v40  }
0x20c: {  	[tilespmem:s19+$0xB0] =	vst v1;
	v1 =	vmul.f32 v13, v44  }
0x20d: {  	[tilespmem:s19+$0xC0] =	vst v0;
	v0 =	vmul.f32 v2, v45  }
0x20e: {  	[tilespmem:s19+$0xE0] =	vst v1  }
0x20f: {  	[tilespmem:s19+$0xF0] =	vst v0  }
0x210: {  	[spmem:s3] =	stream.indirect.scatter.add.f32 [tilespmem:s9], [sflag:$0x3], $0x90, s7, s7, $0xb8;
	[tilespmem:$0x1DF40] =	vst v63  }
0x211: {  	s24 =	stileid.u32;
	_ =	swait.ge [sflag:s1], $0x2D00  }
0x212: {  	s20 =	sshrl.u32 s8, $0x3;
	s18 =	sadd.s32 $0x1, s18;
	[sflag:s1] =	ssyncset.done $0x0  }
0x213: {  	p0 =	sne.s32 s18, s0;
	s19 =	sshll.u32 s24, $0x6;
	[sflag:s1] =	ssyncadd.s32 $0xFFFFD300  }
.Ltmp5:
0x214: {  	s19 =	sor.u32 $0x1C03, s19;
	[bflag:$0x0] =	sbarrier.arrive $0xFFFF;
	(pc) =	sbr.rel @p0 .LBB2_1-.Ltmp5, $4  }
0x215: {  	[hbm:s31], [sflag:s19] =	dma.local [spmem:s20], $0x2D00  }
0x216: {  	v49 =	vimm.s32 $0x3;
	v42 =	vimm.s32 $0x1;
	v46 =	vimm.s32 $0x6;
	_ =	swait.ge [sflag:s1], $0x2D00  }
0x217: {  	v51 =	vimm.s32 $0x0;
	v10 =	vimm.s32 $0x7;
	v47 =	vimm.s32 $0x2;
	[sflag:s1] =	ssyncset.done $0x0  }
0x218: {  	v40 =	vimm.s32 $0x4;
	v45 =	vimm.s32 $0x5;
	v0 =	vimm.f32 $0.0e+00;
	[sflag:s1] =	ssyncadd.s32 $0xFFFFD300  }
0x219: {  	_ =	sfence.sel $0x180000  }
0x21a: {  	[bflag:$0x0] =	sbarrier.arrive $0xFFFF  }
0x21b: {  	_ =	strace $0x90000047  }
0x21c: {  	s0 =	stileid.u32;
	[bflag:$0x2] =	sbarrier.arrive $0xFFFF  }
0x21d: {  	p0 =	sne.s32 s0, $0x0;
	s0 =	rddreg [dreg:$0x3]  }
0x21e: {  	s0 =	sadd.s32 @!p0 $0x100000, s0  }
0x21f: {  	[sflag:s0] =	ssyncadd.tile.s32 @!p0 $0x1;
	_ =	shalt  }
.Lfunc_end2:
_tile_overlayer_lowered:
.L_overlay_start_2:
0x220: {  	(tag) =	ssettag $0x2  }
0x221: {  	s0 =	rddreg [dreg:$0x0];
	s2 =	stileid.u32  }
0x222: {  	s1 =	rddreg [dreg:$0x1];
	p0 =	sne.s32 s2, $0x0  }
0x223: {  	s3 =	rddreg [dreg:$0x2];
	[bflag:$0x3] =	sbarrier.arrive $0xFFFF;
	s2 =	simm.s32 @!p0 $0x1C03  }
0x224: {  	[timem:s3], [sflag:s2] =	dma.local @!p0 [hbm:s0], s1  }
0x225: {  	s0 =	simm.s32 @!p0 $0x3  }
0x226: {  	_ =	swait.ge @!p0 [sflag:s0], s1  }
0x227: {  	s1 =	ssub.s32 @!p0 $0x0, s1;
	[sflag:s0] =	ssyncset.done @!p0 $0x0  }
0x228: {  	[sflag:s0] =	ssyncadd.s32 @!p0 s1  }
0x229: {  	[bflag:$0x3] =	sbarrier.arrive $0xFFFF  }
0x22a: {  	_ =	shalt  }

</sc_bundles>
